<compile_context>
chip_gen: v7x
topology: tpu7x:2x2x1
jax: 0.10.2.dev20260603
libtpu: 0.0.44.dev20260713+nightly
codegen_flags: <defaults>
</compile_context>

<pallas_src>
import functools

import jax
import jax.numpy as jnp
from jax import lax
from jax.experimental import pallas as pl
from jax.experimental.pallas import tpu as pltpu
from jax.experimental.pallas import tpu_sc as plsc

G = 256
BN_EPS = 1e-5
K = 64
NC = 2
NS = 16
NW = NC * NS



NBUF = 4
STAGE = 40


def _split_chunks(n_tot):
    ch0 = n_tot // 2
    return ch0, n_tot - ch0


@functools.lru_cache(maxsize=None)
def _make_agg(n_nodes, n_feat, ch0, ch1, n_rows):
    rpt = n_rows // NS

    def body(h_hbm, src_hbm, dst_hbm, zero_hbm, out_hbm,
             shared, src_v, dst_v, rows, sems):
        c = lax.axis_index("c")
        s = lax.axis_index("s")
        wid = c * NS + s
        n_stage = jnp.where(c == 0, ch0 // STAGE, ch1 // STAGE)
        pltpu.sync_copy(zero_hbm.at[pl.ds(s * rpt, rpt)],
                        shared.at[pl.ds(s * rpt, rpt)])
        plsc.subcore_barrier()

        def stage(st, carry):
            pltpu.sync_copy(src_hbm.at[wid, pl.ds(st * STAGE, STAGE)], src_v)
            pltpu.sync_copy(dst_hbm.at[wid, pl.ds(st * STAGE, STAGE)], dst_v)
            for b in range(NBUF):
                pltpu.async_copy(h_hbm.at[src_v.at[b]], rows[b], sems[b])

            def group(g, cc):
                for b in range(NBUF):
                    k = g * NBUF + b
                    pltpu.make_async_copy(h_hbm.at[src_v.at[k]], rows[b],
                                          sems[b]).wait()
                    pltpu.sync_copy(rows[b], shared.at[dst_v.at[k]], add=True)

                    @pl.when(k + NBUF < STAGE)
                    def _():
                        pltpu.async_copy(h_hbm.at[src_v.at[k + NBUF]],
                                         rows[b], sems[b])
                return cc

            return lax.fori_loop(0, STAGE // NBUF, group, carry)

        lax.fori_loop(0, n_stage, stage, 0)
        plsc.subcore_barrier()
        pltpu.sync_copy(shared.at[pl.ds(s * rpt, rpt)],
                        out_hbm.at[c, pl.ds(s * rpt, rpt)])

    return pl.kernel(
        body,
        out_type=jax.ShapeDtypeStruct((NC, n_rows, n_feat), jnp.float32),
        mesh=plsc.VectorSubcoreMesh(core_axis_name="c", subcore_axis_name="s"),
        scratch_types=[
            pltpu.VMEM_SHARED((n_rows, n_feat), jnp.float32),
            pltpu.VMEM((STAGE, K), jnp.int32),
            pltpu.VMEM((STAGE, K), jnp.int32),
            [pltpu.VMEM((K, n_feat), jnp.float32) for _ in range(NBUF)],
            [pltpu.SemaphoreType.DMA for _ in range(NBUF)],
        ],
    )



def _mlp_body(h_ref, parts_ref, w1_ref, b1_ref, w2_ref, b2_ref,
              z2_ref, s1_ref, s2_ref):
    i = pl.program_id(0)
    z = h_ref[...] + parts_ref[0] + parts_ref[1]
    a = jnp.maximum(
        jnp.dot(z, w1_ref[...], preferred_element_type=jnp.float32,
                     precision=lax.Precision.HIGHEST)
        + b1_ref[...], 0.0)
    zz = (jnp.dot(a, w2_ref[...], preferred_element_type=jnp.float32,
                     precision=lax.Precision.HIGHEST)
          + b2_ref[...])
    z2_ref[...] = zz
    s1 = jnp.sum(zz, axis=0, keepdims=True)
    s2 = jnp.sum(zz * zz, axis=0, keepdims=True)

    @pl.when(i == 0)
    def _():
        s1_ref[...] = s1
        s2_ref[...] = s2

    @pl.when(i > 0)
    def _():
        s1_ref[...] += s1
        s2_ref[...] += s2


def _run_mlp(h, parts, w1, b1, w2, b2, blk, n_blk):
    n, f = h.shape
    return pl.pallas_call(
        _mlp_body,
        grid=(n_blk,),
        in_specs=[
            pl.BlockSpec((blk, f), lambda i: (i, 0)),
            pl.BlockSpec((NC, blk, f), lambda i: (0, i, 0)),
            pl.BlockSpec(w1.shape, lambda i: (0, 0)),
            pl.BlockSpec((1, f), lambda i: (0, 0)),
            pl.BlockSpec(w2.shape, lambda i: (0, 0)),
            pl.BlockSpec((1, f), lambda i: (0, 0)),
        ],
        out_specs=[
            pl.BlockSpec((blk, f), lambda i: (i, 0)),
            pl.BlockSpec((1, f), lambda i: (0, 0)),
            pl.BlockSpec((1, f), lambda i: (0, 0)),
        ],
        out_shape=[
            jax.ShapeDtypeStruct((n, f), jnp.float32),
            jax.ShapeDtypeStruct((1, f), jnp.float32),
            jax.ShapeDtypeStruct((1, f), jnp.float32),
        ],
    )(h, parts, w1, b1.reshape(1, f), w2, b2.reshape(1, f))



def _bn_body(n_nodes, blk, z2_ref, s1_ref, s2_ref, g_ref, b_ref, seg_ref,
             h_ref, pooled_ref):
    i = pl.program_id(0)
    m = s1_ref[...] / n_nodes
    var = s2_ref[...] / n_nodes - m * m
    scale = g_ref[...] * lax.rsqrt(var + BN_EPS)
    shift = b_ref[...] - m * scale
    hb = jnp.maximum(z2_ref[...] * scale + shift, 0.0)
    h_ref[...] = hb
    seg = seg_ref[...].reshape(1, blk)
    onehot = (lax.broadcasted_iota(jnp.int32, (G, blk), 0) == seg
              ).astype(jnp.float32)
    p = jnp.dot(onehot, hb, preferred_element_type=jnp.float32,
                     precision=lax.Precision.HIGHEST)

    @pl.when(i == 0)
    def _():
        pooled_ref[...] = p

    @pl.when(i > 0)
    def _():
        pooled_ref[...] += p


def _run_bn_pool(z2, s1, s2, g, b, seg3, blk, n_blk):
    n, f = z2.shape
    return pl.pallas_call(
        functools.partial(_bn_body, n, blk),
        grid=(n_blk,),
        in_specs=[
            pl.BlockSpec((blk, f), lambda i: (i, 0)),
            pl.BlockSpec((1, f), lambda i: (0, 0)),
            pl.BlockSpec((1, f), lambda i: (0, 0)),
            pl.BlockSpec((1, f), lambda i: (0, 0)),
            pl.BlockSpec((1, f), lambda i: (0, 0)),
            pl.BlockSpec((1, 1, blk), lambda i: (i, 0, 0)),
        ],
        out_specs=[
            pl.BlockSpec((blk, f), lambda i: (i, 0)),
            pl.BlockSpec((G, f), lambda i: (0, 0)),
        ],
        out_shape=[
            jax.ShapeDtypeStruct((n, f), jnp.float32),
            jax.ShapeDtypeStruct((G, f), jnp.float32),
        ],
    )(z2, s1, s2, g.reshape(1, f), b.reshape(1, f), seg3)



def _head_body(blk, n_blk, x_ref, seg_ref, pooled_ref, lpw_ref, lpb_ref,
               fw_ref, fb_ref, cw_ref, cb_ref, out_ref, p0_ref, cnt_ref):
    i = pl.program_id(0)
    seg = seg_ref[...].reshape(1, blk)
    onehot = (lax.broadcasted_iota(jnp.int32, (G, blk), 0) == seg
              ).astype(jnp.float32)
    p0 = jnp.dot(onehot, x_ref[...], preferred_element_type=jnp.float32,
                     precision=lax.Precision.HIGHEST)
    cnt = jnp.broadcast_to(jnp.sum(onehot, axis=1, keepdims=True),
                           cnt_ref.shape)

    @pl.when(i == 0)
    def _():
        p0_ref[...] = p0
        cnt_ref[...] = cnt

    @pl.when(i > 0)
    def _():
        p0_ref[...] += p0
        cnt_ref[...] += cnt

    @pl.when(i == n_blk - 1)
    def _():
        denom = jnp.maximum(cnt_ref[...], 1.0)
        score = (jnp.dot(p0_ref[...] / denom, lpw_ref[0],
                         preferred_element_type=jnp.float32,
                     precision=lax.Precision.HIGHEST) + lpb_ref[0])
        for r in range(1, pooled_ref.shape[0] + 1):
            score += (jnp.dot(pooled_ref[r - 1] / denom, lpw_ref[r],
                              preferred_element_type=jnp.float32,
                     precision=lax.Precision.HIGHEST)
                      + lpb_ref[r])
        o = jnp.maximum(
            jnp.dot(score, fw_ref[...], preferred_element_type=jnp.float32,
                     precision=lax.Precision.HIGHEST)
            + fb_ref[...], 0.0)
        out_ref[...] = (jnp.dot(o, cw_ref[...],
                                preferred_element_type=jnp.float32,
                     precision=lax.Precision.HIGHEST)
                        + cb_ref[...])


def _run_head(x, seg3, pooled_stack, lpw, lpb, fw, fb, cw_pad, cb_pad,
              blk, n_blk):
    n, f = x.shape
    n_layers = pooled_stack.shape[0]
    return pl.pallas_call(
        functools.partial(_head_body, blk, n_blk),
        grid=(n_blk,),
        in_specs=[
            pl.BlockSpec((blk, f), lambda i: (i, 0)),
            pl.BlockSpec((1, 1, blk), lambda i: (i, 0, 0)),
            pl.BlockSpec((n_layers, G, f), lambda i: (0, 0, 0)),
            pl.BlockSpec((n_layers + 1, f, f), lambda i: (0, 0, 0)),
            pl.BlockSpec((n_layers + 1, 1, f), lambda i: (0, 0, 0)),
            pl.BlockSpec((f, f), lambda i: (0, 0)),
            pl.BlockSpec((1, f), lambda i: (0, 0)),
            pl.BlockSpec((f, f), lambda i: (0, 0)),
            pl.BlockSpec((1, f), lambda i: (0, 0)),
        ],
        out_specs=pl.BlockSpec((G, f), lambda i: (0, 0)),
        out_shape=jax.ShapeDtypeStruct((G, f), jnp.float32),
        scratch_shapes=[
            pltpu.VMEM((G, f), jnp.float32),
            pltpu.VMEM((G, f), jnp.float32),
        ],
    )(x, seg3, pooled_stack, lpw, lpb, fw, fb.reshape(1, f), cw_pad, cb_pad)



def kernel(x, edge_index, batch, params):
    n, d = x.shape
    e = edge_index.shape[1]
    h_dim = params["conv_w1"][0].shape[1]
    n_layers = len(params["conv_w1"])
    c_dim = params["cls_w"].shape[1]

    n_tot = -(-e // (NS * K * STAGE)) * STAGE
    ch0, ch1 = _split_chunks(n_tot)
    ch_max = max(ch0, ch1)
    e_pad = NS * n_tot * K
    src = edge_index[0]
    dst = edge_index[1]

    def pack(flat, fill):
        flat = jnp.concatenate(
            [flat, jnp.full((e_pad - e,), fill, jnp.int32)])
        p0 = flat[:NS * ch0 * K].reshape(NS, ch0, K)
        p1 = flat[NS * ch0 * K:].reshape(NS, ch1, K)
        p0 = jnp.pad(p0, ((0, 0), (0, ch_max - ch0), (0, 0)))
        p1 = jnp.pad(p1, ((0, 0), (0, ch_max - ch1), (0, 0)))
        return jnp.concatenate([p0, p1])

    src_p = pack(src, 0)
    dst_p = pack(dst, n)
    n_rows = -(-(n + 1) // (NS * 8)) * (NS * 8)
    zeros_hbm = jnp.zeros((n_rows, h_dim), jnp.float32)

    blk = 1000
    n_blk = n // blk
    seg3 = batch.reshape(n_blk, 1, blk)

    agg_fn = _make_agg(n, h_dim, ch0, ch1, n_rows)

    h = x.astype(jnp.float32)
    pooled_list = []
    for i in range(n_layers):
        parts = agg_fn(h, src_p, dst_p, zeros_hbm)
        z2, s1, s2 = _run_mlp(h, parts, params["conv_w1"][i],
                              params["conv_b1"][i], params["conv_w2"][i],
                              params["conv_b2"][i], blk, n_blk)
        h, pooled = _run_bn_pool(z2, s1, s2, params["bn_g"][i],
                                 params["bn_b"][i], seg3, blk, n_blk)
        pooled_list.append(pooled)

    pooled_stack = jnp.stack(pooled_list)
    lpw = jnp.stack(params["lp_w"])
    lpb = jnp.stack([b.reshape(1, h_dim) for b in params["lp_b"]])
    cw_pad = jnp.pad(params["cls_w"], ((0, 0), (0, h_dim - c_dim)))
    cb_pad = jnp.pad(params["cls_b"], (0, h_dim - c_dim)).reshape(1, h_dim)

    out_pad = _run_head(x, seg3, pooled_stack, lpw, lpb,
                        params["final_w"], params["final_b"],
                        cw_pad, cb_pad, blk, n_blk)
    return out_pad[:, :c_dim]

# --- scband reference (transcript-rebuilt; emitter-appended) ---
"""Pipeline reference for scband-ginconv-net-4002909520223 (READ-ONLY COPY).

The authoritative reference and input builder live on the scoring server;
editing this copy changes nothing except your own understanding.
"""

import jax, jax.numpy as jnp
import numpy as np

N = 10000
E = 320000
D = 128
H = 128
L = 5
G = 256
C = 1


def _init_params(key):
    ks = jax.random.split(key, 32)
    idx = 0
    conv_w1, conv_b1, conv_w2, conv_b2, bn_g, bn_b = [], [], [], [], [], []
    for i in range(L):
        fin = D if i == 0 else H
        conv_w1.append(jax.random.normal(ks[idx], (fin, H), dtype=jnp.float32) / np.sqrt(fin)); idx += 1
        conv_b1.append(jnp.zeros((H,), dtype=jnp.float32))
        conv_w2.append(jax.random.normal(ks[idx], (H, H), dtype=jnp.float32) / np.sqrt(H)); idx += 1
        conv_b2.append(jnp.zeros((H,), dtype=jnp.float32))
        bn_g.append(jnp.ones((H,), dtype=jnp.float32))
        bn_b.append(jnp.zeros((H,), dtype=jnp.float32))
    lp_w, lp_b = [], []
    for i in range(L + 1):
        fin = D if i == 0 else H
        lp_w.append(jax.random.normal(ks[idx], (fin, H), dtype=jnp.float32) / np.sqrt(fin)); idx += 1
        lp_b.append(jnp.zeros((H,), dtype=jnp.float32))
    final_w = jax.random.normal(ks[idx], (H, H), dtype=jnp.float32) / np.sqrt(H); idx += 1
    final_b = jnp.zeros((H,), dtype=jnp.float32)
    cls_w = jax.random.normal(ks[idx], (H, C), dtype=jnp.float32) / np.sqrt(H)
    cls_b = jnp.zeros((C,), dtype=jnp.float32)
    return dict(conv_w1=conv_w1, conv_b1=conv_b1, conv_w2=conv_w2, conv_b2=conv_b2,
                bn_g=bn_g, bn_b=bn_b, lp_w=lp_w, lp_b=lp_b,
                final_w=final_w, final_b=final_b, cls_w=cls_w, cls_b=cls_b)


def setup_inputs(seed: int = 0):
    key = jax.random.key(seed)
    k1, k2, k3, k4 = jax.random.split(key, 4)
    x = jax.random.normal(k1, (N, D), dtype=jnp.float32)
    edge_index = jax.random.randint(k2, (2, E), 0, N, dtype=jnp.int32)
    batch = jnp.sort(jax.random.randint(k3, (N,), 0, G, dtype=jnp.int32))
    params = _init_params(k4)
    return {"x": x, "edge_index": edge_index, "batch": batch, "params": params}


def _bn(h, g, b):
    m = jnp.mean(h, axis=0)
    v = jnp.var(h, axis=0)
    return (h - m) / jnp.sqrt(v + 1e-5) * g + b


def _forward(x, edge_index, batch, params):
    src = edge_index[0]
    dst = edge_index[1]
    h = x.astype(jnp.float32)
    hidden_reps = [h]
    for i in range(L):
        # GINConv: mlp((1+eps)*x + sum_{j in N(i)} x_j), eps=0
        agg = jnp.zeros((N, h.shape[1]), dtype=h.dtype).at[dst].add(h[src])
        z = h + agg
        z = jnp.maximum(z @ params["conv_w1"][i] + params["conv_b1"][i], 0.0)
        z = z @ params["conv_w2"][i] + params["conv_b2"][i]
        z = _bn(z, params["bn_g"][i], params["bn_b"][i])
        h = jnp.maximum(z, 0.0)
        hidden_reps.append(h)
    counts = jax.ops.segment_sum(jnp.ones((N,), dtype=jnp.float32), batch, num_segments=G)
    denom = jnp.maximum(counts, 1.0)[:, None]
    score_over_layer = jnp.zeros((G, H), dtype=jnp.float32)
    for i, hr in enumerate(hidden_reps):
        pooled = jax.ops.segment_sum(hr, batch, num_segments=G) / denom
        score_over_layer = score_over_layer + (pooled @ params["lp_w"][i] + params["lp_b"][i])
    o = jnp.maximum(score_over_layer @ params["final_w"] + params["final_b"], 0.0)
    return o @ params["cls_w"] + params["cls_b"]


def reference(x, edge_index, batch, params):
    return _forward(x, edge_index, batch, params)

if __name__ == "__main__":
    import jax
    _d = setup_inputs()
    print(jax.jit(kernel)(*tuple(_d.values())))

</pallas_src>

<mosaic_0001>
#map = affine_map<(d0, d1) -> (0, 0)>
#map1 = affine_map<(d0, d1) -> (0, 0, 0)>
module attributes {stable_mosaic.version = 14 : i64} {
  func.func @body(%arg0: i32, %arg1: i32, %arg2: memref<10000x128xf32, #tpu.memory_space<hbm>>, %arg3: memref<32x160x64xi32, #tpu.memory_space<hbm>>, %arg4: memref<32x160x64xi32, #tpu.memory_space<hbm>>, %arg5: memref<10112x128xf32, #tpu.memory_space<hbm>>, %arg6: memref<2x10112x128xf32, #tpu.memory_space<hbm>>, %arg7: memref<10112x128xf32, #tpu.memory_space<vmem_shared>>, %arg8: memref<40x64xi32, #tpu.memory_space<vmem>>, %arg9: memref<40x64xi32, #tpu.memory_space<vmem>>, %arg10: memref<64x128xf32, #tpu.memory_space<vmem>>, %arg11: memref<64x128xf32, #tpu.memory_space<vmem>>, %arg12: memref<64x128xf32, #tpu.memory_space<vmem>>, %arg13: memref<64x128xf32, #tpu.memory_space<vmem>>, %arg14: memref<!tpu.dma_semaphore, #tpu.memory_space<semaphore_mem>>, %arg15: memref<!tpu.dma_semaphore, #tpu.memory_space<semaphore_mem>>, %arg16: memref<!tpu.dma_semaphore, #tpu.memory_space<semaphore_mem>>, %arg17: memref<!tpu.dma_semaphore, #tpu.memory_space<semaphore_mem>>) attributes {dimension_semantics = [#tpu.dimension_semantics<core_parallel>, #tpu.dimension_semantics<subcore_parallel>], iteration_bounds = array<i64: 2, 16>, scalar_prefetch = 0 : i64, scratch_operands = 11 : i64, tpu.core_type = #tpu.core_type<sc_vector_subcore>, window_params = [{transform_indices = #map}, {transform_indices = #map1}, {transform_indices = #map1}, {transform_indices = #map}, {transform_indices = #map1}]} {
    %mul3A = arith.constant 16 : i32
    %mul3A_0 = arith.muli %arg0, %mul3A : i32
    %add3A = arith.addi %mul3A_0, %arg1 : i32
    %eq3A = arith.constant 0 : i32
    %eq3A_1 = arith.cmpi eq, %arg0, %eq3A : i32
    %jit3A = arith.constant 4 : i32
    %jit3A_2 = arith.constant 4 : i32
    %select_n3A = arith.select %eq3A_1, %jit3A, %jit3A_2 : i32
    %mul3A_3 = arith.constant 632 : i32
    %mul3A_4 = arith.muli %arg1, %mul3A_3 : i32
    %mul3A_5 = arith.constant 632 : i32
    %mul3A_6 = arith.muli %arg1, %mul3A_5 : i32
    "tpu.region"() ({
      %run_scoped3A = tpu.sem_alloc : memref<!tpu.dma_semaphore, #tpu.memory_space<semaphore_mem>>
      %dma_start3A = arith.constant 0 : i32
      %dma_start3A_21 = tpu.memref_slice %arg7[%mul3A_6, %dma_start3A] : memref<10112x128xf32, #tpu.memory_space<vmem_shared>> -> memref<632x128xf32, #tpu.memory_space<vmem_shared>>
      %dma_start3A_22 = arith.constant 0 : i32
      %dma_start3A_23 = tpu.memref_slice %arg5[%mul3A_4, %dma_start3A_22] : memref<10112x128xf32, #tpu.memory_space<hbm>> -> memref<632x128xf32, #tpu.memory_space<hbm>>
      tpu.enqueue_dma source(%dma_start3A_23 : memref<632x128xf32, #tpu.memory_space<hbm>>) target(%dma_start3A_21 : memref<632x128xf32, #tpu.memory_space<vmem_shared>>) target_semaphore(%run_scoped3A : memref<!tpu.dma_semaphore, #tpu.memory_space<semaphore_mem>>)
      %dma_wait3A = arith.constant 0 : i32
      %dma_wait3A_24 = tpu.memref_slice %arg7[%mul3A_6, %dma_wait3A] : memref<10112x128xf32, #tpu.memory_space<vmem_shared>> -> memref<632x128xf32, #tpu.memory_space<vmem_shared>>
      %dma_wait3A_25 = arith.constant 0 : i32
      %dma_wait3A_26 = tpu.memref_slice %arg5[%mul3A_4, %dma_wait3A_25] : memref<10112x128xf32, #tpu.memory_space<hbm>> -> memref<632x128xf32, #tpu.memory_space<hbm>>
      tpu.wait_dma2 semaphore(%run_scoped3A : memref<!tpu.dma_semaphore, #tpu.memory_space<semaphore_mem>>) src(%dma_wait3A_26 : memref<632x128xf32, #tpu.memory_space<hbm>>) dst(%dma_wait3A_24 : memref<632x128xf32, #tpu.memory_space<vmem_shared>>)
      tpu.yield
    }) : () -> ()
    %barrier3A = arith.constant 0 : index
    tpu.barrier barrier_id(%barrier3A)
    %while3A = arith.constant 0 : i32
    %while3A_7 = arith.constant 0 : i32
    %while3A_8 = arith.subi %select_n3A, %while3A_7 : i32
    %while3A_9 = arith.addi %while3A_7, %while3A_8 : i32
    %while3A_10 = arith.constant 1 : i32
    %while3A_11 = arith.divsi %while3A_8, %while3A_10 : i32
    %while3A_12 = arith.muli %while3A_11, %while3A_10 : i32
    %while3A_13 = arith.addi %while3A_7, %while3A_12 : i32
    %while3A_14 = arith.constant 1 : i32
    scf.for %while3A_21 = %while3A_7 to %while3A_13 step %while3A_14  : i32 {
      %mul3A_22 = arith.constant 40 : i32
      %mul3A_23 = arith.muli %while3A_21, %mul3A_22 : i32
      "tpu.region"() ({
        %run_scoped3A = tpu.sem_alloc : memref<!tpu.dma_semaphore, #tpu.memory_space<semaphore_mem>>
        %dma_start3A_57 = arith.constant 0 : i32
        %dma_start3A_58 = tpu.memref_slice %arg3[%add3A, %mul3A_23, %dma_start3A_57] : memref<32x160x64xi32, #tpu.memory_space<hbm>> -> memref<1x40x64xi32, #tpu.memory_space<hbm>>
        %dma_start3A_59 = tpu.memref_squeeze %dma_start3A_58 : memref<1x40x64xi32, #tpu.memory_space<hbm>> -> memref<40x64xi32, #tpu.memory_space<hbm>>
        %dma_start3A_60 = arith.constant 0 : i32
        %dma_start3A_61 = tpu.memref_slice %arg3[%add3A, %mul3A_23, %dma_start3A_60] : memref<32x160x64xi32, #tpu.memory_space<hbm>> -> memref<1x40x64xi32, #tpu.memory_space<hbm>>
        %dma_start3A_62 = tpu.memref_squeeze %dma_start3A_61 : memref<1x40x64xi32, #tpu.memory_space<hbm>> -> memref<40x64xi32, #tpu.memory_space<hbm>>
        tpu.enqueue_dma source(%dma_start3A_62 : memref<40x64xi32, #tpu.memory_space<hbm>>) target(%arg8 : memref<40x64xi32, #tpu.memory_space<vmem>>) target_semaphore(%run_scoped3A : memref<!tpu.dma_semaphore, #tpu.memory_space<semaphore_mem>>)
        %dma_wait3A = arith.constant 0 : i32
        %dma_wait3A_63 = tpu.memref_slice %arg3[%add3A, %mul3A_23, %dma_wait3A] : memref<32x160x64xi32, #tpu.memory_space<hbm>> -> memref<1x40x64xi32, #tpu.memory_space<hbm>>
        %dma_wait3A_64 = tpu.memref_squeeze %dma_wait3A_63 : memref<1x40x64xi32, #tpu.memory_space<hbm>> -> memref<40x64xi32, #tpu.memory_space<hbm>>
        %dma_wait3A_65 = arith.constant 0 : i32
        %dma_wait3A_66 = tpu.memref_slice %arg3[%add3A, %mul3A_23, %dma_wait3A_65] : memref<32x160x64xi32, #tpu.memory_space<hbm>> -> memref<1x40x64xi32, #tpu.memory_space<hbm>>
        %dma_wait3A_67 = tpu.memref_squeeze %dma_wait3A_66 : memref<1x40x64xi32, #tpu.memory_space<hbm>> -> memref<40x64xi32, #tpu.memory_space<hbm>>
        tpu.wait_dma2 semaphore(%run_scoped3A : memref<!tpu.dma_semaphore, #tpu.memory_space<semaphore_mem>>) src(%dma_wait3A_67 : memref<40x64xi32, #tpu.memory_space<hbm>>) dst(%arg8 : memref<40x64xi32, #tpu.memory_space<vmem>>)
        tpu.yield
      }) : () -> ()
      %mul3A_24 = arith.constant 40 : i32
      %mul3A_25 = arith.muli %while3A_21, %mul3A_24 : i32
      "tpu.region"() ({
        %run_scoped3A = tpu.sem_alloc : memref<!tpu.dma_semaphore, #tpu.memory_space<semaphore_mem>>
        %dma_start3A_57 = arith.constant 0 : i32
        %dma_start3A_58 = tpu.memref_slice %arg4[%add3A, %mul3A_25, %dma_start3A_57] : memref<32x160x64xi32, #tpu.memory_space<hbm>> -> memref<1x40x64xi32, #tpu.memory_space<hbm>>
        %dma_start3A_59 = tpu.memref_squeeze %dma_start3A_58 : memref<1x40x64xi32, #tpu.memory_space<hbm>> -> memref<40x64xi32, #tpu.memory_space<hbm>>
        %dma_start3A_60 = arith.constant 0 : i32
        %dma_start3A_61 = tpu.memref_slice %arg4[%add3A, %mul3A_25, %dma_start3A_60] : memref<32x160x64xi32, #tpu.memory_space<hbm>> -> memref<1x40x64xi32, #tpu.memory_space<hbm>>
        %dma_start3A_62 = tpu.memref_squeeze %dma_start3A_61 : memref<1x40x64xi32, #tpu.memory_space<hbm>> -> memref<40x64xi32, #tpu.memory_space<hbm>>
        tpu.enqueue_dma source(%dma_start3A_62 : memref<40x64xi32, #tpu.memory_space<hbm>>) target(%arg9 : memref<40x64xi32, #tpu.memory_space<vmem>>) target_semaphore(%run_scoped3A : memref<!tpu.dma_semaphore, #tpu.memory_space<semaphore_mem>>)
        %dma_wait3A = arith.constant 0 : i32
        %dma_wait3A_63 = tpu.memref_slice %arg4[%add3A, %mul3A_25, %dma_wait3A] : memref<32x160x64xi32, #tpu.memory_space<hbm>> -> memref<1x40x64xi32, #tpu.memory_space<hbm>>
        %dma_wait3A_64 = tpu.memref_squeeze %dma_wait3A_63 : memref<1x40x64xi32, #tpu.memory_space<hbm>> -> memref<40x64xi32, #tpu.memory_space<hbm>>
        %dma_wait3A_65 = arith.constant 0 : i32
        %dma_wait3A_66 = tpu.memref_slice %arg4[%add3A, %mul3A_25, %dma_wait3A_65] : memref<32x160x64xi32, #tpu.memory_space<hbm>> -> memref<1x40x64xi32, #tpu.memory_space<hbm>>
        %dma_wait3A_67 = tpu.memref_squeeze %dma_wait3A_66 : memref<1x40x64xi32, #tpu.memory_space<hbm>> -> memref<40x64xi32, #tpu.memory_space<hbm>>
        tpu.wait_dma2 semaphore(%run_scoped3A : memref<!tpu.dma_semaphore, #tpu.memory_space<semaphore_mem>>) src(%dma_wait3A_67 : memref<40x64xi32, #tpu.memory_space<hbm>>) dst(%arg9 : memref<40x64xi32, #tpu.memory_space<vmem>>)
        tpu.yield
      }) : () -> ()
      %dma_start3A = arith.constant 0 : i32
      %dma_start3A_26 = arith.constant 0 : i32
      %dma_start3A_27 = tpu.memref_slice %arg8[%dma_start3A, %dma_start3A_26] : memref<40x64xi32, #tpu.memory_space<vmem>> -> memref<1x64xi32, #tpu.memory_space<vmem>>
      %dma_start3A_28 = tpu.memref_squeeze %dma_start3A_27 : memref<1x64xi32, #tpu.memory_space<vmem>> -> memref<64xi32, #tpu.memory_space<vmem>>
      %dma_start3A_29 = arith.constant 0 : i32
      %dma_start3A_30 = arith.constant 0 : i32
      %dma_start3A_31 = tpu.memref_slice %arg2[%dma_start3A_29, %dma_start3A_30] : memref<10000x128xf32, #tpu.memory_space<hbm>> -> memref<10000x128xf32, #tpu.memory_space<hbm>>
      tpu.enqueue_indirect_dma source(%dma_start3A_31 : memref<10000x128xf32, #tpu.memory_space<hbm>>) target(%arg10 : memref<64x128xf32, #tpu.memory_space<vmem>>) offsets(%dma_start3A_28 : memref<64xi32, #tpu.memory_space<vmem>>) semaphore(%arg14 : memref<!tpu.dma_semaphore, #tpu.memory_space<semaphore_mem>>)
      %dma_start3A_32 = arith.constant 1 : i32
      %dma_start3A_33 = arith.constant 0 : i32
      %dma_start3A_34 = tpu.memref_slice %arg8[%dma_start3A_32, %dma_start3A_33] : memref<40x64xi32, #tpu.memory_space<vmem>> -> memref<1x64xi32, #tpu.memory_space<vmem>>
      %dma_start3A_35 = tpu.memref_squeeze %dma_start3A_34 : memref<1x64xi32, #tpu.memory_space<vmem>> -> memref<64xi32, #tpu.memory_space<vmem>>
      %dma_start3A_36 = arith.constant 0 : i32
      %dma_start3A_37 = arith.constant 0 : i32
      %dma_start3A_38 = tpu.memref_slice %arg2[%dma_start3A_36, %dma_start3A_37] : memref<10000x128xf32, #tpu.memory_space<hbm>> -> memref<10000x128xf32, #tpu.memory_space<hbm>>
      tpu.enqueue_indirect_dma source(%dma_start3A_38 : memref<10000x128xf32, #tpu.memory_space<hbm>>) target(%arg11 : memref<64x128xf32, #tpu.memory_space<vmem>>) offsets(%dma_start3A_35 : memref<64xi32, #tpu.memory_space<vmem>>) semaphore(%arg15 : memref<!tpu.dma_semaphore, #tpu.memory_space<semaphore_mem>>)
      %dma_start3A_39 = arith.constant 2 : i32
      %dma_start3A_40 = arith.constant 0 : i32
      %dma_start3A_41 = tpu.memref_slice %arg8[%dma_start3A_39, %dma_start3A_40] : memref<40x64xi32, #tpu.memory_space<vmem>> -> memref<1x64xi32, #tpu.memory_space<vmem>>
      %dma_start3A_42 = tpu.memref_squeeze %dma_start3A_41 : memref<1x64xi32, #tpu.memory_space<vmem>> -> memref<64xi32, #tpu.memory_space<vmem>>
      %dma_start3A_43 = arith.constant 0 : i32
      %dma_start3A_44 = arith.constant 0 : i32
      %dma_start3A_45 = tpu.memref_slice %arg2[%dma_start3A_43, %dma_start3A_44] : memref<10000x128xf32, #tpu.memory_space<hbm>> -> memref<10000x128xf32, #tpu.memory_space<hbm>>
      tpu.enqueue_indirect_dma source(%dma_start3A_45 : memref<10000x128xf32, #tpu.memory_space<hbm>>) target(%arg12 : memref<64x128xf32, #tpu.memory_space<vmem>>) offsets(%dma_start3A_42 : memref<64xi32, #tpu.memory_space<vmem>>) semaphore(%arg16 : memref<!tpu.dma_semaphore, #tpu.memory_space<semaphore_mem>>)
      %dma_start3A_46 = arith.constant 3 : i32
      %dma_start3A_47 = arith.constant 0 : i32
      %dma_start3A_48 = tpu.memref_slice %arg8[%dma_start3A_46, %dma_start3A_47] : memref<40x64xi32, #tpu.memory_space<vmem>> -> memref<1x64xi32, #tpu.memory_space<vmem>>
      %dma_start3A_49 = tpu.memref_squeeze %dma_start3A_48 : memref<1x64xi32, #tpu.memory_space<vmem>> -> memref<64xi32, #tpu.memory_space<vmem>>
      %dma_start3A_50 = arith.constant 0 : i32
      %dma_start3A_51 = arith.constant 0 : i32
      %dma_start3A_52 = tpu.memref_slice %arg2[%dma_start3A_50, %dma_start3A_51] : memref<10000x128xf32, #tpu.memory_space<hbm>> -> memref<10000x128xf32, #tpu.memory_space<hbm>>
      tpu.enqueue_indirect_dma source(%dma_start3A_52 : memref<10000x128xf32, #tpu.memory_space<hbm>>) target(%arg13 : memref<64x128xf32, #tpu.memory_space<vmem>>) offsets(%dma_start3A_49 : memref<64xi32, #tpu.memory_space<vmem>>) semaphore(%arg17 : memref<!tpu.dma_semaphore, #tpu.memory_space<semaphore_mem>>)
      %scan3A = arith.constant 0 : i32
      %scan3A_53 = arith.constant 10 : i32
      %scan3A_54 = arith.addi %scan3A, %scan3A_53 : i32
      %scan3A_55 = arith.constant 1 : i32
      scf.for %scan3A_57 = %scan3A to %scan3A_54 step %scan3A_55  : i32 {
        %mul3A_58 = arith.constant 4 : i32
        %mul3A_59 = arith.muli %scan3A_57, %mul3A_58 : i32
        %add3A_60 = arith.constant 0 : i32
        %add3A_61 = arith.addi %mul3A_59, %add3A_60 : i32
        %dma_wait3A = arith.constant 0 : i32
        %dma_wait3A_62 = tpu.memref_slice %arg8[%add3A_61, %dma_wait3A] : memref<40x64xi32, #tpu.memory_space<vmem>> -> memref<1x64xi32, #tpu.memory_space<vmem>>
        %dma_wait3A_63 = tpu.memref_squeeze %dma_wait3A_62 : memref<1x64xi32, #tpu.memory_space<vmem>> -> memref<64xi32, #tpu.memory_space<vmem>>
        %dma_wait3A_64 = arith.constant 0 : i32
        %dma_wait3A_65 = arith.constant 0 : i32
        %dma_wait3A_66 = tpu.memref_slice %arg2[%dma_wait3A_64, %dma_wait3A_65] : memref<10000x128xf32, #tpu.memory_space<hbm>> -> memref<10000x128xf32, #tpu.memory_space<hbm>>
        tpu.wait_indirect_dma semaphore(%arg14 : memref<!tpu.dma_semaphore, #tpu.memory_space<semaphore_mem>>) src(%dma_wait3A_66 : memref<10000x128xf32, #tpu.memory_space<hbm>>) dst(%arg10 : memref<64x128xf32, #tpu.memory_space<vmem>>)
        "tpu.region"() ({
          %run_scoped3A = tpu.sem_alloc : memref<!tpu.dma_semaphore, #tpu.memory_space<semaphore_mem>>
          %dma_start3A_122 = arith.constant 0 : i32
          %dma_start3A_123 = tpu.memref_slice %arg9[%add3A_61, %dma_start3A_122] : memref<40x64xi32, #tpu.memory_space<vmem>> -> memref<1x64xi32, #tpu.memory_space<vmem>>
          %dma_start3A_124 = tpu.memref_squeeze %dma_start3A_123 : memref<1x64xi32, #tpu.memory_space<vmem>> -> memref<64xi32, #tpu.memory_space<vmem>>
          %dma_start3A_125 = arith.constant 0 : i32
          %dma_start3A_126 = arith.constant 0 : i32
          %dma_start3A_127 = tpu.memref_slice %arg7[%dma_start3A_125, %dma_start3A_126] : memref<10112x128xf32, #tpu.memory_space<vmem_shared>> -> memref<10112x128xf32, #tpu.memory_space<vmem_shared>>
          tpu.enqueue_indirect_dma source(%arg10 : memref<64x128xf32, #tpu.memory_space<vmem>>) target(%dma_start3A_127 : memref<10112x128xf32, #tpu.memory_space<vmem_shared>>) offsets(%dma_start3A_124 : memref<64xi32, #tpu.memory_space<vmem>>) semaphore(%run_scoped3A : memref<!tpu.dma_semaphore, #tpu.memory_space<semaphore_mem>>) {add = true}
          %dma_wait3A_128 = arith.constant 0 : i32
          %dma_wait3A_129 = tpu.memref_slice %arg9[%add3A_61, %dma_wait3A_128] : memref<40x64xi32, #tpu.memory_space<vmem>> -> memref<1x64xi32, #tpu.memory_space<vmem>>
          %dma_wait3A_130 = tpu.memref_squeeze %dma_wait3A_129 : memref<1x64xi32, #tpu.memory_space<vmem>> -> memref<64xi32, #tpu.memory_space<vmem>>
          %dma_wait3A_131 = arith.constant 0 : i32
          %dma_wait3A_132 = arith.constant 0 : i32
          %dma_wait3A_133 = tpu.memref_slice %arg7[%dma_wait3A_131, %dma_wait3A_132] : memref<10112x128xf32, #tpu.memory_space<vmem_shared>> -> memref<10112x128xf32, #tpu.memory_space<vmem_shared>>
          tpu.wait_indirect_dma semaphore(%run_scoped3A : memref<!tpu.dma_semaphore, #tpu.memory_space<semaphore_mem>>) src(%arg10 : memref<64x128xf32, #tpu.memory_space<vmem>>) dst(%dma_wait3A_133 : memref<10112x128xf32, #tpu.memory_space<vmem_shared>>)
          tpu.yield
        }) : () -> ()
        %add3A_67 = arith.constant 4 : i32
        %add3A_68 = arith.addi %add3A_61, %add3A_67 : i32
        %lt3A = arith.constant 40 : i32
        %lt3A_69 = arith.cmpi slt, %add3A_68, %lt3A : i32
        %convert_element_type3A = arith.extui %lt3A_69 : i1 to i32
        %cond3A = arith.constant 0 : i32
        %cond3A_70 = arith.cmpi ne, %convert_element_type3A, %cond3A : i32
        scf.if %cond3A_70 {
          %add3A_122 = arith.constant 4 : i32
          %add3A_123 = arith.addi %add3A_61, %add3A_122 : i32
          %dma_start3A_124 = arith.constant 0 : i32
          %dma_start3A_125 = tpu.memref_slice %arg8[%add3A_123, %dma_start3A_124] : memref<40x64xi32, #tpu.memory_space<vmem>> -> memref<1x64xi32, #tpu.memory_space<vmem>>
          %dma_start3A_126 = tpu.memref_squeeze %dma_start3A_125 : memref<1x64xi32, #tpu.memory_space<vmem>> -> memref<64xi32, #tpu.memory_space<vmem>>
          %dma_start3A_127 = arith.constant 0 : i32
          %dma_start3A_128 = arith.constant 0 : i32
          %dma_start3A_129 = tpu.memref_slice %arg2[%dma_start3A_127, %dma_start3A_128] : memref<10000x128xf32, #tpu.memory_space<hbm>> -> memref<10000x128xf32, #tpu.memory_space<hbm>>
          tpu.enqueue_indirect_dma source(%dma_start3A_129 : memref<10000x128xf32, #tpu.memory_space<hbm>>) target(%arg10 : memref<64x128xf32, #tpu.memory_space<vmem>>) offsets(%dma_start3A_126 : memref<64xi32, #tpu.memory_space<vmem>>) semaphore(%arg14 : memref<!tpu.dma_semaphore, #tpu.memory_space<semaphore_mem>>)
        } else {
        }
        %mul3A_71 = arith.constant 4 : i32
        %mul3A_72 = arith.muli %scan3A_57, %mul3A_71 : i32
        %add3A_73 = arith.constant 1 : i32
        %add3A_74 = arith.addi %mul3A_72, %add3A_73 : i32
        %dma_wait3A_75 = arith.constant 0 : i32
        %dma_wait3A_76 = tpu.memref_slice %arg8[%add3A_74, %dma_wait3A_75] : memref<40x64xi32, #tpu.memory_space<vmem>> -> memref<1x64xi32, #tpu.memory_space<vmem>>
        %dma_wait3A_77 = tpu.memref_squeeze %dma_wait3A_76 : memref<1x64xi32, #tpu.memory_space<vmem>> -> memref<64xi32, #tpu.memory_space<vmem>>
        %dma_wait3A_78 = arith.constant 0 : i32
        %dma_wait3A_79 = arith.constant 0 : i32
        %dma_wait3A_80 = tpu.memref_slice %arg2[%dma_wait3A_78, %dma_wait3A_79] : memref<10000x128xf32, #tpu.memory_space<hbm>> -> memref<10000x128xf32, #tpu.memory_space<hbm>>
        tpu.wait_indirect_dma semaphore(%arg15 : memref<!tpu.dma_semaphore, #tpu.memory_space<semaphore_mem>>) src(%dma_wait3A_80 : memref<10000x128xf32, #tpu.memory_space<hbm>>) dst(%arg11 : memref<64x128xf32, #tpu.memory_space<vmem>>)
        "tpu.region"() ({
          %run_scoped3A = tpu.sem_alloc : memref<!tpu.dma_semaphore, #tpu.memory_space<semaphore_mem>>
          %dma_start3A_122 = arith.constant 0 : i32
          %dma_start3A_123 = tpu.memref_slice %arg9[%add3A_74, %dma_start3A_122] : memref<40x64xi32, #tpu.memory_space<vmem>> -> memref<1x64xi32, #tpu.memory_space<vmem>>
          %dma_start3A_124 = tpu.memref_squeeze %dma_start3A_123 : memref<1x64xi32, #tpu.memory_space<vmem>> -> memref<64xi32, #tpu.memory_space<vmem>>
          %dma_start3A_125 = arith.constant 0 : i32
          %dma_start3A_126 = arith.constant 0 : i32
          %dma_start3A_127 = tpu.memref_slice %arg7[%dma_start3A_125, %dma_start3A_126] : memref<10112x128xf32, #tpu.memory_space<vmem_shared>> -> memref<10112x128xf32, #tpu.memory_space<vmem_shared>>
          tpu.enqueue_indirect_dma source(%arg11 : memref<64x128xf32, #tpu.memory_space<vmem>>) target(%dma_start3A_127 : memref<10112x128xf32, #tpu.memory_space<vmem_shared>>) offsets(%dma_start3A_124 : memref<64xi32, #tpu.memory_space<vmem>>) semaphore(%run_scoped3A : memref<!tpu.dma_semaphore, #tpu.memory_space<semaphore_mem>>) {add = true}
          %dma_wait3A_128 = arith.constant 0 : i32
          %dma_wait3A_129 = tpu.memref_slice %arg9[%add3A_74, %dma_wait3A_128] : memref<40x64xi32, #tpu.memory_space<vmem>> -> memref<1x64xi32, #tpu.memory_space<vmem>>
          %dma_wait3A_130 = tpu.memref_squeeze %dma_wait3A_129 : memref<1x64xi32, #tpu.memory_space<vmem>> -> memref<64xi32, #tpu.memory_space<vmem>>
          %dma_wait3A_131 = arith.constant 0 : i32
          %dma_wait3A_132 = arith.constant 0 : i32
          %dma_wait3A_133 = tpu.memref_slice %arg7[%dma_wait3A_131, %dma_wait3A_132] : memref<10112x128xf32, #tpu.memory_space<vmem_shared>> -> memref<10112x128xf32, #tpu.memory_space<vmem_shared>>
          tpu.wait_indirect_dma semaphore(%run_scoped3A : memref<!tpu.dma_semaphore, #tpu.memory_space<semaphore_mem>>) src(%arg11 : memref<64x128xf32, #tpu.memory_space<vmem>>) dst(%dma_wait3A_133 : memref<10112x128xf32, #tpu.memory_space<vmem_shared>>)
          tpu.yield
        }) : () -> ()
        %add3A_81 = arith.constant 4 : i32
        %add3A_82 = arith.addi %add3A_74, %add3A_81 : i32
        %lt3A_83 = arith.constant 40 : i32
        %lt3A_84 = arith.cmpi slt, %add3A_82, %lt3A_83 : i32
        %convert_element_type3A_85 = arith.extui %lt3A_84 : i1 to i32
        %cond3A_86 = arith.constant 0 : i32
        %cond3A_87 = arith.cmpi ne, %convert_element_type3A_85, %cond3A_86 : i32
        scf.if %cond3A_87 {
          %add3A_122 = arith.constant 4 : i32
          %add3A_123 = arith.addi %add3A_74, %add3A_122 : i32
          %dma_start3A_124 = arith.constant 0 : i32
          %dma_start3A_125 = tpu.memref_slice %arg8[%add3A_123, %dma_start3A_124] : memref<40x64xi32, #tpu.memory_space<vmem>> -> memref<1x64xi32, #tpu.memory_space<vmem>>
          %dma_start3A_126 = tpu.memref_squeeze %dma_start3A_125 : memref<1x64xi32, #tpu.memory_space<vmem>> -> memref<64xi32, #tpu.memory_space<vmem>>
          %dma_start3A_127 = arith.constant 0 : i32
          %dma_start3A_128 = arith.constant 0 : i32
          %dma_start3A_129 = tpu.memref_slice %arg2[%dma_start3A_127, %dma_start3A_128] : memref<10000x128xf32, #tpu.memory_space<hbm>> -> memref<10000x128xf32, #tpu.memory_space<hbm>>
          tpu.enqueue_indirect_dma source(%dma_start3A_129 : memref<10000x128xf32, #tpu.memory_space<hbm>>) target(%arg11 : memref<64x128xf32, #tpu.memory_space<vmem>>) offsets(%dma_start3A_126 : memref<64xi32, #tpu.memory_space<vmem>>) semaphore(%arg15 : memref<!tpu.dma_semaphore, #tpu.memory_space<semaphore_mem>>)
        } else {
        }
        %mul3A_88 = arith.constant 4 : i32
        %mul3A_89 = arith.muli %scan3A_57, %mul3A_88 : i32
        %add3A_90 = arith.constant 2 : i32
        %add3A_91 = arith.addi %mul3A_89, %add3A_90 : i32
        %dma_wait3A_92 = arith.constant 0 : i32
        %dma_wait3A_93 = tpu.memref_slice %arg8[%add3A_91, %dma_wait3A_92] : memref<40x64xi32, #tpu.memory_space<vmem>> -> memref<1x64xi32, #tpu.memory_space<vmem>>
        %dma_wait3A_94 = tpu.memref_squeeze %dma_wait3A_93 : memref<1x64xi32, #tpu.memory_space<vmem>> -> memref<64xi32, #tpu.memory_space<vmem>>
        %dma_wait3A_95 = arith.constant 0 : i32
        %dma_wait3A_96 = arith.constant 0 : i32
        %dma_wait3A_97 = tpu.memref_slice %arg2[%dma_wait3A_95, %dma_wait3A_96] : memref<10000x128xf32, #tpu.memory_space<hbm>> -> memref<10000x128xf32, #tpu.memory_space<hbm>>
        tpu.wait_indirect_dma semaphore(%arg16 : memref<!tpu.dma_semaphore, #tpu.memory_space<semaphore_mem>>) src(%dma_wait3A_97 : memref<10000x128xf32, #tpu.memory_space<hbm>>) dst(%arg12 : memref<64x128xf32, #tpu.memory_space<vmem>>)
        "tpu.region"() ({
          %run_scoped3A = tpu.sem_alloc : memref<!tpu.dma_semaphore, #tpu.memory_space<semaphore_mem>>
          %dma_start3A_122 = arith.constant 0 : i32
          %dma_start3A_123 = tpu.memref_slice %arg9[%add3A_91, %dma_start3A_122] : memref<40x64xi32, #tpu.memory_space<vmem>> -> memref<1x64xi32, #tpu.memory_space<vmem>>
          %dma_start3A_124 = tpu.memref_squeeze %dma_start3A_123 : memref<1x64xi32, #tpu.memory_space<vmem>> -> memref<64xi32, #tpu.memory_space<vmem>>
          %dma_start3A_125 = arith.constant 0 : i32
          %dma_start3A_126 = arith.constant 0 : i32
          %dma_start3A_127 = tpu.memref_slice %arg7[%dma_start3A_125, %dma_start3A_126] : memref<10112x128xf32, #tpu.memory_space<vmem_shared>> -> memref<10112x128xf32, #tpu.memory_space<vmem_shared>>
          tpu.enqueue_indirect_dma source(%arg12 : memref<64x128xf32, #tpu.memory_space<vmem>>) target(%dma_start3A_127 : memref<10112x128xf32, #tpu.memory_space<vmem_shared>>) offsets(%dma_start3A_124 : memref<64xi32, #tpu.memory_space<vmem>>) semaphore(%run_scoped3A : memref<!tpu.dma_semaphore, #tpu.memory_space<semaphore_mem>>) {add = true}
          %dma_wait3A_128 = arith.constant 0 : i32
          %dma_wait3A_129 = tpu.memref_slice %arg9[%add3A_91, %dma_wait3A_128] : memref<40x64xi32, #tpu.memory_space<vmem>> -> memref<1x64xi32, #tpu.memory_space<vmem>>
          %dma_wait3A_130 = tpu.memref_squeeze %dma_wait3A_129 : memref<1x64xi32, #tpu.memory_space<vmem>> -> memref<64xi32, #tpu.memory_space<vmem>>
          %dma_wait3A_131 = arith.constant 0 : i32
          %dma_wait3A_132 = arith.constant 0 : i32
          %dma_wait3A_133 = tpu.memref_slice %arg7[%dma_wait3A_131, %dma_wait3A_132] : memref<10112x128xf32, #tpu.memory_space<vmem_shared>> -> memref<10112x128xf32, #tpu.memory_space<vmem_shared>>
          tpu.wait_indirect_dma semaphore(%run_scoped3A : memref<!tpu.dma_semaphore, #tpu.memory_space<semaphore_mem>>) src(%arg12 : memref<64x128xf32, #tpu.memory_space<vmem>>) dst(%dma_wait3A_133 : memref<10112x128xf32, #tpu.memory_space<vmem_shared>>)
          tpu.yield
        }) : () -> ()
        %add3A_98 = arith.constant 4 : i32
        %add3A_99 = arith.addi %add3A_91, %add3A_98 : i32
        %lt3A_100 = arith.constant 40 : i32
        %lt3A_101 = arith.cmpi slt, %add3A_99, %lt3A_100 : i32
        %convert_element_type3A_102 = arith.extui %lt3A_101 : i1 to i32
        %cond3A_103 = arith.constant 0 : i32
        %cond3A_104 = arith.cmpi ne, %convert_element_type3A_102, %cond3A_103 : i32
        scf.if %cond3A_104 {
          %add3A_122 = arith.constant 4 : i32
          %add3A_123 = arith.addi %add3A_91, %add3A_122 : i32
          %dma_start3A_124 = arith.constant 0 : i32
          %dma_start3A_125 = tpu.memref_slice %arg8[%add3A_123, %dma_start3A_124] : memref<40x64xi32, #tpu.memory_space<vmem>> -> memref<1x64xi32, #tpu.memory_space<vmem>>
          %dma_start3A_126 = tpu.memref_squeeze %dma_start3A_125 : memref<1x64xi32, #tpu.memory_space<vmem>> -> memref<64xi32, #tpu.memory_space<vmem>>
          %dma_start3A_127 = arith.constant 0 : i32
          %dma_start3A_128 = arith.constant 0 : i32
          %dma_start3A_129 = tpu.memref_slice %arg2[%dma_start3A_127, %dma_start3A_128] : memref<10000x128xf32, #tpu.memory_space<hbm>> -> memref<10000x128xf32, #tpu.memory_space<hbm>>
          tpu.enqueue_indirect_dma source(%dma_start3A_129 : memref<10000x128xf32, #tpu.memory_space<hbm>>) target(%arg12 : memref<64x128xf32, #tpu.memory_space<vmem>>) offsets(%dma_start3A_126 : memref<64xi32, #tpu.memory_space<vmem>>) semaphore(%arg16 : memref<!tpu.dma_semaphore, #tpu.memory_space<semaphore_mem>>)
        } else {
        }
        %mul3A_105 = arith.constant 4 : i32
        %mul3A_106 = arith.muli %scan3A_57, %mul3A_105 : i32
        %add3A_107 = arith.constant 3 : i32
        %add3A_108 = arith.addi %mul3A_106, %add3A_107 : i32
        %dma_wait3A_109 = arith.constant 0 : i32
        %dma_wait3A_110 = tpu.memref_slice %arg8[%add3A_108, %dma_wait3A_109] : memref<40x64xi32, #tpu.memory_space<vmem>> -> memref<1x64xi32, #tpu.memory_space<vmem>>
        %dma_wait3A_111 = tpu.memref_squeeze %dma_wait3A_110 : memref<1x64xi32, #tpu.memory_space<vmem>> -> memref<64xi32, #tpu.memory_space<vmem>>
        %dma_wait3A_112 = arith.constant 0 : i32
        %dma_wait3A_113 = arith.constant 0 : i32
        %dma_wait3A_114 = tpu.memref_slice %arg2[%dma_wait3A_112, %dma_wait3A_113] : memref<10000x128xf32, #tpu.memory_space<hbm>> -> memref<10000x128xf32, #tpu.memory_space<hbm>>
        tpu.wait_indirect_dma semaphore(%arg17 : memref<!tpu.dma_semaphore, #tpu.memory_space<semaphore_mem>>) src(%dma_wait3A_114 : memref<10000x128xf32, #tpu.memory_space<hbm>>) dst(%arg13 : memref<64x128xf32, #tpu.memory_space<vmem>>)
        "tpu.region"() ({
          %run_scoped3A = tpu.sem_alloc : memref<!tpu.dma_semaphore, #tpu.memory_space<semaphore_mem>>
          %dma_start3A_122 = arith.constant 0 : i32
          %dma_start3A_123 = tpu.memref_slice %arg9[%add3A_108, %dma_start3A_122] : memref<40x64xi32, #tpu.memory_space<vmem>> -> memref<1x64xi32, #tpu.memory_space<vmem>>
          %dma_start3A_124 = tpu.memref_squeeze %dma_start3A_123 : memref<1x64xi32, #tpu.memory_space<vmem>> -> memref<64xi32, #tpu.memory_space<vmem>>
          %dma_start3A_125 = arith.constant 0 : i32
          %dma_start3A_126 = arith.constant 0 : i32
          %dma_start3A_127 = tpu.memref_slice %arg7[%dma_start3A_125, %dma_start3A_126] : memref<10112x128xf32, #tpu.memory_space<vmem_shared>> -> memref<10112x128xf32, #tpu.memory_space<vmem_shared>>
          tpu.enqueue_indirect_dma source(%arg13 : memref<64x128xf32, #tpu.memory_space<vmem>>) target(%dma_start3A_127 : memref<10112x128xf32, #tpu.memory_space<vmem_shared>>) offsets(%dma_start3A_124 : memref<64xi32, #tpu.memory_space<vmem>>) semaphore(%run_scoped3A : memref<!tpu.dma_semaphore, #tpu.memory_space<semaphore_mem>>) {add = true}
          %dma_wait3A_128 = arith.constant 0 : i32
          %dma_wait3A_129 = tpu.memref_slice %arg9[%add3A_108, %dma_wait3A_128] : memref<40x64xi32, #tpu.memory_space<vmem>> -> memref<1x64xi32, #tpu.memory_space<vmem>>
          %dma_wait3A_130 = tpu.memref_squeeze %dma_wait3A_129 : memref<1x64xi32, #tpu.memory_space<vmem>> -> memref<64xi32, #tpu.memory_space<vmem>>
          %dma_wait3A_131 = arith.constant 0 : i32
          %dma_wait3A_132 = arith.constant 0 : i32
          %dma_wait3A_133 = tpu.memref_slice %arg7[%dma_wait3A_131, %dma_wait3A_132] : memref<10112x128xf32, #tpu.memory_space<vmem_shared>> -> memref<10112x128xf32, #tpu.memory_space<vmem_shared>>
          tpu.wait_indirect_dma semaphore(%run_scoped3A : memref<!tpu.dma_semaphore, #tpu.memory_space<semaphore_mem>>) src(%arg13 : memref<64x128xf32, #tpu.memory_space<vmem>>) dst(%dma_wait3A_133 : memref<10112x128xf32, #tpu.memory_space<vmem_shared>>)
          tpu.yield
        }) : () -> ()
        %add3A_115 = arith.constant 4 : i32
        %add3A_116 = arith.addi %add3A_108, %add3A_115 : i32
        %lt3A_117 = arith.constant 40 : i32
        %lt3A_118 = arith.cmpi slt, %add3A_116, %lt3A_117 : i32
        %convert_element_type3A_119 = arith.extui %lt3A_118 : i1 to i32
        %cond3A_120 = arith.constant 0 : i32
        %cond3A_121 = arith.cmpi ne, %convert_element_type3A_119, %cond3A_120 : i32
        scf.if %cond3A_121 {
          %add3A_122 = arith.constant 4 : i32
          %add3A_123 = arith.addi %add3A_108, %add3A_122 : i32
          %dma_start3A_124 = arith.constant 0 : i32
          %dma_start3A_125 = tpu.memref_slice %arg8[%add3A_123, %dma_start3A_124] : memref<40x64xi32, #tpu.memory_space<vmem>> -> memref<1x64xi32, #tpu.memory_space<vmem>>
          %dma_start3A_126 = tpu.memref_squeeze %dma_start3A_125 : memref<1x64xi32, #tpu.memory_space<vmem>> -> memref<64xi32, #tpu.memory_space<vmem>>
          %dma_start3A_127 = arith.constant 0 : i32
          %dma_start3A_128 = arith.constant 0 : i32
          %dma_start3A_129 = tpu.memref_slice %arg2[%dma_start3A_127, %dma_start3A_128] : memref<10000x128xf32, #tpu.memory_space<hbm>> -> memref<10000x128xf32, #tpu.memory_space<hbm>>
          tpu.enqueue_indirect_dma source(%dma_start3A_129 : memref<10000x128xf32, #tpu.memory_space<hbm>>) target(%arg13 : memref<64x128xf32, #tpu.memory_space<vmem>>) offsets(%dma_start3A_126 : memref<64xi32, #tpu.memory_space<vmem>>) semaphore(%arg17 : memref<!tpu.dma_semaphore, #tpu.memory_space<semaphore_mem>>)
        } else {
        }
      }
      %scan3A_56 = arith.constant 10 : i32
    }
    %while3A_15 = arith.constant 1 : i32
    scf.for %while3A_21 = %while3A_13 to %while3A_9 step %while3A_15  : i32 {
      %mul3A_22 = arith.constant 40 : i32
      %mul3A_23 = arith.muli %while3A_21, %mul3A_22 : i32
      "tpu.region"() ({
        %run_scoped3A = tpu.sem_alloc : memref<!tpu.dma_semaphore, #tpu.memory_space<semaphore_mem>>
        %dma_start3A_57 = arith.constant 0 : i32
        %dma_start3A_58 = tpu.memref_slice %arg3[%add3A, %mul3A_23, %dma_start3A_57] : memref<32x160x64xi32, #tpu.memory_space<hbm>> -> memref<1x40x64xi32, #tpu.memory_space<hbm>>
        %dma_start3A_59 = tpu.memref_squeeze %dma_start3A_58 : memref<1x40x64xi32, #tpu.memory_space<hbm>> -> memref<40x64xi32, #tpu.memory_space<hbm>>
        %dma_start3A_60 = arith.constant 0 : i32
        %dma_start3A_61 = tpu.memref_slice %arg3[%add3A, %mul3A_23, %dma_start3A_60] : memref<32x160x64xi32, #tpu.memory_space<hbm>> -> memref<1x40x64xi32, #tpu.memory_space<hbm>>
        %dma_start3A_62 = tpu.memref_squeeze %dma_start3A_61 : memref<1x40x64xi32, #tpu.memory_space<hbm>> -> memref<40x64xi32, #tpu.memory_space<hbm>>
        tpu.enqueue_dma source(%dma_start3A_62 : memref<40x64xi32, #tpu.memory_space<hbm>>) target(%arg8 : memref<40x64xi32, #tpu.memory_space<vmem>>) target_semaphore(%run_scoped3A : memref<!tpu.dma_semaphore, #tpu.memory_space<semaphore_mem>>)
        %dma_wait3A = arith.constant 0 : i32
        %dma_wait3A_63 = tpu.memref_slice %arg3[%add3A, %mul3A_23, %dma_wait3A] : memref<32x160x64xi32, #tpu.memory_space<hbm>> -> memref<1x40x64xi32, #tpu.memory_space<hbm>>
        %dma_wait3A_64 = tpu.memref_squeeze %dma_wait3A_63 : memref<1x40x64xi32, #tpu.memory_space<hbm>> -> memref<40x64xi32, #tpu.memory_space<hbm>>
        %dma_wait3A_65 = arith.constant 0 : i32
        %dma_wait3A_66 = tpu.memref_slice %arg3[%add3A, %mul3A_23, %dma_wait3A_65] : memref<32x160x64xi32, #tpu.memory_space<hbm>> -> memref<1x40x64xi32, #tpu.memory_space<hbm>>
        %dma_wait3A_67 = tpu.memref_squeeze %dma_wait3A_66 : memref<1x40x64xi32, #tpu.memory_space<hbm>> -> memref<40x64xi32, #tpu.memory_space<hbm>>
        tpu.wait_dma2 semaphore(%run_scoped3A : memref<!tpu.dma_semaphore, #tpu.memory_space<semaphore_mem>>) src(%dma_wait3A_67 : memref<40x64xi32, #tpu.memory_space<hbm>>) dst(%arg8 : memref<40x64xi32, #tpu.memory_space<vmem>>)
        tpu.yield
      }) : () -> ()
      %mul3A_24 = arith.constant 40 : i32
      %mul3A_25 = arith.muli %while3A_21, %mul3A_24 : i32
      "tpu.region"() ({
        %run_scoped3A = tpu.sem_alloc : memref<!tpu.dma_semaphore, #tpu.memory_space<semaphore_mem>>
        %dma_start3A_57 = arith.constant 0 : i32
        %dma_start3A_58 = tpu.memref_slice %arg4[%add3A, %mul3A_25, %dma_start3A_57] : memref<32x160x64xi32, #tpu.memory_space<hbm>> -> memref<1x40x64xi32, #tpu.memory_space<hbm>>
        %dma_start3A_59 = tpu.memref_squeeze %dma_start3A_58 : memref<1x40x64xi32, #tpu.memory_space<hbm>> -> memref<40x64xi32, #tpu.memory_space<hbm>>
        %dma_start3A_60 = arith.constant 0 : i32
        %dma_start3A_61 = tpu.memref_slice %arg4[%add3A, %mul3A_25, %dma_start3A_60] : memref<32x160x64xi32, #tpu.memory_space<hbm>> -> memref<1x40x64xi32, #tpu.memory_space<hbm>>
        %dma_start3A_62 = tpu.memref_squeeze %dma_start3A_61 : memref<1x40x64xi32, #tpu.memory_space<hbm>> -> memref<40x64xi32, #tpu.memory_space<hbm>>
        tpu.enqueue_dma source(%dma_start3A_62 : memref<40x64xi32, #tpu.memory_space<hbm>>) target(%arg9 : memref<40x64xi32, #tpu.memory_space<vmem>>) target_semaphore(%run_scoped3A : memref<!tpu.dma_semaphore, #tpu.memory_space<semaphore_mem>>)
        %dma_wait3A = arith.constant 0 : i32
        %dma_wait3A_63 = tpu.memref_slice %arg4[%add3A, %mul3A_25, %dma_wait3A] : memref<32x160x64xi32, #tpu.memory_space<hbm>> -> memref<1x40x64xi32, #tpu.memory_space<hbm>>
        %dma_wait3A_64 = tpu.memref_squeeze %dma_wait3A_63 : memref<1x40x64xi32, #tpu.memory_space<hbm>> -> memref<40x64xi32, #tpu.memory_space<hbm>>
        %dma_wait3A_65 = arith.constant 0 : i32
        %dma_wait3A_66 = tpu.memref_slice %arg4[%add3A, %mul3A_25, %dma_wait3A_65] : memref<32x160x64xi32, #tpu.memory_space<hbm>> -> memref<1x40x64xi32, #tpu.memory_space<hbm>>
        %dma_wait3A_67 = tpu.memref_squeeze %dma_wait3A_66 : memref<1x40x64xi32, #tpu.memory_space<hbm>> -> memref<40x64xi32, #tpu.memory_space<hbm>>
        tpu.wait_dma2 semaphore(%run_scoped3A : memref<!tpu.dma_semaphore, #tpu.memory_space<semaphore_mem>>) src(%dma_wait3A_67 : memref<40x64xi32, #tpu.memory_space<hbm>>) dst(%arg9 : memref<40x64xi32, #tpu.memory_space<vmem>>)
        tpu.yield
      }) : () -> ()
      %dma_start3A = arith.constant 0 : i32
      %dma_start3A_26 = arith.constant 0 : i32
      %dma_start3A_27 = tpu.memref_slice %arg8[%dma_start3A, %dma_start3A_26] : memref<40x64xi32, #tpu.memory_space<vmem>> -> memref<1x64xi32, #tpu.memory_space<vmem>>
      %dma_start3A_28 = tpu.memref_squeeze %dma_start3A_27 : memref<1x64xi32, #tpu.memory_space<vmem>> -> memref<64xi32, #tpu.memory_space<vmem>>
      %dma_start3A_29 = arith.constant 0 : i32
      %dma_start3A_30 = arith.constant 0 : i32
      %dma_start3A_31 = tpu.memref_slice %arg2[%dma_start3A_29, %dma_start3A_30] : memref<10000x128xf32, #tpu.memory_space<hbm>> -> memref<10000x128xf32, #tpu.memory_space<hbm>>
      tpu.enqueue_indirect_dma source(%dma_start3A_31 : memref<10000x128xf32, #tpu.memory_space<hbm>>) target(%arg10 : memref<64x128xf32, #tpu.memory_space<vmem>>) offsets(%dma_start3A_28 : memref<64xi32, #tpu.memory_space<vmem>>) semaphore(%arg14 : memref<!tpu.dma_semaphore, #tpu.memory_space<semaphore_mem>>)
      %dma_start3A_32 = arith.constant 1 : i32
      %dma_start3A_33 = arith.constant 0 : i32
      %dma_start3A_34 = tpu.memref_slice %arg8[%dma_start3A_32, %dma_start3A_33] : memref<40x64xi32, #tpu.memory_space<vmem>> -> memref<1x64xi32, #tpu.memory_space<vmem>>
      %dma_start3A_35 = tpu.memref_squeeze %dma_start3A_34 : memref<1x64xi32, #tpu.memory_space<vmem>> -> memref<64xi32, #tpu.memory_space<vmem>>
      %dma_start3A_36 = arith.constant 0 : i32
      %dma_start3A_37 = arith.constant 0 : i32
      %dma_start3A_38 = tpu.memref_slice %arg2[%dma_start3A_36, %dma_start3A_37] : memref<10000x128xf32, #tpu.memory_space<hbm>> -> memref<10000x128xf32, #tpu.memory_space<hbm>>
      tpu.enqueue_indirect_dma source(%dma_start3A_38 : memref<10000x128xf32, #tpu.memory_space<hbm>>) target(%arg11 : memref<64x128xf32, #tpu.memory_space<vmem>>) offsets(%dma_start3A_35 : memref<64xi32, #tpu.memory_space<vmem>>) semaphore(%arg15 : memref<!tpu.dma_semaphore, #tpu.memory_space<semaphore_mem>>)
      %dma_start3A_39 = arith.constant 2 : i32
      %dma_start3A_40 = arith.constant 0 : i32
      %dma_start3A_41 = tpu.memref_slice %arg8[%dma_start3A_39, %dma_start3A_40] : memref<40x64xi32, #tpu.memory_space<vmem>> -> memref<1x64xi32, #tpu.memory_space<vmem>>
      %dma_start3A_42 = tpu.memref_squeeze %dma_start3A_41 : memref<1x64xi32, #tpu.memory_space<vmem>> -> memref<64xi32, #tpu.memory_space<vmem>>
      %dma_start3A_43 = arith.constant 0 : i32
      %dma_start3A_44 = arith.constant 0 : i32
      %dma_start3A_45 = tpu.memref_slice %arg2[%dma_start3A_43, %dma_start3A_44] : memref<10000x128xf32, #tpu.memory_space<hbm>> -> memref<10000x128xf32, #tpu.memory_space<hbm>>
      tpu.enqueue_indirect_dma source(%dma_start3A_45 : memref<10000x128xf32, #tpu.memory_space<hbm>>) target(%arg12 : memref<64x128xf32, #tpu.memory_space<vmem>>) offsets(%dma_start3A_42 : memref<64xi32, #tpu.memory_space<vmem>>) semaphore(%arg16 : memref<!tpu.dma_semaphore, #tpu.memory_space<semaphore_mem>>)
      %dma_start3A_46 = arith.constant 3 : i32
      %dma_start3A_47 = arith.constant 0 : i32
      %dma_start3A_48 = tpu.memref_slice %arg8[%dma_start3A_46, %dma_start3A_47] : memref<40x64xi32, #tpu.memory_space<vmem>> -> memref<1x64xi32, #tpu.memory_space<vmem>>
      %dma_start3A_49 = tpu.memref_squeeze %dma_start3A_48 : memref<1x64xi32, #tpu.memory_space<vmem>> -> memref<64xi32, #tpu.memory_space<vmem>>
      %dma_start3A_50 = arith.constant 0 : i32
      %dma_start3A_51 = arith.constant 0 : i32
      %dma_start3A_52 = tpu.memref_slice %arg2[%dma_start3A_50, %dma_start3A_51] : memref<10000x128xf32, #tpu.memory_space<hbm>> -> memref<10000x128xf32, #tpu.memory_space<hbm>>
      tpu.enqueue_indirect_dma source(%dma_start3A_52 : memref<10000x128xf32, #tpu.memory_space<hbm>>) target(%arg13 : memref<64x128xf32, #tpu.memory_space<vmem>>) offsets(%dma_start3A_49 : memref<64xi32, #tpu.memory_space<vmem>>) semaphore(%arg17 : memref<!tpu.dma_semaphore, #tpu.memory_space<semaphore_mem>>)
      %scan3A = arith.constant 0 : i32
      %scan3A_53 = arith.constant 10 : i32
      %scan3A_54 = arith.addi %scan3A, %scan3A_53 : i32
      %scan3A_55 = arith.constant 1 : i32
      scf.for %scan3A_57 = %scan3A to %scan3A_54 step %scan3A_55  : i32 {
        %mul3A_58 = arith.constant 4 : i32
        %mul3A_59 = arith.muli %scan3A_57, %mul3A_58 : i32
        %add3A_60 = arith.constant 0 : i32
        %add3A_61 = arith.addi %mul3A_59, %add3A_60 : i32
        %dma_wait3A = arith.constant 0 : i32
        %dma_wait3A_62 = tpu.memref_slice %arg8[%add3A_61, %dma_wait3A] : memref<40x64xi32, #tpu.memory_space<vmem>> -> memref<1x64xi32, #tpu.memory_space<vmem>>
        %dma_wait3A_63 = tpu.memref_squeeze %dma_wait3A_62 : memref<1x64xi32, #tpu.memory_space<vmem>> -> memref<64xi32, #tpu.memory_space<vmem>>
        %dma_wait3A_64 = arith.constant 0 : i32
        %dma_wait3A_65 = arith.constant 0 : i32
        %dma_wait3A_66 = tpu.memref_slice %arg2[%dma_wait3A_64, %dma_wait3A_65] : memref<10000x128xf32, #tpu.memory_space<hbm>> -> memref<10000x128xf32, #tpu.memory_space<hbm>>
        tpu.wait_indirect_dma semaphore(%arg14 : memref<!tpu.dma_semaphore, #tpu.memory_space<semaphore_mem>>) src(%dma_wait3A_66 : memref<10000x128xf32, #tpu.memory_space<hbm>>) dst(%arg10 : memref<64x128xf32, #tpu.memory_space<vmem>>)
        "tpu.region"() ({
          %run_scoped3A = tpu.sem_alloc : memref<!tpu.dma_semaphore, #tpu.memory_space<semaphore_mem>>
          %dma_start3A_122 = arith.constant 0 : i32
          %dma_start3A_123 = tpu.memref_slice %arg9[%add3A_61, %dma_start3A_122] : memref<40x64xi32, #tpu.memory_space<vmem>> -> memref<1x64xi32, #tpu.memory_space<vmem>>
          %dma_start3A_124 = tpu.memref_squeeze %dma_start3A_123 : memref<1x64xi32, #tpu.memory_space<vmem>> -> memref<64xi32, #tpu.memory_space<vmem>>
          %dma_start3A_125 = arith.constant 0 : i32
          %dma_start3A_126 = arith.constant 0 : i32
          %dma_start3A_127 = tpu.memref_slice %arg7[%dma_start3A_125, %dma_start3A_126] : memref<10112x128xf32, #tpu.memory_space<vmem_shared>> -> memref<10112x128xf32, #tpu.memory_space<vmem_shared>>
          tpu.enqueue_indirect_dma source(%arg10 : memref<64x128xf32, #tpu.memory_space<vmem>>) target(%dma_start3A_127 : memref<10112x128xf32, #tpu.memory_space<vmem_shared>>) offsets(%dma_start3A_124 : memref<64xi32, #tpu.memory_space<vmem>>) semaphore(%run_scoped3A : memref<!tpu.dma_semaphore, #tpu.memory_space<semaphore_mem>>) {add = true}
          %dma_wait3A_128 = arith.constant 0 : i32
          %dma_wait3A_129 = tpu.memref_slice %arg9[%add3A_61, %dma_wait3A_128] : memref<40x64xi32, #tpu.memory_space<vmem>> -> memref<1x64xi32, #tpu.memory_space<vmem>>
          %dma_wait3A_130 = tpu.memref_squeeze %dma_wait3A_129 : memref<1x64xi32, #tpu.memory_space<vmem>> -> memref<64xi32, #tpu.memory_space<vmem>>
          %dma_wait3A_131 = arith.constant 0 : i32
          %dma_wait3A_132 = arith.constant 0 : i32
          %dma_wait3A_133 = tpu.memref_slice %arg7[%dma_wait3A_131, %dma_wait3A_132] : memref<10112x128xf32, #tpu.memory_space<vmem_shared>> -> memref<10112x128xf32, #tpu.memory_space<vmem_shared>>
          tpu.wait_indirect_dma semaphore(%run_scoped3A : memref<!tpu.dma_semaphore, #tpu.memory_space<semaphore_mem>>) src(%arg10 : memref<64x128xf32, #tpu.memory_space<vmem>>) dst(%dma_wait3A_133 : memref<10112x128xf32, #tpu.memory_space<vmem_shared>>)
          tpu.yield
        }) : () -> ()
        %add3A_67 = arith.constant 4 : i32
        %add3A_68 = arith.addi %add3A_61, %add3A_67 : i32
        %lt3A = arith.constant 40 : i32
        %lt3A_69 = arith.cmpi slt, %add3A_68, %lt3A : i32
        %convert_element_type3A = arith.extui %lt3A_69 : i1 to i32
        %cond3A = arith.constant 0 : i32
        %cond3A_70 = arith.cmpi ne, %convert_element_type3A, %cond3A : i32
        scf.if %cond3A_70 {
          %add3A_122 = arith.constant 4 : i32
          %add3A_123 = arith.addi %add3A_61, %add3A_122 : i32
          %dma_start3A_124 = arith.constant 0 : i32
          %dma_start3A_125 = tpu.memref_slice %arg8[%add3A_123, %dma_start3A_124] : memref<40x64xi32, #tpu.memory_space<vmem>> -> memref<1x64xi32, #tpu.memory_space<vmem>>
          %dma_start3A_126 = tpu.memref_squeeze %dma_start3A_125 : memref<1x64xi32, #tpu.memory_space<vmem>> -> memref<64xi32, #tpu.memory_space<vmem>>
          %dma_start3A_127 = arith.constant 0 : i32
          %dma_start3A_128 = arith.constant 0 : i32
          %dma_start3A_129 = tpu.memref_slice %arg2[%dma_start3A_127, %dma_start3A_128] : memref<10000x128xf32, #tpu.memory_space<hbm>> -> memref<10000x128xf32, #tpu.memory_space<hbm>>
          tpu.enqueue_indirect_dma source(%dma_start3A_129 : memref<10000x128xf32, #tpu.memory_space<hbm>>) target(%arg10 : memref<64x128xf32, #tpu.memory_space<vmem>>) offsets(%dma_start3A_126 : memref<64xi32, #tpu.memory_space<vmem>>) semaphore(%arg14 : memref<!tpu.dma_semaphore, #tpu.memory_space<semaphore_mem>>)
        } else {
        }
        %mul3A_71 = arith.constant 4 : i32
        %mul3A_72 = arith.muli %scan3A_57, %mul3A_71 : i32
        %add3A_73 = arith.constant 1 : i32
        %add3A_74 = arith.addi %mul3A_72, %add3A_73 : i32
        %dma_wait3A_75 = arith.constant 0 : i32
        %dma_wait3A_76 = tpu.memref_slice %arg8[%add3A_74, %dma_wait3A_75] : memref<40x64xi32, #tpu.memory_space<vmem>> -> memref<1x64xi32, #tpu.memory_space<vmem>>
        %dma_wait3A_77 = tpu.memref_squeeze %dma_wait3A_76 : memref<1x64xi32, #tpu.memory_space<vmem>> -> memref<64xi32, #tpu.memory_space<vmem>>
        %dma_wait3A_78 = arith.constant 0 : i32
        %dma_wait3A_79 = arith.constant 0 : i32
        %dma_wait3A_80 = tpu.memref_slice %arg2[%dma_wait3A_78, %dma_wait3A_79] : memref<10000x128xf32, #tpu.memory_space<hbm>> -> memref<10000x128xf32, #tpu.memory_space<hbm>>
        tpu.wait_indirect_dma semaphore(%arg15 : memref<!tpu.dma_semaphore, #tpu.memory_space<semaphore_mem>>) src(%dma_wait3A_80 : memref<10000x128xf32, #tpu.memory_space<hbm>>) dst(%arg11 : memref<64x128xf32, #tpu.memory_space<vmem>>)
        "tpu.region"() ({
          %run_scoped3A = tpu.sem_alloc : memref<!tpu.dma_semaphore, #tpu.memory_space<semaphore_mem>>
          %dma_start3A_122 = arith.constant 0 : i32
          %dma_start3A_123 = tpu.memref_slice %arg9[%add3A_74, %dma_start3A_122] : memref<40x64xi32, #tpu.memory_space<vmem>> -> memref<1x64xi32, #tpu.memory_space<vmem>>
          %dma_start3A_124 = tpu.memref_squeeze %dma_start3A_123 : memref<1x64xi32, #tpu.memory_space<vmem>> -> memref<64xi32, #tpu.memory_space<vmem>>
          %dma_start3A_125 = arith.constant 0 : i32
          %dma_start3A_126 = arith.constant 0 : i32
          %dma_start3A_127 = tpu.memref_slice %arg7[%dma_start3A_125, %dma_start3A_126] : memref<10112x128xf32, #tpu.memory_space<vmem_shared>> -> memref<10112x128xf32, #tpu.memory_space<vmem_shared>>
          tpu.enqueue_indirect_dma source(%arg11 : memref<64x128xf32, #tpu.memory_space<vmem>>) target(%dma_start3A_127 : memref<10112x128xf32, #tpu.memory_space<vmem_shared>>) offsets(%dma_start3A_124 : memref<64xi32, #tpu.memory_space<vmem>>) semaphore(%run_scoped3A : memref<!tpu.dma_semaphore, #tpu.memory_space<semaphore_mem>>) {add = true}
          %dma_wait3A_128 = arith.constant 0 : i32
          %dma_wait3A_129 = tpu.memref_slice %arg9[%add3A_74, %dma_wait3A_128] : memref<40x64xi32, #tpu.memory_space<vmem>> -> memref<1x64xi32, #tpu.memory_space<vmem>>
          %dma_wait3A_130 = tpu.memref_squeeze %dma_wait3A_129 : memref<1x64xi32, #tpu.memory_space<vmem>> -> memref<64xi32, #tpu.memory_space<vmem>>
          %dma_wait3A_131 = arith.constant 0 : i32
          %dma_wait3A_132 = arith.constant 0 : i32
          %dma_wait3A_133 = tpu.memref_slice %arg7[%dma_wait3A_131, %dma_wait3A_132] : memref<10112x128xf32, #tpu.memory_space<vmem_shared>> -> memref<10112x128xf32, #tpu.memory_space<vmem_shared>>
          tpu.wait_indirect_dma semaphore(%run_scoped3A : memref<!tpu.dma_semaphore, #tpu.memory_space<semaphore_mem>>) src(%arg11 : memref<64x128xf32, #tpu.memory_space<vmem>>) dst(%dma_wait3A_133 : memref<10112x128xf32, #tpu.memory_space<vmem_shared>>)
          tpu.yield
        }) : () -> ()
        %add3A_81 = arith.constant 4 : i32
        %add3A_82 = arith.addi %add3A_74, %add3A_81 : i32
        %lt3A_83 = arith.constant 40 : i32
        %lt3A_84 = arith.cmpi slt, %add3A_82, %lt3A_83 : i32
        %convert_element_type3A_85 = arith.extui %lt3A_84 : i1 to i32
        %cond3A_86 = arith.constant 0 : i32
        %cond3A_87 = arith.cmpi ne, %convert_element_type3A_85, %cond3A_86 : i32
        scf.if %cond3A_87 {
          %add3A_122 = arith.constant 4 : i32
          %add3A_123 = arith.addi %add3A_74, %add3A_122 : i32
          %dma_start3A_124 = arith.constant 0 : i32
          %dma_start3A_125 = tpu.memref_slice %arg8[%add3A_123, %dma_start3A_124] : memref<40x64xi32, #tpu.memory_space<vmem>> -> memref<1x64xi32, #tpu.memory_space<vmem>>
          %dma_start3A_126 = tpu.memref_squeeze %dma_start3A_125 : memref<1x64xi32, #tpu.memory_space<vmem>> -> memref<64xi32, #tpu.memory_space<vmem>>
          %dma_start3A_127 = arith.constant 0 : i32
          %dma_start3A_128 = arith.constant 0 : i32
          %dma_start3A_129 = tpu.memref_slice %arg2[%dma_start3A_127, %dma_start3A_128] : memref<10000x128xf32, #tpu.memory_space<hbm>> -> memref<10000x128xf32, #tpu.memory_space<hbm>>
          tpu.enqueue_indirect_dma source(%dma_start3A_129 : memref<10000x128xf32, #tpu.memory_space<hbm>>) target(%arg11 : memref<64x128xf32, #tpu.memory_space<vmem>>) offsets(%dma_start3A_126 : memref<64xi32, #tpu.memory_space<vmem>>) semaphore(%arg15 : memref<!tpu.dma_semaphore, #tpu.memory_space<semaphore_mem>>)
        } else {
        }
        %mul3A_88 = arith.constant 4 : i32
        %mul3A_89 = arith.muli %scan3A_57, %mul3A_88 : i32
        %add3A_90 = arith.constant 2 : i32
        %add3A_91 = arith.addi %mul3A_89, %add3A_90 : i32
        %dma_wait3A_92 = arith.constant 0 : i32
        %dma_wait3A_93 = tpu.memref_slice %arg8[%add3A_91, %dma_wait3A_92] : memref<40x64xi32, #tpu.memory_space<vmem>> -> memref<1x64xi32, #tpu.memory_space<vmem>>
        %dma_wait3A_94 = tpu.memref_squeeze %dma_wait3A_93 : memref<1x64xi32, #tpu.memory_space<vmem>> -> memref<64xi32, #tpu.memory_space<vmem>>
        %dma_wait3A_95 = arith.constant 0 : i32
        %dma_wait3A_96 = arith.constant 0 : i32
        %dma_wait3A_97 = tpu.memref_slice %arg2[%dma_wait3A_95, %dma_wait3A_96] : memref<10000x128xf32, #tpu.memory_space<hbm>> -> memref<10000x128xf32, #tpu.memory_space<hbm>>
        tpu.wait_indirect_dma semaphore(%arg16 : memref<!tpu.dma_semaphore, #tpu.memory_space<semaphore_mem>>) src(%dma_wait3A_97 : memref<10000x128xf32, #tpu.memory_space<hbm>>) dst(%arg12 : memref<64x128xf32, #tpu.memory_space<vmem>>)
        "tpu.region"() ({
          %run_scoped3A = tpu.sem_alloc : memref<!tpu.dma_semaphore, #tpu.memory_space<semaphore_mem>>
          %dma_start3A_122 = arith.constant 0 : i32
          %dma_start3A_123 = tpu.memref_slice %arg9[%add3A_91, %dma_start3A_122] : memref<40x64xi32, #tpu.memory_space<vmem>> -> memref<1x64xi32, #tpu.memory_space<vmem>>
          %dma_start3A_124 = tpu.memref_squeeze %dma_start3A_123 : memref<1x64xi32, #tpu.memory_space<vmem>> -> memref<64xi32, #tpu.memory_space<vmem>>
          %dma_start3A_125 = arith.constant 0 : i32
          %dma_start3A_126 = arith.constant 0 : i32
          %dma_start3A_127 = tpu.memref_slice %arg7[%dma_start3A_125, %dma_start3A_126] : memref<10112x128xf32, #tpu.memory_space<vmem_shared>> -> memref<10112x128xf32, #tpu.memory_space<vmem_shared>>
          tpu.enqueue_indirect_dma source(%arg12 : memref<64x128xf32, #tpu.memory_space<vmem>>) target(%dma_start3A_127 : memref<10112x128xf32, #tpu.memory_space<vmem_shared>>) offsets(%dma_start3A_124 : memref<64xi32, #tpu.memory_space<vmem>>) semaphore(%run_scoped3A : memref<!tpu.dma_semaphore, #tpu.memory_space<semaphore_mem>>) {add = true}
          %dma_wait3A_128 = arith.constant 0 : i32
          %dma_wait3A_129 = tpu.memref_slice %arg9[%add3A_91, %dma_wait3A_128] : memref<40x64xi32, #tpu.memory_space<vmem>> -> memref<1x64xi32, #tpu.memory_space<vmem>>
          %dma_wait3A_130 = tpu.memref_squeeze %dma_wait3A_129 : memref<1x64xi32, #tpu.memory_space<vmem>> -> memref<64xi32, #tpu.memory_space<vmem>>
          %dma_wait3A_131 = arith.constant 0 : i32
          %dma_wait3A_132 = arith.constant 0 : i32
          %dma_wait3A_133 = tpu.memref_slice %arg7[%dma_wait3A_131, %dma_wait3A_132] : memref<10112x128xf32, #tpu.memory_space<vmem_shared>> -> memref<10112x128xf32, #tpu.memory_space<vmem_shared>>
          tpu.wait_indirect_dma semaphore(%run_scoped3A : memref<!tpu.dma_semaphore, #tpu.memory_space<semaphore_mem>>) src(%arg12 : memref<64x128xf32, #tpu.memory_space<vmem>>) dst(%dma_wait3A_133 : memref<10112x128xf32, #tpu.memory_space<vmem_shared>>)
          tpu.yield
        }) : () -> ()
        %add3A_98 = arith.constant 4 : i32
        %add3A_99 = arith.addi %add3A_91, %add3A_98 : i32
        %lt3A_100 = arith.constant 40 : i32
        %lt3A_101 = arith.cmpi slt, %add3A_99, %lt3A_100 : i32
        %convert_element_type3A_102 = arith.extui %lt3A_101 : i1 to i32
        %cond3A_103 = arith.constant 0 : i32
        %cond3A_104 = arith.cmpi ne, %convert_element_type3A_102, %cond3A_103 : i32
        scf.if %cond3A_104 {
          %add3A_122 = arith.constant 4 : i32
          %add3A_123 = arith.addi %add3A_91, %add3A_122 : i32
          %dma_start3A_124 = arith.constant 0 : i32
          %dma_start3A_125 = tpu.memref_slice %arg8[%add3A_123, %dma_start3A_124] : memref<40x64xi32, #tpu.memory_space<vmem>> -> memref<1x64xi32, #tpu.memory_space<vmem>>
          %dma_start3A_126 = tpu.memref_squeeze %dma_start3A_125 : memref<1x64xi32, #tpu.memory_space<vmem>> -> memref<64xi32, #tpu.memory_space<vmem>>
          %dma_start3A_127 = arith.constant 0 : i32
          %dma_start3A_128 = arith.constant 0 : i32
          %dma_start3A_129 = tpu.memref_slice %arg2[%dma_start3A_127, %dma_start3A_128] : memref<10000x128xf32, #tpu.memory_space<hbm>> -> memref<10000x128xf32, #tpu.memory_space<hbm>>
          tpu.enqueue_indirect_dma source(%dma_start3A_129 : memref<10000x128xf32, #tpu.memory_space<hbm>>) target(%arg12 : memref<64x128xf32, #tpu.memory_space<vmem>>) offsets(%dma_start3A_126 : memref<64xi32, #tpu.memory_space<vmem>>) semaphore(%arg16 : memref<!tpu.dma_semaphore, #tpu.memory_space<semaphore_mem>>)
        } else {
        }
        %mul3A_105 = arith.constant 4 : i32
        %mul3A_106 = arith.muli %scan3A_57, %mul3A_105 : i32
        %add3A_107 = arith.constant 3 : i32
        %add3A_108 = arith.addi %mul3A_106, %add3A_107 : i32
        %dma_wait3A_109 = arith.constant 0 : i32
        %dma_wait3A_110 = tpu.memref_slice %arg8[%add3A_108, %dma_wait3A_109] : memref<40x64xi32, #tpu.memory_space<vmem>> -> memref<1x64xi32, #tpu.memory_space<vmem>>
        %dma_wait3A_111 = tpu.memref_squeeze %dma_wait3A_110 : memref<1x64xi32, #tpu.memory_space<vmem>> -> memref<64xi32, #tpu.memory_space<vmem>>
        %dma_wait3A_112 = arith.constant 0 : i32
        %dma_wait3A_113 = arith.constant 0 : i32
        %dma_wait3A_114 = tpu.memref_slice %arg2[%dma_wait3A_112, %dma_wait3A_113] : memref<10000x128xf32, #tpu.memory_space<hbm>> -> memref<10000x128xf32, #tpu.memory_space<hbm>>
        tpu.wait_indirect_dma semaphore(%arg17 : memref<!tpu.dma_semaphore, #tpu.memory_space<semaphore_mem>>) src(%dma_wait3A_114 : memref<10000x128xf32, #tpu.memory_space<hbm>>) dst(%arg13 : memref<64x128xf32, #tpu.memory_space<vmem>>)
        "tpu.region"() ({
          %run_scoped3A = tpu.sem_alloc : memref<!tpu.dma_semaphore, #tpu.memory_space<semaphore_mem>>
          %dma_start3A_122 = arith.constant 0 : i32
          %dma_start3A_123 = tpu.memref_slice %arg9[%add3A_108, %dma_start3A_122] : memref<40x64xi32, #tpu.memory_space<vmem>> -> memref<1x64xi32, #tpu.memory_space<vmem>>
          %dma_start3A_124 = tpu.memref_squeeze %dma_start3A_123 : memref<1x64xi32, #tpu.memory_space<vmem>> -> memref<64xi32, #tpu.memory_space<vmem>>
          %dma_start3A_125 = arith.constant 0 : i32
          %dma_start3A_126 = arith.constant 0 : i32
          %dma_start3A_127 = tpu.memref_slice %arg7[%dma_start3A_125, %dma_start3A_126] : memref<10112x128xf32, #tpu.memory_space<vmem_shared>> -> memref<10112x128xf32, #tpu.memory_space<vmem_shared>>
          tpu.enqueue_indirect_dma source(%arg13 : memref<64x128xf32, #tpu.memory_space<vmem>>) target(%dma_start3A_127 : memref<10112x128xf32, #tpu.memory_space<vmem_shared>>) offsets(%dma_start3A_124 : memref<64xi32, #tpu.memory_space<vmem>>) semaphore(%run_scoped3A : memref<!tpu.dma_semaphore, #tpu.memory_space<semaphore_mem>>) {add = true}
          %dma_wait3A_128 = arith.constant 0 : i32
          %dma_wait3A_129 = tpu.memref_slice %arg9[%add3A_108, %dma_wait3A_128] : memref<40x64xi32, #tpu.memory_space<vmem>> -> memref<1x64xi32, #tpu.memory_space<vmem>>
          %dma_wait3A_130 = tpu.memref_squeeze %dma_wait3A_129 : memref<1x64xi32, #tpu.memory_space<vmem>> -> memref<64xi32, #tpu.memory_space<vmem>>
          %dma_wait3A_131 = arith.constant 0 : i32
          %dma_wait3A_132 = arith.constant 0 : i32
          %dma_wait3A_133 = tpu.memref_slice %arg7[%dma_wait3A_131, %dma_wait3A_132] : memref<10112x128xf32, #tpu.memory_space<vmem_shared>> -> memref<10112x128xf32, #tpu.memory_space<vmem_shared>>
          tpu.wait_indirect_dma semaphore(%run_scoped3A : memref<!tpu.dma_semaphore, #tpu.memory_space<semaphore_mem>>) src(%arg13 : memref<64x128xf32, #tpu.memory_space<vmem>>) dst(%dma_wait3A_133 : memref<10112x128xf32, #tpu.memory_space<vmem_shared>>)
          tpu.yield
        }) : () -> ()
        %add3A_115 = arith.constant 4 : i32
        %add3A_116 = arith.addi %add3A_108, %add3A_115 : i32
        %lt3A_117 = arith.constant 40 : i32
        %lt3A_118 = arith.cmpi slt, %add3A_116, %lt3A_117 : i32
        %convert_element_type3A_119 = arith.extui %lt3A_118 : i1 to i32
        %cond3A_120 = arith.constant 0 : i32
        %cond3A_121 = arith.cmpi ne, %convert_element_type3A_119, %cond3A_120 : i32
        scf.if %cond3A_121 {
          %add3A_122 = arith.constant 4 : i32
          %add3A_123 = arith.addi %add3A_108, %add3A_122 : i32
          %dma_start3A_124 = arith.constant 0 : i32
          %dma_start3A_125 = tpu.memref_slice %arg8[%add3A_123, %dma_start3A_124] : memref<40x64xi32, #tpu.memory_space<vmem>> -> memref<1x64xi32, #tpu.memory_space<vmem>>
          %dma_start3A_126 = tpu.memref_squeeze %dma_start3A_125 : memref<1x64xi32, #tpu.memory_space<vmem>> -> memref<64xi32, #tpu.memory_space<vmem>>
          %dma_start3A_127 = arith.constant 0 : i32
          %dma_start3A_128 = arith.constant 0 : i32
          %dma_start3A_129 = tpu.memref_slice %arg2[%dma_start3A_127, %dma_start3A_128] : memref<10000x128xf32, #tpu.memory_space<hbm>> -> memref<10000x128xf32, #tpu.memory_space<hbm>>
          tpu.enqueue_indirect_dma source(%dma_start3A_129 : memref<10000x128xf32, #tpu.memory_space<hbm>>) target(%arg13 : memref<64x128xf32, #tpu.memory_space<vmem>>) offsets(%dma_start3A_126 : memref<64xi32, #tpu.memory_space<vmem>>) semaphore(%arg17 : memref<!tpu.dma_semaphore, #tpu.memory_space<semaphore_mem>>)
        } else {
        }
      }
      %scan3A_56 = arith.constant 10 : i32
    }
    %barrier3A_16 = arith.constant 0 : index
    tpu.barrier barrier_id(%barrier3A_16)
    %mul3A_17 = arith.constant 632 : i32
    %mul3A_18 = arith.muli %arg1, %mul3A_17 : i32
    %mul3A_19 = arith.constant 632 : i32
    %mul3A_20 = arith.muli %arg1, %mul3A_19 : i32
    "tpu.region"() ({
      %run_scoped3A = tpu.sem_alloc : memref<!tpu.dma_semaphore, #tpu.memory_space<semaphore_mem>>
      %dma_start3A = arith.constant 0 : i32
      %dma_start3A_21 = tpu.memref_slice %arg6[%arg0, %mul3A_20, %dma_start3A] : memref<2x10112x128xf32, #tpu.memory_space<hbm>> -> memref<1x632x128xf32, #tpu.memory_space<hbm>>
      %dma_start3A_22 = tpu.memref_squeeze %dma_start3A_21 : memref<1x632x128xf32, #tpu.memory_space<hbm>> -> memref<632x128xf32, #tpu.memory_space<hbm>>
      %dma_start3A_23 = arith.constant 0 : i32
      %dma_start3A_24 = tpu.memref_slice %arg7[%mul3A_18, %dma_start3A_23] : memref<10112x128xf32, #tpu.memory_space<vmem_shared>> -> memref<632x128xf32, #tpu.memory_space<vmem_shared>>
      tpu.enqueue_dma source(%dma_start3A_24 : memref<632x128xf32, #tpu.memory_space<vmem_shared>>) target(%dma_start3A_22 : memref<632x128xf32, #tpu.memory_space<hbm>>) target_semaphore(%run_scoped3A : memref<!tpu.dma_semaphore, #tpu.memory_space<semaphore_mem>>)
      %dma_wait3A = arith.constant 0 : i32
      %dma_wait3A_25 = tpu.memref_slice %arg6[%arg0, %mul3A_20, %dma_wait3A] : memref<2x10112x128xf32, #tpu.memory_space<hbm>> -> memref<1x632x128xf32, #tpu.memory_space<hbm>>
      %dma_wait3A_26 = tpu.memref_squeeze %dma_wait3A_25 : memref<1x632x128xf32, #tpu.memory_space<hbm>> -> memref<632x128xf32, #tpu.memory_space<hbm>>
      %dma_wait3A_27 = arith.constant 0 : i32
      %dma_wait3A_28 = tpu.memref_slice %arg7[%mul3A_18, %dma_wait3A_27] : memref<10112x128xf32, #tpu.memory_space<vmem_shared>> -> memref<632x128xf32, #tpu.memory_space<vmem_shared>>
      tpu.wait_dma2 semaphore(%run_scoped3A : memref<!tpu.dma_semaphore, #tpu.memory_space<semaphore_mem>>) src(%dma_wait3A_28 : memref<632x128xf32, #tpu.memory_space<vmem_shared>>) dst(%dma_wait3A_26 : memref<632x128xf32, #tpu.memory_space<hbm>>)
      tpu.yield
    }) : () -> ()
    return
  }
}

#map = affine_map<(d0, d1) -> (0, 0)>
#map1 = affine_map<(d0, d1) -> (0, 0, 0)>
module attributes {stable_mosaic.version = 14 : i64} {
  func.func @body(%arg0: i32, %arg1: i32, %arg2: memref<10000x128xf32, #tpu.memory_space<hbm>>, %arg3: memref<32x160x64xi32, #tpu.memory_space<hbm>>, %arg4: memref<32x160x64xi32, #tpu.memory_space<hbm>>, %arg5: memref<10112x128xf32, #tpu.memory_space<hbm>>, %arg6: memref<2x10112x128xf32, #tpu.memory_space<hbm>>, %arg7: memref<10112x128xf32, #tpu.memory_space<vmem_shared>>, %arg8: memref<40x64xi32, #tpu.memory_space<vmem>>, %arg9: memref<40x64xi32, #tpu.memory_space<vmem>>, %arg10: memref<64x128xf32, #tpu.memory_space<vmem>>, %arg11: memref<64x128xf32, #tpu.memory_space<vmem>>, %arg12: memref<64x128xf32, #tpu.memory_space<vmem>>, %arg13: memref<64x128xf32, #tpu.memory_space<vmem>>, %arg14: memref<!tpu.dma_semaphore, #tpu.memory_space<semaphore_mem>>, %arg15: memref<!tpu.dma_semaphore, #tpu.memory_space<semaphore_mem>>, %arg16: memref<!tpu.dma_semaphore, #tpu.memory_space<semaphore_mem>>, %arg17: memref<!tpu.dma_semaphore, #tpu.memory_space<semaphore_mem>>) attributes {dimension_semantics = [#tpu.dimension_semantics<core_parallel>, #tpu.dimension_semantics<subcore_parallel>], iteration_bounds = array<i64: 2, 16>, scalar_prefetch = 0 : i64, scratch_operands = 11 : i64, tpu.core_type = #tpu.core_type<sc_vector_subcore>, window_params = [{transform_indices = #map}, {transform_indices = #map1}, {transform_indices = #map1}, {transform_indices = #map}, {transform_indices = #map1}]} {
    %mul3A = arith.constant 16 : i32
    %mul3A_0 = arith.muli %arg0, %mul3A : i32
    %add3A = arith.addi %mul3A_0, %arg1 : i32
    %eq3A = arith.constant 0 : i32
    %eq3A_1 = arith.cmpi eq, %arg0, %eq3A : i32
    %jit3A = arith.constant 4 : i32
    %jit3A_2 = arith.constant 4 : i32
    %select_n3A = arith.select %eq3A_1, %jit3A, %jit3A_2 : i32
    %mul3A_3 = arith.constant 632 : i32
    %mul3A_4 = arith.muli %arg1, %mul3A_3 : i32
    %mul3A_5 = arith.constant 632 : i32
    %mul3A_6 = arith.muli %arg1, %mul3A_5 : i32
    "tpu.region"() ({
      %run_scoped3A = tpu.sem_alloc : memref<!tpu.dma_semaphore, #tpu.memory_space<semaphore_mem>>
      %dma_start3A = arith.constant 0 : i32
      %dma_start3A_21 = tpu.memref_slice %arg7[%mul3A_6, %dma_start3A] : memref<10112x128xf32, #tpu.memory_space<vmem_shared>> -> memref<632x128xf32, #tpu.memory_space<vmem_shared>>
      %dma_start3A_22 = arith.constant 0 : i32
      %dma_start3A_23 = tpu.memref_slice %arg5[%mul3A_4, %dma_start3A_22] : memref<10112x128xf32, #tpu.memory_space<hbm>> -> memref<632x128xf32, #tpu.memory_space<hbm>>
      tpu.enqueue_dma source(%dma_start3A_23 : memref<632x128xf32, #tpu.memory_space<hbm>>) target(%dma_start3A_21 : memref<632x128xf32, #tpu.memory_space<vmem_shared>>) target_semaphore(%run_scoped3A : memref<!tpu.dma_semaphore, #tpu.memory_space<semaphore_mem>>)
      %dma_wait3A = arith.constant 0 : i32
      %dma_wait3A_24 = tpu.memref_slice %arg7[%mul3A_6, %dma_wait3A] : memref<10112x128xf32, #tpu.memory_space<vmem_shared>> -> memref<632x128xf32, #tpu.memory_space<vmem_shared>>
      %dma_wait3A_25 = arith.constant 0 : i32
      %dma_wait3A_26 = tpu.memref_slice %arg5[%mul3A_4, %dma_wait3A_25] : memref<10112x128xf32, #tpu.memory_space<hbm>> -> memref<632x128xf32, #tpu.memory_space<hbm>>
      tpu.wait_dma2 semaphore(%run_scoped3A : memref<!tpu.dma_semaphore, #tpu.memory_space<semaphore_mem>>) src(%dma_wait3A_26 : memref<632x128xf32, #tpu.memory_space<hbm>>) dst(%dma_wait3A_24 : memref<632x128xf32, #tpu.memory_space<vmem_shared>>)
      tpu.yield
    }) : () -> ()
    %barrier3A = arith.constant 0 : index
    tpu.barrier barrier_id(%barrier3A)
    %while3A = arith.constant 0 : i32
    %while3A_7 = arith.constant 0 : i32
    %while3A_8 = arith.subi %select_n3A, %while3A_7 : i32
    %while3A_9 = arith.addi %while3A_7, %while3A_8 : i32
    %while3A_10 = arith.constant 1 : i32
    %while3A_11 = arith.divsi %while3A_8, %while3A_10 : i32
    %while3A_12 = arith.muli %while3A_11, %while3A_10 : i32
    %while3A_13 = arith.addi %while3A_7, %while3A_12 : i32
    %while3A_14 = arith.constant 1 : i32
    scf.for %while3A_21 = %while3A_7 to %while3A_13 step %while3A_14  : i32 {
      %mul3A_22 = arith.constant 40 : i32
      %mul3A_23 = arith.muli %while3A_21, %mul3A_22 : i32
      "tpu.region"() ({
        %run_scoped3A = tpu.sem_alloc : memref<!tpu.dma_semaphore, #tpu.memory_space<semaphore_mem>>
        %dma_start3A_57 = arith.constant 0 : i32
        %dma_start3A_58 = tpu.memref_slice %arg3[%add3A, %mul3A_23, %dma_start3A_57] : memref<32x160x64xi32, #tpu.memory_space<hbm>> -> memref<1x40x64xi32, #tpu.memory_space<hbm>>
        %dma_start3A_59 = tpu.memref_squeeze %dma_start3A_58 : memref<1x40x64xi32, #tpu.memory_space<hbm>> -> memref<40x64xi32, #tpu.memory_space<hbm>>
        %dma_start3A_60 = arith.constant 0 : i32
        %dma_start3A_61 = tpu.memref_slice %arg3[%add3A, %mul3A_23, %dma_start3A_60] : memref<32x160x64xi32, #tpu.memory_space<hbm>> -> memref<1x40x64xi32, #tpu.memory_space<hbm>>
        %dma_start3A_62 = tpu.memref_squeeze %dma_start3A_61 : memref<1x40x64xi32, #tpu.memory_space<hbm>> -> memref<40x64xi32, #tpu.memory_space<hbm>>
        tpu.enqueue_dma source(%dma_start3A_62 : memref<40x64xi32, #tpu.memory_space<hbm>>) target(%arg8 : memref<40x64xi32, #tpu.memory_space<vmem>>) target_semaphore(%run_scoped3A : memref<!tpu.dma_semaphore, #tpu.memory_space<semaphore_mem>>)
        %dma_wait3A = arith.constant 0 : i32
        %dma_wait3A_63 = tpu.memref_slice %arg3[%add3A, %mul3A_23, %dma_wait3A] : memref<32x160x64xi32, #tpu.memory_space<hbm>> -> memref<1x40x64xi32, #tpu.memory_space<hbm>>
        %dma_wait3A_64 = tpu.memref_squeeze %dma_wait3A_63 : memref<1x40x64xi32, #tpu.memory_space<hbm>> -> memref<40x64xi32, #tpu.memory_space<hbm>>
        %dma_wait3A_65 = arith.constant 0 : i32
        %dma_wait3A_66 = tpu.memref_slice %arg3[%add3A, %mul3A_23, %dma_wait3A_65] : memref<32x160x64xi32, #tpu.memory_space<hbm>> -> memref<1x40x64xi32, #tpu.memory_space<hbm>>
        %dma_wait3A_67 = tpu.memref_squeeze %dma_wait3A_66 : memref<1x40x64xi32, #tpu.memory_space<hbm>> -> memref<40x64xi32, #tpu.memory_space<hbm>>
        tpu.wait_dma2 semaphore(%run_scoped3A : memref<!tpu.dma_semaphore, #tpu.memory_space<semaphore_mem>>) src(%dma_wait3A_67 : memref<40x64xi32, #tpu.memory_space<hbm>>) dst(%arg8 : memref<40x64xi32, #tpu.memory_space<vmem>>)
        tpu.yield
      }) : () -> ()
      %mul3A_24 = arith.constant 40 : i32
      %mul3A_25 = arith.muli %while3A_21, %mul3A_24 : i32
      "tpu.region"() ({
        %run_scoped3A = tpu.sem_alloc : memref<!tpu.dma_semaphore, #tpu.memory_space<semaphore_mem>>
        %dma_start3A_57 = arith.constant 0 : i32
        %dma_start3A_58 = tpu.memref_slice %arg4[%add3A, %mul3A_25, %dma_start3A_57] : memref<32x160x64xi32, #tpu.memory_space<hbm>> -> memref<1x40x64xi32, #tpu.memory_space<hbm>>
        %dma_start3A_59 = tpu.memref_squeeze %dma_start3A_58 : memref<1x40x64xi32, #tpu.memory_space<hbm>> -> memref<40x64xi32, #tpu.memory_space<hbm>>
        %dma_start3A_60 = arith.constant 0 : i32
        %dma_start3A_61 = tpu.memref_slice %arg4[%add3A, %mul3A_25, %dma_start3A_60] : memref<32x160x64xi32, #tpu.memory_space<hbm>> -> memref<1x40x64xi32, #tpu.memory_space<hbm>>
        %dma_start3A_62 = tpu.memref_squeeze %dma_start3A_61 : memref<1x40x64xi32, #tpu.memory_space<hbm>> -> memref<40x64xi32, #tpu.memory_space<hbm>>
        tpu.enqueue_dma source(%dma_start3A_62 : memref<40x64xi32, #tpu.memory_space<hbm>>) target(%arg9 : memref<40x64xi32, #tpu.memory_space<vmem>>) target_semaphore(%run_scoped3A : memref<!tpu.dma_semaphore, #tpu.memory_space<semaphore_mem>>)
        %dma_wait3A = arith.constant 0 : i32
        %dma_wait3A_63 = tpu.memref_slice %arg4[%add3A, %mul3A_25, %dma_wait3A] : memref<32x160x64xi32, #tpu.memory_space<hbm>> -> memref<1x40x64xi32, #tpu.memory_space<hbm>>
        %dma_wait3A_64 = tpu.memref_squeeze %dma_wait3A_63 : memref<1x40x64xi32, #tpu.memory_space<hbm>> -> memref<40x64xi32, #tpu.memory_space<hbm>>
        %dma_wait3A_65 = arith.constant 0 : i32
        %dma_wait3A_66 = tpu.memref_slice %arg4[%add3A, %mul3A_25, %dma_wait3A_65] : memref<32x160x64xi32, #tpu.memory_space<hbm>> -> memref<1x40x64xi32, #tpu.memory_space<hbm>>
        %dma_wait3A_67 = tpu.memref_squeeze %dma_wait3A_66 : memref<1x40x64xi32, #tpu.memory_space<hbm>> -> memref<40x64xi32, #tpu.memory_space<hbm>>
        tpu.wait_dma2 semaphore(%run_scoped3A : memref<!tpu.dma_semaphore, #tpu.memory_space<semaphore_mem>>) src(%dma_wait3A_67 : memref<40x64xi32, #tpu.memory_space<hbm>>) dst(%arg9 : memref<40x64xi32, #tpu.memory_space<vmem>>)
        tpu.yield
      }) : () -> ()
      %dma_start3A = arith.constant 0 : i32
      %dma_start3A_26 = arith.constant 0 : i32
      %dma_start3A_27 = tpu.memref_slice %arg8[%dma_start3A, %dma_start3A_26] : memref<40x64xi32, #tpu.memory_space<vmem>> -> memref<1x64xi32, #tpu.memory_space<vmem>>
      %dma_start3A_28 = tpu.memref_squeeze %dma_start3A_27 : memref<1x64xi32, #tpu.memory_space<vmem>> -> memref<64xi32, #tpu.memory_space<vmem>>
      %dma_start3A_29 = arith.constant 0 : i32
      %dma_start3A_30 = arith.constant 0 : i32
      %dma_start3A_31 = tpu.memref_slice %arg2[%dma_start3A_29, %dma_start3A_30] : memref<10000x128xf32, #tpu.memory_space<hbm>> -> memref<10000x128xf32, #tpu.memory_space<hbm>>
      tpu.enqueue_indirect_dma source(%dma_start3A_31 : memref<10000x128xf32, #tpu.memory_space<hbm>>) target(%arg10 : memref<64x128xf32, #tpu.memory_space<vmem>>) offsets(%dma_start3A_28 : memref<64xi32, #tpu.memory_space<vmem>>) semaphore(%arg14 : memref<!tpu.dma_semaphore, #tpu.memory_space<semaphore_mem>>)
      %dma_start3A_32 = arith.constant 1 : i32
      %dma_start3A_33 = arith.constant 0 : i32
      %dma_start3A_34 = tpu.memref_slice %arg8[%dma_start3A_32, %dma_start3A_33] : memref<40x64xi32, #tpu.memory_space<vmem>> -> memref<1x64xi32, #tpu.memory_space<vmem>>
      %dma_start3A_35 = tpu.memref_squeeze %dma_start3A_34 : memref<1x64xi32, #tpu.memory_space<vmem>> -> memref<64xi32, #tpu.memory_space<vmem>>
      %dma_start3A_36 = arith.constant 0 : i32
      %dma_start3A_37 = arith.constant 0 : i32
      %dma_start3A_38 = tpu.memref_slice %arg2[%dma_start3A_36, %dma_start3A_37] : memref<10000x128xf32, #tpu.memory_space<hbm>> -> memref<10000x128xf32, #tpu.memory_space<hbm>>
      tpu.enqueue_indirect_dma source(%dma_start3A_38 : memref<10000x128xf32, #tpu.memory_space<hbm>>) target(%arg11 : memref<64x128xf32, #tpu.memory_space<vmem>>) offsets(%dma_start3A_35 : memref<64xi32, #tpu.memory_space<vmem>>) semaphore(%arg15 : memref<!tpu.dma_semaphore, #tpu.memory_space<semaphore_mem>>)
      %dma_start3A_39 = arith.constant 2 : i32
      %dma_start3A_40 = arith.constant 0 : i32
      %dma_start3A_41 = tpu.memref_slice %arg8[%dma_start3A_39, %dma_start3A_40] : memref<40x64xi32, #tpu.memory_space<vmem>> -> memref<1x64xi32, #tpu.memory_space<vmem>>
      %dma_start3A_42 = tpu.memref_squeeze %dma_start3A_41 : memref<1x64xi32, #tpu.memory_space<vmem>> -> memref<64xi32, #tpu.memory_space<vmem>>
      %dma_start3A_43 = arith.constant 0 : i32
      %dma_start3A_44 = arith.constant 0 : i32
      %dma_start3A_45 = tpu.memref_slice %arg2[%dma_start3A_43, %dma_start3A_44] : memref<10000x128xf32, #tpu.memory_space<hbm>> -> memref<10000x128xf32, #tpu.memory_space<hbm>>
      tpu.enqueue_indirect_dma source(%dma_start3A_45 : memref<10000x128xf32, #tpu.memory_space<hbm>>) target(%arg12 : memref<64x128xf32, #tpu.memory_space<vmem>>) offsets(%dma_start3A_42 : memref<64xi32, #tpu.memory_space<vmem>>) semaphore(%arg16 : memref<!tpu.dma_semaphore, #tpu.memory_space<semaphore_mem>>)
      %dma_start3A_46 = arith.constant 3 : i32
      %dma_start3A_47 = arith.constant 0 : i32
      %dma_start3A_48 = tpu.memref_slice %arg8[%dma_start3A_46, %dma_start3A_47] : memref<40x64xi32, #tpu.memory_space<vmem>> -> memref<1x64xi32, #tpu.memory_space<vmem>>
      %dma_start3A_49 = tpu.memref_squeeze %dma_start3A_48 : memref<1x64xi32, #tpu.memory_space<vmem>> -> memref<64xi32, #tpu.memory_space<vmem>>
      %dma_start3A_50 = arith.constant 0 : i32
      %dma_start3A_51 = arith.constant 0 : i32
      %dma_start3A_52 = tpu.memref_slice %arg2[%dma_start3A_50, %dma_start3A_51] : memref<10000x128xf32, #tpu.memory_space<hbm>> -> memref<10000x128xf32, #tpu.memory_space<hbm>>
      tpu.enqueue_indirect_dma source(%dma_start3A_52 : memref<10000x128xf32, #tpu.memory_space<hbm>>) target(%arg13 : memref<64x128xf32, #tpu.memory_space<vmem>>) offsets(%dma_start3A_49 : memref<64xi32, #tpu.memory_space<vmem>>) semaphore(%arg17 : memref<!tpu.dma_semaphore, #tpu.memory_space<semaphore_mem>>)
      %scan3A = arith.constant 0 : i32
      %scan3A_53 = arith.constant 10 : i32
      %scan3A_54 = arith.addi %scan3A, %scan3A_53 : i32
      %scan3A_55 = arith.constant 1 : i32
      scf.for %scan3A_57 = %scan3A to %scan3A_54 step %scan3A_55  : i32 {
        %mul3A_58 = arith.constant 4 : i32
        %mul3A_59 = arith.muli %scan3A_57, %mul3A_58 : i32
        %add3A_60 = arith.constant 0 : i32
        %add3A_61 = arith.addi %mul3A_59, %add3A_60 : i32
        %dma_wait3A = arith.constant 0 : i32
        %dma_wait3A_62 = tpu.memref_slice %arg8[%add3A_61, %dma_wait3A] : memref<40x64xi32, #tpu.memory_space<vmem>> -> memref<1x64xi32, #tpu.memory_space<vmem>>
        %dma_wait3A_63 = tpu.memref_squeeze %dma_wait3A_62 : memref<1x64xi32, #tpu.memory_space<vmem>> -> memref<64xi32, #tpu.memory_space<vmem>>
        %dma_wait3A_64 = arith.constant 0 : i32
        %dma_wait3A_65 = arith.constant 0 : i32
        %dma_wait3A_66 = tpu.memref_slice %arg2[%dma_wait3A_64, %dma_wait3A_65] : memref<10000x128xf32, #tpu.memory_space<hbm>> -> memref<10000x128xf32, #tpu.memory_space<hbm>>
        tpu.wait_indirect_dma semaphore(%arg14 : memref<!tpu.dma_semaphore, #tpu.memory_space<semaphore_mem>>) src(%dma_wait3A_66 : memref<10000x128xf32, #tpu.memory_space<hbm>>) dst(%arg10 : memref<64x128xf32, #tpu.memory_space<vmem>>)
        "tpu.region"() ({
          %run_scoped3A = tpu.sem_alloc : memref<!tpu.dma_semaphore, #tpu.memory_space<semaphore_mem>>
          %dma_start3A_122 = arith.constant 0 : i32
          %dma_start3A_123 = tpu.memref_slice %arg9[%add3A_61, %dma_start3A_122] : memref<40x64xi32, #tpu.memory_space<vmem>> -> memref<1x64xi32, #tpu.memory_space<vmem>>
          %dma_start3A_124 = tpu.memref_squeeze %dma_start3A_123 : memref<1x64xi32, #tpu.memory_space<vmem>> -> memref<64xi32, #tpu.memory_space<vmem>>
          %dma_start3A_125 = arith.constant 0 : i32
          %dma_start3A_126 = arith.constant 0 : i32
          %dma_start3A_127 = tpu.memref_slice %arg7[%dma_start3A_125, %dma_start3A_126] : memref<10112x128xf32, #tpu.memory_space<vmem_shared>> -> memref<10112x128xf32, #tpu.memory_space<vmem_shared>>
          tpu.enqueue_indirect_dma source(%arg10 : memref<64x128xf32, #tpu.memory_space<vmem>>) target(%dma_start3A_127 : memref<10112x128xf32, #tpu.memory_space<vmem_shared>>) offsets(%dma_start3A_124 : memref<64xi32, #tpu.memory_space<vmem>>) semaphore(%run_scoped3A : memref<!tpu.dma_semaphore, #tpu.memory_space<semaphore_mem>>) {add = true}
          %dma_wait3A_128 = arith.constant 0 : i32
          %dma_wait3A_129 = tpu.memref_slice %arg9[%add3A_61, %dma_wait3A_128] : memref<40x64xi32, #tpu.memory_space<vmem>> -> memref<1x64xi32, #tpu.memory_space<vmem>>
          %dma_wait3A_130 = tpu.memref_squeeze %dma_wait3A_129 : memref<1x64xi32, #tpu.memory_space<vmem>> -> memref<64xi32, #tpu.memory_space<vmem>>
          %dma_wait3A_131 = arith.constant 0 : i32
          %dma_wait3A_132 = arith.constant 0 : i32
          %dma_wait3A_133 = tpu.memref_slice %arg7[%dma_wait3A_131, %dma_wait3A_132] : memref<10112x128xf32, #tpu.memory_space<vmem_shared>> -> memref<10112x128xf32, #tpu.memory_space<vmem_shared>>
          tpu.wait_indirect_dma semaphore(%run_scoped3A : memref<!tpu.dma_semaphore, #tpu.memory_space<semaphore_mem>>) src(%arg10 : memref<64x128xf32, #tpu.memory_space<vmem>>) dst(%dma_wait3A_133 : memref<10112x128xf32, #tpu.memory_space<vmem_shared>>)
          tpu.yield
        }) : () -> ()
        %add3A_67 = arith.constant 4 : i32
        %add3A_68 = arith.addi %add3A_61, %add3A_67 : i32
        %lt3A = arith.constant 40 : i32
        %lt3A_69 = arith.cmpi slt, %add3A_68, %lt3A : i32
        %convert_element_type3A = arith.extui %lt3A_69 : i1 to i32
        %cond3A = arith.constant 0 : i32
        %cond3A_70 = arith.cmpi ne, %convert_element_type3A, %cond3A : i32
        scf.if %cond3A_70 {
          %add3A_122 = arith.constant 4 : i32
          %add3A_123 = arith.addi %add3A_61, %add3A_122 : i32
          %dma_start3A_124 = arith.constant 0 : i32
          %dma_start3A_125 = tpu.memref_slice %arg8[%add3A_123, %dma_start3A_124] : memref<40x64xi32, #tpu.memory_space<vmem>> -> memref<1x64xi32, #tpu.memory_space<vmem>>
          %dma_start3A_126 = tpu.memref_squeeze %dma_start3A_125 : memref<1x64xi32, #tpu.memory_space<vmem>> -> memref<64xi32, #tpu.memory_space<vmem>>
          %dma_start3A_127 = arith.constant 0 : i32
          %dma_start3A_128 = arith.constant 0 : i32
          %dma_start3A_129 = tpu.memref_slice %arg2[%dma_start3A_127, %dma_start3A_128] : memref<10000x128xf32, #tpu.memory_space<hbm>> -> memref<10000x128xf32, #tpu.memory_space<hbm>>
          tpu.enqueue_indirect_dma source(%dma_start3A_129 : memref<10000x128xf32, #tpu.memory_space<hbm>>) target(%arg10 : memref<64x128xf32, #tpu.memory_space<vmem>>) offsets(%dma_start3A_126 : memref<64xi32, #tpu.memory_space<vmem>>) semaphore(%arg14 : memref<!tpu.dma_semaphore, #tpu.memory_space<semaphore_mem>>)
        } else {
        }
        %mul3A_71 = arith.constant 4 : i32
        %mul3A_72 = arith.muli %scan3A_57, %mul3A_71 : i32
        %add3A_73 = arith.constant 1 : i32
        %add3A_74 = arith.addi %mul3A_72, %add3A_73 : i32
        %dma_wait3A_75 = arith.constant 0 : i32
        %dma_wait3A_76 = tpu.memref_slice %arg8[%add3A_74, %dma_wait3A_75] : memref<40x64xi32, #tpu.memory_space<vmem>> -> memref<1x64xi32, #tpu.memory_space<vmem>>
        %dma_wait3A_77 = tpu.memref_squeeze %dma_wait3A_76 : memref<1x64xi32, #tpu.memory_space<vmem>> -> memref<64xi32, #tpu.memory_space<vmem>>
        %dma_wait3A_78 = arith.constant 0 : i32
        %dma_wait3A_79 = arith.constant 0 : i32
        %dma_wait3A_80 = tpu.memref_slice %arg2[%dma_wait3A_78, %dma_wait3A_79] : memref<10000x128xf32, #tpu.memory_space<hbm>> -> memref<10000x128xf32, #tpu.memory_space<hbm>>
        tpu.wait_indirect_dma semaphore(%arg15 : memref<!tpu.dma_semaphore, #tpu.memory_space<semaphore_mem>>) src(%dma_wait3A_80 : memref<10000x128xf32, #tpu.memory_space<hbm>>) dst(%arg11 : memref<64x128xf32, #tpu.memory_space<vmem>>)
        "tpu.region"() ({
          %run_scoped3A = tpu.sem_alloc : memref<!tpu.dma_semaphore, #tpu.memory_space<semaphore_mem>>
          %dma_start3A_122 = arith.constant 0 : i32
          %dma_start3A_123 = tpu.memref_slice %arg9[%add3A_74, %dma_start3A_122] : memref<40x64xi32, #tpu.memory_space<vmem>> -> memref<1x64xi32, #tpu.memory_space<vmem>>
          %dma_start3A_124 = tpu.memref_squeeze %dma_start3A_123 : memref<1x64xi32, #tpu.memory_space<vmem>> -> memref<64xi32, #tpu.memory_space<vmem>>
          %dma_start3A_125 = arith.constant 0 : i32
          %dma_start3A_126 = arith.constant 0 : i32
          %dma_start3A_127 = tpu.memref_slice %arg7[%dma_start3A_125, %dma_start3A_126] : memref<10112x128xf32, #tpu.memory_space<vmem_shared>> -> memref<10112x128xf32, #tpu.memory_space<vmem_shared>>
          tpu.enqueue_indirect_dma source(%arg11 : memref<64x128xf32, #tpu.memory_space<vmem>>) target(%dma_start3A_127 : memref<10112x128xf32, #tpu.memory_space<vmem_shared>>) offsets(%dma_start3A_124 : memref<64xi32, #tpu.memory_space<vmem>>) semaphore(%run_scoped3A : memref<!tpu.dma_semaphore, #tpu.memory_space<semaphore_mem>>) {add = true}
          %dma_wait3A_128 = arith.constant 0 : i32
          %dma_wait3A_129 = tpu.memref_slice %arg9[%add3A_74, %dma_wait3A_128] : memref<40x64xi32, #tpu.memory_space<vmem>> -> memref<1x64xi32, #tpu.memory_space<vmem>>
          %dma_wait3A_130 = tpu.memref_squeeze %dma_wait3A_129 : memref<1x64xi32, #tpu.memory_space<vmem>> -> memref<64xi32, #tpu.memory_space<vmem>>
          %dma_wait3A_131 = arith.constant 0 : i32
          %dma_wait3A_132 = arith.constant 0 : i32
          %dma_wait3A_133 = tpu.memref_slice %arg7[%dma_wait3A_131, %dma_wait3A_132] : memref<10112x128xf32, #tpu.memory_space<vmem_shared>> -> memref<10112x128xf32, #tpu.memory_space<vmem_shared>>
          tpu.wait_indirect_dma semaphore(%run_scoped3A : memref<!tpu.dma_semaphore, #tpu.memory_space<semaphore_mem>>) src(%arg11 : memref<64x128xf32, #tpu.memory_space<vmem>>) dst(%dma_wait3A_133 : memref<10112x128xf32, #tpu.memory_space<vmem_shared>>)
          tpu.yield
        }) : () -> ()
        %add3A_81 = arith.constant 4 : i32
        %add3A_82 = arith.addi %add3A_74, %add3A_81 : i32
        %lt3A_83 = arith.constant 40 : i32
        %lt3A_84 = arith.cmpi slt, %add3A_82, %lt3A_83 : i32
        %convert_element_type3A_85 = arith.extui %lt3A_84 : i1 to i32
        %cond3A_86 = arith.constant 0 : i32
        %cond3A_87 = arith.cmpi ne, %convert_element_type3A_85, %cond3A_86 : i32
        scf.if %cond3A_87 {
          %add3A_122 = arith.constant 4 : i32
          %add3A_123 = arith.addi %add3A_74, %add3A_122 : i32
          %dma_start3A_124 = arith.constant 0 : i32
          %dma_start3A_125 = tpu.memref_slice %arg8[%add3A_123, %dma_start3A_124] : memref<40x64xi32, #tpu.memory_space<vmem>> -> memref<1x64xi32, #tpu.memory_space<vmem>>
          %dma_start3A_126 = tpu.memref_squeeze %dma_start3A_125 : memref<1x64xi32, #tpu.memory_space<vmem>> -> memref<64xi32, #tpu.memory_space<vmem>>
          %dma_start3A_127 = arith.constant 0 : i32
          %dma_start3A_128 = arith.constant 0 : i32
          %dma_start3A_129 = tpu.memref_slice %arg2[%dma_start3A_127, %dma_start3A_128] : memref<10000x128xf32, #tpu.memory_space<hbm>> -> memref<10000x128xf32, #tpu.memory_space<hbm>>
          tpu.enqueue_indirect_dma source(%dma_start3A_129 : memref<10000x128xf32, #tpu.memory_space<hbm>>) target(%arg11 : memref<64x128xf32, #tpu.memory_space<vmem>>) offsets(%dma_start3A_126 : memref<64xi32, #tpu.memory_space<vmem>>) semaphore(%arg15 : memref<!tpu.dma_semaphore, #tpu.memory_space<semaphore_mem>>)
        } else {
        }
        %mul3A_88 = arith.constant 4 : i32
        %mul3A_89 = arith.muli %scan3A_57, %mul3A_88 : i32
        %add3A_90 = arith.constant 2 : i32
        %add3A_91 = arith.addi %mul3A_89, %add3A_90 : i32
        %dma_wait3A_92 = arith.constant 0 : i32
        %dma_wait3A_93 = tpu.memref_slice %arg8[%add3A_91, %dma_wait3A_92] : memref<40x64xi32, #tpu.memory_space<vmem>> -> memref<1x64xi32, #tpu.memory_space<vmem>>
        %dma_wait3A_94 = tpu.memref_squeeze %dma_wait3A_93 : memref<1x64xi32, #tpu.memory_space<vmem>> -> memref<64xi32, #tpu.memory_space<vmem>>
        %dma_wait3A_95 = arith.constant 0 : i32
        %dma_wait3A_96 = arith.constant 0 : i32
        %dma_wait3A_97 = tpu.memref_slice %arg2[%dma_wait3A_95, %dma_wait3A_96] : memref<10000x128xf32, #tpu.memory_space<hbm>> -> memref<10000x128xf32, #tpu.memory_space<hbm>>
        tpu.wait_indirect_dma semaphore(%arg16 : memref<!tpu.dma_semaphore, #tpu.memory_space<semaphore_mem>>) src(%dma_wait3A_97 : memref<10000x128xf32, #tpu.memory_space<hbm>>) dst(%arg12 : memref<64x128xf32, #tpu.memory_space<vmem>>)
        "tpu.region"() ({
          %run_scoped3A = tpu.sem_alloc : memref<!tpu.dma_semaphore, #tpu.memory_space<semaphore_mem>>
          %dma_start3A_122 = arith.constant 0 : i32
          %dma_start3A_123 = tpu.memref_slice %arg9[%add3A_91, %dma_start3A_122] : memref<40x64xi32, #tpu.memory_space<vmem>> -> memref<1x64xi32, #tpu.memory_space<vmem>>
          %dma_start3A_124 = tpu.memref_squeeze %dma_start3A_123 : memref<1x64xi32, #tpu.memory_space<vmem>> -> memref<64xi32, #tpu.memory_space<vmem>>
          %dma_start3A_125 = arith.constant 0 : i32
          %dma_start3A_126 = arith.constant 0 : i32
          %dma_start3A_127 = tpu.memref_slice %arg7[%dma_start3A_125, %dma_start3A_126] : memref<10112x128xf32, #tpu.memory_space<vmem_shared>> -> memref<10112x128xf32, #tpu.memory_space<vmem_shared>>
          tpu.enqueue_indirect_dma source(%arg12 : memref<64x128xf32, #tpu.memory_space<vmem>>) target(%dma_start3A_127 : memref<10112x128xf32, #tpu.memory_space<vmem_shared>>) offsets(%dma_start3A_124 : memref<64xi32, #tpu.memory_space<vmem>>) semaphore(%run_scoped3A : memref<!tpu.dma_semaphore, #tpu.memory_space<semaphore_mem>>) {add = true}
          %dma_wait3A_128 = arith.constant 0 : i32
          %dma_wait3A_129 = tpu.memref_slice %arg9[%add3A_91, %dma_wait3A_128] : memref<40x64xi32, #tpu.memory_space<vmem>> -> memref<1x64xi32, #tpu.memory_space<vmem>>
          %dma_wait3A_130 = tpu.memref_squeeze %dma_wait3A_129 : memref<1x64xi32, #tpu.memory_space<vmem>> -> memref<64xi32, #tpu.memory_space<vmem>>
          %dma_wait3A_131 = arith.constant 0 : i32
          %dma_wait3A_132 = arith.constant 0 : i32
          %dma_wait3A_133 = tpu.memref_slice %arg7[%dma_wait3A_131, %dma_wait3A_132] : memref<10112x128xf32, #tpu.memory_space<vmem_shared>> -> memref<10112x128xf32, #tpu.memory_space<vmem_shared>>
          tpu.wait_indirect_dma semaphore(%run_scoped3A : memref<!tpu.dma_semaphore, #tpu.memory_space<semaphore_mem>>) src(%arg12 : memref<64x128xf32, #tpu.memory_space<vmem>>) dst(%dma_wait3A_133 : memref<10112x128xf32, #tpu.memory_space<vmem_shared>>)
          tpu.yield
        }) : () -> ()
        %add3A_98 = arith.constant 4 : i32
        %add3A_99 = arith.addi %add3A_91, %add3A_98 : i32
        %lt3A_100 = arith.constant 40 : i32
        %lt3A_101 = arith.cmpi slt, %add3A_99, %lt3A_100 : i32
        %convert_element_type3A_102 = arith.extui %lt3A_101 : i1 to i32
        %cond3A_103 = arith.constant 0 : i32
        %cond3A_104 = arith.cmpi ne, %convert_element_type3A_102, %cond3A_103 : i32
        scf.if %cond3A_104 {
          %add3A_122 = arith.constant 4 : i32
          %add3A_123 = arith.addi %add3A_91, %add3A_122 : i32
          %dma_start3A_124 = arith.constant 0 : i32
          %dma_start3A_125 = tpu.memref_slice %arg8[%add3A_123, %dma_start3A_124] : memref<40x64xi32, #tpu.memory_space<vmem>> -> memref<1x64xi32, #tpu.memory_space<vmem>>
          %dma_start3A_126 = tpu.memref_squeeze %dma_start3A_125 : memref<1x64xi32, #tpu.memory_space<vmem>> -> memref<64xi32, #tpu.memory_space<vmem>>
          %dma_start3A_127 = arith.constant 0 : i32
          %dma_start3A_128 = arith.constant 0 : i32
          %dma_start3A_129 = tpu.memref_slice %arg2[%dma_start3A_127, %dma_start3A_128] : memref<10000x128xf32, #tpu.memory_space<hbm>> -> memref<10000x128xf32, #tpu.memory_space<hbm>>
          tpu.enqueue_indirect_dma source(%dma_start3A_129 : memref<10000x128xf32, #tpu.memory_space<hbm>>) target(%arg12 : memref<64x128xf32, #tpu.memory_space<vmem>>) offsets(%dma_start3A_126 : memref<64xi32, #tpu.memory_space<vmem>>) semaphore(%arg16 : memref<!tpu.dma_semaphore, #tpu.memory_space<semaphore_mem>>)
        } else {
        }
        %mul3A_105 = arith.constant 4 : i32
        %mul3A_106 = arith.muli %scan3A_57, %mul3A_105 : i32
        %add3A_107 = arith.constant 3 : i32
        %add3A_108 = arith.addi %mul3A_106, %add3A_107 : i32
        %dma_wait3A_109 = arith.constant 0 : i32
        %dma_wait3A_110 = tpu.memref_slice %arg8[%add3A_108, %dma_wait3A_109] : memref<40x64xi32, #tpu.memory_space<vmem>> -> memref<1x64xi32, #tpu.memory_space<vmem>>
        %dma_wait3A_111 = tpu.memref_squeeze %dma_wait3A_110 : memref<1x64xi32, #tpu.memory_space<vmem>> -> memref<64xi32, #tpu.memory_space<vmem>>
        %dma_wait3A_112 = arith.constant 0 : i32
        %dma_wait3A_113 = arith.constant 0 : i32
        %dma_wait3A_114 = tpu.memref_slice %arg2[%dma_wait3A_112, %dma_wait3A_113] : memref<10000x128xf32, #tpu.memory_space<hbm>> -> memref<10000x128xf32, #tpu.memory_space<hbm>>
        tpu.wait_indirect_dma semaphore(%arg17 : memref<!tpu.dma_semaphore, #tpu.memory_space<semaphore_mem>>) src(%dma_wait3A_114 : memref<10000x128xf32, #tpu.memory_space<hbm>>) dst(%arg13 : memref<64x128xf32, #tpu.memory_space<vmem>>)
        "tpu.region"() ({
          %run_scoped3A = tpu.sem_alloc : memref<!tpu.dma_semaphore, #tpu.memory_space<semaphore_mem>>
          %dma_start3A_122 = arith.constant 0 : i32
          %dma_start3A_123 = tpu.memref_slice %arg9[%add3A_108, %dma_start3A_122] : memref<40x64xi32, #tpu.memory_space<vmem>> -> memref<1x64xi32, #tpu.memory_space<vmem>>
          %dma_start3A_124 = tpu.memref_squeeze %dma_start3A_123 : memref<1x64xi32, #tpu.memory_space<vmem>> -> memref<64xi32, #tpu.memory_space<vmem>>
          %dma_start3A_125 = arith.constant 0 : i32
          %dma_start3A_126 = arith.constant 0 : i32
          %dma_start3A_127 = tpu.memref_slice %arg7[%dma_start3A_125, %dma_start3A_126] : memref<10112x128xf32, #tpu.memory_space<vmem_shared>> -> memref<10112x128xf32, #tpu.memory_space<vmem_shared>>
          tpu.enqueue_indirect_dma source(%arg13 : memref<64x128xf32, #tpu.memory_space<vmem>>) target(%dma_start3A_127 : memref<10112x128xf32, #tpu.memory_space<vmem_shared>>) offsets(%dma_start3A_124 : memref<64xi32, #tpu.memory_space<vmem>>) semaphore(%run_scoped3A : memref<!tpu.dma_semaphore, #tpu.memory_space<semaphore_mem>>) {add = true}
          %dma_wait3A_128 = arith.constant 0 : i32
          %dma_wait3A_129 = tpu.memref_slice %arg9[%add3A_108, %dma_wait3A_128] : memref<40x64xi32, #tpu.memory_space<vmem>> -> memref<1x64xi32, #tpu.memory_space<vmem>>
          %dma_wait3A_130 = tpu.memref_squeeze %dma_wait3A_129 : memref<1x64xi32, #tpu.memory_space<vmem>> -> memref<64xi32, #tpu.memory_space<vmem>>
          %dma_wait3A_131 = arith.constant 0 : i32
          %dma_wait3A_132 = arith.constant 0 : i32
          %dma_wait3A_133 = tpu.memref_slice %arg7[%dma_wait3A_131, %dma_wait3A_132] : memref<10112x128xf32, #tpu.memory_space<vmem_shared>> -> memref<10112x128xf32, #tpu.memory_space<vmem_shared>>
          tpu.wait_indirect_dma semaphore(%run_scoped3A : memref<!tpu.dma_semaphore, #tpu.memory_space<semaphore_mem>>) src(%arg13 : memref<64x128xf32, #tpu.memory_space<vmem>>) dst(%dma_wait3A_133 : memref<10112x128xf32, #tpu.memory_space<vmem_shared>>)
          tpu.yield
        }) : () -> ()
        %add3A_115 = arith.constant 4 : i32
        %add3A_116 = arith.addi %add3A_108, %add3A_115 : i32
        %lt3A_117 = arith.constant 40 : i32
        %lt3A_118 = arith.cmpi slt, %add3A_116, %lt3A_117 : i32
        %convert_element_type3A_119 = arith.extui %lt3A_118 : i1 to i32
        %cond3A_120 = arith.constant 0 : i32
        %cond3A_121 = arith.cmpi ne, %convert_element_type3A_119, %cond3A_120 : i32
        scf.if %cond3A_121 {
          %add3A_122 = arith.constant 4 : i32
          %add3A_123 = arith.addi %add3A_108, %add3A_122 : i32
          %dma_start3A_124 = arith.constant 0 : i32
          %dma_start3A_125 = tpu.memref_slice %arg8[%add3A_123, %dma_start3A_124] : memref<40x64xi32, #tpu.memory_space<vmem>> -> memref<1x64xi32, #tpu.memory_space<vmem>>
          %dma_start3A_126 = tpu.memref_squeeze %dma_start3A_125 : memref<1x64xi32, #tpu.memory_space<vmem>> -> memref<64xi32, #tpu.memory_space<vmem>>
          %dma_start3A_127 = arith.constant 0 : i32
          %dma_start3A_128 = arith.constant 0 : i32
          %dma_start3A_129 = tpu.memref_slice %arg2[%dma_start3A_127, %dma_start3A_128] : memref<10000x128xf32, #tpu.memory_space<hbm>> -> memref<10000x128xf32, #tpu.memory_space<hbm>>
          tpu.enqueue_indirect_dma source(%dma_start3A_129 : memref<10000x128xf32, #tpu.memory_space<hbm>>) target(%arg13 : memref<64x128xf32, #tpu.memory_space<vmem>>) offsets(%dma_start3A_126 : memref<64xi32, #tpu.memory_space<vmem>>) semaphore(%arg17 : memref<!tpu.dma_semaphore, #tpu.memory_space<semaphore_mem>>)
        } else {
        }
      }
      %scan3A_56 = arith.constant 10 : i32
    }
    %while3A_15 = arith.constant 1 : i32
    scf.for %while3A_21 = %while3A_13 to %while3A_9 step %while3A_15  : i32 {
      %mul3A_22 = arith.constant 40 : i32
      %mul3A_23 = arith.muli %while3A_21, %mul3A_22 : i32
      "tpu.region"() ({
        %run_scoped3A = tpu.sem_alloc : memref<!tpu.dma_semaphore, #tpu.memory_space<semaphore_mem>>
        %dma_start3A_57 = arith.constant 0 : i32
        %dma_start3A_58 = tpu.memref_slice %arg3[%add3A, %mul3A_23, %dma_start3A_57] : memref<32x160x64xi32, #tpu.memory_space<hbm>> -> memref<1x40x64xi32, #tpu.memory_space<hbm>>
        %dma_start3A_59 = tpu.memref_squeeze %dma_start3A_58 : memref<1x40x64xi32, #tpu.memory_space<hbm>> -> memref<40x64xi32, #tpu.memory_space<hbm>>
        %dma_start3A_60 = arith.constant 0 : i32
        %dma_start3A_61 = tpu.memref_slice %arg3[%add3A, %mul3A_23, %dma_start3A_60] : memref<32x160x64xi32, #tpu.memory_space<hbm>> -> memref<1x40x64xi32, #tpu.memory_space<hbm>>
        %dma_start3A_62 = tpu.memref_squeeze %dma_start3A_61 : memref<1x40x64xi32, #tpu.memory_space<hbm>> -> memref<40x64xi32, #tpu.memory_space<hbm>>
        tpu.enqueue_dma source(%dma_start3A_62 : memref<40x64xi32, #tpu.memory_space<hbm>>) target(%arg8 : memref<40x64xi32, #tpu.memory_space<vmem>>) target_semaphore(%run_scoped3A : memref<!tpu.dma_semaphore, #tpu.memory_space<semaphore_mem>>)
        %dma_wait3A = arith.constant 0 : i32
        %dma_wait3A_63 = tpu.memref_slice %arg3[%add3A, %mul3A_23, %dma_wait3A] : memref<32x160x64xi32, #tpu.memory_space<hbm>> -> memref<1x40x64xi32, #tpu.memory_space<hbm>>
        %dma_wait3A_64 = tpu.memref_squeeze %dma_wait3A_63 : memref<1x40x64xi32, #tpu.memory_space<hbm>> -> memref<40x64xi32, #tpu.memory_space<hbm>>
        %dma_wait3A_65 = arith.constant 0 : i32
        %dma_wait3A_66 = tpu.memref_slice %arg3[%add3A, %mul3A_23, %dma_wait3A_65] : memref<32x160x64xi32, #tpu.memory_space<hbm>> -> memref<1x40x64xi32, #tpu.memory_space<hbm>>
        %dma_wait3A_67 = tpu.memref_squeeze %dma_wait3A_66 : memref<1x40x64xi32, #tpu.memory_space<hbm>> -> memref<40x64xi32, #tpu.memory_space<hbm>>
        tpu.wait_dma2 semaphore(%run_scoped3A : memref<!tpu.dma_semaphore, #tpu.memory_space<semaphore_mem>>) src(%dma_wait3A_67 : memref<40x64xi32, #tpu.memory_space<hbm>>) dst(%arg8 : memref<40x64xi32, #tpu.memory_space<vmem>>)
        tpu.yield
      }) : () -> ()
      %mul3A_24 = arith.constant 40 : i32
      %mul3A_25 = arith.muli %while3A_21, %mul3A_24 : i32
      "tpu.region"() ({
        %run_scoped3A = tpu.sem_alloc : memref<!tpu.dma_semaphore, #tpu.memory_space<semaphore_mem>>
        %dma_start3A_57 = arith.constant 0 : i32
        %dma_start3A_58 = tpu.memref_slice %arg4[%add3A, %mul3A_25, %dma_start3A_57] : memref<32x160x64xi32, #tpu.memory_space<hbm>> -> memref<1x40x64xi32, #tpu.memory_space<hbm>>
        %dma_start3A_59 = tpu.memref_squeeze %dma_start3A_58 : memref<1x40x64xi32, #tpu.memory_space<hbm>> -> memref<40x64xi32, #tpu.memory_space<hbm>>
        %dma_start3A_60 = arith.constant 0 : i32
        %dma_start3A_61 = tpu.memref_slice %arg4[%add3A, %mul3A_25, %dma_start3A_60] : memref<32x160x64xi32, #tpu.memory_space<hbm>> -> memref<1x40x64xi32, #tpu.memory_space<hbm>>
        %dma_start3A_62 = tpu.memref_squeeze %dma_start3A_61 : memref<1x40x64xi32, #tpu.memory_space<hbm>> -> memref<40x64xi32, #tpu.memory_space<hbm>>
        tpu.enqueue_dma source(%dma_start3A_62 : memref<40x64xi32, #tpu.memory_space<hbm>>) target(%arg9 : memref<40x64xi32, #tpu.memory_space<vmem>>) target_semaphore(%run_scoped3A : memref<!tpu.dma_semaphore, #tpu.memory_space<semaphore_mem>>)
        %dma_wait3A = arith.constant 0 : i32
        %dma_wait3A_63 = tpu.memref_slice %arg4[%add3A, %mul3A_25, %dma_wait3A] : memref<32x160x64xi32, #tpu.memory_space<hbm>> -> memref<1x40x64xi32, #tpu.memory_space<hbm>>
        %dma_wait3A_64 = tpu.memref_squeeze %dma_wait3A_63 : memref<1x40x64xi32, #tpu.memory_space<hbm>> -> memref<40x64xi32, #tpu.memory_space<hbm>>
        %dma_wait3A_65 = arith.constant 0 : i32
        %dma_wait3A_66 = tpu.memref_slice %arg4[%add3A, %mul3A_25, %dma_wait3A_65] : memref<32x160x64xi32, #tpu.memory_space<hbm>> -> memref<1x40x64xi32, #tpu.memory_space<hbm>>
        %dma_wait3A_67 = tpu.memref_squeeze %dma_wait3A_66 : memref<1x40x64xi32, #tpu.memory_space<hbm>> -> memref<40x64xi32, #tpu.memory_space<hbm>>
        tpu.wait_dma2 semaphore(%run_scoped3A : memref<!tpu.dma_semaphore, #tpu.memory_space<semaphore_mem>>) src(%dma_wait3A_67 : memref<40x64xi32, #tpu.memory_space<hbm>>) dst(%arg9 : memref<40x64xi32, #tpu.memory_space<vmem>>)
        tpu.yield
      }) : () -> ()
      %dma_start3A = arith.constant 0 : i32
      %dma_start3A_26 = arith.constant 0 : i32
      %dma_start3A_27 = tpu.memref_slice %arg8[%dma_start3A, %dma_start3A_26] : memref<40x64xi32, #tpu.memory_space<vmem>> -> memref<1x64xi32, #tpu.memory_space<vmem>>
      %dma_start3A_28 = tpu.memref_squeeze %dma_start3A_27 : memref<1x64xi32, #tpu.memory_space<vmem>> -> memref<64xi32, #tpu.memory_space<vmem>>
      %dma_start3A_29 = arith.constant 0 : i32
      %dma_start3A_30 = arith.constant 0 : i32
      %dma_start3A_31 = tpu.memref_slice %arg2[%dma_start3A_29, %dma_start3A_30] : memref<10000x128xf32, #tpu.memory_space<hbm>> -> memref<10000x128xf32, #tpu.memory_space<hbm>>
      tpu.enqueue_indirect_dma source(%dma_start3A_31 : memref<10000x128xf32, #tpu.memory_space<hbm>>) target(%arg10 : memref<64x128xf32, #tpu.memory_space<vmem>>) offsets(%dma_start3A_28 : memref<64xi32, #tpu.memory_space<vmem>>) semaphore(%arg14 : memref<!tpu.dma_semaphore, #tpu.memory_space<semaphore_mem>>)
      %dma_start3A_32 = arith.constant 1 : i32
      %dma_start3A_33 = arith.constant 0 : i32
      %dma_start3A_34 = tpu.memref_slice %arg8[%dma_start3A_32, %dma_start3A_33] : memref<40x64xi32, #tpu.memory_space<vmem>> -> memref<1x64xi32, #tpu.memory_space<vmem>>
      %dma_start3A_35 = tpu.memref_squeeze %dma_start3A_34 : memref<1x64xi32, #tpu.memory_space<vmem>> -> memref<64xi32, #tpu.memory_space<vmem>>
      %dma_start3A_36 = arith.constant 0 : i32
      %dma_start3A_37 = arith.constant 0 : i32
      %dma_start3A_38 = tpu.memref_slice %arg2[%dma_start3A_36, %dma_start3A_37] : memref<10000x128xf32, #tpu.memory_space<hbm>> -> memref<10000x128xf32, #tpu.memory_space<hbm>>
      tpu.enqueue_indirect_dma source(%dma_start3A_38 : memref<10000x128xf32, #tpu.memory_space<hbm>>) target(%arg11 : memref<64x128xf32, #tpu.memory_space<vmem>>) offsets(%dma_start3A_35 : memref<64xi32, #tpu.memory_space<vmem>>) semaphore(%arg15 : memref<!tpu.dma_semaphore, #tpu.memory_space<semaphore_mem>>)
      %dma_start3A_39 = arith.constant 2 : i32
      %dma_start3A_40 = arith.constant 0 : i32
      %dma_start3A_41 = tpu.memref_slice %arg8[%dma_start3A_39, %dma_start3A_40] : memref<40x64xi32, #tpu.memory_space<vmem>> -> memref<1x64xi32, #tpu.memory_space<vmem>>
      %dma_start3A_42 = tpu.memref_squeeze %dma_start3A_41 : memref<1x64xi32, #tpu.memory_space<vmem>> -> memref<64xi32, #tpu.memory_space<vmem>>
      %dma_start3A_43 = arith.constant 0 : i32
      %dma_start3A_44 = arith.constant 0 : i32
      %dma_start3A_45 = tpu.memref_slice %arg2[%dma_start3A_43, %dma_start3A_44] : memref<10000x128xf32, #tpu.memory_space<hbm>> -> memref<10000x128xf32, #tpu.memory_space<hbm>>
      tpu.enqueue_indirect_dma source(%dma_start3A_45 : memref<10000x128xf32, #tpu.memory_space<hbm>>) target(%arg12 : memref<64x128xf32, #tpu.memory_space<vmem>>) offsets(%dma_start3A_42 : memref<64xi32, #tpu.memory_space<vmem>>) semaphore(%arg16 : memref<!tpu.dma_semaphore, #tpu.memory_space<semaphore_mem>>)
      %dma_start3A_46 = arith.constant 3 : i32
      %dma_start3A_47 = arith.constant 0 : i32
      %dma_start3A_48 = tpu.memref_slice %arg8[%dma_start3A_46, %dma_start3A_47] : memref<40x64xi32, #tpu.memory_space<vmem>> -> memref<1x64xi32, #tpu.memory_space<vmem>>
      %dma_start3A_49 = tpu.memref_squeeze %dma_start3A_48 : memref<1x64xi32, #tpu.memory_space<vmem>> -> memref<64xi32, #tpu.memory_space<vmem>>
      %dma_start3A_50 = arith.constant 0 : i32
      %dma_start3A_51 = arith.constant 0 : i32
      %dma_start3A_52 = tpu.memref_slice %arg2[%dma_start3A_50, %dma_start3A_51] : memref<10000x128xf32, #tpu.memory_space<hbm>> -> memref<10000x128xf32, #tpu.memory_space<hbm>>
      tpu.enqueue_indirect_dma source(%dma_start3A_52 : memref<10000x128xf32, #tpu.memory_space<hbm>>) target(%arg13 : memref<64x128xf32, #tpu.memory_space<vmem>>) offsets(%dma_start3A_49 : memref<64xi32, #tpu.memory_space<vmem>>) semaphore(%arg17 : memref<!tpu.dma_semaphore, #tpu.memory_space<semaphore_mem>>)
      %scan3A = arith.constant 0 : i32
      %scan3A_53 = arith.constant 10 : i32
      %scan3A_54 = arith.addi %scan3A, %scan3A_53 : i32
      %scan3A_55 = arith.constant 1 : i32
      scf.for %scan3A_57 = %scan3A to %scan3A_54 step %scan3A_55  : i32 {
        %mul3A_58 = arith.constant 4 : i32
        %mul3A_59 = arith.muli %scan3A_57, %mul3A_58 : i32
        %add3A_60 = arith.constant 0 : i32
        %add3A_61 = arith.addi %mul3A_59, %add3A_60 : i32
        %dma_wait3A = arith.constant 0 : i32
        %dma_wait3A_62 = tpu.memref_slice %arg8[%add3A_61, %dma_wait3A] : memref<40x64xi32, #tpu.memory_space<vmem>> -> memref<1x64xi32, #tpu.memory_space<vmem>>
        %dma_wait3A_63 = tpu.memref_squeeze %dma_wait3A_62 : memref<1x64xi32, #tpu.memory_space<vmem>> -> memref<64xi32, #tpu.memory_space<vmem>>
        %dma_wait3A_64 = arith.constant 0 : i32
        %dma_wait3A_65 = arith.constant 0 : i32
        %dma_wait3A_66 = tpu.memref_slice %arg2[%dma_wait3A_64, %dma_wait3A_65] : memref<10000x128xf32, #tpu.memory_space<hbm>> -> memref<10000x128xf32, #tpu.memory_space<hbm>>
        tpu.wait_indirect_dma semaphore(%arg14 : memref<!tpu.dma_semaphore, #tpu.memory_space<semaphore_mem>>) src(%dma_wait3A_66 : memref<10000x128xf32, #tpu.memory_space<hbm>>) dst(%arg10 : memref<64x128xf32, #tpu.memory_space<vmem>>)
        "tpu.region"() ({
          %run_scoped3A = tpu.sem_alloc : memref<!tpu.dma_semaphore, #tpu.memory_space<semaphore_mem>>
          %dma_start3A_122 = arith.constant 0 : i32
          %dma_start3A_123 = tpu.memref_slice %arg9[%add3A_61, %dma_start3A_122] : memref<40x64xi32, #tpu.memory_space<vmem>> -> memref<1x64xi32, #tpu.memory_space<vmem>>
          %dma_start3A_124 = tpu.memref_squeeze %dma_start3A_123 : memref<1x64xi32, #tpu.memory_space<vmem>> -> memref<64xi32, #tpu.memory_space<vmem>>
          %dma_start3A_125 = arith.constant 0 : i32
          %dma_start3A_126 = arith.constant 0 : i32
          %dma_start3A_127 = tpu.memref_slice %arg7[%dma_start3A_125, %dma_start3A_126] : memref<10112x128xf32, #tpu.memory_space<vmem_shared>> -> memref<10112x128xf32, #tpu.memory_space<vmem_shared>>
          tpu.enqueue_indirect_dma source(%arg10 : memref<64x128xf32, #tpu.memory_space<vmem>>) target(%dma_start3A_127 : memref<10112x128xf32, #tpu.memory_space<vmem_shared>>) offsets(%dma_start3A_124 : memref<64xi32, #tpu.memory_space<vmem>>) semaphore(%run_scoped3A : memref<!tpu.dma_semaphore, #tpu.memory_space<semaphore_mem>>) {add = true}
          %dma_wait3A_128 = arith.constant 0 : i32
          %dma_wait3A_129 = tpu.memref_slice %arg9[%add3A_61, %dma_wait3A_128] : memref<40x64xi32, #tpu.memory_space<vmem>> -> memref<1x64xi32, #tpu.memory_space<vmem>>
          %dma_wait3A_130 = tpu.memref_squeeze %dma_wait3A_129 : memref<1x64xi32, #tpu.memory_space<vmem>> -> memref<64xi32, #tpu.memory_space<vmem>>
          %dma_wait3A_131 = arith.constant 0 : i32
          %dma_wait3A_132 = arith.constant 0 : i32
          %dma_wait3A_133 = tpu.memref_slice %arg7[%dma_wait3A_131, %dma_wait3A_132] : memref<10112x128xf32, #tpu.memory_space<vmem_shared>> -> memref<10112x128xf32, #tpu.memory_space<vmem_shared>>
          tpu.wait_indirect_dma semaphore(%run_scoped3A : memref<!tpu.dma_semaphore, #tpu.memory_space<semaphore_mem>>) src(%arg10 : memref<64x128xf32, #tpu.memory_space<vmem>>) dst(%dma_wait3A_133 : memref<10112x128xf32, #tpu.memory_space<vmem_shared>>)
          tpu.yield
        }) : () -> ()
        %add3A_67 = arith.constant 4 : i32
        %add3A_68 = arith.addi %add3A_61, %add3A_67 : i32
        %lt3A = arith.constant 40 : i32
        %lt3A_69 = arith.cmpi slt, %add3A_68, %lt3A : i32
        %convert_element_type3A = arith.extui %lt3A_69 : i1 to i32
        %cond3A = arith.constant 0 : i32
        %cond3A_70 = arith.cmpi ne, %convert_element_type3A, %cond3A : i32
        scf.if %cond3A_70 {
          %add3A_122 = arith.constant 4 : i32
          %add3A_123 = arith.addi %add3A_61, %add3A_122 : i32
          %dma_start3A_124 = arith.constant 0 : i32
          %dma_start3A_125 = tpu.memref_slice %arg8[%add3A_123, %dma_start3A_124] : memref<40x64xi32, #tpu.memory_space<vmem>> -> memref<1x64xi32, #tpu.memory_space<vmem>>
          %dma_start3A_126 = tpu.memref_squeeze %dma_start3A_125 : memref<1x64xi32, #tpu.memory_space<vmem>> -> memref<64xi32, #tpu.memory_space<vmem>>
          %dma_start3A_127 = arith.constant 0 : i32
          %dma_start3A_128 = arith.constant 0 : i32
          %dma_start3A_129 = tpu.memref_slice %arg2[%dma_start3A_127, %dma_start3A_128] : memref<10000x128xf32, #tpu.memory_space<hbm>> -> memref<10000x128xf32, #tpu.memory_space<hbm>>
          tpu.enqueue_indirect_dma source(%dma_start3A_129 : memref<10000x128xf32, #tpu.memory_space<hbm>>) target(%arg10 : memref<64x128xf32, #tpu.memory_space<vmem>>) offsets(%dma_start3A_126 : memref<64xi32, #tpu.memory_space<vmem>>) semaphore(%arg14 : memref<!tpu.dma_semaphore, #tpu.memory_space<semaphore_mem>>)
        } else {
        }
        %mul3A_71 = arith.constant 4 : i32
        %mul3A_72 = arith.muli %scan3A_57, %mul3A_71 : i32
        %add3A_73 = arith.constant 1 : i32
        %add3A_74 = arith.addi %mul3A_72, %add3A_73 : i32
        %dma_wait3A_75 = arith.constant 0 : i32
        %dma_wait3A_76 = tpu.memref_slice %arg8[%add3A_74, %dma_wait3A_75] : memref<40x64xi32, #tpu.memory_space<vmem>> -> memref<1x64xi32, #tpu.memory_space<vmem>>
        %dma_wait3A_77 = tpu.memref_squeeze %dma_wait3A_76 : memref<1x64xi32, #tpu.memory_space<vmem>> -> memref<64xi32, #tpu.memory_space<vmem>>
        %dma_wait3A_78 = arith.constant 0 : i32
        %dma_wait3A_79 = arith.constant 0 : i32
        %dma_wait3A_80 = tpu.memref_slice %arg2[%dma_wait3A_78, %dma_wait3A_79] : memref<10000x128xf32, #tpu.memory_space<hbm>> -> memref<10000x128xf32, #tpu.memory_space<hbm>>
        tpu.wait_indirect_dma semaphore(%arg15 : memref<!tpu.dma_semaphore, #tpu.memory_space<semaphore_mem>>) src(%dma_wait3A_80 : memref<10000x128xf32, #tpu.memory_space<hbm>>) dst(%arg11 : memref<64x128xf32, #tpu.memory_space<vmem>>)
        "tpu.region"() ({
          %run_scoped3A = tpu.sem_alloc : memref<!tpu.dma_semaphore, #tpu.memory_space<semaphore_mem>>
          %dma_start3A_122 = arith.constant 0 : i32
          %dma_start3A_123 = tpu.memref_slice %arg9[%add3A_74, %dma_start3A_122] : memref<40x64xi32, #tpu.memory_space<vmem>> -> memref<1x64xi32, #tpu.memory_space<vmem>>
          %dma_start3A_124 = tpu.memref_squeeze %dma_start3A_123 : memref<1x64xi32, #tpu.memory_space<vmem>> -> memref<64xi32, #tpu.memory_space<vmem>>
          %dma_start3A_125 = arith.constant 0 : i32
          %dma_start3A_126 = arith.constant 0 : i32
          %dma_start3A_127 = tpu.memref_slice %arg7[%dma_start3A_125, %dma_start3A_126] : memref<10112x128xf32, #tpu.memory_space<vmem_shared>> -> memref<10112x128xf32, #tpu.memory_space<vmem_shared>>
          tpu.enqueue_indirect_dma source(%arg11 : memref<64x128xf32, #tpu.memory_space<vmem>>) target(%dma_start3A_127 : memref<10112x128xf32, #tpu.memory_space<vmem_shared>>) offsets(%dma_start3A_124 : memref<64xi32, #tpu.memory_space<vmem>>) semaphore(%run_scoped3A : memref<!tpu.dma_semaphore, #tpu.memory_space<semaphore_mem>>) {add = true}
          %dma_wait3A_128 = arith.constant 0 : i32
          %dma_wait3A_129 = tpu.memref_slice %arg9[%add3A_74, %dma_wait3A_128] : memref<40x64xi32, #tpu.memory_space<vmem>> -> memref<1x64xi32, #tpu.memory_space<vmem>>
          %dma_wait3A_130 = tpu.memref_squeeze %dma_wait3A_129 : memref<1x64xi32, #tpu.memory_space<vmem>> -> memref<64xi32, #tpu.memory_space<vmem>>
          %dma_wait3A_131 = arith.constant 0 : i32
          %dma_wait3A_132 = arith.constant 0 : i32
          %dma_wait3A_133 = tpu.memref_slice %arg7[%dma_wait3A_131, %dma_wait3A_132] : memref<10112x128xf32, #tpu.memory_space<vmem_shared>> -> memref<10112x128xf32, #tpu.memory_space<vmem_shared>>
          tpu.wait_indirect_dma semaphore(%run_scoped3A : memref<!tpu.dma_semaphore, #tpu.memory_space<semaphore_mem>>) src(%arg11 : memref<64x128xf32, #tpu.memory_space<vmem>>) dst(%dma_wait3A_133 : memref<10112x128xf32, #tpu.memory_space<vmem_shared>>)
          tpu.yield
        }) : () -> ()
        %add3A_81 = arith.constant 4 : i32
        %add3A_82 = arith.addi %add3A_74, %add3A_81 : i32
        %lt3A_83 = arith.constant 40 : i32
        %lt3A_84 = arith.cmpi slt, %add3A_82, %lt3A_83 : i32
        %convert_element_type3A_85 = arith.extui %lt3A_84 : i1 to i32
        %cond3A_86 = arith.constant 0 : i32
        %cond3A_87 = arith.cmpi ne, %convert_element_type3A_85, %cond3A_86 : i32
        scf.if %cond3A_87 {
          %add3A_122 = arith.constant 4 : i32
          %add3A_123 = arith.addi %add3A_74, %add3A_122 : i32
          %dma_start3A_124 = arith.constant 0 : i32
          %dma_start3A_125 = tpu.memref_slice %arg8[%add3A_123, %dma_start3A_124] : memref<40x64xi32, #tpu.memory_space<vmem>> -> memref<1x64xi32, #tpu.memory_space<vmem>>
          %dma_start3A_126 = tpu.memref_squeeze %dma_start3A_125 : memref<1x64xi32, #tpu.memory_space<vmem>> -> memref<64xi32, #tpu.memory_space<vmem>>
          %dma_start3A_127 = arith.constant 0 : i32
          %dma_start3A_128 = arith.constant 0 : i32
          %dma_start3A_129 = tpu.memref_slice %arg2[%dma_start3A_127, %dma_start3A_128] : memref<10000x128xf32, #tpu.memory_space<hbm>> -> memref<10000x128xf32, #tpu.memory_space<hbm>>
          tpu.enqueue_indirect_dma source(%dma_start3A_129 : memref<10000x128xf32, #tpu.memory_space<hbm>>) target(%arg11 : memref<64x128xf32, #tpu.memory_space<vmem>>) offsets(%dma_start3A_126 : memref<64xi32, #tpu.memory_space<vmem>>) semaphore(%arg15 : memref<!tpu.dma_semaphore, #tpu.memory_space<semaphore_mem>>)
        } else {
        }
        %mul3A_88 = arith.constant 4 : i32
        %mul3A_89 = arith.muli %scan3A_57, %mul3A_88 : i32
        %add3A_90 = arith.constant 2 : i32
        %add3A_91 = arith.addi %mul3A_89, %add3A_90 : i32
        %dma_wait3A_92 = arith.constant 0 : i32
        %dma_wait3A_93 = tpu.memref_slice %arg8[%add3A_91, %dma_wait3A_92] : memref<40x64xi32, #tpu.memory_space<vmem>> -> memref<1x64xi32, #tpu.memory_space<vmem>>
        %dma_wait3A_94 = tpu.memref_squeeze %dma_wait3A_93 : memref<1x64xi32, #tpu.memory_space<vmem>> -> memref<64xi32, #tpu.memory_space<vmem>>
        %dma_wait3A_95 = arith.constant 0 : i32
        %dma_wait3A_96 = arith.constant 0 : i32
        %dma_wait3A_97 = tpu.memref_slice %arg2[%dma_wait3A_95, %dma_wait3A_96] : memref<10000x128xf32, #tpu.memory_space<hbm>> -> memref<10000x128xf32, #tpu.memory_space<hbm>>
        tpu.wait_indirect_dma semaphore(%arg16 : memref<!tpu.dma_semaphore, #tpu.memory_space<semaphore_mem>>) src(%dma_wait3A_97 : memref<10000x128xf32, #tpu.memory_space<hbm>>) dst(%arg12 : memref<64x128xf32, #tpu.memory_space<vmem>>)
        "tpu.region"() ({
          %run_scoped3A = tpu.sem_alloc : memref<!tpu.dma_semaphore, #tpu.memory_space<semaphore_mem>>
          %dma_start3A_122 = arith.constant 0 : i32
          %dma_start3A_123 = tpu.memref_slice %arg9[%add3A_91, %dma_start3A_122] : memref<40x64xi32, #tpu.memory_space<vmem>> -> memref<1x64xi32, #tpu.memory_space<vmem>>
          %dma_start3A_124 = tpu.memref_squeeze %dma_start3A_123 : memref<1x64xi32, #tpu.memory_space<vmem>> -> memref<64xi32, #tpu.memory_space<vmem>>
          %dma_start3A_125 = arith.constant 0 : i32
          %dma_start3A_126 = arith.constant 0 : i32
          %dma_start3A_127 = tpu.memref_slice %arg7[%dma_start3A_125, %dma_start3A_126] : memref<10112x128xf32, #tpu.memory_space<vmem_shared>> -> memref<10112x128xf32, #tpu.memory_space<vmem_shared>>
          tpu.enqueue_indirect_dma source(%arg12 : memref<64x128xf32, #tpu.memory_space<vmem>>) target(%dma_start3A_127 : memref<10112x128xf32, #tpu.memory_space<vmem_shared>>) offsets(%dma_start3A_124 : memref<64xi32, #tpu.memory_space<vmem>>) semaphore(%run_scoped3A : memref<!tpu.dma_semaphore, #tpu.memory_space<semaphore_mem>>) {add = true}
          %dma_wait3A_128 = arith.constant 0 : i32
          %dma_wait3A_129 = tpu.memref_slice %arg9[%add3A_91, %dma_wait3A_128] : memref<40x64xi32, #tpu.memory_space<vmem>> -> memref<1x64xi32, #tpu.memory_space<vmem>>
          %dma_wait3A_130 = tpu.memref_squeeze %dma_wait3A_129 : memref<1x64xi32, #tpu.memory_space<vmem>> -> memref<64xi32, #tpu.memory_space<vmem>>
          %dma_wait3A_131 = arith.constant 0 : i32
          %dma_wait3A_132 = arith.constant 0 : i32
          %dma_wait3A_133 = tpu.memref_slice %arg7[%dma_wait3A_131, %dma_wait3A_132] : memref<10112x128xf32, #tpu.memory_space<vmem_shared>> -> memref<10112x128xf32, #tpu.memory_space<vmem_shared>>
          tpu.wait_indirect_dma semaphore(%run_scoped3A : memref<!tpu.dma_semaphore, #tpu.memory_space<semaphore_mem>>) src(%arg12 : memref<64x128xf32, #tpu.memory_space<vmem>>) dst(%dma_wait3A_133 : memref<10112x128xf32, #tpu.memory_space<vmem_shared>>)
          tpu.yield
        }) : () -> ()
        %add3A_98 = arith.constant 4 : i32
        %add3A_99 = arith.addi %add3A_91, %add3A_98 : i32
        %lt3A_100 = arith.constant 40 : i32
        %lt3A_101 = arith.cmpi slt, %add3A_99, %lt3A_100 : i32
        %convert_element_type3A_102 = arith.extui %lt3A_101 : i1 to i32
        %cond3A_103 = arith.constant 0 : i32
        %cond3A_104 = arith.cmpi ne, %convert_element_type3A_102, %cond3A_103 : i32
        scf.if %cond3A_104 {
          %add3A_122 = arith.constant 4 : i32
          %add3A_123 = arith.addi %add3A_91, %add3A_122 : i32
          %dma_start3A_124 = arith.constant 0 : i32
          %dma_start3A_125 = tpu.memref_slice %arg8[%add3A_123, %dma_start3A_124] : memref<40x64xi32, #tpu.memory_space<vmem>> -> memref<1x64xi32, #tpu.memory_space<vmem>>
          %dma_start3A_126 = tpu.memref_squeeze %dma_start3A_125 : memref<1x64xi32, #tpu.memory_space<vmem>> -> memref<64xi32, #tpu.memory_space<vmem>>
          %dma_start3A_127 = arith.constant 0 : i32
          %dma_start3A_128 = arith.constant 0 : i32
          %dma_start3A_129 = tpu.memref_slice %arg2[%dma_start3A_127, %dma_start3A_128] : memref<10000x128xf32, #tpu.memory_space<hbm>> -> memref<10000x128xf32, #tpu.memory_space<hbm>>
          tpu.enqueue_indirect_dma source(%dma_start3A_129 : memref<10000x128xf32, #tpu.memory_space<hbm>>) target(%arg12 : memref<64x128xf32, #tpu.memory_space<vmem>>) offsets(%dma_start3A_126 : memref<64xi32, #tpu.memory_space<vmem>>) semaphore(%arg16 : memref<!tpu.dma_semaphore, #tpu.memory_space<semaphore_mem>>)
        } else {
        }
        %mul3A_105 = arith.constant 4 : i32
        %mul3A_106 = arith.muli %scan3A_57, %mul3A_105 : i32
        %add3A_107 = arith.constant 3 : i32
        %add3A_108 = arith.addi %mul3A_106, %add3A_107 : i32
        %dma_wait3A_109 = arith.constant 0 : i32
        %dma_wait3A_110 = tpu.memref_slice %arg8[%add3A_108, %dma_wait3A_109] : memref<40x64xi32, #tpu.memory_space<vmem>> -> memref<1x64xi32, #tpu.memory_space<vmem>>
        %dma_wait3A_111 = tpu.memref_squeeze %dma_wait3A_110 : memref<1x64xi32, #tpu.memory_space<vmem>> -> memref<64xi32, #tpu.memory_space<vmem>>
        %dma_wait3A_112 = arith.constant 0 : i32
        %dma_wait3A_113 = arith.constant 0 : i32
        %dma_wait3A_114 = tpu.memref_slice %arg2[%dma_wait3A_112, %dma_wait3A_113] : memref<10000x128xf32, #tpu.memory_space<hbm>> -> memref<10000x128xf32, #tpu.memory_space<hbm>>
        tpu.wait_indirect_dma semaphore(%arg17 : memref<!tpu.dma_semaphore, #tpu.memory_space<semaphore_mem>>) src(%dma_wait3A_114 : memref<10000x128xf32, #tpu.memory_space<hbm>>) dst(%arg13 : memref<64x128xf32, #tpu.memory_space<vmem>>)
        "tpu.region"() ({
          %run_scoped3A = tpu.sem_alloc : memref<!tpu.dma_semaphore, #tpu.memory_space<semaphore_mem>>
          %dma_start3A_122 = arith.constant 0 : i32
          %dma_start3A_123 = tpu.memref_slice %arg9[%add3A_108, %dma_start3A_122] : memref<40x64xi32, #tpu.memory_space<vmem>> -> memref<1x64xi32, #tpu.memory_space<vmem>>
          %dma_start3A_124 = tpu.memref_squeeze %dma_start3A_123 : memref<1x64xi32, #tpu.memory_space<vmem>> -> memref<64xi32, #tpu.memory_space<vmem>>
          %dma_start3A_125 = arith.constant 0 : i32
          %dma_start3A_126 = arith.constant 0 : i32
          %dma_start3A_127 = tpu.memref_slice %arg7[%dma_start3A_125, %dma_start3A_126] : memref<10112x128xf32, #tpu.memory_space<vmem_shared>> -> memref<10112x128xf32, #tpu.memory_space<vmem_shared>>
          tpu.enqueue_indirect_dma source(%arg13 : memref<64x128xf32, #tpu.memory_space<vmem>>) target(%dma_start3A_127 : memref<10112x128xf32, #tpu.memory_space<vmem_shared>>) offsets(%dma_start3A_124 : memref<64xi32, #tpu.memory_space<vmem>>) semaphore(%run_scoped3A : memref<!tpu.dma_semaphore, #tpu.memory_space<semaphore_mem>>) {add = true}
          %dma_wait3A_128 = arith.constant 0 : i32
          %dma_wait3A_129 = tpu.memref_slice %arg9[%add3A_108, %dma_wait3A_128] : memref<40x64xi32, #tpu.memory_space<vmem>> -> memref<1x64xi32, #tpu.memory_space<vmem>>
          %dma_wait3A_130 = tpu.memref_squeeze %dma_wait3A_129 : memref<1x64xi32, #tpu.memory_space<vmem>> -> memref<64xi32, #tpu.memory_space<vmem>>
          %dma_wait3A_131 = arith.constant 0 : i32
          %dma_wait3A_132 = arith.constant 0 : i32
          %dma_wait3A_133 = tpu.memref_slice %arg7[%dma_wait3A_131, %dma_wait3A_132] : memref<10112x128xf32, #tpu.memory_space<vmem_shared>> -> memref<10112x128xf32, #tpu.memory_space<vmem_shared>>
          tpu.wait_indirect_dma semaphore(%run_scoped3A : memref<!tpu.dma_semaphore, #tpu.memory_space<semaphore_mem>>) src(%arg13 : memref<64x128xf32, #tpu.memory_space<vmem>>) dst(%dma_wait3A_133 : memref<10112x128xf32, #tpu.memory_space<vmem_shared>>)
          tpu.yield
        }) : () -> ()
        %add3A_115 = arith.constant 4 : i32
        %add3A_116 = arith.addi %add3A_108, %add3A_115 : i32
        %lt3A_117 = arith.constant 40 : i32
        %lt3A_118 = arith.cmpi slt, %add3A_116, %lt3A_117 : i32
        %convert_element_type3A_119 = arith.extui %lt3A_118 : i1 to i32
        %cond3A_120 = arith.constant 0 : i32
        %cond3A_121 = arith.cmpi ne, %convert_element_type3A_119, %cond3A_120 : i32
        scf.if %cond3A_121 {
          %add3A_122 = arith.constant 4 : i32
          %add3A_123 = arith.addi %add3A_108, %add3A_122 : i32
          %dma_start3A_124 = arith.constant 0 : i32
          %dma_start3A_125 = tpu.memref_slice %arg8[%add3A_123, %dma_start3A_124] : memref<40x64xi32, #tpu.memory_space<vmem>> -> memref<1x64xi32, #tpu.memory_space<vmem>>
          %dma_start3A_126 = tpu.memref_squeeze %dma_start3A_125 : memref<1x64xi32, #tpu.memory_space<vmem>> -> memref<64xi32, #tpu.memory_space<vmem>>
          %dma_start3A_127 = arith.constant 0 : i32
          %dma_start3A_128 = arith.constant 0 : i32
          %dma_start3A_129 = tpu.memref_slice %arg2[%dma_start3A_127, %dma_start3A_128] : memref<10000x128xf32, #tpu.memory_space<hbm>> -> memref<10000x128xf32, #tpu.memory_space<hbm>>
          tpu.enqueue_indirect_dma source(%dma_start3A_129 : memref<10000x128xf32, #tpu.memory_space<hbm>>) target(%arg13 : memref<64x128xf32, #tpu.memory_space<vmem>>) offsets(%dma_start3A_126 : memref<64xi32, #tpu.memory_space<vmem>>) semaphore(%arg17 : memref<!tpu.dma_semaphore, #tpu.memory_space<semaphore_mem>>)
        } else {
        }
      }
      %scan3A_56 = arith.constant 10 : i32
    }
    %barrier3A_16 = arith.constant 0 : index
    tpu.barrier barrier_id(%barrier3A_16)
    %mul3A_17 = arith.constant 632 : i32
    %mul3A_18 = arith.muli %arg1, %mul3A_17 : i32
    %mul3A_19 = arith.constant 632 : i32
    %mul3A_20 = arith.muli %arg1, %mul3A_19 : i32
    "tpu.region"() ({
      %run_scoped3A = tpu.sem_alloc : memref<!tpu.dma_semaphore, #tpu.memory_space<semaphore_mem>>
      %dma_start3A = arith.constant 0 : i32
      %dma_start3A_21 = tpu.memref_slice %arg6[%arg0, %mul3A_20, %dma_start3A] : memref<2x10112x128xf32, #tpu.memory_space<hbm>> -> memref<1x632x128xf32, #tpu.memory_space<hbm>>
      %dma_start3A_22 = tpu.memref_squeeze %dma_start3A_21 : memref<1x632x128xf32, #tpu.memory_space<hbm>> -> memref<632x128xf32, #tpu.memory_space<hbm>>
      %dma_start3A_23 = arith.constant 0 : i32
      %dma_start3A_24 = tpu.memref_slice %arg7[%mul3A_18, %dma_start3A_23] : memref<10112x128xf32, #tpu.memory_space<vmem_shared>> -> memref<632x128xf32, #tpu.memory_space<vmem_shared>>
      tpu.enqueue_dma source(%dma_start3A_24 : memref<632x128xf32, #tpu.memory_space<vmem_shared>>) target(%dma_start3A_22 : memref<632x128xf32, #tpu.memory_space<hbm>>) target_semaphore(%run_scoped3A : memref<!tpu.dma_semaphore, #tpu.memory_space<semaphore_mem>>)
      %dma_wait3A = arith.constant 0 : i32
      %dma_wait3A_25 = tpu.memref_slice %arg6[%arg0, %mul3A_20, %dma_wait3A] : memref<2x10112x128xf32, #tpu.memory_space<hbm>> -> memref<1x632x128xf32, #tpu.memory_space<hbm>>
      %dma_wait3A_26 = tpu.memref_squeeze %dma_wait3A_25 : memref<1x632x128xf32, #tpu.memory_space<hbm>> -> memref<632x128xf32, #tpu.memory_space<hbm>>
      %dma_wait3A_27 = arith.constant 0 : i32
      %dma_wait3A_28 = tpu.memref_slice %arg7[%mul3A_18, %dma_wait3A_27] : memref<10112x128xf32, #tpu.memory_space<vmem_shared>> -> memref<632x128xf32, #tpu.memory_space<vmem_shared>>
      tpu.wait_dma2 semaphore(%run_scoped3A : memref<!tpu.dma_semaphore, #tpu.memory_space<semaphore_mem>>) src(%dma_wait3A_28 : memref<632x128xf32, #tpu.memory_space<vmem_shared>>) dst(%dma_wait3A_26 : memref<632x128xf32, #tpu.memory_space<hbm>>)
      tpu.yield
    }) : () -> ()
    return
  }
}

#map = affine_map<(d0, d1) -> (0, 0)>
#map1 = affine_map<(d0, d1) -> (0, 0, 0)>
module attributes {stable_mosaic.version = 14 : i64} {
  func.func @body(%arg0: i32, %arg1: i32, %arg2: memref<10000x128xf32, #tpu.memory_space<hbm>>, %arg3: memref<32x160x64xi32, #tpu.memory_space<hbm>>, %arg4: memref<32x160x64xi32, #tpu.memory_space<hbm>>, %arg5: memref<10112x128xf32, #tpu.memory_space<hbm>>, %arg6: memref<2x10112x128xf32, #tpu.memory_space<hbm>>, %arg7: memref<10112x128xf32, #tpu.memory_space<vmem_shared>>, %arg8: memref<40x64xi32, #tpu.memory_space<vmem>>, %arg9: memref<40x64xi32, #tpu.memory_space<vmem>>, %arg10: memref<64x128xf32, #tpu.memory_space<vmem>>, %arg11: memref<64x128xf32, #tpu.memory_space<vmem>>, %arg12: memref<64x128xf32, #tpu.memory_space<vmem>>, %arg13: memref<64x128xf32, #tpu.memory_space<vmem>>, %arg14: memref<!tpu.dma_semaphore, #tpu.memory_space<semaphore_mem>>, %arg15: memref<!tpu.dma_semaphore, #tpu.memory_space<semaphore_mem>>, %arg16: memref<!tpu.dma_semaphore, #tpu.memory_space<semaphore_mem>>, %arg17: memref<!tpu.dma_semaphore, #tpu.memory_space<semaphore_mem>>) attributes {dimension_semantics = [#tpu.dimension_semantics<core_parallel>, #tpu.dimension_semantics<subcore_parallel>], iteration_bounds = array<i64: 2, 16>, scalar_prefetch = 0 : i64, scratch_operands = 11 : i64, tpu.core_type = #tpu.core_type<sc_vector_subcore>, window_params = [{transform_indices = #map}, {transform_indices = #map1}, {transform_indices = #map1}, {transform_indices = #map}, {transform_indices = #map1}]} {
    %mul3A = arith.constant 16 : i32
    %mul3A_0 = arith.muli %arg0, %mul3A : i32
    %add3A = arith.addi %mul3A_0, %arg1 : i32
    %eq3A = arith.constant 0 : i32
    %eq3A_1 = arith.cmpi eq, %arg0, %eq3A : i32
    %jit3A = arith.constant 4 : i32
    %jit3A_2 = arith.constant 4 : i32
    %select_n3A = arith.select %eq3A_1, %jit3A, %jit3A_2 : i32
    %mul3A_3 = arith.constant 632 : i32
    %mul3A_4 = arith.muli %arg1, %mul3A_3 : i32
    %mul3A_5 = arith.constant 632 : i32
    %mul3A_6 = arith.muli %arg1, %mul3A_5 : i32
    "tpu.region"() ({
      %run_scoped3A = tpu.sem_alloc : memref<!tpu.dma_semaphore, #tpu.memory_space<semaphore_mem>>
      %dma_start3A = arith.constant 0 : i32
      %dma_start3A_21 = tpu.memref_slice %arg7[%mul3A_6, %dma_start3A] : memref<10112x128xf32, #tpu.memory_space<vmem_shared>> -> memref<632x128xf32, #tpu.memory_space<vmem_shared>>
      %dma_start3A_22 = arith.constant 0 : i32
      %dma_start3A_23 = tpu.memref_slice %arg5[%mul3A_4, %dma_start3A_22] : memref<10112x128xf32, #tpu.memory_space<hbm>> -> memref<632x128xf32, #tpu.memory_space<hbm>>
      tpu.enqueue_dma source(%dma_start3A_23 : memref<632x128xf32, #tpu.memory_space<hbm>>) target(%dma_start3A_21 : memref<632x128xf32, #tpu.memory_space<vmem_shared>>) target_semaphore(%run_scoped3A : memref<!tpu.dma_semaphore, #tpu.memory_space<semaphore_mem>>)
      %dma_wait3A = arith.constant 0 : i32
      %dma_wait3A_24 = tpu.memref_slice %arg7[%mul3A_6, %dma_wait3A] : memref<10112x128xf32, #tpu.memory_space<vmem_shared>> -> memref<632x128xf32, #tpu.memory_space<vmem_shared>>
      %dma_wait3A_25 = arith.constant 0 : i32
      %dma_wait3A_26 = tpu.memref_slice %arg5[%mul3A_4, %dma_wait3A_25] : memref<10112x128xf32, #tpu.memory_space<hbm>> -> memref<632x128xf32, #tpu.memory_space<hbm>>
      tpu.wait_dma2 semaphore(%run_scoped3A : memref<!tpu.dma_semaphore, #tpu.memory_space<semaphore_mem>>) src(%dma_wait3A_26 : memref<632x128xf32, #tpu.memory_space<hbm>>) dst(%dma_wait3A_24 : memref<632x128xf32, #tpu.memory_space<vmem_shared>>)
      tpu.yield
    }) : () -> ()
    %barrier3A = arith.constant 0 : index
    tpu.barrier barrier_id(%barrier3A)
    %while3A = arith.constant 0 : i32
    %while3A_7 = arith.constant 0 : i32
    %while3A_8 = arith.subi %select_n3A, %while3A_7 : i32
    %while3A_9 = arith.addi %while3A_7, %while3A_8 : i32
    %while3A_10 = arith.constant 1 : i32
    %while3A_11 = arith.divsi %while3A_8, %while3A_10 : i32
    %while3A_12 = arith.muli %while3A_11, %while3A_10 : i32
    %while3A_13 = arith.addi %while3A_7, %while3A_12 : i32
    %while3A_14 = arith.constant 1 : i32
    scf.for %while3A_21 = %while3A_7 to %while3A_13 step %while3A_14  : i32 {
      %mul3A_22 = arith.constant 40 : i32
      %mul3A_23 = arith.muli %while3A_21, %mul3A_22 : i32
      "tpu.region"() ({
        %run_scoped3A = tpu.sem_alloc : memref<!tpu.dma_semaphore, #tpu.memory_space<semaphore_mem>>
        %dma_start3A_57 = arith.constant 0 : i32
        %dma_start3A_58 = tpu.memref_slice %arg3[%add3A, %mul3A_23, %dma_start3A_57] : memref<32x160x64xi32, #tpu.memory_space<hbm>> -> memref<1x40x64xi32, #tpu.memory_space<hbm>>
        %dma_start3A_59 = tpu.memref_squeeze %dma_start3A_58 : memref<1x40x64xi32, #tpu.memory_space<hbm>> -> memref<40x64xi32, #tpu.memory_space<hbm>>
        %dma_start3A_60 = arith.constant 0 : i32
        %dma_start3A_61 = tpu.memref_slice %arg3[%add3A, %mul3A_23, %dma_start3A_60] : memref<32x160x64xi32, #tpu.memory_space<hbm>> -> memref<1x40x64xi32, #tpu.memory_space<hbm>>
        %dma_start3A_62 = tpu.memref_squeeze %dma_start3A_61 : memref<1x40x64xi32, #tpu.memory_space<hbm>> -> memref<40x64xi32, #tpu.memory_space<hbm>>
        tpu.enqueue_dma source(%dma_start3A_62 : memref<40x64xi32, #tpu.memory_space<hbm>>) target(%arg8 : memref<40x64xi32, #tpu.memory_space<vmem>>) target_semaphore(%run_scoped3A : memref<!tpu.dma_semaphore, #tpu.memory_space<semaphore_mem>>)
        %dma_wait3A = arith.constant 0 : i32
        %dma_wait3A_63 = tpu.memref_slice %arg3[%add3A, %mul3A_23, %dma_wait3A] : memref<32x160x64xi32, #tpu.memory_space<hbm>> -> memref<1x40x64xi32, #tpu.memory_space<hbm>>
        %dma_wait3A_64 = tpu.memref_squeeze %dma_wait3A_63 : memref<1x40x64xi32, #tpu.memory_space<hbm>> -> memref<40x64xi32, #tpu.memory_space<hbm>>
        %dma_wait3A_65 = arith.constant 0 : i32
        %dma_wait3A_66 = tpu.memref_slice %arg3[%add3A, %mul3A_23, %dma_wait3A_65] : memref<32x160x64xi32, #tpu.memory_space<hbm>> -> memref<1x40x64xi32, #tpu.memory_space<hbm>>
        %dma_wait3A_67 = tpu.memref_squeeze %dma_wait3A_66 : memref<1x40x64xi32, #tpu.memory_space<hbm>> -> memref<40x64xi32, #tpu.memory_space<hbm>>
        tpu.wait_dma2 semaphore(%run_scoped3A : memref<!tpu.dma_semaphore, #tpu.memory_space<semaphore_mem>>) src(%dma_wait3A_67 : memref<40x64xi32, #tpu.memory_space<hbm>>) dst(%arg8 : memref<40x64xi32, #tpu.memory_space<vmem>>)
        tpu.yield
      }) : () -> ()
      %mul3A_24 = arith.constant 40 : i32
      %mul3A_25 = arith.muli %while3A_21, %mul3A_24 : i32
      "tpu.region"() ({
        %run_scoped3A = tpu.sem_alloc : memref<!tpu.dma_semaphore, #tpu.memory_space<semaphore_mem>>
        %dma_start3A_57 = arith.constant 0 : i32
        %dma_start3A_58 = tpu.memref_slice %arg4[%add3A, %mul3A_25, %dma_start3A_57] : memref<32x160x64xi32, #tpu.memory_space<hbm>> -> memref<1x40x64xi32, #tpu.memory_space<hbm>>
        %dma_start3A_59 = tpu.memref_squeeze %dma_start3A_58 : memref<1x40x64xi32, #tpu.memory_space<hbm>> -> memref<40x64xi32, #tpu.memory_space<hbm>>
        %dma_start3A_60 = arith.constant 0 : i32
        %dma_start3A_61 = tpu.memref_slice %arg4[%add3A, %mul3A_25, %dma_start3A_60] : memref<32x160x64xi32, #tpu.memory_space<hbm>> -> memref<1x40x64xi32, #tpu.memory_space<hbm>>
        %dma_start3A_62 = tpu.memref_squeeze %dma_start3A_61 : memref<1x40x64xi32, #tpu.memory_space<hbm>> -> memref<40x64xi32, #tpu.memory_space<hbm>>
        tpu.enqueue_dma source(%dma_start3A_62 : memref<40x64xi32, #tpu.memory_space<hbm>>) target(%arg9 : memref<40x64xi32, #tpu.memory_space<vmem>>) target_semaphore(%run_scoped3A : memref<!tpu.dma_semaphore, #tpu.memory_space<semaphore_mem>>)
        %dma_wait3A = arith.constant 0 : i32
        %dma_wait3A_63 = tpu.memref_slice %arg4[%add3A, %mul3A_25, %dma_wait3A] : memref<32x160x64xi32, #tpu.memory_space<hbm>> -> memref<1x40x64xi32, #tpu.memory_space<hbm>>
        %dma_wait3A_64 = tpu.memref_squeeze %dma_wait3A_63 : memref<1x40x64xi32, #tpu.memory_space<hbm>> -> memref<40x64xi32, #tpu.memory_space<hbm>>
        %dma_wait3A_65 = arith.constant 0 : i32
        %dma_wait3A_66 = tpu.memref_slice %arg4[%add3A, %mul3A_25, %dma_wait3A_65] : memref<32x160x64xi32, #tpu.memory_space<hbm>> -> memref<1x40x64xi32, #tpu.memory_space<hbm>>
        %dma_wait3A_67 = tpu.memref_squeeze %dma_wait3A_66 : memref<1x40x64xi32, #tpu.memory_space<hbm>> -> memref<40x64xi32, #tpu.memory_space<hbm>>
        tpu.wait_dma2 semaphore(%run_scoped3A : memref<!tpu.dma_semaphore, #tpu.memory_space<semaphore_mem>>) src(%dma_wait3A_67 : memref<40x64xi32, #tpu.memory_space<hbm>>) dst(%arg9 : memref<40x64xi32, #tpu.memory_space<vmem>>)
        tpu.yield
      }) : () -> ()
      %dma_start3A = arith.constant 0 : i32
      %dma_start3A_26 = arith.constant 0 : i32
      %dma_start3A_27 = tpu.memref_slice %arg8[%dma_start3A, %dma_start3A_26] : memref<40x64xi32, #tpu.memory_space<vmem>> -> memref<1x64xi32, #tpu.memory_space<vmem>>
      %dma_start3A_28 = tpu.memref_squeeze %dma_start3A_27 : memref<1x64xi32, #tpu.memory_space<vmem>> -> memref<64xi32, #tpu.memory_space<vmem>>
      %dma_start3A_29 = arith.constant 0 : i32
      %dma_start3A_30 = arith.constant 0 : i32
      %dma_start3A_31 = tpu.memref_slice %arg2[%dma_start3A_29, %dma_start3A_30] : memref<10000x128xf32, #tpu.memory_space<hbm>> -> memref<10000x128xf32, #tpu.memory_space<hbm>>
      tpu.enqueue_indirect_dma source(%dma_start3A_31 : memref<10000x128xf32, #tpu.memory_space<hbm>>) target(%arg10 : memref<64x128xf32, #tpu.memory_space<vmem>>) offsets(%dma_start3A_28 : memref<64xi32, #tpu.memory_space<vmem>>) semaphore(%arg14 : memref<!tpu.dma_semaphore, #tpu.memory_space<semaphore_mem>>)
      %dma_start3A_32 = arith.constant 1 : i32
      %dma_start3A_33 = arith.constant 0 : i32
      %dma_start3A_34 = tpu.memref_slice %arg8[%dma_start3A_32, %dma_start3A_33] : memref<40x64xi32, #tpu.memory_space<vmem>> -> memref<1x64xi32, #tpu.memory_space<vmem>>
      %dma_start3A_35 = tpu.memref_squeeze %dma_start3A_34 : memref<1x64xi32, #tpu.memory_space<vmem>> -> memref<64xi32, #tpu.memory_space<vmem>>
      %dma_start3A_36 = arith.constant 0 : i32
      %dma_start3A_37 = arith.constant 0 : i32
      %dma_start3A_38 = tpu.memref_slice %arg2[%dma_start3A_36, %dma_start3A_37] : memref<10000x128xf32, #tpu.memory_space<hbm>> -> memref<10000x128xf32, #tpu.memory_space<hbm>>
      tpu.enqueue_indirect_dma source(%dma_start3A_38 : memref<10000x128xf32, #tpu.memory_space<hbm>>) target(%arg11 : memref<64x128xf32, #tpu.memory_space<vmem>>) offsets(%dma_start3A_35 : memref<64xi32, #tpu.memory_space<vmem>>) semaphore(%arg15 : memref<!tpu.dma_semaphore, #tpu.memory_space<semaphore_mem>>)
      %dma_start3A_39 = arith.constant 2 : i32
      %dma_start3A_40 = arith.constant 0 : i32
      %dma_start3A_41 = tpu.memref_slice %arg8[%dma_start3A_39, %dma_start3A_40] : memref<40x64xi32, #tpu.memory_space<vmem>> -> memref<1x64xi32, #tpu.memory_space<vmem>>
      %dma_start3A_42 = tpu.memref_squeeze %dma_start3A_41 : memref<1x64xi32, #tpu.memory_space<vmem>> -> memref<64xi32, #tpu.memory_space<vmem>>
      %dma_start3A_43 = arith.constant 0 : i32
      %dma_start3A_44 = arith.constant 0 : i32
      %dma_start3A_45 = tpu.memref_slice %arg2[%dma_start3A_43, %dma_start3A_44] : memref<10000x128xf32, #tpu.memory_space<hbm>> -> memref<10000x128xf32, #tpu.memory_space<hbm>>
      tpu.enqueue_indirect_dma source(%dma_start3A_45 : memref<10000x128xf32, #tpu.memory_space<hbm>>) target(%arg12 : memref<64x128xf32, #tpu.memory_space<vmem>>) offsets(%dma_start3A_42 : memref<64xi32, #tpu.memory_space<vmem>>) semaphore(%arg16 : memref<!tpu.dma_semaphore, #tpu.memory_space<semaphore_mem>>)
      %dma_start3A_46 = arith.constant 3 : i32
      %dma_start3A_47 = arith.constant 0 : i32
      %dma_start3A_48 = tpu.memref_slice %arg8[%dma_start3A_46, %dma_start3A_47] : memref<40x64xi32, #tpu.memory_space<vmem>> -> memref<1x64xi32, #tpu.memory_space<vmem>>
      %dma_start3A_49 = tpu.memref_squeeze %dma_start3A_48 : memref<1x64xi32, #tpu.memory_space<vmem>> -> memref<64xi32, #tpu.memory_space<vmem>>
      %dma_start3A_50 = arith.constant 0 : i32
      %dma_start3A_51 = arith.constant 0 : i32
      %dma_start3A_52 = tpu.memref_slice %arg2[%dma_start3A_50, %dma_start3A_51] : memref<10000x128xf32, #tpu.memory_space<hbm>> -> memref<10000x128xf32, #tpu.memory_space<hbm>>
      tpu.enqueue_indirect_dma source(%dma_start3A_52 : memref<10000x128xf32, #tpu.memory_space<hbm>>) target(%arg13 : memref<64x128xf32, #tpu.memory_space<vmem>>) offsets(%dma_start3A_49 : memref<64xi32, #tpu.memory_space<vmem>>) semaphore(%arg17 : memref<!tpu.dma_semaphore, #tpu.memory_space<semaphore_mem>>)
      %scan3A = arith.constant 0 : i32
      %scan3A_53 = arith.constant 10 : i32
      %scan3A_54 = arith.addi %scan3A, %scan3A_53 : i32
      %scan3A_55 = arith.constant 1 : i32
      scf.for %scan3A_57 = %scan3A to %scan3A_54 step %scan3A_55  : i32 {
        %mul3A_58 = arith.constant 4 : i32
        %mul3A_59 = arith.muli %scan3A_57, %mul3A_58 : i32
        %add3A_60 = arith.constant 0 : i32
        %add3A_61 = arith.addi %mul3A_59, %add3A_60 : i32
        %dma_wait3A = arith.constant 0 : i32
        %dma_wait3A_62 = tpu.memref_slice %arg8[%add3A_61, %dma_wait3A] : memref<40x64xi32, #tpu.memory_space<vmem>> -> memref<1x64xi32, #tpu.memory_space<vmem>>
        %dma_wait3A_63 = tpu.memref_squeeze %dma_wait3A_62 : memref<1x64xi32, #tpu.memory_space<vmem>> -> memref<64xi32, #tpu.memory_space<vmem>>
        %dma_wait3A_64 = arith.constant 0 : i32
        %dma_wait3A_65 = arith.constant 0 : i32
        %dma_wait3A_66 = tpu.memref_slice %arg2[%dma_wait3A_64, %dma_wait3A_65] : memref<10000x128xf32, #tpu.memory_space<hbm>> -> memref<10000x128xf32, #tpu.memory_space<hbm>>
        tpu.wait_indirect_dma semaphore(%arg14 : memref<!tpu.dma_semaphore, #tpu.memory_space<semaphore_mem>>) src(%dma_wait3A_66 : memref<10000x128xf32, #tpu.memory_space<hbm>>) dst(%arg10 : memref<64x128xf32, #tpu.memory_space<vmem>>)
        "tpu.region"() ({
          %run_scoped3A = tpu.sem_alloc : memref<!tpu.dma_semaphore, #tpu.memory_space<semaphore_mem>>
          %dma_start3A_122 = arith.constant 0 : i32
          %dma_start3A_123 = tpu.memref_slice %arg9[%add3A_61, %dma_start3A_122] : memref<40x64xi32, #tpu.memory_space<vmem>> -> memref<1x64xi32, #tpu.memory_space<vmem>>
          %dma_start3A_124 = tpu.memref_squeeze %dma_start3A_123 : memref<1x64xi32, #tpu.memory_space<vmem>> -> memref<64xi32, #tpu.memory_space<vmem>>
          %dma_start3A_125 = arith.constant 0 : i32
          %dma_start3A_126 = arith.constant 0 : i32
          %dma_start3A_127 = tpu.memref_slice %arg7[%dma_start3A_125, %dma_start3A_126] : memref<10112x128xf32, #tpu.memory_space<vmem_shared>> -> memref<10112x128xf32, #tpu.memory_space<vmem_shared>>
          tpu.enqueue_indirect_dma source(%arg10 : memref<64x128xf32, #tpu.memory_space<vmem>>) target(%dma_start3A_127 : memref<10112x128xf32, #tpu.memory_space<vmem_shared>>) offsets(%dma_start3A_124 : memref<64xi32, #tpu.memory_space<vmem>>) semaphore(%run_scoped3A : memref<!tpu.dma_semaphore, #tpu.memory_space<semaphore_mem>>) {add = true}
          %dma_wait3A_128 = arith.constant 0 : i32
          %dma_wait3A_129 = tpu.memref_slice %arg9[%add3A_61, %dma_wait3A_128] : memref<40x64xi32, #tpu.memory_space<vmem>> -> memref<1x64xi32, #tpu.memory_space<vmem>>
          %dma_wait3A_130 = tpu.memref_squeeze %dma_wait3A_129 : memref<1x64xi32, #tpu.memory_space<vmem>> -> memref<64xi32, #tpu.memory_space<vmem>>
          %dma_wait3A_131 = arith.constant 0 : i32
          %dma_wait3A_132 = arith.constant 0 : i32
          %dma_wait3A_133 = tpu.memref_slice %arg7[%dma_wait3A_131, %dma_wait3A_132] : memref<10112x128xf32, #tpu.memory_space<vmem_shared>> -> memref<10112x128xf32, #tpu.memory_space<vmem_shared>>
          tpu.wait_indirect_dma semaphore(%run_scoped3A : memref<!tpu.dma_semaphore, #tpu.memory_space<semaphore_mem>>) src(%arg10 : memref<64x128xf32, #tpu.memory_space<vmem>>) dst(%dma_wait3A_133 : memref<10112x128xf32, #tpu.memory_space<vmem_shared>>)
          tpu.yield
        }) : () -> ()
        %add3A_67 = arith.constant 4 : i32
        %add3A_68 = arith.addi %add3A_61, %add3A_67 : i32
        %lt3A = arith.constant 40 : i32
        %lt3A_69 = arith.cmpi slt, %add3A_68, %lt3A : i32
        %convert_element_type3A = arith.extui %lt3A_69 : i1 to i32
        %cond3A = arith.constant 0 : i32
        %cond3A_70 = arith.cmpi ne, %convert_element_type3A, %cond3A : i32
        scf.if %cond3A_70 {
          %add3A_122 = arith.constant 4 : i32
          %add3A_123 = arith.addi %add3A_61, %add3A_122 : i32
          %dma_start3A_124 = arith.constant 0 : i32
          %dma_start3A_125 = tpu.memref_slice %arg8[%add3A_123, %dma_start3A_124] : memref<40x64xi32, #tpu.memory_space<vmem>> -> memref<1x64xi32, #tpu.memory_space<vmem>>
          %dma_start3A_126 = tpu.memref_squeeze %dma_start3A_125 : memref<1x64xi32, #tpu.memory_space<vmem>> -> memref<64xi32, #tpu.memory_space<vmem>>
          %dma_start3A_127 = arith.constant 0 : i32
          %dma_start3A_128 = arith.constant 0 : i32
          %dma_start3A_129 = tpu.memref_slice %arg2[%dma_start3A_127, %dma_start3A_128] : memref<10000x128xf32, #tpu.memory_space<hbm>> -> memref<10000x128xf32, #tpu.memory_space<hbm>>
          tpu.enqueue_indirect_dma source(%dma_start3A_129 : memref<10000x128xf32, #tpu.memory_space<hbm>>) target(%arg10 : memref<64x128xf32, #tpu.memory_space<vmem>>) offsets(%dma_start3A_126 : memref<64xi32, #tpu.memory_space<vmem>>) semaphore(%arg14 : memref<!tpu.dma_semaphore, #tpu.memory_space<semaphore_mem>>)
        } else {
        }
        %mul3A_71 = arith.constant 4 : i32
        %mul3A_72 = arith.muli %scan3A_57, %mul3A_71 : i32
        %add3A_73 = arith.constant 1 : i32
        %add3A_74 = arith.addi %mul3A_72, %add3A_73 : i32
        %dma_wait3A_75 = arith.constant 0 : i32
        %dma_wait3A_76 = tpu.memref_slice %arg8[%add3A_74, %dma_wait3A_75] : memref<40x64xi32, #tpu.memory_space<vmem>> -> memref<1x64xi32, #tpu.memory_space<vmem>>
        %dma_wait3A_77 = tpu.memref_squeeze %dma_wait3A_76 : memref<1x64xi32, #tpu.memory_space<vmem>> -> memref<64xi32, #tpu.memory_space<vmem>>
        %dma_wait3A_78 = arith.constant 0 : i32
        %dma_wait3A_79 = arith.constant 0 : i32
        %dma_wait3A_80 = tpu.memref_slice %arg2[%dma_wait3A_78, %dma_wait3A_79] : memref<10000x128xf32, #tpu.memory_space<hbm>> -> memref<10000x128xf32, #tpu.memory_space<hbm>>
        tpu.wait_indirect_dma semaphore(%arg15 : memref<!tpu.dma_semaphore, #tpu.memory_space<semaphore_mem>>) src(%dma_wait3A_80 : memref<10000x128xf32, #tpu.memory_space<hbm>>) dst(%arg11 : memref<64x128xf32, #tpu.memory_space<vmem>>)
        "tpu.region"() ({
          %run_scoped3A = tpu.sem_alloc : memref<!tpu.dma_semaphore, #tpu.memory_space<semaphore_mem>>
          %dma_start3A_122 = arith.constant 0 : i32
          %dma_start3A_123 = tpu.memref_slice %arg9[%add3A_74, %dma_start3A_122] : memref<40x64xi32, #tpu.memory_space<vmem>> -> memref<1x64xi32, #tpu.memory_space<vmem>>
          %dma_start3A_124 = tpu.memref_squeeze %dma_start3A_123 : memref<1x64xi32, #tpu.memory_space<vmem>> -> memref<64xi32, #tpu.memory_space<vmem>>
          %dma_start3A_125 = arith.constant 0 : i32
          %dma_start3A_126 = arith.constant 0 : i32
          %dma_start3A_127 = tpu.memref_slice %arg7[%dma_start3A_125, %dma_start3A_126] : memref<10112x128xf32, #tpu.memory_space<vmem_shared>> -> memref<10112x128xf32, #tpu.memory_space<vmem_shared>>
          tpu.enqueue_indirect_dma source(%arg11 : memref<64x128xf32, #tpu.memory_space<vmem>>) target(%dma_start3A_127 : memref<10112x128xf32, #tpu.memory_space<vmem_shared>>) offsets(%dma_start3A_124 : memref<64xi32, #tpu.memory_space<vmem>>) semaphore(%run_scoped3A : memref<!tpu.dma_semaphore, #tpu.memory_space<semaphore_mem>>) {add = true}
          %dma_wait3A_128 = arith.constant 0 : i32
          %dma_wait3A_129 = tpu.memref_slice %arg9[%add3A_74, %dma_wait3A_128] : memref<40x64xi32, #tpu.memory_space<vmem>> -> memref<1x64xi32, #tpu.memory_space<vmem>>
          %dma_wait3A_130 = tpu.memref_squeeze %dma_wait3A_129 : memref<1x64xi32, #tpu.memory_space<vmem>> -> memref<64xi32, #tpu.memory_space<vmem>>
          %dma_wait3A_131 = arith.constant 0 : i32
          %dma_wait3A_132 = arith.constant 0 : i32
          %dma_wait3A_133 = tpu.memref_slice %arg7[%dma_wait3A_131, %dma_wait3A_132] : memref<10112x128xf32, #tpu.memory_space<vmem_shared>> -> memref<10112x128xf32, #tpu.memory_space<vmem_shared>>
          tpu.wait_indirect_dma semaphore(%run_scoped3A : memref<!tpu.dma_semaphore, #tpu.memory_space<semaphore_mem>>) src(%arg11 : memref<64x128xf32, #tpu.memory_space<vmem>>) dst(%dma_wait3A_133 : memref<10112x128xf32, #tpu.memory_space<vmem_shared>>)
          tpu.yield
        }) : () -> ()
        %add3A_81 = arith.constant 4 : i32
        %add3A_82 = arith.addi %add3A_74, %add3A_81 : i32
        %lt3A_83 = arith.constant 40 : i32
        %lt3A_84 = arith.cmpi slt, %add3A_82, %lt3A_83 : i32
        %convert_element_type3A_85 = arith.extui %lt3A_84 : i1 to i32
        %cond3A_86 = arith.constant 0 : i32
        %cond3A_87 = arith.cmpi ne, %convert_element_type3A_85, %cond3A_86 : i32
        scf.if %cond3A_87 {
          %add3A_122 = arith.constant 4 : i32
          %add3A_123 = arith.addi %add3A_74, %add3A_122 : i32
          %dma_start3A_124 = arith.constant 0 : i32
          %dma_start3A_125 = tpu.memref_slice %arg8[%add3A_123, %dma_start3A_124] : memref<40x64xi32, #tpu.memory_space<vmem>> -> memref<1x64xi32, #tpu.memory_space<vmem>>
          %dma_start3A_126 = tpu.memref_squeeze %dma_start3A_125 : memref<1x64xi32, #tpu.memory_space<vmem>> -> memref<64xi32, #tpu.memory_space<vmem>>
          %dma_start3A_127 = arith.constant 0 : i32
          %dma_start3A_128 = arith.constant 0 : i32
          %dma_start3A_129 = tpu.memref_slice %arg2[%dma_start3A_127, %dma_start3A_128] : memref<10000x128xf32, #tpu.memory_space<hbm>> -> memref<10000x128xf32, #tpu.memory_space<hbm>>
          tpu.enqueue_indirect_dma source(%dma_start3A_129 : memref<10000x128xf32, #tpu.memory_space<hbm>>) target(%arg11 : memref<64x128xf32, #tpu.memory_space<vmem>>) offsets(%dma_start3A_126 : memref<64xi32, #tpu.memory_space<vmem>>) semaphore(%arg15 : memref<!tpu.dma_semaphore, #tpu.memory_space<semaphore_mem>>)
        } else {
        }
        %mul3A_88 = arith.constant 4 : i32
        %mul3A_89 = arith.muli %scan3A_57, %mul3A_88 : i32
        %add3A_90 = arith.constant 2 : i32
        %add3A_91 = arith.addi %mul3A_89, %add3A_90 : i32
        %dma_wait3A_92 = arith.constant 0 : i32
        %dma_wait3A_93 = tpu.memref_slice %arg8[%add3A_91, %dma_wait3A_92] : memref<40x64xi32, #tpu.memory_space<vmem>> -> memref<1x64xi32, #tpu.memory_space<vmem>>
        %dma_wait3A_94 = tpu.memref_squeeze %dma_wait3A_93 : memref<1x64xi32, #tpu.memory_space<vmem>> -> memref<64xi32, #tpu.memory_space<vmem>>
        %dma_wait3A_95 = arith.constant 0 : i32
        %dma_wait3A_96 = arith.constant 0 : i32
        %dma_wait3A_97 = tpu.memref_slice %arg2[%dma_wait3A_95, %dma_wait3A_96] : memref<10000x128xf32, #tpu.memory_space<hbm>> -> memref<10000x128xf32, #tpu.memory_space<hbm>>
        tpu.wait_indirect_dma semaphore(%arg16 : memref<!tpu.dma_semaphore, #tpu.memory_space<semaphore_mem>>) src(%dma_wait3A_97 : memref<10000x128xf32, #tpu.memory_space<hbm>>) dst(%arg12 : memref<64x128xf32, #tpu.memory_space<vmem>>)
        "tpu.region"() ({
          %run_scoped3A = tpu.sem_alloc : memref<!tpu.dma_semaphore, #tpu.memory_space<semaphore_mem>>
          %dma_start3A_122 = arith.constant 0 : i32
          %dma_start3A_123 = tpu.memref_slice %arg9[%add3A_91, %dma_start3A_122] : memref<40x64xi32, #tpu.memory_space<vmem>> -> memref<1x64xi32, #tpu.memory_space<vmem>>
          %dma_start3A_124 = tpu.memref_squeeze %dma_start3A_123 : memref<1x64xi32, #tpu.memory_space<vmem>> -> memref<64xi32, #tpu.memory_space<vmem>>
          %dma_start3A_125 = arith.constant 0 : i32
          %dma_start3A_126 = arith.constant 0 : i32
          %dma_start3A_127 = tpu.memref_slice %arg7[%dma_start3A_125, %dma_start3A_126] : memref<10112x128xf32, #tpu.memory_space<vmem_shared>> -> memref<10112x128xf32, #tpu.memory_space<vmem_shared>>
          tpu.enqueue_indirect_dma source(%arg12 : memref<64x128xf32, #tpu.memory_space<vmem>>) target(%dma_start3A_127 : memref<10112x128xf32, #tpu.memory_space<vmem_shared>>) offsets(%dma_start3A_124 : memref<64xi32, #tpu.memory_space<vmem>>) semaphore(%run_scoped3A : memref<!tpu.dma_semaphore, #tpu.memory_space<semaphore_mem>>) {add = true}
          %dma_wait3A_128 = arith.constant 0 : i32
          %dma_wait3A_129 = tpu.memref_slice %arg9[%add3A_91, %dma_wait3A_128] : memref<40x64xi32, #tpu.memory_space<vmem>> -> memref<1x64xi32, #tpu.memory_space<vmem>>
          %dma_wait3A_130 = tpu.memref_squeeze %dma_wait3A_129 : memref<1x64xi32, #tpu.memory_space<vmem>> -> memref<64xi32, #tpu.memory_space<vmem>>
          %dma_wait3A_131 = arith.constant 0 : i32
          %dma_wait3A_132 = arith.constant 0 : i32
          %dma_wait3A_133 = tpu.memref_slice %arg7[%dma_wait3A_131, %dma_wait3A_132] : memref<10112x128xf32, #tpu.memory_space<vmem_shared>> -> memref<10112x128xf32, #tpu.memory_space<vmem_shared>>
          tpu.wait_indirect_dma semaphore(%run_scoped3A : memref<!tpu.dma_semaphore, #tpu.memory_space<semaphore_mem>>) src(%arg12 : memref<64x128xf32, #tpu.memory_space<vmem>>) dst(%dma_wait3A_133 : memref<10112x128xf32, #tpu.memory_space<vmem_shared>>)
          tpu.yield
        }) : () -> ()
        %add3A_98 = arith.constant 4 : i32
        %add3A_99 = arith.addi %add3A_91, %add3A_98 : i32
        %lt3A_100 = arith.constant 40 : i32
        %lt3A_101 = arith.cmpi slt, %add3A_99, %lt3A_100 : i32
        %convert_element_type3A_102 = arith.extui %lt3A_101 : i1 to i32
        %cond3A_103 = arith.constant 0 : i32
        %cond3A_104 = arith.cmpi ne, %convert_element_type3A_102, %cond3A_103 : i32
        scf.if %cond3A_104 {
          %add3A_122 = arith.constant 4 : i32
          %add3A_123 = arith.addi %add3A_91, %add3A_122 : i32
          %dma_start3A_124 = arith.constant 0 : i32
          %dma_start3A_125 = tpu.memref_slice %arg8[%add3A_123, %dma_start3A_124] : memref<40x64xi32, #tpu.memory_space<vmem>> -> memref<1x64xi32, #tpu.memory_space<vmem>>
          %dma_start3A_126 = tpu.memref_squeeze %dma_start3A_125 : memref<1x64xi32, #tpu.memory_space<vmem>> -> memref<64xi32, #tpu.memory_space<vmem>>
          %dma_start3A_127 = arith.constant 0 : i32
          %dma_start3A_128 = arith.constant 0 : i32
          %dma_start3A_129 = tpu.memref_slice %arg2[%dma_start3A_127, %dma_start3A_128] : memref<10000x128xf32, #tpu.memory_space<hbm>> -> memref<10000x128xf32, #tpu.memory_space<hbm>>
          tpu.enqueue_indirect_dma source(%dma_start3A_129 : memref<10000x128xf32, #tpu.memory_space<hbm>>) target(%arg12 : memref<64x128xf32, #tpu.memory_space<vmem>>) offsets(%dma_start3A_126 : memref<64xi32, #tpu.memory_space<vmem>>) semaphore(%arg16 : memref<!tpu.dma_semaphore, #tpu.memory_space<semaphore_mem>>)
        } else {
        }
        %mul3A_105 = arith.constant 4 : i32
        %mul3A_106 = arith.muli %scan3A_57, %mul3A_105 : i32
        %add3A_107 = arith.constant 3 : i32
        %add3A_108 = arith.addi %mul3A_106, %add3A_107 : i32
        %dma_wait3A_109 = arith.constant 0 : i32
        %dma_wait3A_110 = tpu.memref_slice %arg8[%add3A_108, %dma_wait3A_109] : memref<40x64xi32, #tpu.memory_space<vmem>> -> memref<1x64xi32, #tpu.memory_space<vmem>>
        %dma_wait3A_111 = tpu.memref_squeeze %dma_wait3A_110 : memref<1x64xi32, #tpu.memory_space<vmem>> -> memref<64xi32, #tpu.memory_space<vmem>>
        %dma_wait3A_112 = arith.constant 0 : i32
        %dma_wait3A_113 = arith.constant 0 : i32
        %dma_wait3A_114 = tpu.memref_slice %arg2[%dma_wait3A_112, %dma_wait3A_113] : memref<10000x128xf32, #tpu.memory_space<hbm>> -> memref<10000x128xf32, #tpu.memory_space<hbm>>
        tpu.wait_indirect_dma semaphore(%arg17 : memref<!tpu.dma_semaphore, #tpu.memory_space<semaphore_mem>>) src(%dma_wait3A_114 : memref<10000x128xf32, #tpu.memory_space<hbm>>) dst(%arg13 : memref<64x128xf32, #tpu.memory_space<vmem>>)
        "tpu.region"() ({
          %run_scoped3A = tpu.sem_alloc : memref<!tpu.dma_semaphore, #tpu.memory_space<semaphore_mem>>
          %dma_start3A_122 = arith.constant 0 : i32
          %dma_start3A_123 = tpu.memref_slice %arg9[%add3A_108, %dma_start3A_122] : memref<40x64xi32, #tpu.memory_space<vmem>> -> memref<1x64xi32, #tpu.memory_space<vmem>>
          %dma_start3A_124 = tpu.memref_squeeze %dma_start3A_123 : memref<1x64xi32, #tpu.memory_space<vmem>> -> memref<64xi32, #tpu.memory_space<vmem>>
          %dma_start3A_125 = arith.constant 0 : i32
          %dma_start3A_126 = arith.constant 0 : i32
          %dma_start3A_127 = tpu.memref_slice %arg7[%dma_start3A_125, %dma_start3A_126] : memref<10112x128xf32, #tpu.memory_space<vmem_shared>> -> memref<10112x128xf32, #tpu.memory_space<vmem_shared>>
          tpu.enqueue_indirect_dma source(%arg13 : memref<64x128xf32, #tpu.memory_space<vmem>>) target(%dma_start3A_127 : memref<10112x128xf32, #tpu.memory_space<vmem_shared>>) offsets(%dma_start3A_124 : memref<64xi32, #tpu.memory_space<vmem>>) semaphore(%run_scoped3A : memref<!tpu.dma_semaphore, #tpu.memory_space<semaphore_mem>>) {add = true}
          %dma_wait3A_128 = arith.constant 0 : i32
          %dma_wait3A_129 = tpu.memref_slice %arg9[%add3A_108, %dma_wait3A_128] : memref<40x64xi32, #tpu.memory_space<vmem>> -> memref<1x64xi32, #tpu.memory_space<vmem>>
          %dma_wait3A_130 = tpu.memref_squeeze %dma_wait3A_129 : memref<1x64xi32, #tpu.memory_space<vmem>> -> memref<64xi32, #tpu.memory_space<vmem>>
          %dma_wait3A_131 = arith.constant 0 : i32
          %dma_wait3A_132 = arith.constant 0 : i32
          %dma_wait3A_133 = tpu.memref_slice %arg7[%dma_wait3A_131, %dma_wait3A_132] : memref<10112x128xf32, #tpu.memory_space<vmem_shared>> -> memref<10112x128xf32, #tpu.memory_space<vmem_shared>>
          tpu.wait_indirect_dma semaphore(%run_scoped3A : memref<!tpu.dma_semaphore, #tpu.memory_space<semaphore_mem>>) src(%arg13 : memref<64x128xf32, #tpu.memory_space<vmem>>) dst(%dma_wait3A_133 : memref<10112x128xf32, #tpu.memory_space<vmem_shared>>)
          tpu.yield
        }) : () -> ()
        %add3A_115 = arith.constant 4 : i32
        %add3A_116 = arith.addi %add3A_108, %add3A_115 : i32
        %lt3A_117 = arith.constant 40 : i32
        %lt3A_118 = arith.cmpi slt, %add3A_116, %lt3A_117 : i32
        %convert_element_type3A_119 = arith.extui %lt3A_118 : i1 to i32
        %cond3A_120 = arith.constant 0 : i32
        %cond3A_121 = arith.cmpi ne, %convert_element_type3A_119, %cond3A_120 : i32
        scf.if %cond3A_121 {
          %add3A_122 = arith.constant 4 : i32
          %add3A_123 = arith.addi %add3A_108, %add3A_122 : i32
          %dma_start3A_124 = arith.constant 0 : i32
          %dma_start3A_125 = tpu.memref_slice %arg8[%add3A_123, %dma_start3A_124] : memref<40x64xi32, #tpu.memory_space<vmem>> -> memref<1x64xi32, #tpu.memory_space<vmem>>
          %dma_start3A_126 = tpu.memref_squeeze %dma_start3A_125 : memref<1x64xi32, #tpu.memory_space<vmem>> -> memref<64xi32, #tpu.memory_space<vmem>>
          %dma_start3A_127 = arith.constant 0 : i32
          %dma_start3A_128 = arith.constant 0 : i32
          %dma_start3A_129 = tpu.memref_slice %arg2[%dma_start3A_127, %dma_start3A_128] : memref<10000x128xf32, #tpu.memory_space<hbm>> -> memref<10000x128xf32, #tpu.memory_space<hbm>>
          tpu.enqueue_indirect_dma source(%dma_start3A_129 : memref<10000x128xf32, #tpu.memory_space<hbm>>) target(%arg13 : memref<64x128xf32, #tpu.memory_space<vmem>>) offsets(%dma_start3A_126 : memref<64xi32, #tpu.memory_space<vmem>>) semaphore(%arg17 : memref<!tpu.dma_semaphore, #tpu.memory_space<semaphore_mem>>)
        } else {
        }
      }
      %scan3A_56 = arith.constant 10 : i32
    }
    %while3A_15 = arith.constant 1 : i32
    scf.for %while3A_21 = %while3A_13 to %while3A_9 step %while3A_15  : i32 {
      %mul3A_22 = arith.constant 40 : i32
      %mul3A_23 = arith.muli %while3A_21, %mul3A_22 : i32
      "tpu.region"() ({
        %run_scoped3A = tpu.sem_alloc : memref<!tpu.dma_semaphore, #tpu.memory_space<semaphore_mem>>
        %dma_start3A_57 = arith.constant 0 : i32
        %dma_start3A_58 = tpu.memref_slice %arg3[%add3A, %mul3A_23, %dma_start3A_57] : memref<32x160x64xi32, #tpu.memory_space<hbm>> -> memref<1x40x64xi32, #tpu.memory_space<hbm>>
        %dma_start3A_59 = tpu.memref_squeeze %dma_start3A_58 : memref<1x40x64xi32, #tpu.memory_space<hbm>> -> memref<40x64xi32, #tpu.memory_space<hbm>>
        %dma_start3A_60 = arith.constant 0 : i32
        %dma_start3A_61 = tpu.memref_slice %arg3[%add3A, %mul3A_23, %dma_start3A_60] : memref<32x160x64xi32, #tpu.memory_space<hbm>> -> memref<1x40x64xi32, #tpu.memory_space<hbm>>
        %dma_start3A_62 = tpu.memref_squeeze %dma_start3A_61 : memref<1x40x64xi32, #tpu.memory_space<hbm>> -> memref<40x64xi32, #tpu.memory_space<hbm>>
        tpu.enqueue_dma source(%dma_start3A_62 : memref<40x64xi32, #tpu.memory_space<hbm>>) target(%arg8 : memref<40x64xi32, #tpu.memory_space<vmem>>) target_semaphore(%run_scoped3A : memref<!tpu.dma_semaphore, #tpu.memory_space<semaphore_mem>>)
        %dma_wait3A = arith.constant 0 : i32
        %dma_wait3A_63 = tpu.memref_slice %arg3[%add3A, %mul3A_23, %dma_wait3A] : memref<32x160x64xi32, #tpu.memory_space<hbm>> -> memref<1x40x64xi32, #tpu.memory_space<hbm>>
        %dma_wait3A_64 = tpu.memref_squeeze %dma_wait3A_63 : memref<1x40x64xi32, #tpu.memory_space<hbm>> -> memref<40x64xi32, #tpu.memory_space<hbm>>
        %dma_wait3A_65 = arith.constant 0 : i32
        %dma_wait3A_66 = tpu.memref_slice %arg3[%add3A, %mul3A_23, %dma_wait3A_65] : memref<32x160x64xi32, #tpu.memory_space<hbm>> -> memref<1x40x64xi32, #tpu.memory_space<hbm>>
        %dma_wait3A_67 = tpu.memref_squeeze %dma_wait3A_66 : memref<1x40x64xi32, #tpu.memory_space<hbm>> -> memref<40x64xi32, #tpu.memory_space<hbm>>
        tpu.wait_dma2 semaphore(%run_scoped3A : memref<!tpu.dma_semaphore, #tpu.memory_space<semaphore_mem>>) src(%dma_wait3A_67 : memref<40x64xi32, #tpu.memory_space<hbm>>) dst(%arg8 : memref<40x64xi32, #tpu.memory_space<vmem>>)
        tpu.yield
      }) : () -> ()
      %mul3A_24 = arith.constant 40 : i32
      %mul3A_25 = arith.muli %while3A_21, %mul3A_24 : i32
      "tpu.region"() ({
        %run_scoped3A = tpu.sem_alloc : memref<!tpu.dma_semaphore, #tpu.memory_space<semaphore_mem>>
        %dma_start3A_57 = arith.constant 0 : i32
        %dma_start3A_58 = tpu.memref_slice %arg4[%add3A, %mul3A_25, %dma_start3A_57] : memref<32x160x64xi32, #tpu.memory_space<hbm>> -> memref<1x40x64xi32, #tpu.memory_space<hbm>>
        %dma_start3A_59 = tpu.memref_squeeze %dma_start3A_58 : memref<1x40x64xi32, #tpu.memory_space<hbm>> -> memref<40x64xi32, #tpu.memory_space<hbm>>
        %dma_start3A_60 = arith.constant 0 : i32
        %dma_start3A_61 = tpu.memref_slice %arg4[%add3A, %mul3A_25, %dma_start3A_60] : memref<32x160x64xi32, #tpu.memory_space<hbm>> -> memref<1x40x64xi32, #tpu.memory_space<hbm>>
        %dma_start3A_62 = tpu.memref_squeeze %dma_start3A_61 : memref<1x40x64xi32, #tpu.memory_space<hbm>> -> memref<40x64xi32, #tpu.memory_space<hbm>>
        tpu.enqueue_dma source(%dma_start3A_62 : memref<40x64xi32, #tpu.memory_space<hbm>>) target(%arg9 : memref<40x64xi32, #tpu.memory_space<vmem>>) target_semaphore(%run_scoped3A : memref<!tpu.dma_semaphore, #tpu.memory_space<semaphore_mem>>)
        %dma_wait3A = arith.constant 0 : i32
        %dma_wait3A_63 = tpu.memref_slice %arg4[%add3A, %mul3A_25, %dma_wait3A] : memref<32x160x64xi32, #tpu.memory_space<hbm>> -> memref<1x40x64xi32, #tpu.memory_space<hbm>>
        %dma_wait3A_64 = tpu.memref_squeeze %dma_wait3A_63 : memref<1x40x64xi32, #tpu.memory_space<hbm>> -> memref<40x64xi32, #tpu.memory_space<hbm>>
        %dma_wait3A_65 = arith.constant 0 : i32
        %dma_wait3A_66 = tpu.memref_slice %arg4[%add3A, %mul3A_25, %dma_wait3A_65] : memref<32x160x64xi32, #tpu.memory_space<hbm>> -> memref<1x40x64xi32, #tpu.memory_space<hbm>>
        %dma_wait3A_67 = tpu.memref_squeeze %dma_wait3A_66 : memref<1x40x64xi32, #tpu.memory_space<hbm>> -> memref<40x64xi32, #tpu.memory_space<hbm>>
        tpu.wait_dma2 semaphore(%run_scoped3A : memref<!tpu.dma_semaphore, #tpu.memory_space<semaphore_mem>>) src(%dma_wait3A_67 : memref<40x64xi32, #tpu.memory_space<hbm>>) dst(%arg9 : memref<40x64xi32, #tpu.memory_space<vmem>>)
        tpu.yield
      }) : () -> ()
      %dma_start3A = arith.constant 0 : i32
      %dma_start3A_26 = arith.constant 0 : i32
      %dma_start3A_27 = tpu.memref_slice %arg8[%dma_start3A, %dma_start3A_26] : memref<40x64xi32, #tpu.memory_space<vmem>> -> memref<1x64xi32, #tpu.memory_space<vmem>>
      %dma_start3A_28 = tpu.memref_squeeze %dma_start3A_27 : memref<1x64xi32, #tpu.memory_space<vmem>> -> memref<64xi32, #tpu.memory_space<vmem>>
      %dma_start3A_29 = arith.constant 0 : i32
      %dma_start3A_30 = arith.constant 0 : i32
      %dma_start3A_31 = tpu.memref_slice %arg2[%dma_start3A_29, %dma_start3A_30] : memref<10000x128xf32, #tpu.memory_space<hbm>> -> memref<10000x128xf32, #tpu.memory_space<hbm>>
      tpu.enqueue_indirect_dma source(%dma_start3A_31 : memref<10000x128xf32, #tpu.memory_space<hbm>>) target(%arg10 : memref<64x128xf32, #tpu.memory_space<vmem>>) offsets(%dma_start3A_28 : memref<64xi32, #tpu.memory_space<vmem>>) semaphore(%arg14 : memref<!tpu.dma_semaphore, #tpu.memory_space<semaphore_mem>>)
      %dma_start3A_32 = arith.constant 1 : i32
      %dma_start3A_33 = arith.constant 0 : i32
      %dma_start3A_34 = tpu.memref_slice %arg8[%dma_start3A_32, %dma_start3A_33] : memref<40x64xi32, #tpu.memory_space<vmem>> -> memref<1x64xi32, #tpu.memory_space<vmem>>
      %dma_start3A_35 = tpu.memref_squeeze %dma_start3A_34 : memref<1x64xi32, #tpu.memory_space<vmem>> -> memref<64xi32, #tpu.memory_space<vmem>>
      %dma_start3A_36 = arith.constant 0 : i32
      %dma_start3A_37 = arith.constant 0 : i32
      %dma_start3A_38 = tpu.memref_slice %arg2[%dma_start3A_36, %dma_start3A_37] : memref<10000x128xf32, #tpu.memory_space<hbm>> -> memref<10000x128xf32, #tpu.memory_space<hbm>>
      tpu.enqueue_indirect_dma source(%dma_start3A_38 : memref<10000x128xf32, #tpu.memory_space<hbm>>) target(%arg11 : memref<64x128xf32, #tpu.memory_space<vmem>>) offsets(%dma_start3A_35 : memref<64xi32, #tpu.memory_space<vmem>>) semaphore(%arg15 : memref<!tpu.dma_semaphore, #tpu.memory_space<semaphore_mem>>)
      %dma_start3A_39 = arith.constant 2 : i32
      %dma_start3A_40 = arith.constant 0 : i32
      %dma_start3A_41 = tpu.memref_slice %arg8[%dma_start3A_39, %dma_start3A_40] : memref<40x64xi32, #tpu.memory_space<vmem>> -> memref<1x64xi32, #tpu.memory_space<vmem>>
      %dma_start3A_42 = tpu.memref_squeeze %dma_start3A_41 : memref<1x64xi32, #tpu.memory_space<vmem>> -> memref<64xi32, #tpu.memory_space<vmem>>
      %dma_start3A_43 = arith.constant 0 : i32
      %dma_start3A_44 = arith.constant 0 : i32
      %dma_start3A_45 = tpu.memref_slice %arg2[%dma_start3A_43, %dma_start3A_44] : memref<10000x128xf32, #tpu.memory_space<hbm>> -> memref<10000x128xf32, #tpu.memory_space<hbm>>
      tpu.enqueue_indirect_dma source(%dma_start3A_45 : memref<10000x128xf32, #tpu.memory_space<hbm>>) target(%arg12 : memref<64x128xf32, #tpu.memory_space<vmem>>) offsets(%dma_start3A_42 : memref<64xi32, #tpu.memory_space<vmem>>) semaphore(%arg16 : memref<!tpu.dma_semaphore, #tpu.memory_space<semaphore_mem>>)
      %dma_start3A_46 = arith.constant 3 : i32
      %dma_start3A_47 = arith.constant 0 : i32
      %dma_start3A_48 = tpu.memref_slice %arg8[%dma_start3A_46, %dma_start3A_47] : memref<40x64xi32, #tpu.memory_space<vmem>> -> memref<1x64xi32, #tpu.memory_space<vmem>>
      %dma_start3A_49 = tpu.memref_squeeze %dma_start3A_48 : memref<1x64xi32, #tpu.memory_space<vmem>> -> memref<64xi32, #tpu.memory_space<vmem>>
      %dma_start3A_50 = arith.constant 0 : i32
      %dma_start3A_51 = arith.constant 0 : i32
      %dma_start3A_52 = tpu.memref_slice %arg2[%dma_start3A_50, %dma_start3A_51] : memref<10000x128xf32, #tpu.memory_space<hbm>> -> memref<10000x128xf32, #tpu.memory_space<hbm>>
      tpu.enqueue_indirect_dma source(%dma_start3A_52 : memref<10000x128xf32, #tpu.memory_space<hbm>>) target(%arg13 : memref<64x128xf32, #tpu.memory_space<vmem>>) offsets(%dma_start3A_49 : memref<64xi32, #tpu.memory_space<vmem>>) semaphore(%arg17 : memref<!tpu.dma_semaphore, #tpu.memory_space<semaphore_mem>>)
      %scan3A = arith.constant 0 : i32
      %scan3A_53 = arith.constant 10 : i32
      %scan3A_54 = arith.addi %scan3A, %scan3A_53 : i32
      %scan3A_55 = arith.constant 1 : i32
      scf.for %scan3A_57 = %scan3A to %scan3A_54 step %scan3A_55  : i32 {
        %mul3A_58 = arith.constant 4 : i32
        %mul3A_59 = arith.muli %scan3A_57, %mul3A_58 : i32
        %add3A_60 = arith.constant 0 : i32
        %add3A_61 = arith.addi %mul3A_59, %add3A_60 : i32
        %dma_wait3A = arith.constant 0 : i32
        %dma_wait3A_62 = tpu.memref_slice %arg8[%add3A_61, %dma_wait3A] : memref<40x64xi32, #tpu.memory_space<vmem>> -> memref<1x64xi32, #tpu.memory_space<vmem>>
        %dma_wait3A_63 = tpu.memref_squeeze %dma_wait3A_62 : memref<1x64xi32, #tpu.memory_space<vmem>> -> memref<64xi32, #tpu.memory_space<vmem>>
        %dma_wait3A_64 = arith.constant 0 : i32
        %dma_wait3A_65 = arith.constant 0 : i32
        %dma_wait3A_66 = tpu.memref_slice %arg2[%dma_wait3A_64, %dma_wait3A_65] : memref<10000x128xf32, #tpu.memory_space<hbm>> -> memref<10000x128xf32, #tpu.memory_space<hbm>>
        tpu.wait_indirect_dma semaphore(%arg14 : memref<!tpu.dma_semaphore, #tpu.memory_space<semaphore_mem>>) src(%dma_wait3A_66 : memref<10000x128xf32, #tpu.memory_space<hbm>>) dst(%arg10 : memref<64x128xf32, #tpu.memory_space<vmem>>)
        "tpu.region"() ({
          %run_scoped3A = tpu.sem_alloc : memref<!tpu.dma_semaphore, #tpu.memory_space<semaphore_mem>>
          %dma_start3A_122 = arith.constant 0 : i32
          %dma_start3A_123 = tpu.memref_slice %arg9[%add3A_61, %dma_start3A_122] : memref<40x64xi32, #tpu.memory_space<vmem>> -> memref<1x64xi32, #tpu.memory_space<vmem>>
          %dma_start3A_124 = tpu.memref_squeeze %dma_start3A_123 : memref<1x64xi32, #tpu.memory_space<vmem>> -> memref<64xi32, #tpu.memory_space<vmem>>
          %dma_start3A_125 = arith.constant 0 : i32
          %dma_start3A_126 = arith.constant 0 : i32
          %dma_start3A_127 = tpu.memref_slice %arg7[%dma_start3A_125, %dma_start3A_126] : memref<10112x128xf32, #tpu.memory_space<vmem_shared>> -> memref<10112x128xf32, #tpu.memory_space<vmem_shared>>
          tpu.enqueue_indirect_dma source(%arg10 : memref<64x128xf32, #tpu.memory_space<vmem>>) target(%dma_start3A_127 : memref<10112x128xf32, #tpu.memory_space<vmem_shared>>) offsets(%dma_start3A_124 : memref<64xi32, #tpu.memory_space<vmem>>) semaphore(%run_scoped3A : memref<!tpu.dma_semaphore, #tpu.memory_space<semaphore_mem>>) {add = true}
          %dma_wait3A_128 = arith.constant 0 : i32
          %dma_wait3A_129 = tpu.memref_slice %arg9[%add3A_61, %dma_wait3A_128] : memref<40x64xi32, #tpu.memory_space<vmem>> -> memref<1x64xi32, #tpu.memory_space<vmem>>
          %dma_wait3A_130 = tpu.memref_squeeze %dma_wait3A_129 : memref<1x64xi32, #tpu.memory_space<vmem>> -> memref<64xi32, #tpu.memory_space<vmem>>
          %dma_wait3A_131 = arith.constant 0 : i32
          %dma_wait3A_132 = arith.constant 0 : i32
          %dma_wait3A_133 = tpu.memref_slice %arg7[%dma_wait3A_131, %dma_wait3A_132] : memref<10112x128xf32, #tpu.memory_space<vmem_shared>> -> memref<10112x128xf32, #tpu.memory_space<vmem_shared>>
          tpu.wait_indirect_dma semaphore(%run_scoped3A : memref<!tpu.dma_semaphore, #tpu.memory_space<semaphore_mem>>) src(%arg10 : memref<64x128xf32, #tpu.memory_space<vmem>>) dst(%dma_wait3A_133 : memref<10112x128xf32, #tpu.memory_space<vmem_shared>>)
          tpu.yield
        }) : () -> ()
        %add3A_67 = arith.constant 4 : i32
        %add3A_68 = arith.addi %add3A_61, %add3A_67 : i32
        %lt3A = arith.constant 40 : i32
        %lt3A_69 = arith.cmpi slt, %add3A_68, %lt3A : i32
        %convert_element_type3A = arith.extui %lt3A_69 : i1 to i32
        %cond3A = arith.constant 0 : i32
        %cond3A_70 = arith.cmpi ne, %convert_element_type3A, %cond3A : i32
        scf.if %cond3A_70 {
          %add3A_122 = arith.constant 4 : i32
          %add3A_123 = arith.addi %add3A_61, %add3A_122 : i32
          %dma_start3A_124 = arith.constant 0 : i32
          %dma_start3A_125 = tpu.memref_slice %arg8[%add3A_123, %dma_start3A_124] : memref<40x64xi32, #tpu.memory_space<vmem>> -> memref<1x64xi32, #tpu.memory_space<vmem>>
          %dma_start3A_126 = tpu.memref_squeeze %dma_start3A_125 : memref<1x64xi32, #tpu.memory_space<vmem>> -> memref<64xi32, #tpu.memory_space<vmem>>
          %dma_start3A_127 = arith.constant 0 : i32
          %dma_start3A_128 = arith.constant 0 : i32
          %dma_start3A_129 = tpu.memref_slice %arg2[%dma_start3A_127, %dma_start3A_128] : memref<10000x128xf32, #tpu.memory_space<hbm>> -> memref<10000x128xf32, #tpu.memory_space<hbm>>
          tpu.enqueue_indirect_dma source(%dma_start3A_129 : memref<10000x128xf32, #tpu.memory_space<hbm>>) target(%arg10 : memref<64x128xf32, #tpu.memory_space<vmem>>) offsets(%dma_start3A_126 : memref<64xi32, #tpu.memory_space<vmem>>) semaphore(%arg14 : memref<!tpu.dma_semaphore, #tpu.memory_space<semaphore_mem>>)
        } else {
        }
        %mul3A_71 = arith.constant 4 : i32
        %mul3A_72 = arith.muli %scan3A_57, %mul3A_71 : i32
        %add3A_73 = arith.constant 1 : i32
        %add3A_74 = arith.addi %mul3A_72, %add3A_73 : i32
        %dma_wait3A_75 = arith.constant 0 : i32
        %dma_wait3A_76 = tpu.memref_slice %arg8[%add3A_74, %dma_wait3A_75] : memref<40x64xi32, #tpu.memory_space<vmem>> -> memref<1x64xi32, #tpu.memory_space<vmem>>
        %dma_wait3A_77 = tpu.memref_squeeze %dma_wait3A_76 : memref<1x64xi32, #tpu.memory_space<vmem>> -> memref<64xi32, #tpu.memory_space<vmem>>
        %dma_wait3A_78 = arith.constant 0 : i32
        %dma_wait3A_79 = arith.constant 0 : i32
        %dma_wait3A_80 = tpu.memref_slice %arg2[%dma_wait3A_78, %dma_wait3A_79] : memref<10000x128xf32, #tpu.memory_space<hbm>> -> memref<10000x128xf32, #tpu.memory_space<hbm>>
        tpu.wait_indirect_dma semaphore(%arg15 : memref<!tpu.dma_semaphore, #tpu.memory_space<semaphore_mem>>) src(%dma_wait3A_80 : memref<10000x128xf32, #tpu.memory_space<hbm>>) dst(%arg11 : memref<64x128xf32, #tpu.memory_space<vmem>>)
        "tpu.region"() ({
          %run_scoped3A = tpu.sem_alloc : memref<!tpu.dma_semaphore, #tpu.memory_space<semaphore_mem>>
          %dma_start3A_122 = arith.constant 0 : i32
          %dma_start3A_123 = tpu.memref_slice %arg9[%add3A_74, %dma_start3A_122] : memref<40x64xi32, #tpu.memory_space<vmem>> -> memref<1x64xi32, #tpu.memory_space<vmem>>
          %dma_start3A_124 = tpu.memref_squeeze %dma_start3A_123 : memref<1x64xi32, #tpu.memory_space<vmem>> -> memref<64xi32, #tpu.memory_space<vmem>>
          %dma_start3A_125 = arith.constant 0 : i32
          %dma_start3A_126 = arith.constant 0 : i32
          %dma_start3A_127 = tpu.memref_slice %arg7[%dma_start3A_125, %dma_start3A_126] : memref<10112x128xf32, #tpu.memory_space<vmem_shared>> -> memref<10112x128xf32, #tpu.memory_space<vmem_shared>>
          tpu.enqueue_indirect_dma source(%arg11 : memref<64x128xf32, #tpu.memory_space<vmem>>) target(%dma_start3A_127 : memref<10112x128xf32, #tpu.memory_space<vmem_shared>>) offsets(%dma_start3A_124 : memref<64xi32, #tpu.memory_space<vmem>>) semaphore(%run_scoped3A : memref<!tpu.dma_semaphore, #tpu.memory_space<semaphore_mem>>) {add = true}
          %dma_wait3A_128 = arith.constant 0 : i32
          %dma_wait3A_129 = tpu.memref_slice %arg9[%add3A_74, %dma_wait3A_128] : memref<40x64xi32, #tpu.memory_space<vmem>> -> memref<1x64xi32, #tpu.memory_space<vmem>>
          %dma_wait3A_130 = tpu.memref_squeeze %dma_wait3A_129 : memref<1x64xi32, #tpu.memory_space<vmem>> -> memref<64xi32, #tpu.memory_space<vmem>>
          %dma_wait3A_131 = arith.constant 0 : i32
          %dma_wait3A_132 = arith.constant 0 : i32
          %dma_wait3A_133 = tpu.memref_slice %arg7[%dma_wait3A_131, %dma_wait3A_132] : memref<10112x128xf32, #tpu.memory_space<vmem_shared>> -> memref<10112x128xf32, #tpu.memory_space<vmem_shared>>
          tpu.wait_indirect_dma semaphore(%run_scoped3A : memref<!tpu.dma_semaphore, #tpu.memory_space<semaphore_mem>>) src(%arg11 : memref<64x128xf32, #tpu.memory_space<vmem>>) dst(%dma_wait3A_133 : memref<10112x128xf32, #tpu.memory_space<vmem_shared>>)
          tpu.yield
        }) : () -> ()
        %add3A_81 = arith.constant 4 : i32
        %add3A_82 = arith.addi %add3A_74, %add3A_81 : i32
        %lt3A_83 = arith.constant 40 : i32
        %lt3A_84 = arith.cmpi slt, %add3A_82, %lt3A_83 : i32
        %convert_element_type3A_85 = arith.extui %lt3A_84 : i1 to i32
        %cond3A_86 = arith.constant 0 : i32
        %cond3A_87 = arith.cmpi ne, %convert_element_type3A_85, %cond3A_86 : i32
        scf.if %cond3A_87 {
          %add3A_122 = arith.constant 4 : i32
          %add3A_123 = arith.addi %add3A_74, %add3A_122 : i32
          %dma_start3A_124 = arith.constant 0 : i32
          %dma_start3A_125 = tpu.memref_slice %arg8[%add3A_123, %dma_start3A_124] : memref<40x64xi32, #tpu.memory_space<vmem>> -> memref<1x64xi32, #tpu.memory_space<vmem>>
          %dma_start3A_126 = tpu.memref_squeeze %dma_start3A_125 : memref<1x64xi32, #tpu.memory_space<vmem>> -> memref<64xi32, #tpu.memory_space<vmem>>
          %dma_start3A_127 = arith.constant 0 : i32
          %dma_start3A_128 = arith.constant 0 : i32
          %dma_start3A_129 = tpu.memref_slice %arg2[%dma_start3A_127, %dma_start3A_128] : memref<10000x128xf32, #tpu.memory_space<hbm>> -> memref<10000x128xf32, #tpu.memory_space<hbm>>
          tpu.enqueue_indirect_dma source(%dma_start3A_129 : memref<10000x128xf32, #tpu.memory_space<hbm>>) target(%arg11 : memref<64x128xf32, #tpu.memory_space<vmem>>) offsets(%dma_start3A_126 : memref<64xi32, #tpu.memory_space<vmem>>) semaphore(%arg15 : memref<!tpu.dma_semaphore, #tpu.memory_space<semaphore_mem>>)
        } else {
        }
        %mul3A_88 = arith.constant 4 : i32
        %mul3A_89 = arith.muli %scan3A_57, %mul3A_88 : i32
        %add3A_90 = arith.constant 2 : i32
        %add3A_91 = arith.addi %mul3A_89, %add3A_90 : i32
        %dma_wait3A_92 = arith.constant 0 : i32
        %dma_wait3A_93 = tpu.memref_slice %arg8[%add3A_91, %dma_wait3A_92] : memref<40x64xi32, #tpu.memory_space<vmem>> -> memref<1x64xi32, #tpu.memory_space<vmem>>
        %dma_wait3A_94 = tpu.memref_squeeze %dma_wait3A_93 : memref<1x64xi32, #tpu.memory_space<vmem>> -> memref<64xi32, #tpu.memory_space<vmem>>
        %dma_wait3A_95 = arith.constant 0 : i32
        %dma_wait3A_96 = arith.constant 0 : i32
        %dma_wait3A_97 = tpu.memref_slice %arg2[%dma_wait3A_95, %dma_wait3A_96] : memref<10000x128xf32, #tpu.memory_space<hbm>> -> memref<10000x128xf32, #tpu.memory_space<hbm>>
        tpu.wait_indirect_dma semaphore(%arg16 : memref<!tpu.dma_semaphore, #tpu.memory_space<semaphore_mem>>) src(%dma_wait3A_97 : memref<10000x128xf32, #tpu.memory_space<hbm>>) dst(%arg12 : memref<64x128xf32, #tpu.memory_space<vmem>>)
        "tpu.region"() ({
          %run_scoped3A = tpu.sem_alloc : memref<!tpu.dma_semaphore, #tpu.memory_space<semaphore_mem>>
          %dma_start3A_122 = arith.constant 0 : i32
          %dma_start3A_123 = tpu.memref_slice %arg9[%add3A_91, %dma_start3A_122] : memref<40x64xi32, #tpu.memory_space<vmem>> -> memref<1x64xi32, #tpu.memory_space<vmem>>
          %dma_start3A_124 = tpu.memref_squeeze %dma_start3A_123 : memref<1x64xi32, #tpu.memory_space<vmem>> -> memref<64xi32, #tpu.memory_space<vmem>>
          %dma_start3A_125 = arith.constant 0 : i32
          %dma_start3A_126 = arith.constant 0 : i32
          %dma_start3A_127 = tpu.memref_slice %arg7[%dma_start3A_125, %dma_start3A_126] : memref<10112x128xf32, #tpu.memory_space<vmem_shared>> -> memref<10112x128xf32, #tpu.memory_space<vmem_shared>>
          tpu.enqueue_indirect_dma source(%arg12 : memref<64x128xf32, #tpu.memory_space<vmem>>) target(%dma_start3A_127 : memref<10112x128xf32, #tpu.memory_space<vmem_shared>>) offsets(%dma_start3A_124 : memref<64xi32, #tpu.memory_space<vmem>>) semaphore(%run_scoped3A : memref<!tpu.dma_semaphore, #tpu.memory_space<semaphore_mem>>) {add = true}
          %dma_wait3A_128 = arith.constant 0 : i32
          %dma_wait3A_129 = tpu.memref_slice %arg9[%add3A_91, %dma_wait3A_128] : memref<40x64xi32, #tpu.memory_space<vmem>> -> memref<1x64xi32, #tpu.memory_space<vmem>>
          %dma_wait3A_130 = tpu.memref_squeeze %dma_wait3A_129 : memref<1x64xi32, #tpu.memory_space<vmem>> -> memref<64xi32, #tpu.memory_space<vmem>>
          %dma_wait3A_131 = arith.constant 0 : i32
          %dma_wait3A_132 = arith.constant 0 : i32
          %dma_wait3A_133 = tpu.memref_slice %arg7[%dma_wait3A_131, %dma_wait3A_132] : memref<10112x128xf32, #tpu.memory_space<vmem_shared>> -> memref<10112x128xf32, #tpu.memory_space<vmem_shared>>
          tpu.wait_indirect_dma semaphore(%run_scoped3A : memref<!tpu.dma_semaphore, #tpu.memory_space<semaphore_mem>>) src(%arg12 : memref<64x128xf32, #tpu.memory_space<vmem>>) dst(%dma_wait3A_133 : memref<10112x128xf32, #tpu.memory_space<vmem_shared>>)
          tpu.yield
        }) : () -> ()
        %add3A_98 = arith.constant 4 : i32
        %add3A_99 = arith.addi %add3A_91, %add3A_98 : i32
        %lt3A_100 = arith.constant 40 : i32
        %lt3A_101 = arith.cmpi slt, %add3A_99, %lt3A_100 : i32
        %convert_element_type3A_102 = arith.extui %lt3A_101 : i1 to i32
        %cond3A_103 = arith.constant 0 : i32
        %cond3A_104 = arith.cmpi ne, %convert_element_type3A_102, %cond3A_103 : i32
        scf.if %cond3A_104 {
          %add3A_122 = arith.constant 4 : i32
          %add3A_123 = arith.addi %add3A_91, %add3A_122 : i32
          %dma_start3A_124 = arith.constant 0 : i32
          %dma_start3A_125 = tpu.memref_slice %arg8[%add3A_123, %dma_start3A_124] : memref<40x64xi32, #tpu.memory_space<vmem>> -> memref<1x64xi32, #tpu.memory_space<vmem>>
          %dma_start3A_126 = tpu.memref_squeeze %dma_start3A_125 : memref<1x64xi32, #tpu.memory_space<vmem>> -> memref<64xi32, #tpu.memory_space<vmem>>
          %dma_start3A_127 = arith.constant 0 : i32
          %dma_start3A_128 = arith.constant 0 : i32
          %dma_start3A_129 = tpu.memref_slice %arg2[%dma_start3A_127, %dma_start3A_128] : memref<10000x128xf32, #tpu.memory_space<hbm>> -> memref<10000x128xf32, #tpu.memory_space<hbm>>
          tpu.enqueue_indirect_dma source(%dma_start3A_129 : memref<10000x128xf32, #tpu.memory_space<hbm>>) target(%arg12 : memref<64x128xf32, #tpu.memory_space<vmem>>) offsets(%dma_start3A_126 : memref<64xi32, #tpu.memory_space<vmem>>) semaphore(%arg16 : memref<!tpu.dma_semaphore, #tpu.memory_space<semaphore_mem>>)
        } else {
        }
        %mul3A_105 = arith.constant 4 : i32
        %mul3A_106 = arith.muli %scan3A_57, %mul3A_105 : i32
        %add3A_107 = arith.constant 3 : i32
        %add3A_108 = arith.addi %mul3A_106, %add3A_107 : i32
        %dma_wait3A_109 = arith.constant 0 : i32
        %dma_wait3A_110 = tpu.memref_slice %arg8[%add3A_108, %dma_wait3A_109] : memref<40x64xi32, #tpu.memory_space<vmem>> -> memref<1x64xi32, #tpu.memory_space<vmem>>
        %dma_wait3A_111 = tpu.memref_squeeze %dma_wait3A_110 : memref<1x64xi32, #tpu.memory_space<vmem>> -> memref<64xi32, #tpu.memory_space<vmem>>
        %dma_wait3A_112 = arith.constant 0 : i32
        %dma_wait3A_113 = arith.constant 0 : i32
        %dma_wait3A_114 = tpu.memref_slice %arg2[%dma_wait3A_112, %dma_wait3A_113] : memref<10000x128xf32, #tpu.memory_space<hbm>> -> memref<10000x128xf32, #tpu.memory_space<hbm>>
        tpu.wait_indirect_dma semaphore(%arg17 : memref<!tpu.dma_semaphore, #tpu.memory_space<semaphore_mem>>) src(%dma_wait3A_114 : memref<10000x128xf32, #tpu.memory_space<hbm>>) dst(%arg13 : memref<64x128xf32, #tpu.memory_space<vmem>>)
        "tpu.region"() ({
          %run_scoped3A = tpu.sem_alloc : memref<!tpu.dma_semaphore, #tpu.memory_space<semaphore_mem>>
          %dma_start3A_122 = arith.constant 0 : i32
          %dma_start3A_123 = tpu.memref_slice %arg9[%add3A_108, %dma_start3A_122] : memref<40x64xi32, #tpu.memory_space<vmem>> -> memref<1x64xi32, #tpu.memory_space<vmem>>
          %dma_start3A_124 = tpu.memref_squeeze %dma_start3A_123 : memref<1x64xi32, #tpu.memory_space<vmem>> -> memref<64xi32, #tpu.memory_space<vmem>>
          %dma_start3A_125 = arith.constant 0 : i32
          %dma_start3A_126 = arith.constant 0 : i32
          %dma_start3A_127 = tpu.memref_slice %arg7[%dma_start3A_125, %dma_start3A_126] : memref<10112x128xf32, #tpu.memory_space<vmem_shared>> -> memref<10112x128xf32, #tpu.memory_space<vmem_shared>>
          tpu.enqueue_indirect_dma source(%arg13 : memref<64x128xf32, #tpu.memory_space<vmem>>) target(%dma_start3A_127 : memref<10112x128xf32, #tpu.memory_space<vmem_shared>>) offsets(%dma_start3A_124 : memref<64xi32, #tpu.memory_space<vmem>>) semaphore(%run_scoped3A : memref<!tpu.dma_semaphore, #tpu.memory_space<semaphore_mem>>) {add = true}
          %dma_wait3A_128 = arith.constant 0 : i32
          %dma_wait3A_129 = tpu.memref_slice %arg9[%add3A_108, %dma_wait3A_128] : memref<40x64xi32, #tpu.memory_space<vmem>> -> memref<1x64xi32, #tpu.memory_space<vmem>>
          %dma_wait3A_130 = tpu.memref_squeeze %dma_wait3A_129 : memref<1x64xi32, #tpu.memory_space<vmem>> -> memref<64xi32, #tpu.memory_space<vmem>>
          %dma_wait3A_131 = arith.constant 0 : i32
          %dma_wait3A_132 = arith.constant 0 : i32
          %dma_wait3A_133 = tpu.memref_slice %arg7[%dma_wait3A_131, %dma_wait3A_132] : memref<10112x128xf32, #tpu.memory_space<vmem_shared>> -> memref<10112x128xf32, #tpu.memory_space<vmem_shared>>
          tpu.wait_indirect_dma semaphore(%run_scoped3A : memref<!tpu.dma_semaphore, #tpu.memory_space<semaphore_mem>>) src(%arg13 : memref<64x128xf32, #tpu.memory_space<vmem>>) dst(%dma_wait3A_133 : memref<10112x128xf32, #tpu.memory_space<vmem_shared>>)
          tpu.yield
        }) : () -> ()
        %add3A_115 = arith.constant 4 : i32
        %add3A_116 = arith.addi %add3A_108, %add3A_115 : i32
        %lt3A_117 = arith.constant 40 : i32
        %lt3A_118 = arith.cmpi slt, %add3A_116, %lt3A_117 : i32
        %convert_element_type3A_119 = arith.extui %lt3A_118 : i1 to i32
        %cond3A_120 = arith.constant 0 : i32
        %cond3A_121 = arith.cmpi ne, %convert_element_type3A_119, %cond3A_120 : i32
        scf.if %cond3A_121 {
          %add3A_122 = arith.constant 4 : i32
          %add3A_123 = arith.addi %add3A_108, %add3A_122 : i32
          %dma_start3A_124 = arith.constant 0 : i32
          %dma_start3A_125 = tpu.memref_slice %arg8[%add3A_123, %dma_start3A_124] : memref<40x64xi32, #tpu.memory_space<vmem>> -> memref<1x64xi32, #tpu.memory_space<vmem>>
          %dma_start3A_126 = tpu.memref_squeeze %dma_start3A_125 : memref<1x64xi32, #tpu.memory_space<vmem>> -> memref<64xi32, #tpu.memory_space<vmem>>
          %dma_start3A_127 = arith.constant 0 : i32
          %dma_start3A_128 = arith.constant 0 : i32
          %dma_start3A_129 = tpu.memref_slice %arg2[%dma_start3A_127, %dma_start3A_128] : memref<10000x128xf32, #tpu.memory_space<hbm>> -> memref<10000x128xf32, #tpu.memory_space<hbm>>
          tpu.enqueue_indirect_dma source(%dma_start3A_129 : memref<10000x128xf32, #tpu.memory_space<hbm>>) target(%arg13 : memref<64x128xf32, #tpu.memory_space<vmem>>) offsets(%dma_start3A_126 : memref<64xi32, #tpu.memory_space<vmem>>) semaphore(%arg17 : memref<!tpu.dma_semaphore, #tpu.memory_space<semaphore_mem>>)
        } else {
        }
      }
      %scan3A_56 = arith.constant 10 : i32
    }
    %barrier3A_16 = arith.constant 0 : index
    tpu.barrier barrier_id(%barrier3A_16)
    %mul3A_17 = arith.constant 632 : i32
    %mul3A_18 = arith.muli %arg1, %mul3A_17 : i32
    %mul3A_19 = arith.constant 632 : i32
    %mul3A_20 = arith.muli %arg1, %mul3A_19 : i32
    "tpu.region"() ({
      %run_scoped3A = tpu.sem_alloc : memref<!tpu.dma_semaphore, #tpu.memory_space<semaphore_mem>>
      %dma_start3A = arith.constant 0 : i32
      %dma_start3A_21 = tpu.memref_slice %arg6[%arg0, %mul3A_20, %dma_start3A] : memref<2x10112x128xf32, #tpu.memory_space<hbm>> -> memref<1x632x128xf32, #tpu.memory_space<hbm>>
      %dma_start3A_22 = tpu.memref_squeeze %dma_start3A_21 : memref<1x632x128xf32, #tpu.memory_space<hbm>> -> memref<632x128xf32, #tpu.memory_space<hbm>>
      %dma_start3A_23 = arith.constant 0 : i32
      %dma_start3A_24 = tpu.memref_slice %arg7[%mul3A_18, %dma_start3A_23] : memref<10112x128xf32, #tpu.memory_space<vmem_shared>> -> memref<632x128xf32, #tpu.memory_space<vmem_shared>>
      tpu.enqueue_dma source(%dma_start3A_24 : memref<632x128xf32, #tpu.memory_space<vmem_shared>>) target(%dma_start3A_22 : memref<632x128xf32, #tpu.memory_space<hbm>>) target_semaphore(%run_scoped3A : memref<!tpu.dma_semaphore, #tpu.memory_space<semaphore_mem>>)
      %dma_wait3A = arith.constant 0 : i32
      %dma_wait3A_25 = tpu.memref_slice %arg6[%arg0, %mul3A_20, %dma_wait3A] : memref<2x10112x128xf32, #tpu.memory_space<hbm>> -> memref<1x632x128xf32, #tpu.memory_space<hbm>>
      %dma_wait3A_26 = tpu.memref_squeeze %dma_wait3A_25 : memref<1x632x128xf32, #tpu.memory_space<hbm>> -> memref<632x128xf32, #tpu.memory_space<hbm>>
      %dma_wait3A_27 = arith.constant 0 : i32
      %dma_wait3A_28 = tpu.memref_slice %arg7[%mul3A_18, %dma_wait3A_27] : memref<10112x128xf32, #tpu.memory_space<vmem_shared>> -> memref<632x128xf32, #tpu.memory_space<vmem_shared>>
      tpu.wait_dma2 semaphore(%run_scoped3A : memref<!tpu.dma_semaphore, #tpu.memory_space<semaphore_mem>>) src(%dma_wait3A_28 : memref<632x128xf32, #tpu.memory_space<vmem_shared>>) dst(%dma_wait3A_26 : memref<632x128xf32, #tpu.memory_space<hbm>>)
      tpu.yield
    }) : () -> ()
    return
  }
}

#map = affine_map<(d0, d1) -> (0, 0)>
#map1 = affine_map<(d0, d1) -> (0, 0, 0)>
module attributes {stable_mosaic.version = 14 : i64} {
  func.func @body(%arg0: i32, %arg1: i32, %arg2: memref<10000x128xf32, #tpu.memory_space<hbm>>, %arg3: memref<32x160x64xi32, #tpu.memory_space<hbm>>, %arg4: memref<32x160x64xi32, #tpu.memory_space<hbm>>, %arg5: memref<10112x128xf32, #tpu.memory_space<hbm>>, %arg6: memref<2x10112x128xf32, #tpu.memory_space<hbm>>, %arg7: memref<10112x128xf32, #tpu.memory_space<vmem_shared>>, %arg8: memref<40x64xi32, #tpu.memory_space<vmem>>, %arg9: memref<40x64xi32, #tpu.memory_space<vmem>>, %arg10: memref<64x128xf32, #tpu.memory_space<vmem>>, %arg11: memref<64x128xf32, #tpu.memory_space<vmem>>, %arg12: memref<64x128xf32, #tpu.memory_space<vmem>>, %arg13: memref<64x128xf32, #tpu.memory_space<vmem>>, %arg14: memref<!tpu.dma_semaphore, #tpu.memory_space<semaphore_mem>>, %arg15: memref<!tpu.dma_semaphore, #tpu.memory_space<semaphore_mem>>, %arg16: memref<!tpu.dma_semaphore, #tpu.memory_space<semaphore_mem>>, %arg17: memref<!tpu.dma_semaphore, #tpu.memory_space<semaphore_mem>>) attributes {dimension_semantics = [#tpu.dimension_semantics<core_parallel>, #tpu.dimension_semantics<subcore_parallel>], iteration_bounds = array<i64: 2, 16>, scalar_prefetch = 0 : i64, scratch_operands = 11 : i64, tpu.core_type = #tpu.core_type<sc_vector_subcore>, window_params = [{transform_indices = #map}, {transform_indices = #map1}, {transform_indices = #map1}, {transform_indices = #map}, {transform_indices = #map1}]} {
    %mul3A = arith.constant 16 : i32
    %mul3A_0 = arith.muli %arg0, %mul3A : i32
    %add3A = arith.addi %mul3A_0, %arg1 : i32
    %eq3A = arith.constant 0 : i32
    %eq3A_1 = arith.cmpi eq, %arg0, %eq3A : i32
    %jit3A = arith.constant 4 : i32
    %jit3A_2 = arith.constant 4 : i32
    %select_n3A = arith.select %eq3A_1, %jit3A, %jit3A_2 : i32
    %mul3A_3 = arith.constant 632 : i32
    %mul3A_4 = arith.muli %arg1, %mul3A_3 : i32
    %mul3A_5 = arith.constant 632 : i32
    %mul3A_6 = arith.muli %arg1, %mul3A_5 : i32
    "tpu.region"() ({
      %run_scoped3A = tpu.sem_alloc : memref<!tpu.dma_semaphore, #tpu.memory_space<semaphore_mem>>
      %dma_start3A = arith.constant 0 : i32
      %dma_start3A_21 = tpu.memref_slice %arg7[%mul3A_6, %dma_start3A] : memref<10112x128xf32, #tpu.memory_space<vmem_shared>> -> memref<632x128xf32, #tpu.memory_space<vmem_shared>>
      %dma_start3A_22 = arith.constant 0 : i32
      %dma_start3A_23 = tpu.memref_slice %arg5[%mul3A_4, %dma_start3A_22] : memref<10112x128xf32, #tpu.memory_space<hbm>> -> memref<632x128xf32, #tpu.memory_space<hbm>>
      tpu.enqueue_dma source(%dma_start3A_23 : memref<632x128xf32, #tpu.memory_space<hbm>>) target(%dma_start3A_21 : memref<632x128xf32, #tpu.memory_space<vmem_shared>>) target_semaphore(%run_scoped3A : memref<!tpu.dma_semaphore, #tpu.memory_space<semaphore_mem>>)
      %dma_wait3A = arith.constant 0 : i32
      %dma_wait3A_24 = tpu.memref_slice %arg7[%mul3A_6, %dma_wait3A] : memref<10112x128xf32, #tpu.memory_space<vmem_shared>> -> memref<632x128xf32, #tpu.memory_space<vmem_shared>>
      %dma_wait3A_25 = arith.constant 0 : i32
      %dma_wait3A_26 = tpu.memref_slice %arg5[%mul3A_4, %dma_wait3A_25] : memref<10112x128xf32, #tpu.memory_space<hbm>> -> memref<632x128xf32, #tpu.memory_space<hbm>>
      tpu.wait_dma2 semaphore(%run_scoped3A : memref<!tpu.dma_semaphore, #tpu.memory_space<semaphore_mem>>) src(%dma_wait3A_26 : memref<632x128xf32, #tpu.memory_space<hbm>>) dst(%dma_wait3A_24 : memref<632x128xf32, #tpu.memory_space<vmem_shared>>)
      tpu.yield
    }) : () -> ()
    %barrier3A = arith.constant 0 : index
    tpu.barrier barrier_id(%barrier3A)
    %while3A = arith.constant 0 : i32
    %while3A_7 = arith.constant 0 : i32
    %while3A_8 = arith.subi %select_n3A, %while3A_7 : i32
    %while3A_9 = arith.addi %while3A_7, %while3A_8 : i32
    %while3A_10 = arith.constant 1 : i32
    %while3A_11 = arith.divsi %while3A_8, %while3A_10 : i32
    %while3A_12 = arith.muli %while3A_11, %while3A_10 : i32
    %while3A_13 = arith.addi %while3A_7, %while3A_12 : i32
    %while3A_14 = arith.constant 1 : i32
    scf.for %while3A_21 = %while3A_7 to %while3A_13 step %while3A_14  : i32 {
      %mul3A_22 = arith.constant 40 : i32
      %mul3A_23 = arith.muli %while3A_21, %mul3A_22 : i32
      "tpu.region"() ({
        %run_scoped3A = tpu.sem_alloc : memref<!tpu.dma_semaphore, #tpu.memory_space<semaphore_mem>>
        %dma_start3A_57 = arith.constant 0 : i32
        %dma_start3A_58 = tpu.memref_slice %arg3[%add3A, %mul3A_23, %dma_start3A_57] : memref<32x160x64xi32, #tpu.memory_space<hbm>> -> memref<1x40x64xi32, #tpu.memory_space<hbm>>
        %dma_start3A_59 = tpu.memref_squeeze %dma_start3A_58 : memref<1x40x64xi32, #tpu.memory_space<hbm>> -> memref<40x64xi32, #tpu.memory_space<hbm>>
        %dma_start3A_60 = arith.constant 0 : i32
        %dma_start3A_61 = tpu.memref_slice %arg3[%add3A, %mul3A_23, %dma_start3A_60] : memref<32x160x64xi32, #tpu.memory_space<hbm>> -> memref<1x40x64xi32, #tpu.memory_space<hbm>>
        %dma_start3A_62 = tpu.memref_squeeze %dma_start3A_61 : memref<1x40x64xi32, #tpu.memory_space<hbm>> -> memref<40x64xi32, #tpu.memory_space<hbm>>
        tpu.enqueue_dma source(%dma_start3A_62 : memref<40x64xi32, #tpu.memory_space<hbm>>) target(%arg8 : memref<40x64xi32, #tpu.memory_space<vmem>>) target_semaphore(%run_scoped3A : memref<!tpu.dma_semaphore, #tpu.memory_space<semaphore_mem>>)
        %dma_wait3A = arith.constant 0 : i32
        %dma_wait3A_63 = tpu.memref_slice %arg3[%add3A, %mul3A_23, %dma_wait3A] : memref<32x160x64xi32, #tpu.memory_space<hbm>> -> memref<1x40x64xi32, #tpu.memory_space<hbm>>
        %dma_wait3A_64 = tpu.memref_squeeze %dma_wait3A_63 : memref<1x40x64xi32, #tpu.memory_space<hbm>> -> memref<40x64xi32, #tpu.memory_space<hbm>>
        %dma_wait3A_65 = arith.constant 0 : i32
        %dma_wait3A_66 = tpu.memref_slice %arg3[%add3A, %mul3A_23, %dma_wait3A_65] : memref<32x160x64xi32, #tpu.memory_space<hbm>> -> memref<1x40x64xi32, #tpu.memory_space<hbm>>
        %dma_wait3A_67 = tpu.memref_squeeze %dma_wait3A_66 : memref<1x40x64xi32, #tpu.memory_space<hbm>> -> memref<40x64xi32, #tpu.memory_space<hbm>>
        tpu.wait_dma2 semaphore(%run_scoped3A : memref<!tpu.dma_semaphore, #tpu.memory_space<semaphore_mem>>) src(%dma_wait3A_67 : memref<40x64xi32, #tpu.memory_space<hbm>>) dst(%arg8 : memref<40x64xi32, #tpu.memory_space<vmem>>)
        tpu.yield
      }) : () -> ()
      %mul3A_24 = arith.constant 40 : i32
      %mul3A_25 = arith.muli %while3A_21, %mul3A_24 : i32
      "tpu.region"() ({
        %run_scoped3A = tpu.sem_alloc : memref<!tpu.dma_semaphore, #tpu.memory_space<semaphore_mem>>
        %dma_start3A_57 = arith.constant 0 : i32
        %dma_start3A_58 = tpu.memref_slice %arg4[%add3A, %mul3A_25, %dma_start3A_57] : memref<32x160x64xi32, #tpu.memory_space<hbm>> -> memref<1x40x64xi32, #tpu.memory_space<hbm>>
        %dma_start3A_59 = tpu.memref_squeeze %dma_start3A_58 : memref<1x40x64xi32, #tpu.memory_space<hbm>> -> memref<40x64xi32, #tpu.memory_space<hbm>>
        %dma_start3A_60 = arith.constant 0 : i32
        %dma_start3A_61 = tpu.memref_slice %arg4[%add3A, %mul3A_25, %dma_start3A_60] : memref<32x160x64xi32, #tpu.memory_space<hbm>> -> memref<1x40x64xi32, #tpu.memory_space<hbm>>
        %dma_start3A_62 = tpu.memref_squeeze %dma_start3A_61 : memref<1x40x64xi32, #tpu.memory_space<hbm>> -> memref<40x64xi32, #tpu.memory_space<hbm>>
        tpu.enqueue_dma source(%dma_start3A_62 : memref<40x64xi32, #tpu.memory_space<hbm>>) target(%arg9 : memref<40x64xi32, #tpu.memory_space<vmem>>) target_semaphore(%run_scoped3A : memref<!tpu.dma_semaphore, #tpu.memory_space<semaphore_mem>>)
        %dma_wait3A = arith.constant 0 : i32
        %dma_wait3A_63 = tpu.memref_slice %arg4[%add3A, %mul3A_25, %dma_wait3A] : memref<32x160x64xi32, #tpu.memory_space<hbm>> -> memref<1x40x64xi32, #tpu.memory_space<hbm>>
        %dma_wait3A_64 = tpu.memref_squeeze %dma_wait3A_63 : memref<1x40x64xi32, #tpu.memory_space<hbm>> -> memref<40x64xi32, #tpu.memory_space<hbm>>
        %dma_wait3A_65 = arith.constant 0 : i32
        %dma_wait3A_66 = tpu.memref_slice %arg4[%add3A, %mul3A_25, %dma_wait3A_65] : memref<32x160x64xi32, #tpu.memory_space<hbm>> -> memref<1x40x64xi32, #tpu.memory_space<hbm>>
        %dma_wait3A_67 = tpu.memref_squeeze %dma_wait3A_66 : memref<1x40x64xi32, #tpu.memory_space<hbm>> -> memref<40x64xi32, #tpu.memory_space<hbm>>
        tpu.wait_dma2 semaphore(%run_scoped3A : memref<!tpu.dma_semaphore, #tpu.memory_space<semaphore_mem>>) src(%dma_wait3A_67 : memref<40x64xi32, #tpu.memory_space<hbm>>) dst(%arg9 : memref<40x64xi32, #tpu.memory_space<vmem>>)
        tpu.yield
      }) : () -> ()
      %dma_start3A = arith.constant 0 : i32
      %dma_start3A_26 = arith.constant 0 : i32
      %dma_start3A_27 = tpu.memref_slice %arg8[%dma_start3A, %dma_start3A_26] : memref<40x64xi32, #tpu.memory_space<vmem>> -> memref<1x64xi32, #tpu.memory_space<vmem>>
      %dma_start3A_28 = tpu.memref_squeeze %dma_start3A_27 : memref<1x64xi32, #tpu.memory_space<vmem>> -> memref<64xi32, #tpu.memory_space<vmem>>
      %dma_start3A_29 = arith.constant 0 : i32
      %dma_start3A_30 = arith.constant 0 : i32
      %dma_start3A_31 = tpu.memref_slice %arg2[%dma_start3A_29, %dma_start3A_30] : memref<10000x128xf32, #tpu.memory_space<hbm>> -> memref<10000x128xf32, #tpu.memory_space<hbm>>
      tpu.enqueue_indirect_dma source(%dma_start3A_31 : memref<10000x128xf32, #tpu.memory_space<hbm>>) target(%arg10 : memref<64x128xf32, #tpu.memory_space<vmem>>) offsets(%dma_start3A_28 : memref<64xi32, #tpu.memory_space<vmem>>) semaphore(%arg14 : memref<!tpu.dma_semaphore, #tpu.memory_space<semaphore_mem>>)
      %dma_start3A_32 = arith.constant 1 : i32
      %dma_start3A_33 = arith.constant 0 : i32
      %dma_start3A_34 = tpu.memref_slice %arg8[%dma_start3A_32, %dma_start3A_33] : memref<40x64xi32, #tpu.memory_space<vmem>> -> memref<1x64xi32, #tpu.memory_space<vmem>>
      %dma_start3A_35 = tpu.memref_squeeze %dma_start3A_34 : memref<1x64xi32, #tpu.memory_space<vmem>> -> memref<64xi32, #tpu.memory_space<vmem>>
      %dma_start3A_36 = arith.constant 0 : i32
      %dma_start3A_37 = arith.constant 0 : i32
      %dma_start3A_38 = tpu.memref_slice %arg2[%dma_start3A_36, %dma_start3A_37] : memref<10000x128xf32, #tpu.memory_space<hbm>> -> memref<10000x128xf32, #tpu.memory_space<hbm>>
      tpu.enqueue_indirect_dma source(%dma_start3A_38 : memref<10000x128xf32, #tpu.memory_space<hbm>>) target(%arg11 : memref<64x128xf32, #tpu.memory_space<vmem>>) offsets(%dma_start3A_35 : memref<64xi32, #tpu.memory_space<vmem>>) semaphore(%arg15 : memref<!tpu.dma_semaphore, #tpu.memory_space<semaphore_mem>>)
      %dma_start3A_39 = arith.constant 2 : i32
      %dma_start3A_40 = arith.constant 0 : i32
      %dma_start3A_41 = tpu.memref_slice %arg8[%dma_start3A_39, %dma_start3A_40] : memref<40x64xi32, #tpu.memory_space<vmem>> -> memref<1x64xi32, #tpu.memory_space<vmem>>
      %dma_start3A_42 = tpu.memref_squeeze %dma_start3A_41 : memref<1x64xi32, #tpu.memory_space<vmem>> -> memref<64xi32, #tpu.memory_space<vmem>>
      %dma_start3A_43 = arith.constant 0 : i32
      %dma_start3A_44 = arith.constant 0 : i32
      %dma_start3A_45 = tpu.memref_slice %arg2[%dma_start3A_43, %dma_start3A_44] : memref<10000x128xf32, #tpu.memory_space<hbm>> -> memref<10000x128xf32, #tpu.memory_space<hbm>>
      tpu.enqueue_indirect_dma source(%dma_start3A_45 : memref<10000x128xf32, #tpu.memory_space<hbm>>) target(%arg12 : memref<64x128xf32, #tpu.memory_space<vmem>>) offsets(%dma_start3A_42 : memref<64xi32, #tpu.memory_space<vmem>>) semaphore(%arg16 : memref<!tpu.dma_semaphore, #tpu.memory_space<semaphore_mem>>)
      %dma_start3A_46 = arith.constant 3 : i32
      %dma_start3A_47 = arith.constant 0 : i32
      %dma_start3A_48 = tpu.memref_slice %arg8[%dma_start3A_46, %dma_start3A_47] : memref<40x64xi32, #tpu.memory_space<vmem>> -> memref<1x64xi32, #tpu.memory_space<vmem>>
      %dma_start3A_49 = tpu.memref_squeeze %dma_start3A_48 : memref<1x64xi32, #tpu.memory_space<vmem>> -> memref<64xi32, #tpu.memory_space<vmem>>
      %dma_start3A_50 = arith.constant 0 : i32
      %dma_start3A_51 = arith.constant 0 : i32
      %dma_start3A_52 = tpu.memref_slice %arg2[%dma_start3A_50, %dma_start3A_51] : memref<10000x128xf32, #tpu.memory_space<hbm>> -> memref<10000x128xf32, #tpu.memory_space<hbm>>
      tpu.enqueue_indirect_dma source(%dma_start3A_52 : memref<10000x128xf32, #tpu.memory_space<hbm>>) target(%arg13 : memref<64x128xf32, #tpu.memory_space<vmem>>) offsets(%dma_start3A_49 : memref<64xi32, #tpu.memory_space<vmem>>) semaphore(%arg17 : memref<!tpu.dma_semaphore, #tpu.memory_space<semaphore_mem>>)
      %scan3A = arith.constant 0 : i32
      %scan3A_53 = arith.constant 10 : i32
      %scan3A_54 = arith.addi %scan3A, %scan3A_53 : i32
      %scan3A_55 = arith.constant 1 : i32
      scf.for %scan3A_57 = %scan3A to %scan3A_54 step %scan3A_55  : i32 {
        %mul3A_58 = arith.constant 4 : i32
        %mul3A_59 = arith.muli %scan3A_57, %mul3A_58 : i32
        %add3A_60 = arith.constant 0 : i32
        %add3A_61 = arith.addi %mul3A_59, %add3A_60 : i32
        %dma_wait3A = arith.constant 0 : i32
        %dma_wait3A_62 = tpu.memref_slice %arg8[%add3A_61, %dma_wait3A] : memref<40x64xi32, #tpu.memory_space<vmem>> -> memref<1x64xi32, #tpu.memory_space<vmem>>
        %dma_wait3A_63 = tpu.memref_squeeze %dma_wait3A_62 : memref<1x64xi32, #tpu.memory_space<vmem>> -> memref<64xi32, #tpu.memory_space<vmem>>
        %dma_wait3A_64 = arith.constant 0 : i32
        %dma_wait3A_65 = arith.constant 0 : i32
        %dma_wait3A_66 = tpu.memref_slice %arg2[%dma_wait3A_64, %dma_wait3A_65] : memref<10000x128xf32, #tpu.memory_space<hbm>> -> memref<10000x128xf32, #tpu.memory_space<hbm>>
        tpu.wait_indirect_dma semaphore(%arg14 : memref<!tpu.dma_semaphore, #tpu.memory_space<semaphore_mem>>) src(%dma_wait3A_66 : memref<10000x128xf32, #tpu.memory_space<hbm>>) dst(%arg10 : memref<64x128xf32, #tpu.memory_space<vmem>>)
        "tpu.region"() ({
          %run_scoped3A = tpu.sem_alloc : memref<!tpu.dma_semaphore, #tpu.memory_space<semaphore_mem>>
          %dma_start3A_122 = arith.constant 0 : i32
          %dma_start3A_123 = tpu.memref_slice %arg9[%add3A_61, %dma_start3A_122] : memref<40x64xi32, #tpu.memory_space<vmem>> -> memref<1x64xi32, #tpu.memory_space<vmem>>
          %dma_start3A_124 = tpu.memref_squeeze %dma_start3A_123 : memref<1x64xi32, #tpu.memory_space<vmem>> -> memref<64xi32, #tpu.memory_space<vmem>>
          %dma_start3A_125 = arith.constant 0 : i32
          %dma_start3A_126 = arith.constant 0 : i32
          %dma_start3A_127 = tpu.memref_slice %arg7[%dma_start3A_125, %dma_start3A_126] : memref<10112x128xf32, #tpu.memory_space<vmem_shared>> -> memref<10112x128xf32, #tpu.memory_space<vmem_shared>>
          tpu.enqueue_indirect_dma source(%arg10 : memref<64x128xf32, #tpu.memory_space<vmem>>) target(%dma_start3A_127 : memref<10112x128xf32, #tpu.memory_space<vmem_shared>>) offsets(%dma_start3A_124 : memref<64xi32, #tpu.memory_space<vmem>>) semaphore(%run_scoped3A : memref<!tpu.dma_semaphore, #tpu.memory_space<semaphore_mem>>) {add = true}
          %dma_wait3A_128 = arith.constant 0 : i32
          %dma_wait3A_129 = tpu.memref_slice %arg9[%add3A_61, %dma_wait3A_128] : memref<40x64xi32, #tpu.memory_space<vmem>> -> memref<1x64xi32, #tpu.memory_space<vmem>>
          %dma_wait3A_130 = tpu.memref_squeeze %dma_wait3A_129 : memref<1x64xi32, #tpu.memory_space<vmem>> -> memref<64xi32, #tpu.memory_space<vmem>>
          %dma_wait3A_131 = arith.constant 0 : i32
          %dma_wait3A_132 = arith.constant 0 : i32
          %dma_wait3A_133 = tpu.memref_slice %arg7[%dma_wait3A_131, %dma_wait3A_132] : memref<10112x128xf32, #tpu.memory_space<vmem_shared>> -> memref<10112x128xf32, #tpu.memory_space<vmem_shared>>
          tpu.wait_indirect_dma semaphore(%run_scoped3A : memref<!tpu.dma_semaphore, #tpu.memory_space<semaphore_mem>>) src(%arg10 : memref<64x128xf32, #tpu.memory_space<vmem>>) dst(%dma_wait3A_133 : memref<10112x128xf32, #tpu.memory_space<vmem_shared>>)
          tpu.yield
        }) : () -> ()
        %add3A_67 = arith.constant 4 : i32
        %add3A_68 = arith.addi %add3A_61, %add3A_67 : i32
        %lt3A = arith.constant 40 : i32
        %lt3A_69 = arith.cmpi slt, %add3A_68, %lt3A : i32
        %convert_element_type3A = arith.extui %lt3A_69 : i1 to i32
        %cond3A = arith.constant 0 : i32
        %cond3A_70 = arith.cmpi ne, %convert_element_type3A, %cond3A : i32
        scf.if %cond3A_70 {
          %add3A_122 = arith.constant 4 : i32
          %add3A_123 = arith.addi %add3A_61, %add3A_122 : i32
          %dma_start3A_124 = arith.constant 0 : i32
          %dma_start3A_125 = tpu.memref_slice %arg8[%add3A_123, %dma_start3A_124] : memref<40x64xi32, #tpu.memory_space<vmem>> -> memref<1x64xi32, #tpu.memory_space<vmem>>
          %dma_start3A_126 = tpu.memref_squeeze %dma_start3A_125 : memref<1x64xi32, #tpu.memory_space<vmem>> -> memref<64xi32, #tpu.memory_space<vmem>>
          %dma_start3A_127 = arith.constant 0 : i32
          %dma_start3A_128 = arith.constant 0 : i32
          %dma_start3A_129 = tpu.memref_slice %arg2[%dma_start3A_127, %dma_start3A_128] : memref<10000x128xf32, #tpu.memory_space<hbm>> -> memref<10000x128xf32, #tpu.memory_space<hbm>>
          tpu.enqueue_indirect_dma source(%dma_start3A_129 : memref<10000x128xf32, #tpu.memory_space<hbm>>) target(%arg10 : memref<64x128xf32, #tpu.memory_space<vmem>>) offsets(%dma_start3A_126 : memref<64xi32, #tpu.memory_space<vmem>>) semaphore(%arg14 : memref<!tpu.dma_semaphore, #tpu.memory_space<semaphore_mem>>)
        } else {
        }
        %mul3A_71 = arith.constant 4 : i32
        %mul3A_72 = arith.muli %scan3A_57, %mul3A_71 : i32
        %add3A_73 = arith.constant 1 : i32
        %add3A_74 = arith.addi %mul3A_72, %add3A_73 : i32
        %dma_wait3A_75 = arith.constant 0 : i32
        %dma_wait3A_76 = tpu.memref_slice %arg8[%add3A_74, %dma_wait3A_75] : memref<40x64xi32, #tpu.memory_space<vmem>> -> memref<1x64xi32, #tpu.memory_space<vmem>>
        %dma_wait3A_77 = tpu.memref_squeeze %dma_wait3A_76 : memref<1x64xi32, #tpu.memory_space<vmem>> -> memref<64xi32, #tpu.memory_space<vmem>>
        %dma_wait3A_78 = arith.constant 0 : i32
        %dma_wait3A_79 = arith.constant 0 : i32
        %dma_wait3A_80 = tpu.memref_slice %arg2[%dma_wait3A_78, %dma_wait3A_79] : memref<10000x128xf32, #tpu.memory_space<hbm>> -> memref<10000x128xf32, #tpu.memory_space<hbm>>
        tpu.wait_indirect_dma semaphore(%arg15 : memref<!tpu.dma_semaphore, #tpu.memory_space<semaphore_mem>>) src(%dma_wait3A_80 : memref<10000x128xf32, #tpu.memory_space<hbm>>) dst(%arg11 : memref<64x128xf32, #tpu.memory_space<vmem>>)
        "tpu.region"() ({
          %run_scoped3A = tpu.sem_alloc : memref<!tpu.dma_semaphore, #tpu.memory_space<semaphore_mem>>
          %dma_start3A_122 = arith.constant 0 : i32
          %dma_start3A_123 = tpu.memref_slice %arg9[%add3A_74, %dma_start3A_122] : memref<40x64xi32, #tpu.memory_space<vmem>> -> memref<1x64xi32, #tpu.memory_space<vmem>>
          %dma_start3A_124 = tpu.memref_squeeze %dma_start3A_123 : memref<1x64xi32, #tpu.memory_space<vmem>> -> memref<64xi32, #tpu.memory_space<vmem>>
          %dma_start3A_125 = arith.constant 0 : i32
          %dma_start3A_126 = arith.constant 0 : i32
          %dma_start3A_127 = tpu.memref_slice %arg7[%dma_start3A_125, %dma_start3A_126] : memref<10112x128xf32, #tpu.memory_space<vmem_shared>> -> memref<10112x128xf32, #tpu.memory_space<vmem_shared>>
          tpu.enqueue_indirect_dma source(%arg11 : memref<64x128xf32, #tpu.memory_space<vmem>>) target(%dma_start3A_127 : memref<10112x128xf32, #tpu.memory_space<vmem_shared>>) offsets(%dma_start3A_124 : memref<64xi32, #tpu.memory_space<vmem>>) semaphore(%run_scoped3A : memref<!tpu.dma_semaphore, #tpu.memory_space<semaphore_mem>>) {add = true}
          %dma_wait3A_128 = arith.constant 0 : i32
          %dma_wait3A_129 = tpu.memref_slice %arg9[%add3A_74, %dma_wait3A_128] : memref<40x64xi32, #tpu.memory_space<vmem>> -> memref<1x64xi32, #tpu.memory_space<vmem>>
          %dma_wait3A_130 = tpu.memref_squeeze %dma_wait3A_129 : memref<1x64xi32, #tpu.memory_space<vmem>> -> memref<64xi32, #tpu.memory_space<vmem>>
          %dma_wait3A_131 = arith.constant 0 : i32
          %dma_wait3A_132 = arith.constant 0 : i32
          %dma_wait3A_133 = tpu.memref_slice %arg7[%dma_wait3A_131, %dma_wait3A_132] : memref<10112x128xf32, #tpu.memory_space<vmem_shared>> -> memref<10112x128xf32, #tpu.memory_space<vmem_shared>>
          tpu.wait_indirect_dma semaphore(%run_scoped3A : memref<!tpu.dma_semaphore, #tpu.memory_space<semaphore_mem>>) src(%arg11 : memref<64x128xf32, #tpu.memory_space<vmem>>) dst(%dma_wait3A_133 : memref<10112x128xf32, #tpu.memory_space<vmem_shared>>)
          tpu.yield
        }) : () -> ()
        %add3A_81 = arith.constant 4 : i32
        %add3A_82 = arith.addi %add3A_74, %add3A_81 : i32
        %lt3A_83 = arith.constant 40 : i32
        %lt3A_84 = arith.cmpi slt, %add3A_82, %lt3A_83 : i32
        %convert_element_type3A_85 = arith.extui %lt3A_84 : i1 to i32
        %cond3A_86 = arith.constant 0 : i32
        %cond3A_87 = arith.cmpi ne, %convert_element_type3A_85, %cond3A_86 : i32
        scf.if %cond3A_87 {
          %add3A_122 = arith.constant 4 : i32
          %add3A_123 = arith.addi %add3A_74, %add3A_122 : i32
          %dma_start3A_124 = arith.constant 0 : i32
          %dma_start3A_125 = tpu.memref_slice %arg8[%add3A_123, %dma_start3A_124] : memref<40x64xi32, #tpu.memory_space<vmem>> -> memref<1x64xi32, #tpu.memory_space<vmem>>
          %dma_start3A_126 = tpu.memref_squeeze %dma_start3A_125 : memref<1x64xi32, #tpu.memory_space<vmem>> -> memref<64xi32, #tpu.memory_space<vmem>>
          %dma_start3A_127 = arith.constant 0 : i32
          %dma_start3A_128 = arith.constant 0 : i32
          %dma_start3A_129 = tpu.memref_slice %arg2[%dma_start3A_127, %dma_start3A_128] : memref<10000x128xf32, #tpu.memory_space<hbm>> -> memref<10000x128xf32, #tpu.memory_space<hbm>>
          tpu.enqueue_indirect_dma source(%dma_start3A_129 : memref<10000x128xf32, #tpu.memory_space<hbm>>) target(%arg11 : memref<64x128xf32, #tpu.memory_space<vmem>>) offsets(%dma_start3A_126 : memref<64xi32, #tpu.memory_space<vmem>>) semaphore(%arg15 : memref<!tpu.dma_semaphore, #tpu.memory_space<semaphore_mem>>)
        } else {
        }
        %mul3A_88 = arith.constant 4 : i32
        %mul3A_89 = arith.muli %scan3A_57, %mul3A_88 : i32
        %add3A_90 = arith.constant 2 : i32
        %add3A_91 = arith.addi %mul3A_89, %add3A_90 : i32
        %dma_wait3A_92 = arith.constant 0 : i32
        %dma_wait3A_93 = tpu.memref_slice %arg8[%add3A_91, %dma_wait3A_92] : memref<40x64xi32, #tpu.memory_space<vmem>> -> memref<1x64xi32, #tpu.memory_space<vmem>>
        %dma_wait3A_94 = tpu.memref_squeeze %dma_wait3A_93 : memref<1x64xi32, #tpu.memory_space<vmem>> -> memref<64xi32, #tpu.memory_space<vmem>>
        %dma_wait3A_95 = arith.constant 0 : i32
        %dma_wait3A_96 = arith.constant 0 : i32
        %dma_wait3A_97 = tpu.memref_slice %arg2[%dma_wait3A_95, %dma_wait3A_96] : memref<10000x128xf32, #tpu.memory_space<hbm>> -> memref<10000x128xf32, #tpu.memory_space<hbm>>
        tpu.wait_indirect_dma semaphore(%arg16 : memref<!tpu.dma_semaphore, #tpu.memory_space<semaphore_mem>>) src(%dma_wait3A_97 : memref<10000x128xf32, #tpu.memory_space<hbm>>) dst(%arg12 : memref<64x128xf32, #tpu.memory_space<vmem>>)
        "tpu.region"() ({
          %run_scoped3A = tpu.sem_alloc : memref<!tpu.dma_semaphore, #tpu.memory_space<semaphore_mem>>
          %dma_start3A_122 = arith.constant 0 : i32
          %dma_start3A_123 = tpu.memref_slice %arg9[%add3A_91, %dma_start3A_122] : memref<40x64xi32, #tpu.memory_space<vmem>> -> memref<1x64xi32, #tpu.memory_space<vmem>>
          %dma_start3A_124 = tpu.memref_squeeze %dma_start3A_123 : memref<1x64xi32, #tpu.memory_space<vmem>> -> memref<64xi32, #tpu.memory_space<vmem>>
          %dma_start3A_125 = arith.constant 0 : i32
          %dma_start3A_126 = arith.constant 0 : i32
          %dma_start3A_127 = tpu.memref_slice %arg7[%dma_start3A_125, %dma_start3A_126] : memref<10112x128xf32, #tpu.memory_space<vmem_shared>> -> memref<10112x128xf32, #tpu.memory_space<vmem_shared>>
          tpu.enqueue_indirect_dma source(%arg12 : memref<64x128xf32, #tpu.memory_space<vmem>>) target(%dma_start3A_127 : memref<10112x128xf32, #tpu.memory_space<vmem_shared>>) offsets(%dma_start3A_124 : memref<64xi32, #tpu.memory_space<vmem>>) semaphore(%run_scoped3A : memref<!tpu.dma_semaphore, #tpu.memory_space<semaphore_mem>>) {add = true}
          %dma_wait3A_128 = arith.constant 0 : i32
          %dma_wait3A_129 = tpu.memref_slice %arg9[%add3A_91, %dma_wait3A_128] : memref<40x64xi32, #tpu.memory_space<vmem>> -> memref<1x64xi32, #tpu.memory_space<vmem>>
          %dma_wait3A_130 = tpu.memref_squeeze %dma_wait3A_129 : memref<1x64xi32, #tpu.memory_space<vmem>> -> memref<64xi32, #tpu.memory_space<vmem>>
          %dma_wait3A_131 = arith.constant 0 : i32
          %dma_wait3A_132 = arith.constant 0 : i32
          %dma_wait3A_133 = tpu.memref_slice %arg7[%dma_wait3A_131, %dma_wait3A_132] : memref<10112x128xf32, #tpu.memory_space<vmem_shared>> -> memref<10112x128xf32, #tpu.memory_space<vmem_shared>>
          tpu.wait_indirect_dma semaphore(%run_scoped3A : memref<!tpu.dma_semaphore, #tpu.memory_space<semaphore_mem>>) src(%arg12 : memref<64x128xf32, #tpu.memory_space<vmem>>) dst(%dma_wait3A_133 : memref<10112x128xf32, #tpu.memory_space<vmem_shared>>)
          tpu.yield
        }) : () -> ()
        %add3A_98 = arith.constant 4 : i32
        %add3A_99 = arith.addi %add3A_91, %add3A_98 : i32
        %lt3A_100 = arith.constant 40 : i32
        %lt3A_101 = arith.cmpi slt, %add3A_99, %lt3A_100 : i32
        %convert_element_type3A_102 = arith.extui %lt3A_101 : i1 to i32
        %cond3A_103 = arith.constant 0 : i32
        %cond3A_104 = arith.cmpi ne, %convert_element_type3A_102, %cond3A_103 : i32
        scf.if %cond3A_104 {
          %add3A_122 = arith.constant 4 : i32
          %add3A_123 = arith.addi %add3A_91, %add3A_122 : i32
          %dma_start3A_124 = arith.constant 0 : i32
          %dma_start3A_125 = tpu.memref_slice %arg8[%add3A_123, %dma_start3A_124] : memref<40x64xi32, #tpu.memory_space<vmem>> -> memref<1x64xi32, #tpu.memory_space<vmem>>
          %dma_start3A_126 = tpu.memref_squeeze %dma_start3A_125 : memref<1x64xi32, #tpu.memory_space<vmem>> -> memref<64xi32, #tpu.memory_space<vmem>>
          %dma_start3A_127 = arith.constant 0 : i32
          %dma_start3A_128 = arith.constant 0 : i32
          %dma_start3A_129 = tpu.memref_slice %arg2[%dma_start3A_127, %dma_start3A_128] : memref<10000x128xf32, #tpu.memory_space<hbm>> -> memref<10000x128xf32, #tpu.memory_space<hbm>>
          tpu.enqueue_indirect_dma source(%dma_start3A_129 : memref<10000x128xf32, #tpu.memory_space<hbm>>) target(%arg12 : memref<64x128xf32, #tpu.memory_space<vmem>>) offsets(%dma_start3A_126 : memref<64xi32, #tpu.memory_space<vmem>>) semaphore(%arg16 : memref<!tpu.dma_semaphore, #tpu.memory_space<semaphore_mem>>)
        } else {
        }
        %mul3A_105 = arith.constant 4 : i32
        %mul3A_106 = arith.muli %scan3A_57, %mul3A_105 : i32
        %add3A_107 = arith.constant 3 : i32
        %add3A_108 = arith.addi %mul3A_106, %add3A_107 : i32
        %dma_wait3A_109 = arith.constant 0 : i32
        %dma_wait3A_110 = tpu.memref_slice %arg8[%add3A_108, %dma_wait3A_109] : memref<40x64xi32, #tpu.memory_space<vmem>> -> memref<1x64xi32, #tpu.memory_space<vmem>>
        %dma_wait3A_111 = tpu.memref_squeeze %dma_wait3A_110 : memref<1x64xi32, #tpu.memory_space<vmem>> -> memref<64xi32, #tpu.memory_space<vmem>>
        %dma_wait3A_112 = arith.constant 0 : i32
        %dma_wait3A_113 = arith.constant 0 : i32
        %dma_wait3A_114 = tpu.memref_slice %arg2[%dma_wait3A_112, %dma_wait3A_113] : memref<10000x128xf32, #tpu.memory_space<hbm>> -> memref<10000x128xf32, #tpu.memory_space<hbm>>
        tpu.wait_indirect_dma semaphore(%arg17 : memref<!tpu.dma_semaphore, #tpu.memory_space<semaphore_mem>>) src(%dma_wait3A_114 : memref<10000x128xf32, #tpu.memory_space<hbm>>) dst(%arg13 : memref<64x128xf32, #tpu.memory_space<vmem>>)
        "tpu.region"() ({
          %run_scoped3A = tpu.sem_alloc : memref<!tpu.dma_semaphore, #tpu.memory_space<semaphore_mem>>
          %dma_start3A_122 = arith.constant 0 : i32
          %dma_start3A_123 = tpu.memref_slice %arg9[%add3A_108, %dma_start3A_122] : memref<40x64xi32, #tpu.memory_space<vmem>> -> memref<1x64xi32, #tpu.memory_space<vmem>>
          %dma_start3A_124 = tpu.memref_squeeze %dma_start3A_123 : memref<1x64xi32, #tpu.memory_space<vmem>> -> memref<64xi32, #tpu.memory_space<vmem>>
          %dma_start3A_125 = arith.constant 0 : i32
          %dma_start3A_126 = arith.constant 0 : i32
          %dma_start3A_127 = tpu.memref_slice %arg7[%dma_start3A_125, %dma_start3A_126] : memref<10112x128xf32, #tpu.memory_space<vmem_shared>> -> memref<10112x128xf32, #tpu.memory_space<vmem_shared>>
          tpu.enqueue_indirect_dma source(%arg13 : memref<64x128xf32, #tpu.memory_space<vmem>>) target(%dma_start3A_127 : memref<10112x128xf32, #tpu.memory_space<vmem_shared>>) offsets(%dma_start3A_124 : memref<64xi32, #tpu.memory_space<vmem>>) semaphore(%run_scoped3A : memref<!tpu.dma_semaphore, #tpu.memory_space<semaphore_mem>>) {add = true}
          %dma_wait3A_128 = arith.constant 0 : i32
          %dma_wait3A_129 = tpu.memref_slice %arg9[%add3A_108, %dma_wait3A_128] : memref<40x64xi32, #tpu.memory_space<vmem>> -> memref<1x64xi32, #tpu.memory_space<vmem>>
          %dma_wait3A_130 = tpu.memref_squeeze %dma_wait3A_129 : memref<1x64xi32, #tpu.memory_space<vmem>> -> memref<64xi32, #tpu.memory_space<vmem>>
          %dma_wait3A_131 = arith.constant 0 : i32
          %dma_wait3A_132 = arith.constant 0 : i32
          %dma_wait3A_133 = tpu.memref_slice %arg7[%dma_wait3A_131, %dma_wait3A_132] : memref<10112x128xf32, #tpu.memory_space<vmem_shared>> -> memref<10112x128xf32, #tpu.memory_space<vmem_shared>>
          tpu.wait_indirect_dma semaphore(%run_scoped3A : memref<!tpu.dma_semaphore, #tpu.memory_space<semaphore_mem>>) src(%arg13 : memref<64x128xf32, #tpu.memory_space<vmem>>) dst(%dma_wait3A_133 : memref<10112x128xf32, #tpu.memory_space<vmem_shared>>)
          tpu.yield
        }) : () -> ()
        %add3A_115 = arith.constant 4 : i32
        %add3A_116 = arith.addi %add3A_108, %add3A_115 : i32
        %lt3A_117 = arith.constant 40 : i32
        %lt3A_118 = arith.cmpi slt, %add3A_116, %lt3A_117 : i32
        %convert_element_type3A_119 = arith.extui %lt3A_118 : i1 to i32
        %cond3A_120 = arith.constant 0 : i32
        %cond3A_121 = arith.cmpi ne, %convert_element_type3A_119, %cond3A_120 : i32
        scf.if %cond3A_121 {
          %add3A_122 = arith.constant 4 : i32
          %add3A_123 = arith.addi %add3A_108, %add3A_122 : i32
          %dma_start3A_124 = arith.constant 0 : i32
          %dma_start3A_125 = tpu.memref_slice %arg8[%add3A_123, %dma_start3A_124] : memref<40x64xi32, #tpu.memory_space<vmem>> -> memref<1x64xi32, #tpu.memory_space<vmem>>
          %dma_start3A_126 = tpu.memref_squeeze %dma_start3A_125 : memref<1x64xi32, #tpu.memory_space<vmem>> -> memref<64xi32, #tpu.memory_space<vmem>>
          %dma_start3A_127 = arith.constant 0 : i32
          %dma_start3A_128 = arith.constant 0 : i32
          %dma_start3A_129 = tpu.memref_slice %arg2[%dma_start3A_127, %dma_start3A_128] : memref<10000x128xf32, #tpu.memory_space<hbm>> -> memref<10000x128xf32, #tpu.memory_space<hbm>>
          tpu.enqueue_indirect_dma source(%dma_start3A_129 : memref<10000x128xf32, #tpu.memory_space<hbm>>) target(%arg13 : memref<64x128xf32, #tpu.memory_space<vmem>>) offsets(%dma_start3A_126 : memref<64xi32, #tpu.memory_space<vmem>>) semaphore(%arg17 : memref<!tpu.dma_semaphore, #tpu.memory_space<semaphore_mem>>)
        } else {
        }
      }
      %scan3A_56 = arith.constant 10 : i32
    }
    %while3A_15 = arith.constant 1 : i32
    scf.for %while3A_21 = %while3A_13 to %while3A_9 step %while3A_15  : i32 {
      %mul3A_22 = arith.constant 40 : i32
      %mul3A_23 = arith.muli %while3A_21, %mul3A_22 : i32
      "tpu.region"() ({
        %run_scoped3A = tpu.sem_alloc : memref<!tpu.dma_semaphore, #tpu.memory_space<semaphore_mem>>
        %dma_start3A_57 = arith.constant 0 : i32
        %dma_start3A_58 = tpu.memref_slice %arg3[%add3A, %mul3A_23, %dma_start3A_57] : memref<32x160x64xi32, #tpu.memory_space<hbm>> -> memref<1x40x64xi32, #tpu.memory_space<hbm>>
        %dma_start3A_59 = tpu.memref_squeeze %dma_start3A_58 : memref<1x40x64xi32, #tpu.memory_space<hbm>> -> memref<40x64xi32, #tpu.memory_space<hbm>>
        %dma_start3A_60 = arith.constant 0 : i32
        %dma_start3A_61 = tpu.memref_slice %arg3[%add3A, %mul3A_23, %dma_start3A_60] : memref<32x160x64xi32, #tpu.memory_space<hbm>> -> memref<1x40x64xi32, #tpu.memory_space<hbm>>
        %dma_start3A_62 = tpu.memref_squeeze %dma_start3A_61 : memref<1x40x64xi32, #tpu.memory_space<hbm>> -> memref<40x64xi32, #tpu.memory_space<hbm>>
        tpu.enqueue_dma source(%dma_start3A_62 : memref<40x64xi32, #tpu.memory_space<hbm>>) target(%arg8 : memref<40x64xi32, #tpu.memory_space<vmem>>) target_semaphore(%run_scoped3A : memref<!tpu.dma_semaphore, #tpu.memory_space<semaphore_mem>>)
        %dma_wait3A = arith.constant 0 : i32
        %dma_wait3A_63 = tpu.memref_slice %arg3[%add3A, %mul3A_23, %dma_wait3A] : memref<32x160x64xi32, #tpu.memory_space<hbm>> -> memref<1x40x64xi32, #tpu.memory_space<hbm>>
        %dma_wait3A_64 = tpu.memref_squeeze %dma_wait3A_63 : memref<1x40x64xi32, #tpu.memory_space<hbm>> -> memref<40x64xi32, #tpu.memory_space<hbm>>
        %dma_wait3A_65 = arith.constant 0 : i32
        %dma_wait3A_66 = tpu.memref_slice %arg3[%add3A, %mul3A_23, %dma_wait3A_65] : memref<32x160x64xi32, #tpu.memory_space<hbm>> -> memref<1x40x64xi32, #tpu.memory_space<hbm>>
        %dma_wait3A_67 = tpu.memref_squeeze %dma_wait3A_66 : memref<1x40x64xi32, #tpu.memory_space<hbm>> -> memref<40x64xi32, #tpu.memory_space<hbm>>
        tpu.wait_dma2 semaphore(%run_scoped3A : memref<!tpu.dma_semaphore, #tpu.memory_space<semaphore_mem>>) src(%dma_wait3A_67 : memref<40x64xi32, #tpu.memory_space<hbm>>) dst(%arg8 : memref<40x64xi32, #tpu.memory_space<vmem>>)
        tpu.yield
      }) : () -> ()
      %mul3A_24 = arith.constant 40 : i32
      %mul3A_25 = arith.muli %while3A_21, %mul3A_24 : i32
      "tpu.region"() ({
        %run_scoped3A = tpu.sem_alloc : memref<!tpu.dma_semaphore, #tpu.memory_space<semaphore_mem>>
        %dma_start3A_57 = arith.constant 0 : i32
        %dma_start3A_58 = tpu.memref_slice %arg4[%add3A, %mul3A_25, %dma_start3A_57] : memref<32x160x64xi32, #tpu.memory_space<hbm>> -> memref<1x40x64xi32, #tpu.memory_space<hbm>>
        %dma_start3A_59 = tpu.memref_squeeze %dma_start3A_58 : memref<1x40x64xi32, #tpu.memory_space<hbm>> -> memref<40x64xi32, #tpu.memory_space<hbm>>
        %dma_start3A_60 = arith.constant 0 : i32
        %dma_start3A_61 = tpu.memref_slice %arg4[%add3A, %mul3A_25, %dma_start3A_60] : memref<32x160x64xi32, #tpu.memory_space<hbm>> -> memref<1x40x64xi32, #tpu.memory_space<hbm>>
        %dma_start3A_62 = tpu.memref_squeeze %dma_start3A_61 : memref<1x40x64xi32, #tpu.memory_space<hbm>> -> memref<40x64xi32, #tpu.memory_space<hbm>>
        tpu.enqueue_dma source(%dma_start3A_62 : memref<40x64xi32, #tpu.memory_space<hbm>>) target(%arg9 : memref<40x64xi32, #tpu.memory_space<vmem>>) target_semaphore(%run_scoped3A : memref<!tpu.dma_semaphore, #tpu.memory_space<semaphore_mem>>)
        %dma_wait3A = arith.constant 0 : i32
        %dma_wait3A_63 = tpu.memref_slice %arg4[%add3A, %mul3A_25, %dma_wait3A] : memref<32x160x64xi32, #tpu.memory_space<hbm>> -> memref<1x40x64xi32, #tpu.memory_space<hbm>>
        %dma_wait3A_64 = tpu.memref_squeeze %dma_wait3A_63 : memref<1x40x64xi32, #tpu.memory_space<hbm>> -> memref<40x64xi32, #tpu.memory_space<hbm>>
        %dma_wait3A_65 = arith.constant 0 : i32
        %dma_wait3A_66 = tpu.memref_slice %arg4[%add3A, %mul3A_25, %dma_wait3A_65] : memref<32x160x64xi32, #tpu.memory_space<hbm>> -> memref<1x40x64xi32, #tpu.memory_space<hbm>>
        %dma_wait3A_67 = tpu.memref_squeeze %dma_wait3A_66 : memref<1x40x64xi32, #tpu.memory_space<hbm>> -> memref<40x64xi32, #tpu.memory_space<hbm>>
        tpu.wait_dma2 semaphore(%run_scoped3A : memref<!tpu.dma_semaphore, #tpu.memory_space<semaphore_mem>>) src(%dma_wait3A_67 : memref<40x64xi32, #tpu.memory_space<hbm>>) dst(%arg9 : memref<40x64xi32, #tpu.memory_space<vmem>>)
        tpu.yield
      }) : () -> ()
      %dma_start3A = arith.constant 0 : i32
      %dma_start3A_26 = arith.constant 0 : i32
      %dma_start3A_27 = tpu.memref_slice %arg8[%dma_start3A, %dma_start3A_26] : memref<40x64xi32, #tpu.memory_space<vmem>> -> memref<1x64xi32, #tpu.memory_space<vmem>>
      %dma_start3A_28 = tpu.memref_squeeze %dma_start3A_27 : memref<1x64xi32, #tpu.memory_space<vmem>> -> memref<64xi32, #tpu.memory_space<vmem>>
      %dma_start3A_29 = arith.constant 0 : i32
      %dma_start3A_30 = arith.constant 0 : i32
      %dma_start3A_31 = tpu.memref_slice %arg2[%dma_start3A_29, %dma_start3A_30] : memref<10000x128xf32, #tpu.memory_space<hbm>> -> memref<10000x128xf32, #tpu.memory_space<hbm>>
      tpu.enqueue_indirect_dma source(%dma_start3A_31 : memref<10000x128xf32, #tpu.memory_space<hbm>>) target(%arg10 : memref<64x128xf32, #tpu.memory_space<vmem>>) offsets(%dma_start3A_28 : memref<64xi32, #tpu.memory_space<vmem>>) semaphore(%arg14 : memref<!tpu.dma_semaphore, #tpu.memory_space<semaphore_mem>>)
      %dma_start3A_32 = arith.constant 1 : i32
      %dma_start3A_33 = arith.constant 0 : i32
      %dma_start3A_34 = tpu.memref_slice %arg8[%dma_start3A_32, %dma_start3A_33] : memref<40x64xi32, #tpu.memory_space<vmem>> -> memref<1x64xi32, #tpu.memory_space<vmem>>
      %dma_start3A_35 = tpu.memref_squeeze %dma_start3A_34 : memref<1x64xi32, #tpu.memory_space<vmem>> -> memref<64xi32, #tpu.memory_space<vmem>>
      %dma_start3A_36 = arith.constant 0 : i32
      %dma_start3A_37 = arith.constant 0 : i32
      %dma_start3A_38 = tpu.memref_slice %arg2[%dma_start3A_36, %dma_start3A_37] : memref<10000x128xf32, #tpu.memory_space<hbm>> -> memref<10000x128xf32, #tpu.memory_space<hbm>>
      tpu.enqueue_indirect_dma source(%dma_start3A_38 : memref<10000x128xf32, #tpu.memory_space<hbm>>) target(%arg11 : memref<64x128xf32, #tpu.memory_space<vmem>>) offsets(%dma_start3A_35 : memref<64xi32, #tpu.memory_space<vmem>>) semaphore(%arg15 : memref<!tpu.dma_semaphore, #tpu.memory_space<semaphore_mem>>)
      %dma_start3A_39 = arith.constant 2 : i32
      %dma_start3A_40 = arith.constant 0 : i32
      %dma_start3A_41 = tpu.memref_slice %arg8[%dma_start3A_39, %dma_start3A_40] : memref<40x64xi32, #tpu.memory_space<vmem>> -> memref<1x64xi32, #tpu.memory_space<vmem>>
      %dma_start3A_42 = tpu.memref_squeeze %dma_start3A_41 : memref<1x64xi32, #tpu.memory_space<vmem>> -> memref<64xi32, #tpu.memory_space<vmem>>
      %dma_start3A_43 = arith.constant 0 : i32
      %dma_start3A_44 = arith.constant 0 : i32
      %dma_start3A_45 = tpu.memref_slice %arg2[%dma_start3A_43, %dma_start3A_44] : memref<10000x128xf32, #tpu.memory_space<hbm>> -> memref<10000x128xf32, #tpu.memory_space<hbm>>
      tpu.enqueue_indirect_dma source(%dma_start3A_45 : memref<10000x128xf32, #tpu.memory_space<hbm>>) target(%arg12 : memref<64x128xf32, #tpu.memory_space<vmem>>) offsets(%dma_start3A_42 : memref<64xi32, #tpu.memory_space<vmem>>) semaphore(%arg16 : memref<!tpu.dma_semaphore, #tpu.memory_space<semaphore_mem>>)
      %dma_start3A_46 = arith.constant 3 : i32
      %dma_start3A_47 = arith.constant 0 : i32
      %dma_start3A_48 = tpu.memref_slice %arg8[%dma_start3A_46, %dma_start3A_47] : memref<40x64xi32, #tpu.memory_space<vmem>> -> memref<1x64xi32, #tpu.memory_space<vmem>>
      %dma_start3A_49 = tpu.memref_squeeze %dma_start3A_48 : memref<1x64xi32, #tpu.memory_space<vmem>> -> memref<64xi32, #tpu.memory_space<vmem>>
      %dma_start3A_50 = arith.constant 0 : i32
      %dma_start3A_51 = arith.constant 0 : i32
      %dma_start3A_52 = tpu.memref_slice %arg2[%dma_start3A_50, %dma_start3A_51] : memref<10000x128xf32, #tpu.memory_space<hbm>> -> memref<10000x128xf32, #tpu.memory_space<hbm>>
      tpu.enqueue_indirect_dma source(%dma_start3A_52 : memref<10000x128xf32, #tpu.memory_space<hbm>>) target(%arg13 : memref<64x128xf32, #tpu.memory_space<vmem>>) offsets(%dma_start3A_49 : memref<64xi32, #tpu.memory_space<vmem>>) semaphore(%arg17 : memref<!tpu.dma_semaphore, #tpu.memory_space<semaphore_mem>>)
      %scan3A = arith.constant 0 : i32
      %scan3A_53 = arith.constant 10 : i32
      %scan3A_54 = arith.addi %scan3A, %scan3A_53 : i32
      %scan3A_55 = arith.constant 1 : i32
      scf.for %scan3A_57 = %scan3A to %scan3A_54 step %scan3A_55  : i32 {
        %mul3A_58 = arith.constant 4 : i32
        %mul3A_59 = arith.muli %scan3A_57, %mul3A_58 : i32
        %add3A_60 = arith.constant 0 : i32
        %add3A_61 = arith.addi %mul3A_59, %add3A_60 : i32
        %dma_wait3A = arith.constant 0 : i32
        %dma_wait3A_62 = tpu.memref_slice %arg8[%add3A_61, %dma_wait3A] : memref<40x64xi32, #tpu.memory_space<vmem>> -> memref<1x64xi32, #tpu.memory_space<vmem>>
        %dma_wait3A_63 = tpu.memref_squeeze %dma_wait3A_62 : memref<1x64xi32, #tpu.memory_space<vmem>> -> memref<64xi32, #tpu.memory_space<vmem>>
        %dma_wait3A_64 = arith.constant 0 : i32
        %dma_wait3A_65 = arith.constant 0 : i32
        %dma_wait3A_66 = tpu.memref_slice %arg2[%dma_wait3A_64, %dma_wait3A_65] : memref<10000x128xf32, #tpu.memory_space<hbm>> -> memref<10000x128xf32, #tpu.memory_space<hbm>>
        tpu.wait_indirect_dma semaphore(%arg14 : memref<!tpu.dma_semaphore, #tpu.memory_space<semaphore_mem>>) src(%dma_wait3A_66 : memref<10000x128xf32, #tpu.memory_space<hbm>>) dst(%arg10 : memref<64x128xf32, #tpu.memory_space<vmem>>)
        "tpu.region"() ({
          %run_scoped3A = tpu.sem_alloc : memref<!tpu.dma_semaphore, #tpu.memory_space<semaphore_mem>>
          %dma_start3A_122 = arith.constant 0 : i32
          %dma_start3A_123 = tpu.memref_slice %arg9[%add3A_61, %dma_start3A_122] : memref<40x64xi32, #tpu.memory_space<vmem>> -> memref<1x64xi32, #tpu.memory_space<vmem>>
          %dma_start3A_124 = tpu.memref_squeeze %dma_start3A_123 : memref<1x64xi32, #tpu.memory_space<vmem>> -> memref<64xi32, #tpu.memory_space<vmem>>
          %dma_start3A_125 = arith.constant 0 : i32
          %dma_start3A_126 = arith.constant 0 : i32
          %dma_start3A_127 = tpu.memref_slice %arg7[%dma_start3A_125, %dma_start3A_126] : memref<10112x128xf32, #tpu.memory_space<vmem_shared>> -> memref<10112x128xf32, #tpu.memory_space<vmem_shared>>
          tpu.enqueue_indirect_dma source(%arg10 : memref<64x128xf32, #tpu.memory_space<vmem>>) target(%dma_start3A_127 : memref<10112x128xf32, #tpu.memory_space<vmem_shared>>) offsets(%dma_start3A_124 : memref<64xi32, #tpu.memory_space<vmem>>) semaphore(%run_scoped3A : memref<!tpu.dma_semaphore, #tpu.memory_space<semaphore_mem>>) {add = true}
          %dma_wait3A_128 = arith.constant 0 : i32
          %dma_wait3A_129 = tpu.memref_slice %arg9[%add3A_61, %dma_wait3A_128] : memref<40x64xi32, #tpu.memory_space<vmem>> -> memref<1x64xi32, #tpu.memory_space<vmem>>
          %dma_wait3A_130 = tpu.memref_squeeze %dma_wait3A_129 : memref<1x64xi32, #tpu.memory_space<vmem>> -> memref<64xi32, #tpu.memory_space<vmem>>
          %dma_wait3A_131 = arith.constant 0 : i32
          %dma_wait3A_132 = arith.constant 0 : i32
          %dma_wait3A_133 = tpu.memref_slice %arg7[%dma_wait3A_131, %dma_wait3A_132] : memref<10112x128xf32, #tpu.memory_space<vmem_shared>> -> memref<10112x128xf32, #tpu.memory_space<vmem_shared>>
          tpu.wait_indirect_dma semaphore(%run_scoped3A : memref<!tpu.dma_semaphore, #tpu.memory_space<semaphore_mem>>) src(%arg10 : memref<64x128xf32, #tpu.memory_space<vmem>>) dst(%dma_wait3A_133 : memref<10112x128xf32, #tpu.memory_space<vmem_shared>>)
          tpu.yield
        }) : () -> ()
        %add3A_67 = arith.constant 4 : i32
        %add3A_68 = arith.addi %add3A_61, %add3A_67 : i32
        %lt3A = arith.constant 40 : i32
        %lt3A_69 = arith.cmpi slt, %add3A_68, %lt3A : i32
        %convert_element_type3A = arith.extui %lt3A_69 : i1 to i32
        %cond3A = arith.constant 0 : i32
        %cond3A_70 = arith.cmpi ne, %convert_element_type3A, %cond3A : i32
        scf.if %cond3A_70 {
          %add3A_122 = arith.constant 4 : i32
          %add3A_123 = arith.addi %add3A_61, %add3A_122 : i32
          %dma_start3A_124 = arith.constant 0 : i32
          %dma_start3A_125 = tpu.memref_slice %arg8[%add3A_123, %dma_start3A_124] : memref<40x64xi32, #tpu.memory_space<vmem>> -> memref<1x64xi32, #tpu.memory_space<vmem>>
          %dma_start3A_126 = tpu.memref_squeeze %dma_start3A_125 : memref<1x64xi32, #tpu.memory_space<vmem>> -> memref<64xi32, #tpu.memory_space<vmem>>
          %dma_start3A_127 = arith.constant 0 : i32
          %dma_start3A_128 = arith.constant 0 : i32
          %dma_start3A_129 = tpu.memref_slice %arg2[%dma_start3A_127, %dma_start3A_128] : memref<10000x128xf32, #tpu.memory_space<hbm>> -> memref<10000x128xf32, #tpu.memory_space<hbm>>
          tpu.enqueue_indirect_dma source(%dma_start3A_129 : memref<10000x128xf32, #tpu.memory_space<hbm>>) target(%arg10 : memref<64x128xf32, #tpu.memory_space<vmem>>) offsets(%dma_start3A_126 : memref<64xi32, #tpu.memory_space<vmem>>) semaphore(%arg14 : memref<!tpu.dma_semaphore, #tpu.memory_space<semaphore_mem>>)
        } else {
        }
        %mul3A_71 = arith.constant 4 : i32
        %mul3A_72 = arith.muli %scan3A_57, %mul3A_71 : i32
        %add3A_73 = arith.constant 1 : i32
        %add3A_74 = arith.addi %mul3A_72, %add3A_73 : i32
        %dma_wait3A_75 = arith.constant 0 : i32
        %dma_wait3A_76 = tpu.memref_slice %arg8[%add3A_74, %dma_wait3A_75] : memref<40x64xi32, #tpu.memory_space<vmem>> -> memref<1x64xi32, #tpu.memory_space<vmem>>
        %dma_wait3A_77 = tpu.memref_squeeze %dma_wait3A_76 : memref<1x64xi32, #tpu.memory_space<vmem>> -> memref<64xi32, #tpu.memory_space<vmem>>
        %dma_wait3A_78 = arith.constant 0 : i32
        %dma_wait3A_79 = arith.constant 0 : i32
        %dma_wait3A_80 = tpu.memref_slice %arg2[%dma_wait3A_78, %dma_wait3A_79] : memref<10000x128xf32, #tpu.memory_space<hbm>> -> memref<10000x128xf32, #tpu.memory_space<hbm>>
        tpu.wait_indirect_dma semaphore(%arg15 : memref<!tpu.dma_semaphore, #tpu.memory_space<semaphore_mem>>) src(%dma_wait3A_80 : memref<10000x128xf32, #tpu.memory_space<hbm>>) dst(%arg11 : memref<64x128xf32, #tpu.memory_space<vmem>>)
        "tpu.region"() ({
          %run_scoped3A = tpu.sem_alloc : memref<!tpu.dma_semaphore, #tpu.memory_space<semaphore_mem>>
          %dma_start3A_122 = arith.constant 0 : i32
          %dma_start3A_123 = tpu.memref_slice %arg9[%add3A_74, %dma_start3A_122] : memref<40x64xi32, #tpu.memory_space<vmem>> -> memref<1x64xi32, #tpu.memory_space<vmem>>
          %dma_start3A_124 = tpu.memref_squeeze %dma_start3A_123 : memref<1x64xi32, #tpu.memory_space<vmem>> -> memref<64xi32, #tpu.memory_space<vmem>>
          %dma_start3A_125 = arith.constant 0 : i32
          %dma_start3A_126 = arith.constant 0 : i32
          %dma_start3A_127 = tpu.memref_slice %arg7[%dma_start3A_125, %dma_start3A_126] : memref<10112x128xf32, #tpu.memory_space<vmem_shared>> -> memref<10112x128xf32, #tpu.memory_space<vmem_shared>>
          tpu.enqueue_indirect_dma source(%arg11 : memref<64x128xf32, #tpu.memory_space<vmem>>) target(%dma_start3A_127 : memref<10112x128xf32, #tpu.memory_space<vmem_shared>>) offsets(%dma_start3A_124 : memref<64xi32, #tpu.memory_space<vmem>>) semaphore(%run_scoped3A : memref<!tpu.dma_semaphore, #tpu.memory_space<semaphore_mem>>) {add = true}
          %dma_wait3A_128 = arith.constant 0 : i32
          %dma_wait3A_129 = tpu.memref_slice %arg9[%add3A_74, %dma_wait3A_128] : memref<40x64xi32, #tpu.memory_space<vmem>> -> memref<1x64xi32, #tpu.memory_space<vmem>>
          %dma_wait3A_130 = tpu.memref_squeeze %dma_wait3A_129 : memref<1x64xi32, #tpu.memory_space<vmem>> -> memref<64xi32, #tpu.memory_space<vmem>>
          %dma_wait3A_131 = arith.constant 0 : i32
          %dma_wait3A_132 = arith.constant 0 : i32
          %dma_wait3A_133 = tpu.memref_slice %arg7[%dma_wait3A_131, %dma_wait3A_132] : memref<10112x128xf32, #tpu.memory_space<vmem_shared>> -> memref<10112x128xf32, #tpu.memory_space<vmem_shared>>
          tpu.wait_indirect_dma semaphore(%run_scoped3A : memref<!tpu.dma_semaphore, #tpu.memory_space<semaphore_mem>>) src(%arg11 : memref<64x128xf32, #tpu.memory_space<vmem>>) dst(%dma_wait3A_133 : memref<10112x128xf32, #tpu.memory_space<vmem_shared>>)
          tpu.yield
        }) : () -> ()
        %add3A_81 = arith.constant 4 : i32
        %add3A_82 = arith.addi %add3A_74, %add3A_81 : i32
        %lt3A_83 = arith.constant 40 : i32
        %lt3A_84 = arith.cmpi slt, %add3A_82, %lt3A_83 : i32
        %convert_element_type3A_85 = arith.extui %lt3A_84 : i1 to i32
        %cond3A_86 = arith.constant 0 : i32
        %cond3A_87 = arith.cmpi ne, %convert_element_type3A_85, %cond3A_86 : i32
        scf.if %cond3A_87 {
          %add3A_122 = arith.constant 4 : i32
          %add3A_123 = arith.addi %add3A_74, %add3A_122 : i32
          %dma_start3A_124 = arith.constant 0 : i32
          %dma_start3A_125 = tpu.memref_slice %arg8[%add3A_123, %dma_start3A_124] : memref<40x64xi32, #tpu.memory_space<vmem>> -> memref<1x64xi32, #tpu.memory_space<vmem>>
          %dma_start3A_126 = tpu.memref_squeeze %dma_start3A_125 : memref<1x64xi32, #tpu.memory_space<vmem>> -> memref<64xi32, #tpu.memory_space<vmem>>
          %dma_start3A_127 = arith.constant 0 : i32
          %dma_start3A_128 = arith.constant 0 : i32
          %dma_start3A_129 = tpu.memref_slice %arg2[%dma_start3A_127, %dma_start3A_128] : memref<10000x128xf32, #tpu.memory_space<hbm>> -> memref<10000x128xf32, #tpu.memory_space<hbm>>
          tpu.enqueue_indirect_dma source(%dma_start3A_129 : memref<10000x128xf32, #tpu.memory_space<hbm>>) target(%arg11 : memref<64x128xf32, #tpu.memory_space<vmem>>) offsets(%dma_start3A_126 : memref<64xi32, #tpu.memory_space<vmem>>) semaphore(%arg15 : memref<!tpu.dma_semaphore, #tpu.memory_space<semaphore_mem>>)
        } else {
        }
        %mul3A_88 = arith.constant 4 : i32
        %mul3A_89 = arith.muli %scan3A_57, %mul3A_88 : i32
        %add3A_90 = arith.constant 2 : i32
        %add3A_91 = arith.addi %mul3A_89, %add3A_90 : i32
        %dma_wait3A_92 = arith.constant 0 : i32
        %dma_wait3A_93 = tpu.memref_slice %arg8[%add3A_91, %dma_wait3A_92] : memref<40x64xi32, #tpu.memory_space<vmem>> -> memref<1x64xi32, #tpu.memory_space<vmem>>
        %dma_wait3A_94 = tpu.memref_squeeze %dma_wait3A_93 : memref<1x64xi32, #tpu.memory_space<vmem>> -> memref<64xi32, #tpu.memory_space<vmem>>
        %dma_wait3A_95 = arith.constant 0 : i32
        %dma_wait3A_96 = arith.constant 0 : i32
        %dma_wait3A_97 = tpu.memref_slice %arg2[%dma_wait3A_95, %dma_wait3A_96] : memref<10000x128xf32, #tpu.memory_space<hbm>> -> memref<10000x128xf32, #tpu.memory_space<hbm>>
        tpu.wait_indirect_dma semaphore(%arg16 : memref<!tpu.dma_semaphore, #tpu.memory_space<semaphore_mem>>) src(%dma_wait3A_97 : memref<10000x128xf32, #tpu.memory_space<hbm>>) dst(%arg12 : memref<64x128xf32, #tpu.memory_space<vmem>>)
        "tpu.region"() ({
          %run_scoped3A = tpu.sem_alloc : memref<!tpu.dma_semaphore, #tpu.memory_space<semaphore_mem>>
          %dma_start3A_122 = arith.constant 0 : i32
          %dma_start3A_123 = tpu.memref_slice %arg9[%add3A_91, %dma_start3A_122] : memref<40x64xi32, #tpu.memory_space<vmem>> -> memref<1x64xi32, #tpu.memory_space<vmem>>
          %dma_start3A_124 = tpu.memref_squeeze %dma_start3A_123 : memref<1x64xi32, #tpu.memory_space<vmem>> -> memref<64xi32, #tpu.memory_space<vmem>>
          %dma_start3A_125 = arith.constant 0 : i32
          %dma_start3A_126 = arith.constant 0 : i32
          %dma_start3A_127 = tpu.memref_slice %arg7[%dma_start3A_125, %dma_start3A_126] : memref<10112x128xf32, #tpu.memory_space<vmem_shared>> -> memref<10112x128xf32, #tpu.memory_space<vmem_shared>>
          tpu.enqueue_indirect_dma source(%arg12 : memref<64x128xf32, #tpu.memory_space<vmem>>) target(%dma_start3A_127 : memref<10112x128xf32, #tpu.memory_space<vmem_shared>>) offsets(%dma_start3A_124 : memref<64xi32, #tpu.memory_space<vmem>>) semaphore(%run_scoped3A : memref<!tpu.dma_semaphore, #tpu.memory_space<semaphore_mem>>) {add = true}
          %dma_wait3A_128 = arith.constant 0 : i32
          %dma_wait3A_129 = tpu.memref_slice %arg9[%add3A_91, %dma_wait3A_128] : memref<40x64xi32, #tpu.memory_space<vmem>> -> memref<1x64xi32, #tpu.memory_space<vmem>>
          %dma_wait3A_130 = tpu.memref_squeeze %dma_wait3A_129 : memref<1x64xi32, #tpu.memory_space<vmem>> -> memref<64xi32, #tpu.memory_space<vmem>>
          %dma_wait3A_131 = arith.constant 0 : i32
          %dma_wait3A_132 = arith.constant 0 : i32
          %dma_wait3A_133 = tpu.memref_slice %arg7[%dma_wait3A_131, %dma_wait3A_132] : memref<10112x128xf32, #tpu.memory_space<vmem_shared>> -> memref<10112x128xf32, #tpu.memory_space<vmem_shared>>
          tpu.wait_indirect_dma semaphore(%run_scoped3A : memref<!tpu.dma_semaphore, #tpu.memory_space<semaphore_mem>>) src(%arg12 : memref<64x128xf32, #tpu.memory_space<vmem>>) dst(%dma_wait3A_133 : memref<10112x128xf32, #tpu.memory_space<vmem_shared>>)
          tpu.yield
        }) : () -> ()
        %add3A_98 = arith.constant 4 : i32
        %add3A_99 = arith.addi %add3A_91, %add3A_98 : i32
        %lt3A_100 = arith.constant 40 : i32
        %lt3A_101 = arith.cmpi slt, %add3A_99, %lt3A_100 : i32
        %convert_element_type3A_102 = arith.extui %lt3A_101 : i1 to i32
        %cond3A_103 = arith.constant 0 : i32
        %cond3A_104 = arith.cmpi ne, %convert_element_type3A_102, %cond3A_103 : i32
        scf.if %cond3A_104 {
          %add3A_122 = arith.constant 4 : i32
          %add3A_123 = arith.addi %add3A_91, %add3A_122 : i32
          %dma_start3A_124 = arith.constant 0 : i32
          %dma_start3A_125 = tpu.memref_slice %arg8[%add3A_123, %dma_start3A_124] : memref<40x64xi32, #tpu.memory_space<vmem>> -> memref<1x64xi32, #tpu.memory_space<vmem>>
          %dma_start3A_126 = tpu.memref_squeeze %dma_start3A_125 : memref<1x64xi32, #tpu.memory_space<vmem>> -> memref<64xi32, #tpu.memory_space<vmem>>
          %dma_start3A_127 = arith.constant 0 : i32
          %dma_start3A_128 = arith.constant 0 : i32
          %dma_start3A_129 = tpu.memref_slice %arg2[%dma_start3A_127, %dma_start3A_128] : memref<10000x128xf32, #tpu.memory_space<hbm>> -> memref<10000x128xf32, #tpu.memory_space<hbm>>
          tpu.enqueue_indirect_dma source(%dma_start3A_129 : memref<10000x128xf32, #tpu.memory_space<hbm>>) target(%arg12 : memref<64x128xf32, #tpu.memory_space<vmem>>) offsets(%dma_start3A_126 : memref<64xi32, #tpu.memory_space<vmem>>) semaphore(%arg16 : memref<!tpu.dma_semaphore, #tpu.memory_space<semaphore_mem>>)
        } else {
        }
        %mul3A_105 = arith.constant 4 : i32
        %mul3A_106 = arith.muli %scan3A_57, %mul3A_105 : i32
        %add3A_107 = arith.constant 3 : i32
        %add3A_108 = arith.addi %mul3A_106, %add3A_107 : i32
        %dma_wait3A_109 = arith.constant 0 : i32
        %dma_wait3A_110 = tpu.memref_slice %arg8[%add3A_108, %dma_wait3A_109] : memref<40x64xi32, #tpu.memory_space<vmem>> -> memref<1x64xi32, #tpu.memory_space<vmem>>
        %dma_wait3A_111 = tpu.memref_squeeze %dma_wait3A_110 : memref<1x64xi32, #tpu.memory_space<vmem>> -> memref<64xi32, #tpu.memory_space<vmem>>
        %dma_wait3A_112 = arith.constant 0 : i32
        %dma_wait3A_113 = arith.constant 0 : i32
        %dma_wait3A_114 = tpu.memref_slice %arg2[%dma_wait3A_112, %dma_wait3A_113] : memref<10000x128xf32, #tpu.memory_space<hbm>> -> memref<10000x128xf32, #tpu.memory_space<hbm>>
        tpu.wait_indirect_dma semaphore(%arg17 : memref<!tpu.dma_semaphore, #tpu.memory_space<semaphore_mem>>) src(%dma_wait3A_114 : memref<10000x128xf32, #tpu.memory_space<hbm>>) dst(%arg13 : memref<64x128xf32, #tpu.memory_space<vmem>>)
        "tpu.region"() ({
          %run_scoped3A = tpu.sem_alloc : memref<!tpu.dma_semaphore, #tpu.memory_space<semaphore_mem>>
          %dma_start3A_122 = arith.constant 0 : i32
          %dma_start3A_123 = tpu.memref_slice %arg9[%add3A_108, %dma_start3A_122] : memref<40x64xi32, #tpu.memory_space<vmem>> -> memref<1x64xi32, #tpu.memory_space<vmem>>
          %dma_start3A_124 = tpu.memref_squeeze %dma_start3A_123 : memref<1x64xi32, #tpu.memory_space<vmem>> -> memref<64xi32, #tpu.memory_space<vmem>>
          %dma_start3A_125 = arith.constant 0 : i32
          %dma_start3A_126 = arith.constant 0 : i32
          %dma_start3A_127 = tpu.memref_slice %arg7[%dma_start3A_125, %dma_start3A_126] : memref<10112x128xf32, #tpu.memory_space<vmem_shared>> -> memref<10112x128xf32, #tpu.memory_space<vmem_shared>>
          tpu.enqueue_indirect_dma source(%arg13 : memref<64x128xf32, #tpu.memory_space<vmem>>) target(%dma_start3A_127 : memref<10112x128xf32, #tpu.memory_space<vmem_shared>>) offsets(%dma_start3A_124 : memref<64xi32, #tpu.memory_space<vmem>>) semaphore(%run_scoped3A : memref<!tpu.dma_semaphore, #tpu.memory_space<semaphore_mem>>) {add = true}
          %dma_wait3A_128 = arith.constant 0 : i32
          %dma_wait3A_129 = tpu.memref_slice %arg9[%add3A_108, %dma_wait3A_128] : memref<40x64xi32, #tpu.memory_space<vmem>> -> memref<1x64xi32, #tpu.memory_space<vmem>>
          %dma_wait3A_130 = tpu.memref_squeeze %dma_wait3A_129 : memref<1x64xi32, #tpu.memory_space<vmem>> -> memref<64xi32, #tpu.memory_space<vmem>>
          %dma_wait3A_131 = arith.constant 0 : i32
          %dma_wait3A_132 = arith.constant 0 : i32
          %dma_wait3A_133 = tpu.memref_slice %arg7[%dma_wait3A_131, %dma_wait3A_132] : memref<10112x128xf32, #tpu.memory_space<vmem_shared>> -> memref<10112x128xf32, #tpu.memory_space<vmem_shared>>
          tpu.wait_indirect_dma semaphore(%run_scoped3A : memref<!tpu.dma_semaphore, #tpu.memory_space<semaphore_mem>>) src(%arg13 : memref<64x128xf32, #tpu.memory_space<vmem>>) dst(%dma_wait3A_133 : memref<10112x128xf32, #tpu.memory_space<vmem_shared>>)
          tpu.yield
        }) : () -> ()
        %add3A_115 = arith.constant 4 : i32
        %add3A_116 = arith.addi %add3A_108, %add3A_115 : i32
        %lt3A_117 = arith.constant 40 : i32
        %lt3A_118 = arith.cmpi slt, %add3A_116, %lt3A_117 : i32
        %convert_element_type3A_119 = arith.extui %lt3A_118 : i1 to i32
        %cond3A_120 = arith.constant 0 : i32
        %cond3A_121 = arith.cmpi ne, %convert_element_type3A_119, %cond3A_120 : i32
        scf.if %cond3A_121 {
          %add3A_122 = arith.constant 4 : i32
          %add3A_123 = arith.addi %add3A_108, %add3A_122 : i32
          %dma_start3A_124 = arith.constant 0 : i32
          %dma_start3A_125 = tpu.memref_slice %arg8[%add3A_123, %dma_start3A_124] : memref<40x64xi32, #tpu.memory_space<vmem>> -> memref<1x64xi32, #tpu.memory_space<vmem>>
          %dma_start3A_126 = tpu.memref_squeeze %dma_start3A_125 : memref<1x64xi32, #tpu.memory_space<vmem>> -> memref<64xi32, #tpu.memory_space<vmem>>
          %dma_start3A_127 = arith.constant 0 : i32
          %dma_start3A_128 = arith.constant 0 : i32
          %dma_start3A_129 = tpu.memref_slice %arg2[%dma_start3A_127, %dma_start3A_128] : memref<10000x128xf32, #tpu.memory_space<hbm>> -> memref<10000x128xf32, #tpu.memory_space<hbm>>
          tpu.enqueue_indirect_dma source(%dma_start3A_129 : memref<10000x128xf32, #tpu.memory_space<hbm>>) target(%arg13 : memref<64x128xf32, #tpu.memory_space<vmem>>) offsets(%dma_start3A_126 : memref<64xi32, #tpu.memory_space<vmem>>) semaphore(%arg17 : memref<!tpu.dma_semaphore, #tpu.memory_space<semaphore_mem>>)
        } else {
        }
      }
      %scan3A_56 = arith.constant 10 : i32
    }
    %barrier3A_16 = arith.constant 0 : index
    tpu.barrier barrier_id(%barrier3A_16)
    %mul3A_17 = arith.constant 632 : i32
    %mul3A_18 = arith.muli %arg1, %mul3A_17 : i32
    %mul3A_19 = arith.constant 632 : i32
    %mul3A_20 = arith.muli %arg1, %mul3A_19 : i32
    "tpu.region"() ({
      %run_scoped3A = tpu.sem_alloc : memref<!tpu.dma_semaphore, #tpu.memory_space<semaphore_mem>>
      %dma_start3A = arith.constant 0 : i32
      %dma_start3A_21 = tpu.memref_slice %arg6[%arg0, %mul3A_20, %dma_start3A] : memref<2x10112x128xf32, #tpu.memory_space<hbm>> -> memref<1x632x128xf32, #tpu.memory_space<hbm>>
      %dma_start3A_22 = tpu.memref_squeeze %dma_start3A_21 : memref<1x632x128xf32, #tpu.memory_space<hbm>> -> memref<632x128xf32, #tpu.memory_space<hbm>>
      %dma_start3A_23 = arith.constant 0 : i32
      %dma_start3A_24 = tpu.memref_slice %arg7[%mul3A_18, %dma_start3A_23] : memref<10112x128xf32, #tpu.memory_space<vmem_shared>> -> memref<632x128xf32, #tpu.memory_space<vmem_shared>>
      tpu.enqueue_dma source(%dma_start3A_24 : memref<632x128xf32, #tpu.memory_space<vmem_shared>>) target(%dma_start3A_22 : memref<632x128xf32, #tpu.memory_space<hbm>>) target_semaphore(%run_scoped3A : memref<!tpu.dma_semaphore, #tpu.memory_space<semaphore_mem>>)
      %dma_wait3A = arith.constant 0 : i32
      %dma_wait3A_25 = tpu.memref_slice %arg6[%arg0, %mul3A_20, %dma_wait3A] : memref<2x10112x128xf32, #tpu.memory_space<hbm>> -> memref<1x632x128xf32, #tpu.memory_space<hbm>>
      %dma_wait3A_26 = tpu.memref_squeeze %dma_wait3A_25 : memref<1x632x128xf32, #tpu.memory_space<hbm>> -> memref<632x128xf32, #tpu.memory_space<hbm>>
      %dma_wait3A_27 = arith.constant 0 : i32
      %dma_wait3A_28 = tpu.memref_slice %arg7[%mul3A_18, %dma_wait3A_27] : memref<10112x128xf32, #tpu.memory_space<vmem_shared>> -> memref<632x128xf32, #tpu.memory_space<vmem_shared>>
      tpu.wait_dma2 semaphore(%run_scoped3A : memref<!tpu.dma_semaphore, #tpu.memory_space<semaphore_mem>>) src(%dma_wait3A_28 : memref<632x128xf32, #tpu.memory_space<vmem_shared>>) dst(%dma_wait3A_26 : memref<632x128xf32, #tpu.memory_space<hbm>>)
      tpu.yield
    }) : () -> ()
    return
  }
}

#map = affine_map<(d0, d1) -> (0, 0)>
#map1 = affine_map<(d0, d1) -> (0, 0, 0)>
module attributes {stable_mosaic.version = 14 : i64} {
  func.func @body(%arg0: i32, %arg1: i32, %arg2: memref<10000x128xf32, #tpu.memory_space<hbm>>, %arg3: memref<32x160x64xi32, #tpu.memory_space<hbm>>, %arg4: memref<32x160x64xi32, #tpu.memory_space<hbm>>, %arg5: memref<10112x128xf32, #tpu.memory_space<hbm>>, %arg6: memref<2x10112x128xf32, #tpu.memory_space<hbm>>, %arg7: memref<10112x128xf32, #tpu.memory_space<vmem_shared>>, %arg8: memref<40x64xi32, #tpu.memory_space<vmem>>, %arg9: memref<40x64xi32, #tpu.memory_space<vmem>>, %arg10: memref<64x128xf32, #tpu.memory_space<vmem>>, %arg11: memref<64x128xf32, #tpu.memory_space<vmem>>, %arg12: memref<64x128xf32, #tpu.memory_space<vmem>>, %arg13: memref<64x128xf32, #tpu.memory_space<vmem>>, %arg14: memref<!tpu.dma_semaphore, #tpu.memory_space<semaphore_mem>>, %arg15: memref<!tpu.dma_semaphore, #tpu.memory_space<semaphore_mem>>, %arg16: memref<!tpu.dma_semaphore, #tpu.memory_space<semaphore_mem>>, %arg17: memref<!tpu.dma_semaphore, #tpu.memory_space<semaphore_mem>>) attributes {dimension_semantics = [#tpu.dimension_semantics<core_parallel>, #tpu.dimension_semantics<subcore_parallel>], iteration_bounds = array<i64: 2, 16>, scalar_prefetch = 0 : i64, scratch_operands = 11 : i64, tpu.core_type = #tpu.core_type<sc_vector_subcore>, window_params = [{transform_indices = #map}, {transform_indices = #map1}, {transform_indices = #map1}, {transform_indices = #map}, {transform_indices = #map1}]} {
    %mul3A = arith.constant 16 : i32
    %mul3A_0 = arith.muli %arg0, %mul3A : i32
    %add3A = arith.addi %mul3A_0, %arg1 : i32
    %eq3A = arith.constant 0 : i32
    %eq3A_1 = arith.cmpi eq, %arg0, %eq3A : i32
    %jit3A = arith.constant 4 : i32
    %jit3A_2 = arith.constant 4 : i32
    %select_n3A = arith.select %eq3A_1, %jit3A, %jit3A_2 : i32
    %mul3A_3 = arith.constant 632 : i32
    %mul3A_4 = arith.muli %arg1, %mul3A_3 : i32
    %mul3A_5 = arith.constant 632 : i32
    %mul3A_6 = arith.muli %arg1, %mul3A_5 : i32
    "tpu.region"() ({
      %run_scoped3A = tpu.sem_alloc : memref<!tpu.dma_semaphore, #tpu.memory_space<semaphore_mem>>
      %dma_start3A = arith.constant 0 : i32
      %dma_start3A_21 = tpu.memref_slice %arg7[%mul3A_6, %dma_start3A] : memref<10112x128xf32, #tpu.memory_space<vmem_shared>> -> memref<632x128xf32, #tpu.memory_space<vmem_shared>>
      %dma_start3A_22 = arith.constant 0 : i32
      %dma_start3A_23 = tpu.memref_slice %arg5[%mul3A_4, %dma_start3A_22] : memref<10112x128xf32, #tpu.memory_space<hbm>> -> memref<632x128xf32, #tpu.memory_space<hbm>>
      tpu.enqueue_dma source(%dma_start3A_23 : memref<632x128xf32, #tpu.memory_space<hbm>>) target(%dma_start3A_21 : memref<632x128xf32, #tpu.memory_space<vmem_shared>>) target_semaphore(%run_scoped3A : memref<!tpu.dma_semaphore, #tpu.memory_space<semaphore_mem>>)
      %dma_wait3A = arith.constant 0 : i32
      %dma_wait3A_24 = tpu.memref_slice %arg7[%mul3A_6, %dma_wait3A] : memref<10112x128xf32, #tpu.memory_space<vmem_shared>> -> memref<632x128xf32, #tpu.memory_space<vmem_shared>>
      %dma_wait3A_25 = arith.constant 0 : i32
      %dma_wait3A_26 = tpu.memref_slice %arg5[%mul3A_4, %dma_wait3A_25] : memref<10112x128xf32, #tpu.memory_space<hbm>> -> memref<632x128xf32, #tpu.memory_space<hbm>>
      tpu.wait_dma2 semaphore(%run_scoped3A : memref<!tpu.dma_semaphore, #tpu.memory_space<semaphore_mem>>) src(%dma_wait3A_26 : memref<632x128xf32, #tpu.memory_space<hbm>>) dst(%dma_wait3A_24 : memref<632x128xf32, #tpu.memory_space<vmem_shared>>)
      tpu.yield
    }) : () -> ()
    %barrier3A = arith.constant 0 : index
    tpu.barrier barrier_id(%barrier3A)
    %while3A = arith.constant 0 : i32
    %while3A_7 = arith.constant 0 : i32
    %while3A_8 = arith.subi %select_n3A, %while3A_7 : i32
    %while3A_9 = arith.addi %while3A_7, %while3A_8 : i32
    %while3A_10 = arith.constant 1 : i32
    %while3A_11 = arith.divsi %while3A_8, %while3A_10 : i32
    %while3A_12 = arith.muli %while3A_11, %while3A_10 : i32
    %while3A_13 = arith.addi %while3A_7, %while3A_12 : i32
    %while3A_14 = arith.constant 1 : i32
    scf.for %while3A_21 = %while3A_7 to %while3A_13 step %while3A_14  : i32 {
      %mul3A_22 = arith.constant 40 : i32
      %mul3A_23 = arith.muli %while3A_21, %mul3A_22 : i32
      "tpu.region"() ({
        %run_scoped3A = tpu.sem_alloc : memref<!tpu.dma_semaphore, #tpu.memory_space<semaphore_mem>>
        %dma_start3A_57 = arith.constant 0 : i32
        %dma_start3A_58 = tpu.memref_slice %arg3[%add3A, %mul3A_23, %dma_start3A_57] : memref<32x160x64xi32, #tpu.memory_space<hbm>> -> memref<1x40x64xi32, #tpu.memory_space<hbm>>
        %dma_start3A_59 = tpu.memref_squeeze %dma_start3A_58 : memref<1x40x64xi32, #tpu.memory_space<hbm>> -> memref<40x64xi32, #tpu.memory_space<hbm>>
        %dma_start3A_60 = arith.constant 0 : i32
        %dma_start3A_61 = tpu.memref_slice %arg3[%add3A, %mul3A_23, %dma_start3A_60] : memref<32x160x64xi32, #tpu.memory_space<hbm>> -> memref<1x40x64xi32, #tpu.memory_space<hbm>>
        %dma_start3A_62 = tpu.memref_squeeze %dma_start3A_61 : memref<1x40x64xi32, #tpu.memory_space<hbm>> -> memref<40x64xi32, #tpu.memory_space<hbm>>
        tpu.enqueue_dma source(%dma_start3A_62 : memref<40x64xi32, #tpu.memory_space<hbm>>) target(%arg8 : memref<40x64xi32, #tpu.memory_space<vmem>>) target_semaphore(%run_scoped3A : memref<!tpu.dma_semaphore, #tpu.memory_space<semaphore_mem>>)
        %dma_wait3A = arith.constant 0 : i32
        %dma_wait3A_63 = tpu.memref_slice %arg3[%add3A, %mul3A_23, %dma_wait3A] : memref<32x160x64xi32, #tpu.memory_space<hbm>> -> memref<1x40x64xi32, #tpu.memory_space<hbm>>
        %dma_wait3A_64 = tpu.memref_squeeze %dma_wait3A_63 : memref<1x40x64xi32, #tpu.memory_space<hbm>> -> memref<40x64xi32, #tpu.memory_space<hbm>>
        %dma_wait3A_65 = arith.constant 0 : i32
        %dma_wait3A_66 = tpu.memref_slice %arg3[%add3A, %mul3A_23, %dma_wait3A_65] : memref<32x160x64xi32, #tpu.memory_space<hbm>> -> memref<1x40x64xi32, #tpu.memory_space<hbm>>
        %dma_wait3A_67 = tpu.memref_squeeze %dma_wait3A_66 : memref<1x40x64xi32, #tpu.memory_space<hbm>> -> memref<40x64xi32, #tpu.memory_space<hbm>>
        tpu.wait_dma2 semaphore(%run_scoped3A : memref<!tpu.dma_semaphore, #tpu.memory_space<semaphore_mem>>) src(%dma_wait3A_67 : memref<40x64xi32, #tpu.memory_space<hbm>>) dst(%arg8 : memref<40x64xi32, #tpu.memory_space<vmem>>)
        tpu.yield
      }) : () -> ()
      %mul3A_24 = arith.constant 40 : i32
      %mul3A_25 = arith.muli %while3A_21, %mul3A_24 : i32
      "tpu.region"() ({
        %run_scoped3A = tpu.sem_alloc : memref<!tpu.dma_semaphore, #tpu.memory_space<semaphore_mem>>
        %dma_start3A_57 = arith.constant 0 : i32
        %dma_start3A_58 = tpu.memref_slice %arg4[%add3A, %mul3A_25, %dma_start3A_57] : memref<32x160x64xi32, #tpu.memory_space<hbm>> -> memref<1x40x64xi32, #tpu.memory_space<hbm>>
        %dma_start3A_59 = tpu.memref_squeeze %dma_start3A_58 : memref<1x40x64xi32, #tpu.memory_space<hbm>> -> memref<40x64xi32, #tpu.memory_space<hbm>>
        %dma_start3A_60 = arith.constant 0 : i32
        %dma_start3A_61 = tpu.memref_slice %arg4[%add3A, %mul3A_25, %dma_start3A_60] : memref<32x160x64xi32, #tpu.memory_space<hbm>> -> memref<1x40x64xi32, #tpu.memory_space<hbm>>
        %dma_start3A_62 = tpu.memref_squeeze %dma_start3A_61 : memref<1x40x64xi32, #tpu.memory_space<hbm>> -> memref<40x64xi32, #tpu.memory_space<hbm>>
        tpu.enqueue_dma source(%dma_start3A_62 : memref<40x64xi32, #tpu.memory_space<hbm>>) target(%arg9 : memref<40x64xi32, #tpu.memory_space<vmem>>) target_semaphore(%run_scoped3A : memref<!tpu.dma_semaphore, #tpu.memory_space<semaphore_mem>>)
        %dma_wait3A = arith.constant 0 : i32
        %dma_wait3A_63 = tpu.memref_slice %arg4[%add3A, %mul3A_25, %dma_wait3A] : memref<32x160x64xi32, #tpu.memory_space<hbm>> -> memref<1x40x64xi32, #tpu.memory_space<hbm>>
        %dma_wait3A_64 = tpu.memref_squeeze %dma_wait3A_63 : memref<1x40x64xi32, #tpu.memory_space<hbm>> -> memref<40x64xi32, #tpu.memory_space<hbm>>
        %dma_wait3A_65 = arith.constant 0 : i32
        %dma_wait3A_66 = tpu.memref_slice %arg4[%add3A, %mul3A_25, %dma_wait3A_65] : memref<32x160x64xi32, #tpu.memory_space<hbm>> -> memref<1x40x64xi32, #tpu.memory_space<hbm>>
        %dma_wait3A_67 = tpu.memref_squeeze %dma_wait3A_66 : memref<1x40x64xi32, #tpu.memory_space<hbm>> -> memref<40x64xi32, #tpu.memory_space<hbm>>
        tpu.wait_dma2 semaphore(%run_scoped3A : memref<!tpu.dma_semaphore, #tpu.memory_space<semaphore_mem>>) src(%dma_wait3A_67 : memref<40x64xi32, #tpu.memory_space<hbm>>) dst(%arg9 : memref<40x64xi32, #tpu.memory_space<vmem>>)
        tpu.yield
      }) : () -> ()
      %dma_start3A = arith.constant 0 : i32
      %dma_start3A_26 = arith.constant 0 : i32
      %dma_start3A_27 = tpu.memref_slice %arg8[%dma_start3A, %dma_start3A_26] : memref<40x64xi32, #tpu.memory_space<vmem>> -> memref<1x64xi32, #tpu.memory_space<vmem>>
      %dma_start3A_28 = tpu.memref_squeeze %dma_start3A_27 : memref<1x64xi32, #tpu.memory_space<vmem>> -> memref<64xi32, #tpu.memory_space<vmem>>
      %dma_start3A_29 = arith.constant 0 : i32
      %dma_start3A_30 = arith.constant 0 : i32
      %dma_start3A_31 = tpu.memref_slice %arg2[%dma_start3A_29, %dma_start3A_30] : memref<10000x128xf32, #tpu.memory_space<hbm>> -> memref<10000x128xf32, #tpu.memory_space<hbm>>
      tpu.enqueue_indirect_dma source(%dma_start3A_31 : memref<10000x128xf32, #tpu.memory_space<hbm>>) target(%arg10 : memref<64x128xf32, #tpu.memory_space<vmem>>) offsets(%dma_start3A_28 : memref<64xi32, #tpu.memory_space<vmem>>) semaphore(%arg14 : memref<!tpu.dma_semaphore, #tpu.memory_space<semaphore_mem>>)
      %dma_start3A_32 = arith.constant 1 : i32
      %dma_start3A_33 = arith.constant 0 : i32
      %dma_start3A_34 = tpu.memref_slice %arg8[%dma_start3A_32, %dma_start3A_33] : memref<40x64xi32, #tpu.memory_space<vmem>> -> memref<1x64xi32, #tpu.memory_space<vmem>>
      %dma_start3A_35 = tpu.memref_squeeze %dma_start3A_34 : memref<1x64xi32, #tpu.memory_space<vmem>> -> memref<64xi32, #tpu.memory_space<vmem>>
      %dma_start3A_36 = arith.constant 0 : i32
      %dma_start3A_37 = arith.constant 0 : i32
      %dma_start3A_38 = tpu.memref_slice %arg2[%dma_start3A_36, %dma_start3A_37] : memref<10000x128xf32, #tpu.memory_space<hbm>> -> memref<10000x128xf32, #tpu.memory_space<hbm>>
      tpu.enqueue_indirect_dma source(%dma_start3A_38 : memref<10000x128xf32, #tpu.memory_space<hbm>>) target(%arg11 : memref<64x128xf32, #tpu.memory_space<vmem>>) offsets(%dma_start3A_35 : memref<64xi32, #tpu.memory_space<vmem>>) semaphore(%arg15 : memref<!tpu.dma_semaphore, #tpu.memory_space<semaphore_mem>>)
      %dma_start3A_39 = arith.constant 2 : i32
      %dma_start3A_40 = arith.constant 0 : i32
      %dma_start3A_41 = tpu.memref_slice %arg8[%dma_start3A_39, %dma_start3A_40] : memref<40x64xi32, #tpu.memory_space<vmem>> -> memref<1x64xi32, #tpu.memory_space<vmem>>
      %dma_start3A_42 = tpu.memref_squeeze %dma_start3A_41 : memref<1x64xi32, #tpu.memory_space<vmem>> -> memref<64xi32, #tpu.memory_space<vmem>>
      %dma_start3A_43 = arith.constant 0 : i32
      %dma_start3A_44 = arith.constant 0 : i32
      %dma_start3A_45 = tpu.memref_slice %arg2[%dma_start3A_43, %dma_start3A_44] : memref<10000x128xf32, #tpu.memory_space<hbm>> -> memref<10000x128xf32, #tpu.memory_space<hbm>>
      tpu.enqueue_indirect_dma source(%dma_start3A_45 : memref<10000x128xf32, #tpu.memory_space<hbm>>) target(%arg12 : memref<64x128xf32, #tpu.memory_space<vmem>>) offsets(%dma_start3A_42 : memref<64xi32, #tpu.memory_space<vmem>>) semaphore(%arg16 : memref<!tpu.dma_semaphore, #tpu.memory_space<semaphore_mem>>)
      %dma_start3A_46 = arith.constant 3 : i32
      %dma_start3A_47 = arith.constant 0 : i32
      %dma_start3A_48 = tpu.memref_slice %arg8[%dma_start3A_46, %dma_start3A_47] : memref<40x64xi32, #tpu.memory_space<vmem>> -> memref<1x64xi32, #tpu.memory_space<vmem>>
      %dma_start3A_49 = tpu.memref_squeeze %dma_start3A_48 : memref<1x64xi32, #tpu.memory_space<vmem>> -> memref<64xi32, #tpu.memory_space<vmem>>
      %dma_start3A_50 = arith.constant 0 : i32
      %dma_start3A_51 = arith.constant 0 : i32
      %dma_start3A_52 = tpu.memref_slice %arg2[%dma_start3A_50, %dma_start3A_51] : memref<10000x128xf32, #tpu.memory_space<hbm>> -> memref<10000x128xf32, #tpu.memory_space<hbm>>
      tpu.enqueue_indirect_dma source(%dma_start3A_52 : memref<10000x128xf32, #tpu.memory_space<hbm>>) target(%arg13 : memref<64x128xf32, #tpu.memory_space<vmem>>) offsets(%dma_start3A_49 : memref<64xi32, #tpu.memory_space<vmem>>) semaphore(%arg17 : memref<!tpu.dma_semaphore, #tpu.memory_space<semaphore_mem>>)
      %scan3A = arith.constant 0 : i32
      %scan3A_53 = arith.constant 10 : i32
      %scan3A_54 = arith.addi %scan3A, %scan3A_53 : i32
      %scan3A_55 = arith.constant 1 : i32
      scf.for %scan3A_57 = %scan3A to %scan3A_54 step %scan3A_55  : i32 {
        %mul3A_58 = arith.constant 4 : i32
        %mul3A_59 = arith.muli %scan3A_57, %mul3A_58 : i32
        %add3A_60 = arith.constant 0 : i32
        %add3A_61 = arith.addi %mul3A_59, %add3A_60 : i32
        %dma_wait3A = arith.constant 0 : i32
        %dma_wait3A_62 = tpu.memref_slice %arg8[%add3A_61, %dma_wait3A] : memref<40x64xi32, #tpu.memory_space<vmem>> -> memref<1x64xi32, #tpu.memory_space<vmem>>
        %dma_wait3A_63 = tpu.memref_squeeze %dma_wait3A_62 : memref<1x64xi32, #tpu.memory_space<vmem>> -> memref<64xi32, #tpu.memory_space<vmem>>
        %dma_wait3A_64 = arith.constant 0 : i32
        %dma_wait3A_65 = arith.constant 0 : i32
        %dma_wait3A_66 = tpu.memref_slice %arg2[%dma_wait3A_64, %dma_wait3A_65] : memref<10000x128xf32, #tpu.memory_space<hbm>> -> memref<10000x128xf32, #tpu.memory_space<hbm>>
        tpu.wait_indirect_dma semaphore(%arg14 : memref<!tpu.dma_semaphore, #tpu.memory_space<semaphore_mem>>) src(%dma_wait3A_66 : memref<10000x128xf32, #tpu.memory_space<hbm>>) dst(%arg10 : memref<64x128xf32, #tpu.memory_space<vmem>>)
        "tpu.region"() ({
          %run_scoped3A = tpu.sem_alloc : memref<!tpu.dma_semaphore, #tpu.memory_space<semaphore_mem>>
          %dma_start3A_122 = arith.constant 0 : i32
          %dma_start3A_123 = tpu.memref_slice %arg9[%add3A_61, %dma_start3A_122] : memref<40x64xi32, #tpu.memory_space<vmem>> -> memref<1x64xi32, #tpu.memory_space<vmem>>
          %dma_start3A_124 = tpu.memref_squeeze %dma_start3A_123 : memref<1x64xi32, #tpu.memory_space<vmem>> -> memref<64xi32, #tpu.memory_space<vmem>>
          %dma_start3A_125 = arith.constant 0 : i32
          %dma_start3A_126 = arith.constant 0 : i32
          %dma_start3A_127 = tpu.memref_slice %arg7[%dma_start3A_125, %dma_start3A_126] : memref<10112x128xf32, #tpu.memory_space<vmem_shared>> -> memref<10112x128xf32, #tpu.memory_space<vmem_shared>>
          tpu.enqueue_indirect_dma source(%arg10 : memref<64x128xf32, #tpu.memory_space<vmem>>) target(%dma_start3A_127 : memref<10112x128xf32, #tpu.memory_space<vmem_shared>>) offsets(%dma_start3A_124 : memref<64xi32, #tpu.memory_space<vmem>>) semaphore(%run_scoped3A : memref<!tpu.dma_semaphore, #tpu.memory_space<semaphore_mem>>) {add = true}
          %dma_wait3A_128 = arith.constant 0 : i32
          %dma_wait3A_129 = tpu.memref_slice %arg9[%add3A_61, %dma_wait3A_128] : memref<40x64xi32, #tpu.memory_space<vmem>> -> memref<1x64xi32, #tpu.memory_space<vmem>>
          %dma_wait3A_130 = tpu.memref_squeeze %dma_wait3A_129 : memref<1x64xi32, #tpu.memory_space<vmem>> -> memref<64xi32, #tpu.memory_space<vmem>>
          %dma_wait3A_131 = arith.constant 0 : i32
          %dma_wait3A_132 = arith.constant 0 : i32
          %dma_wait3A_133 = tpu.memref_slice %arg7[%dma_wait3A_131, %dma_wait3A_132] : memref<10112x128xf32, #tpu.memory_space<vmem_shared>> -> memref<10112x128xf32, #tpu.memory_space<vmem_shared>>
          tpu.wait_indirect_dma semaphore(%run_scoped3A : memref<!tpu.dma_semaphore, #tpu.memory_space<semaphore_mem>>) src(%arg10 : memref<64x128xf32, #tpu.memory_space<vmem>>) dst(%dma_wait3A_133 : memref<10112x128xf32, #tpu.memory_space<vmem_shared>>)
          tpu.yield
        }) : () -> ()
        %add3A_67 = arith.constant 4 : i32
        %add3A_68 = arith.addi %add3A_61, %add3A_67 : i32
        %lt3A = arith.constant 40 : i32
        %lt3A_69 = arith.cmpi slt, %add3A_68, %lt3A : i32
        %convert_element_type3A = arith.extui %lt3A_69 : i1 to i32
        %cond3A = arith.constant 0 : i32
        %cond3A_70 = arith.cmpi ne, %convert_element_type3A, %cond3A : i32
        scf.if %cond3A_70 {
          %add3A_122 = arith.constant 4 : i32
          %add3A_123 = arith.addi %add3A_61, %add3A_122 : i32
          %dma_start3A_124 = arith.constant 0 : i32
          %dma_start3A_125 = tpu.memref_slice %arg8[%add3A_123, %dma_start3A_124] : memref<40x64xi32, #tpu.memory_space<vmem>> -> memref<1x64xi32, #tpu.memory_space<vmem>>
          %dma_start3A_126 = tpu.memref_squeeze %dma_start3A_125 : memref<1x64xi32, #tpu.memory_space<vmem>> -> memref<64xi32, #tpu.memory_space<vmem>>
          %dma_start3A_127 = arith.constant 0 : i32
          %dma_start3A_128 = arith.constant 0 : i32
          %dma_start3A_129 = tpu.memref_slice %arg2[%dma_start3A_127, %dma_start3A_128] : memref<10000x128xf32, #tpu.memory_space<hbm>> -> memref<10000x128xf32, #tpu.memory_space<hbm>>
          tpu.enqueue_indirect_dma source(%dma_start3A_129 : memref<10000x128xf32, #tpu.memory_space<hbm>>) target(%arg10 : memref<64x128xf32, #tpu.memory_space<vmem>>) offsets(%dma_start3A_126 : memref<64xi32, #tpu.memory_space<vmem>>) semaphore(%arg14 : memref<!tpu.dma_semaphore, #tpu.memory_space<semaphore_mem>>)
        } else {
        }
        %mul3A_71 = arith.constant 4 : i32
        %mul3A_72 = arith.muli %scan3A_57, %mul3A_71 : i32
        %add3A_73 = arith.constant 1 : i32
        %add3A_74 = arith.addi %mul3A_72, %add3A_73 : i32
        %dma_wait3A_75 = arith.constant 0 : i32
        %dma_wait3A_76 = tpu.memref_slice %arg8[%add3A_74, %dma_wait3A_75] : memref<40x64xi32, #tpu.memory_space<vmem>> -> memref<1x64xi32, #tpu.memory_space<vmem>>
        %dma_wait3A_77 = tpu.memref_squeeze %dma_wait3A_76 : memref<1x64xi32, #tpu.memory_space<vmem>> -> memref<64xi32, #tpu.memory_space<vmem>>
        %dma_wait3A_78 = arith.constant 0 : i32
        %dma_wait3A_79 = arith.constant 0 : i32
        %dma_wait3A_80 = tpu.memref_slice %arg2[%dma_wait3A_78, %dma_wait3A_79] : memref<10000x128xf32, #tpu.memory_space<hbm>> -> memref<10000x128xf32, #tpu.memory_space<hbm>>
        tpu.wait_indirect_dma semaphore(%arg15 : memref<!tpu.dma_semaphore, #tpu.memory_space<semaphore_mem>>) src(%dma_wait3A_80 : memref<10000x128xf32, #tpu.memory_space<hbm>>) dst(%arg11 : memref<64x128xf32, #tpu.memory_space<vmem>>)
        "tpu.region"() ({
          %run_scoped3A = tpu.sem_alloc : memref<!tpu.dma_semaphore, #tpu.memory_space<semaphore_mem>>
          %dma_start3A_122 = arith.constant 0 : i32
          %dma_start3A_123 = tpu.memref_slice %arg9[%add3A_74, %dma_start3A_122] : memref<40x64xi32, #tpu.memory_space<vmem>> -> memref<1x64xi32, #tpu.memory_space<vmem>>
          %dma_start3A_124 = tpu.memref_squeeze %dma_start3A_123 : memref<1x64xi32, #tpu.memory_space<vmem>> -> memref<64xi32, #tpu.memory_space<vmem>>
          %dma_start3A_125 = arith.constant 0 : i32
          %dma_start3A_126 = arith.constant 0 : i32
          %dma_start3A_127 = tpu.memref_slice %arg7[%dma_start3A_125, %dma_start3A_126] : memref<10112x128xf32, #tpu.memory_space<vmem_shared>> -> memref<10112x128xf32, #tpu.memory_space<vmem_shared>>
          tpu.enqueue_indirect_dma source(%arg11 : memref<64x128xf32, #tpu.memory_space<vmem>>) target(%dma_start3A_127 : memref<10112x128xf32, #tpu.memory_space<vmem_shared>>) offsets(%dma_start3A_124 : memref<64xi32, #tpu.memory_space<vmem>>) semaphore(%run_scoped3A : memref<!tpu.dma_semaphore, #tpu.memory_space<semaphore_mem>>) {add = true}
          %dma_wait3A_128 = arith.constant 0 : i32
          %dma_wait3A_129 = tpu.memref_slice %arg9[%add3A_74, %dma_wait3A_128] : memref<40x64xi32, #tpu.memory_space<vmem>> -> memref<1x64xi32, #tpu.memory_space<vmem>>
          %dma_wait3A_130 = tpu.memref_squeeze %dma_wait3A_129 : memref<1x64xi32, #tpu.memory_space<vmem>> -> memref<64xi32, #tpu.memory_space<vmem>>
          %dma_wait3A_131 = arith.constant 0 : i32
          %dma_wait3A_132 = arith.constant 0 : i32
          %dma_wait3A_133 = tpu.memref_slice %arg7[%dma_wait3A_131, %dma_wait3A_132] : memref<10112x128xf32, #tpu.memory_space<vmem_shared>> -> memref<10112x128xf32, #tpu.memory_space<vmem_shared>>
          tpu.wait_indirect_dma semaphore(%run_scoped3A : memref<!tpu.dma_semaphore, #tpu.memory_space<semaphore_mem>>) src(%arg11 : memref<64x128xf32, #tpu.memory_space<vmem>>) dst(%dma_wait3A_133 : memref<10112x128xf32, #tpu.memory_space<vmem_shared>>)
          tpu.yield
        }) : () -> ()
        %add3A_81 = arith.constant 4 : i32
        %add3A_82 = arith.addi %add3A_74, %add3A_81 : i32
        %lt3A_83 = arith.constant 40 : i32
        %lt3A_84 = arith.cmpi slt, %add3A_82, %lt3A_83 : i32
        %convert_element_type3A_85 = arith.extui %lt3A_84 : i1 to i32
        %cond3A_86 = arith.constant 0 : i32
        %cond3A_87 = arith.cmpi ne, %convert_element_type3A_85, %cond3A_86 : i32
        scf.if %cond3A_87 {
          %add3A_122 = arith.constant 4 : i32
          %add3A_123 = arith.addi %add3A_74, %add3A_122 : i32
          %dma_start3A_124 = arith.constant 0 : i32
          %dma_start3A_125 = tpu.memref_slice %arg8[%add3A_123, %dma_start3A_124] : memref<40x64xi32, #tpu.memory_space<vmem>> -> memref<1x64xi32, #tpu.memory_space<vmem>>
          %dma_start3A_126 = tpu.memref_squeeze %dma_start3A_125 : memref<1x64xi32, #tpu.memory_space<vmem>> -> memref<64xi32, #tpu.memory_space<vmem>>
          %dma_start3A_127 = arith.constant 0 : i32
          %dma_start3A_128 = arith.constant 0 : i32
          %dma_start3A_129 = tpu.memref_slice %arg2[%dma_start3A_127, %dma_start3A_128] : memref<10000x128xf32, #tpu.memory_space<hbm>> -> memref<10000x128xf32, #tpu.memory_space<hbm>>
          tpu.enqueue_indirect_dma source(%dma_start3A_129 : memref<10000x128xf32, #tpu.memory_space<hbm>>) target(%arg11 : memref<64x128xf32, #tpu.memory_space<vmem>>) offsets(%dma_start3A_126 : memref<64xi32, #tpu.memory_space<vmem>>) semaphore(%arg15 : memref<!tpu.dma_semaphore, #tpu.memory_space<semaphore_mem>>)
        } else {
        }
        %mul3A_88 = arith.constant 4 : i32
        %mul3A_89 = arith.muli %scan3A_57, %mul3A_88 : i32
        %add3A_90 = arith.constant 2 : i32
        %add3A_91 = arith.addi %mul3A_89, %add3A_90 : i32
        %dma_wait3A_92 = arith.constant 0 : i32
        %dma_wait3A_93 = tpu.memref_slice %arg8[%add3A_91, %dma_wait3A_92] : memref<40x64xi32, #tpu.memory_space<vmem>> -> memref<1x64xi32, #tpu.memory_space<vmem>>
        %dma_wait3A_94 = tpu.memref_squeeze %dma_wait3A_93 : memref<1x64xi32, #tpu.memory_space<vmem>> -> memref<64xi32, #tpu.memory_space<vmem>>
        %dma_wait3A_95 = arith.constant 0 : i32
        %dma_wait3A_96 = arith.constant 0 : i32
        %dma_wait3A_97 = tpu.memref_slice %arg2[%dma_wait3A_95, %dma_wait3A_96] : memref<10000x128xf32, #tpu.memory_space<hbm>> -> memref<10000x128xf32, #tpu.memory_space<hbm>>
        tpu.wait_indirect_dma semaphore(%arg16 : memref<!tpu.dma_semaphore, #tpu.memory_space<semaphore_mem>>) src(%dma_wait3A_97 : memref<10000x128xf32, #tpu.memory_space<hbm>>) dst(%arg12 : memref<64x128xf32, #tpu.memory_space<vmem>>)
        "tpu.region"() ({
          %run_scoped3A = tpu.sem_alloc : memref<!tpu.dma_semaphore, #tpu.memory_space<semaphore_mem>>
          %dma_start3A_122 = arith.constant 0 : i32
          %dma_start3A_123 = tpu.memref_slice %arg9[%add3A_91, %dma_start3A_122] : memref<40x64xi32, #tpu.memory_space<vmem>> -> memref<1x64xi32, #tpu.memory_space<vmem>>
          %dma_start3A_124 = tpu.memref_squeeze %dma_start3A_123 : memref<1x64xi32, #tpu.memory_space<vmem>> -> memref<64xi32, #tpu.memory_space<vmem>>
          %dma_start3A_125 = arith.constant 0 : i32
          %dma_start3A_126 = arith.constant 0 : i32
          %dma_start3A_127 = tpu.memref_slice %arg7[%dma_start3A_125, %dma_start3A_126] : memref<10112x128xf32, #tpu.memory_space<vmem_shared>> -> memref<10112x128xf32, #tpu.memory_space<vmem_shared>>
          tpu.enqueue_indirect_dma source(%arg12 : memref<64x128xf32, #tpu.memory_space<vmem>>) target(%dma_start3A_127 : memref<10112x128xf32, #tpu.memory_space<vmem_shared>>) offsets(%dma_start3A_124 : memref<64xi32, #tpu.memory_space<vmem>>) semaphore(%run_scoped3A : memref<!tpu.dma_semaphore, #tpu.memory_space<semaphore_mem>>) {add = true}
          %dma_wait3A_128 = arith.constant 0 : i32
          %dma_wait3A_129 = tpu.memref_slice %arg9[%add3A_91, %dma_wait3A_128] : memref<40x64xi32, #tpu.memory_space<vmem>> -> memref<1x64xi32, #tpu.memory_space<vmem>>
          %dma_wait3A_130 = tpu.memref_squeeze %dma_wait3A_129 : memref<1x64xi32, #tpu.memory_space<vmem>> -> memref<64xi32, #tpu.memory_space<vmem>>
          %dma_wait3A_131 = arith.constant 0 : i32
          %dma_wait3A_132 = arith.constant 0 : i32
          %dma_wait3A_133 = tpu.memref_slice %arg7[%dma_wait3A_131, %dma_wait3A_132] : memref<10112x128xf32, #tpu.memory_space<vmem_shared>> -> memref<10112x128xf32, #tpu.memory_space<vmem_shared>>
          tpu.wait_indirect_dma semaphore(%run_scoped3A : memref<!tpu.dma_semaphore, #tpu.memory_space<semaphore_mem>>) src(%arg12 : memref<64x128xf32, #tpu.memory_space<vmem>>) dst(%dma_wait3A_133 : memref<10112x128xf32, #tpu.memory_space<vmem_shared>>)
          tpu.yield
        }) : () -> ()
        %add3A_98 = arith.constant 4 : i32
        %add3A_99 = arith.addi %add3A_91, %add3A_98 : i32
        %lt3A_100 = arith.constant 40 : i32
        %lt3A_101 = arith.cmpi slt, %add3A_99, %lt3A_100 : i32
        %convert_element_type3A_102 = arith.extui %lt3A_101 : i1 to i32
        %cond3A_103 = arith.constant 0 : i32
        %cond3A_104 = arith.cmpi ne, %convert_element_type3A_102, %cond3A_103 : i32
        scf.if %cond3A_104 {
          %add3A_122 = arith.constant 4 : i32
          %add3A_123 = arith.addi %add3A_91, %add3A_122 : i32
          %dma_start3A_124 = arith.constant 0 : i32
          %dma_start3A_125 = tpu.memref_slice %arg8[%add3A_123, %dma_start3A_124] : memref<40x64xi32, #tpu.memory_space<vmem>> -> memref<1x64xi32, #tpu.memory_space<vmem>>
          %dma_start3A_126 = tpu.memref_squeeze %dma_start3A_125 : memref<1x64xi32, #tpu.memory_space<vmem>> -> memref<64xi32, #tpu.memory_space<vmem>>
          %dma_start3A_127 = arith.constant 0 : i32
          %dma_start3A_128 = arith.constant 0 : i32
          %dma_start3A_129 = tpu.memref_slice %arg2[%dma_start3A_127, %dma_start3A_128] : memref<10000x128xf32, #tpu.memory_space<hbm>> -> memref<10000x128xf32, #tpu.memory_space<hbm>>
          tpu.enqueue_indirect_dma source(%dma_start3A_129 : memref<10000x128xf32, #tpu.memory_space<hbm>>) target(%arg12 : memref<64x128xf32, #tpu.memory_space<vmem>>) offsets(%dma_start3A_126 : memref<64xi32, #tpu.memory_space<vmem>>) semaphore(%arg16 : memref<!tpu.dma_semaphore, #tpu.memory_space<semaphore_mem>>)
        } else {
        }
        %mul3A_105 = arith.constant 4 : i32
        %mul3A_106 = arith.muli %scan3A_57, %mul3A_105 : i32
        %add3A_107 = arith.constant 3 : i32
        %add3A_108 = arith.addi %mul3A_106, %add3A_107 : i32
        %dma_wait3A_109 = arith.constant 0 : i32
        %dma_wait3A_110 = tpu.memref_slice %arg8[%add3A_108, %dma_wait3A_109] : memref<40x64xi32, #tpu.memory_space<vmem>> -> memref<1x64xi32, #tpu.memory_space<vmem>>
        %dma_wait3A_111 = tpu.memref_squeeze %dma_wait3A_110 : memref<1x64xi32, #tpu.memory_space<vmem>> -> memref<64xi32, #tpu.memory_space<vmem>>
        %dma_wait3A_112 = arith.constant 0 : i32
        %dma_wait3A_113 = arith.constant 0 : i32
        %dma_wait3A_114 = tpu.memref_slice %arg2[%dma_wait3A_112, %dma_wait3A_113] : memref<10000x128xf32, #tpu.memory_space<hbm>> -> memref<10000x128xf32, #tpu.memory_space<hbm>>
        tpu.wait_indirect_dma semaphore(%arg17 : memref<!tpu.dma_semaphore, #tpu.memory_space<semaphore_mem>>) src(%dma_wait3A_114 : memref<10000x128xf32, #tpu.memory_space<hbm>>) dst(%arg13 : memref<64x128xf32, #tpu.memory_space<vmem>>)
        "tpu.region"() ({
          %run_scoped3A = tpu.sem_alloc : memref<!tpu.dma_semaphore, #tpu.memory_space<semaphore_mem>>
          %dma_start3A_122 = arith.constant 0 : i32
          %dma_start3A_123 = tpu.memref_slice %arg9[%add3A_108, %dma_start3A_122] : memref<40x64xi32, #tpu.memory_space<vmem>> -> memref<1x64xi32, #tpu.memory_space<vmem>>
          %dma_start3A_124 = tpu.memref_squeeze %dma_start3A_123 : memref<1x64xi32, #tpu.memory_space<vmem>> -> memref<64xi32, #tpu.memory_space<vmem>>
          %dma_start3A_125 = arith.constant 0 : i32
          %dma_start3A_126 = arith.constant 0 : i32
          %dma_start3A_127 = tpu.memref_slice %arg7[%dma_start3A_125, %dma_start3A_126] : memref<10112x128xf32, #tpu.memory_space<vmem_shared>> -> memref<10112x128xf32, #tpu.memory_space<vmem_shared>>
          tpu.enqueue_indirect_dma source(%arg13 : memref<64x128xf32, #tpu.memory_space<vmem>>) target(%dma_start3A_127 : memref<10112x128xf32, #tpu.memory_space<vmem_shared>>) offsets(%dma_start3A_124 : memref<64xi32, #tpu.memory_space<vmem>>) semaphore(%run_scoped3A : memref<!tpu.dma_semaphore, #tpu.memory_space<semaphore_mem>>) {add = true}
          %dma_wait3A_128 = arith.constant 0 : i32
          %dma_wait3A_129 = tpu.memref_slice %arg9[%add3A_108, %dma_wait3A_128] : memref<40x64xi32, #tpu.memory_space<vmem>> -> memref<1x64xi32, #tpu.memory_space<vmem>>
          %dma_wait3A_130 = tpu.memref_squeeze %dma_wait3A_129 : memref<1x64xi32, #tpu.memory_space<vmem>> -> memref<64xi32, #tpu.memory_space<vmem>>
          %dma_wait3A_131 = arith.constant 0 : i32
          %dma_wait3A_132 = arith.constant 0 : i32
          %dma_wait3A_133 = tpu.memref_slice %arg7[%dma_wait3A_131, %dma_wait3A_132] : memref<10112x128xf32, #tpu.memory_space<vmem_shared>> -> memref<10112x128xf32, #tpu.memory_space<vmem_shared>>
          tpu.wait_indirect_dma semaphore(%run_scoped3A : memref<!tpu.dma_semaphore, #tpu.memory_space<semaphore_mem>>) src(%arg13 : memref<64x128xf32, #tpu.memory_space<vmem>>) dst(%dma_wait3A_133 : memref<10112x128xf32, #tpu.memory_space<vmem_shared>>)
          tpu.yield
        }) : () -> ()
        %add3A_115 = arith.constant 4 : i32
        %add3A_116 = arith.addi %add3A_108, %add3A_115 : i32
        %lt3A_117 = arith.constant 40 : i32
        %lt3A_118 = arith.cmpi slt, %add3A_116, %lt3A_117 : i32
        %convert_element_type3A_119 = arith.extui %lt3A_118 : i1 to i32
        %cond3A_120 = arith.constant 0 : i32
        %cond3A_121 = arith.cmpi ne, %convert_element_type3A_119, %cond3A_120 : i32
        scf.if %cond3A_121 {
          %add3A_122 = arith.constant 4 : i32
          %add3A_123 = arith.addi %add3A_108, %add3A_122 : i32
          %dma_start3A_124 = arith.constant 0 : i32
          %dma_start3A_125 = tpu.memref_slice %arg8[%add3A_123, %dma_start3A_124] : memref<40x64xi32, #tpu.memory_space<vmem>> -> memref<1x64xi32, #tpu.memory_space<vmem>>
          %dma_start3A_126 = tpu.memref_squeeze %dma_start3A_125 : memref<1x64xi32, #tpu.memory_space<vmem>> -> memref<64xi32, #tpu.memory_space<vmem>>
          %dma_start3A_127 = arith.constant 0 : i32
          %dma_start3A_128 = arith.constant 0 : i32
          %dma_start3A_129 = tpu.memref_slice %arg2[%dma_start3A_127, %dma_start3A_128] : memref<10000x128xf32, #tpu.memory_space<hbm>> -> memref<10000x128xf32, #tpu.memory_space<hbm>>
          tpu.enqueue_indirect_dma source(%dma_start3A_129 : memref<10000x128xf32, #tpu.memory_space<hbm>>) target(%arg13 : memref<64x128xf32, #tpu.memory_space<vmem>>) offsets(%dma_start3A_126 : memref<64xi32, #tpu.memory_space<vmem>>) semaphore(%arg17 : memref<!tpu.dma_semaphore, #tpu.memory_space<semaphore_mem>>)
        } else {
        }
      }
      %scan3A_56 = arith.constant 10 : i32
    }
    %while3A_15 = arith.constant 1 : i32
    scf.for %while3A_21 = %while3A_13 to %while3A_9 step %while3A_15  : i32 {
      %mul3A_22 = arith.constant 40 : i32
      %mul3A_23 = arith.muli %while3A_21, %mul3A_22 : i32
      "tpu.region"() ({
        %run_scoped3A = tpu.sem_alloc : memref<!tpu.dma_semaphore, #tpu.memory_space<semaphore_mem>>
        %dma_start3A_57 = arith.constant 0 : i32
        %dma_start3A_58 = tpu.memref_slice %arg3[%add3A, %mul3A_23, %dma_start3A_57] : memref<32x160x64xi32, #tpu.memory_space<hbm>> -> memref<1x40x64xi32, #tpu.memory_space<hbm>>
        %dma_start3A_59 = tpu.memref_squeeze %dma_start3A_58 : memref<1x40x64xi32, #tpu.memory_space<hbm>> -> memref<40x64xi32, #tpu.memory_space<hbm>>
        %dma_start3A_60 = arith.constant 0 : i32
        %dma_start3A_61 = tpu.memref_slice %arg3[%add3A, %mul3A_23, %dma_start3A_60] : memref<32x160x64xi32, #tpu.memory_space<hbm>> -> memref<1x40x64xi32, #tpu.memory_space<hbm>>
        %dma_start3A_62 = tpu.memref_squeeze %dma_start3A_61 : memref<1x40x64xi32, #tpu.memory_space<hbm>> -> memref<40x64xi32, #tpu.memory_space<hbm>>
        tpu.enqueue_dma source(%dma_start3A_62 : memref<40x64xi32, #tpu.memory_space<hbm>>) target(%arg8 : memref<40x64xi32, #tpu.memory_space<vmem>>) target_semaphore(%run_scoped3A : memref<!tpu.dma_semaphore, #tpu.memory_space<semaphore_mem>>)
        %dma_wait3A = arith.constant 0 : i32
        %dma_wait3A_63 = tpu.memref_slice %arg3[%add3A, %mul3A_23, %dma_wait3A] : memref<32x160x64xi32, #tpu.memory_space<hbm>> -> memref<1x40x64xi32, #tpu.memory_space<hbm>>
        %dma_wait3A_64 = tpu.memref_squeeze %dma_wait3A_63 : memref<1x40x64xi32, #tpu.memory_space<hbm>> -> memref<40x64xi32, #tpu.memory_space<hbm>>
        %dma_wait3A_65 = arith.constant 0 : i32
        %dma_wait3A_66 = tpu.memref_slice %arg3[%add3A, %mul3A_23, %dma_wait3A_65] : memref<32x160x64xi32, #tpu.memory_space<hbm>> -> memref<1x40x64xi32, #tpu.memory_space<hbm>>
        %dma_wait3A_67 = tpu.memref_squeeze %dma_wait3A_66 : memref<1x40x64xi32, #tpu.memory_space<hbm>> -> memref<40x64xi32, #tpu.memory_space<hbm>>
        tpu.wait_dma2 semaphore(%run_scoped3A : memref<!tpu.dma_semaphore, #tpu.memory_space<semaphore_mem>>) src(%dma_wait3A_67 : memref<40x64xi32, #tpu.memory_space<hbm>>) dst(%arg8 : memref<40x64xi32, #tpu.memory_space<vmem>>)
        tpu.yield
      }) : () -> ()
      %mul3A_24 = arith.constant 40 : i32
      %mul3A_25 = arith.muli %while3A_21, %mul3A_24 : i32
      "tpu.region"() ({
        %run_scoped3A = tpu.sem_alloc : memref<!tpu.dma_semaphore, #tpu.memory_space<semaphore_mem>>
        %dma_start3A_57 = arith.constant 0 : i32
        %dma_start3A_58 = tpu.memref_slice %arg4[%add3A, %mul3A_25, %dma_start3A_57] : memref<32x160x64xi32, #tpu.memory_space<hbm>> -> memref<1x40x64xi32, #tpu.memory_space<hbm>>
        %dma_start3A_59 = tpu.memref_squeeze %dma_start3A_58 : memref<1x40x64xi32, #tpu.memory_space<hbm>> -> memref<40x64xi32, #tpu.memory_space<hbm>>
        %dma_start3A_60 = arith.constant 0 : i32
        %dma_start3A_61 = tpu.memref_slice %arg4[%add3A, %mul3A_25, %dma_start3A_60] : memref<32x160x64xi32, #tpu.memory_space<hbm>> -> memref<1x40x64xi32, #tpu.memory_space<hbm>>
        %dma_start3A_62 = tpu.memref_squeeze %dma_start3A_61 : memref<1x40x64xi32, #tpu.memory_space<hbm>> -> memref<40x64xi32, #tpu.memory_space<hbm>>
        tpu.enqueue_dma source(%dma_start3A_62 : memref<40x64xi32, #tpu.memory_space<hbm>>) target(%arg9 : memref<40x64xi32, #tpu.memory_space<vmem>>) target_semaphore(%run_scoped3A : memref<!tpu.dma_semaphore, #tpu.memory_space<semaphore_mem>>)
        %dma_wait3A = arith.constant 0 : i32
        %dma_wait3A_63 = tpu.memref_slice %arg4[%add3A, %mul3A_25, %dma_wait3A] : memref<32x160x64xi32, #tpu.memory_space<hbm>> -> memref<1x40x64xi32, #tpu.memory_space<hbm>>
        %dma_wait3A_64 = tpu.memref_squeeze %dma_wait3A_63 : memref<1x40x64xi32, #tpu.memory_space<hbm>> -> memref<40x64xi32, #tpu.memory_space<hbm>>
        %dma_wait3A_65 = arith.constant 0 : i32
        %dma_wait3A_66 = tpu.memref_slice %arg4[%add3A, %mul3A_25, %dma_wait3A_65] : memref<32x160x64xi32, #tpu.memory_space<hbm>> -> memref<1x40x64xi32, #tpu.memory_space<hbm>>
        %dma_wait3A_67 = tpu.memref_squeeze %dma_wait3A_66 : memref<1x40x64xi32, #tpu.memory_space<hbm>> -> memref<40x64xi32, #tpu.memory_space<hbm>>
        tpu.wait_dma2 semaphore(%run_scoped3A : memref<!tpu.dma_semaphore, #tpu.memory_space<semaphore_mem>>) src(%dma_wait3A_67 : memref<40x64xi32, #tpu.memory_space<hbm>>) dst(%arg9 : memref<40x64xi32, #tpu.memory_space<vmem>>)
        tpu.yield
      }) : () -> ()
      %dma_start3A = arith.constant 0 : i32
      %dma_start3A_26 = arith.constant 0 : i32
      %dma_start3A_27 = tpu.memref_slice %arg8[%dma_start3A, %dma_start3A_26] : memref<40x64xi32, #tpu.memory_space<vmem>> -> memref<1x64xi32, #tpu.memory_space<vmem>>
      %dma_start3A_28 = tpu.memref_squeeze %dma_start3A_27 : memref<1x64xi32, #tpu.memory_space<vmem>> -> memref<64xi32, #tpu.memory_space<vmem>>
      %dma_start3A_29 = arith.constant 0 : i32
      %dma_start3A_30 = arith.constant 0 : i32
      %dma_start3A_31 = tpu.memref_slice %arg2[%dma_start3A_29, %dma_start3A_30] : memref<10000x128xf32, #tpu.memory_space<hbm>> -> memref<10000x128xf32, #tpu.memory_space<hbm>>
      tpu.enqueue_indirect_dma source(%dma_start3A_31 : memref<10000x128xf32, #tpu.memory_space<hbm>>) target(%arg10 : memref<64x128xf32, #tpu.memory_space<vmem>>) offsets(%dma_start3A_28 : memref<64xi32, #tpu.memory_space<vmem>>) semaphore(%arg14 : memref<!tpu.dma_semaphore, #tpu.memory_space<semaphore_mem>>)
      %dma_start3A_32 = arith.constant 1 : i32
      %dma_start3A_33 = arith.constant 0 : i32
      %dma_start3A_34 = tpu.memref_slice %arg8[%dma_start3A_32, %dma_start3A_33] : memref<40x64xi32, #tpu.memory_space<vmem>> -> memref<1x64xi32, #tpu.memory_space<vmem>>
      %dma_start3A_35 = tpu.memref_squeeze %dma_start3A_34 : memref<1x64xi32, #tpu.memory_space<vmem>> -> memref<64xi32, #tpu.memory_space<vmem>>
      %dma_start3A_36 = arith.constant 0 : i32
      %dma_start3A_37 = arith.constant 0 : i32
      %dma_start3A_38 = tpu.memref_slice %arg2[%dma_start3A_36, %dma_start3A_37] : memref<10000x128xf32, #tpu.memory_space<hbm>> -> memref<10000x128xf32, #tpu.memory_space<hbm>>
      tpu.enqueue_indirect_dma source(%dma_start3A_38 : memref<10000x128xf32, #tpu.memory_space<hbm>>) target(%arg11 : memref<64x128xf32, #tpu.memory_space<vmem>>) offsets(%dma_start3A_35 : memref<64xi32, #tpu.memory_space<vmem>>) semaphore(%arg15 : memref<!tpu.dma_semaphore, #tpu.memory_space<semaphore_mem>>)
      %dma_start3A_39 = arith.constant 2 : i32
      %dma_start3A_40 = arith.constant 0 : i32
      %dma_start3A_41 = tpu.memref_slice %arg8[%dma_start3A_39, %dma_start3A_40] : memref<40x64xi32, #tpu.memory_space<vmem>> -> memref<1x64xi32, #tpu.memory_space<vmem>>
      %dma_start3A_42 = tpu.memref_squeeze %dma_start3A_41 : memref<1x64xi32, #tpu.memory_space<vmem>> -> memref<64xi32, #tpu.memory_space<vmem>>
      %dma_start3A_43 = arith.constant 0 : i32
      %dma_start3A_44 = arith.constant 0 : i32
      %dma_start3A_45 = tpu.memref_slice %arg2[%dma_start3A_43, %dma_start3A_44] : memref<10000x128xf32, #tpu.memory_space<hbm>> -> memref<10000x128xf32, #tpu.memory_space<hbm>>
      tpu.enqueue_indirect_dma source(%dma_start3A_45 : memref<10000x128xf32, #tpu.memory_space<hbm>>) target(%arg12 : memref<64x128xf32, #tpu.memory_space<vmem>>) offsets(%dma_start3A_42 : memref<64xi32, #tpu.memory_space<vmem>>) semaphore(%arg16 : memref<!tpu.dma_semaphore, #tpu.memory_space<semaphore_mem>>)
      %dma_start3A_46 = arith.constant 3 : i32
      %dma_start3A_47 = arith.constant 0 : i32
      %dma_start3A_48 = tpu.memref_slice %arg8[%dma_start3A_46, %dma_start3A_47] : memref<40x64xi32, #tpu.memory_space<vmem>> -> memref<1x64xi32, #tpu.memory_space<vmem>>
      %dma_start3A_49 = tpu.memref_squeeze %dma_start3A_48 : memref<1x64xi32, #tpu.memory_space<vmem>> -> memref<64xi32, #tpu.memory_space<vmem>>
      %dma_start3A_50 = arith.constant 0 : i32
      %dma_start3A_51 = arith.constant 0 : i32
      %dma_start3A_52 = tpu.memref_slice %arg2[%dma_start3A_50, %dma_start3A_51] : memref<10000x128xf32, #tpu.memory_space<hbm>> -> memref<10000x128xf32, #tpu.memory_space<hbm>>
      tpu.enqueue_indirect_dma source(%dma_start3A_52 : memref<10000x128xf32, #tpu.memory_space<hbm>>) target(%arg13 : memref<64x128xf32, #tpu.memory_space<vmem>>) offsets(%dma_start3A_49 : memref<64xi32, #tpu.memory_space<vmem>>) semaphore(%arg17 : memref<!tpu.dma_semaphore, #tpu.memory_space<semaphore_mem>>)
      %scan3A = arith.constant 0 : i32
      %scan3A_53 = arith.constant 10 : i32
      %scan3A_54 = arith.addi %scan3A, %scan3A_53 : i32
      %scan3A_55 = arith.constant 1 : i32
      scf.for %scan3A_57 = %scan3A to %scan3A_54 step %scan3A_55  : i32 {
        %mul3A_58 = arith.constant 4 : i32
        %mul3A_59 = arith.muli %scan3A_57, %mul3A_58 : i32
        %add3A_60 = arith.constant 0 : i32
        %add3A_61 = arith.addi %mul3A_59, %add3A_60 : i32
        %dma_wait3A = arith.constant 0 : i32
        %dma_wait3A_62 = tpu.memref_slice %arg8[%add3A_61, %dma_wait3A] : memref<40x64xi32, #tpu.memory_space<vmem>> -> memref<1x64xi32, #tpu.memory_space<vmem>>
        %dma_wait3A_63 = tpu.memref_squeeze %dma_wait3A_62 : memref<1x64xi32, #tpu.memory_space<vmem>> -> memref<64xi32, #tpu.memory_space<vmem>>
        %dma_wait3A_64 = arith.constant 0 : i32
        %dma_wait3A_65 = arith.constant 0 : i32
        %dma_wait3A_66 = tpu.memref_slice %arg2[%dma_wait3A_64, %dma_wait3A_65] : memref<10000x128xf32, #tpu.memory_space<hbm>> -> memref<10000x128xf32, #tpu.memory_space<hbm>>
        tpu.wait_indirect_dma semaphore(%arg14 : memref<!tpu.dma_semaphore, #tpu.memory_space<semaphore_mem>>) src(%dma_wait3A_66 : memref<10000x128xf32, #tpu.memory_space<hbm>>) dst(%arg10 : memref<64x128xf32, #tpu.memory_space<vmem>>)
        "tpu.region"() ({
          %run_scoped3A = tpu.sem_alloc : memref<!tpu.dma_semaphore, #tpu.memory_space<semaphore_mem>>
          %dma_start3A_122 = arith.constant 0 : i32
          %dma_start3A_123 = tpu.memref_slice %arg9[%add3A_61, %dma_start3A_122] : memref<40x64xi32, #tpu.memory_space<vmem>> -> memref<1x64xi32, #tpu.memory_space<vmem>>
          %dma_start3A_124 = tpu.memref_squeeze %dma_start3A_123 : memref<1x64xi32, #tpu.memory_space<vmem>> -> memref<64xi32, #tpu.memory_space<vmem>>
          %dma_start3A_125 = arith.constant 0 : i32
          %dma_start3A_126 = arith.constant 0 : i32
          %dma_start3A_127 = tpu.memref_slice %arg7[%dma_start3A_125, %dma_start3A_126] : memref<10112x128xf32, #tpu.memory_space<vmem_shared>> -> memref<10112x128xf32, #tpu.memory_space<vmem_shared>>
          tpu.enqueue_indirect_dma source(%arg10 : memref<64x128xf32, #tpu.memory_space<vmem>>) target(%dma_start3A_127 : memref<10112x128xf32, #tpu.memory_space<vmem_shared>>) offsets(%dma_start3A_124 : memref<64xi32, #tpu.memory_space<vmem>>) semaphore(%run_scoped3A : memref<!tpu.dma_semaphore, #tpu.memory_space<semaphore_mem>>) {add = true}
          %dma_wait3A_128 = arith.constant 0 : i32
          %dma_wait3A_129 = tpu.memref_slice %arg9[%add3A_61, %dma_wait3A_128] : memref<40x64xi32, #tpu.memory_space<vmem>> -> memref<1x64xi32, #tpu.memory_space<vmem>>
          %dma_wait3A_130 = tpu.memref_squeeze %dma_wait3A_129 : memref<1x64xi32, #tpu.memory_space<vmem>> -> memref<64xi32, #tpu.memory_space<vmem>>
          %dma_wait3A_131 = arith.constant 0 : i32
          %dma_wait3A_132 = arith.constant 0 : i32
          %dma_wait3A_133 = tpu.memref_slice %arg7[%dma_wait3A_131, %dma_wait3A_132] : memref<10112x128xf32, #tpu.memory_space<vmem_shared>> -> memref<10112x128xf32, #tpu.memory_space<vmem_shared>>
          tpu.wait_indirect_dma semaphore(%run_scoped3A : memref<!tpu.dma_semaphore, #tpu.memory_space<semaphore_mem>>) src(%arg10 : memref<64x128xf32, #tpu.memory_space<vmem>>) dst(%dma_wait3A_133 : memref<10112x128xf32, #tpu.memory_space<vmem_shared>>)
          tpu.yield
        }) : () -> ()
        %add3A_67 = arith.constant 4 : i32
        %add3A_68 = arith.addi %add3A_61, %add3A_67 : i32
        %lt3A = arith.constant 40 : i32
        %lt3A_69 = arith.cmpi slt, %add3A_68, %lt3A : i32
        %convert_element_type3A = arith.extui %lt3A_69 : i1 to i32
        %cond3A = arith.constant 0 : i32
        %cond3A_70 = arith.cmpi ne, %convert_element_type3A, %cond3A : i32
        scf.if %cond3A_70 {
          %add3A_122 = arith.constant 4 : i32
          %add3A_123 = arith.addi %add3A_61, %add3A_122 : i32
          %dma_start3A_124 = arith.constant 0 : i32
          %dma_start3A_125 = tpu.memref_slice %arg8[%add3A_123, %dma_start3A_124] : memref<40x64xi32, #tpu.memory_space<vmem>> -> memref<1x64xi32, #tpu.memory_space<vmem>>
          %dma_start3A_126 = tpu.memref_squeeze %dma_start3A_125 : memref<1x64xi32, #tpu.memory_space<vmem>> -> memref<64xi32, #tpu.memory_space<vmem>>
          %dma_start3A_127 = arith.constant 0 : i32
          %dma_start3A_128 = arith.constant 0 : i32
          %dma_start3A_129 = tpu.memref_slice %arg2[%dma_start3A_127, %dma_start3A_128] : memref<10000x128xf32, #tpu.memory_space<hbm>> -> memref<10000x128xf32, #tpu.memory_space<hbm>>
          tpu.enqueue_indirect_dma source(%dma_start3A_129 : memref<10000x128xf32, #tpu.memory_space<hbm>>) target(%arg10 : memref<64x128xf32, #tpu.memory_space<vmem>>) offsets(%dma_start3A_126 : memref<64xi32, #tpu.memory_space<vmem>>) semaphore(%arg14 : memref<!tpu.dma_semaphore, #tpu.memory_space<semaphore_mem>>)
        } else {
        }
        %mul3A_71 = arith.constant 4 : i32
        %mul3A_72 = arith.muli %scan3A_57, %mul3A_71 : i32
        %add3A_73 = arith.constant 1 : i32
        %add3A_74 = arith.addi %mul3A_72, %add3A_73 : i32
        %dma_wait3A_75 = arith.constant 0 : i32
        %dma_wait3A_76 = tpu.memref_slice %arg8[%add3A_74, %dma_wait3A_75] : memref<40x64xi32, #tpu.memory_space<vmem>> -> memref<1x64xi32, #tpu.memory_space<vmem>>
        %dma_wait3A_77 = tpu.memref_squeeze %dma_wait3A_76 : memref<1x64xi32, #tpu.memory_space<vmem>> -> memref<64xi32, #tpu.memory_space<vmem>>
        %dma_wait3A_78 = arith.constant 0 : i32
        %dma_wait3A_79 = arith.constant 0 : i32
        %dma_wait3A_80 = tpu.memref_slice %arg2[%dma_wait3A_78, %dma_wait3A_79] : memref<10000x128xf32, #tpu.memory_space<hbm>> -> memref<10000x128xf32, #tpu.memory_space<hbm>>
        tpu.wait_indirect_dma semaphore(%arg15 : memref<!tpu.dma_semaphore, #tpu.memory_space<semaphore_mem>>) src(%dma_wait3A_80 : memref<10000x128xf32, #tpu.memory_space<hbm>>) dst(%arg11 : memref<64x128xf32, #tpu.memory_space<vmem>>)
        "tpu.region"() ({
          %run_scoped3A = tpu.sem_alloc : memref<!tpu.dma_semaphore, #tpu.memory_space<semaphore_mem>>
          %dma_start3A_122 = arith.constant 0 : i32
          %dma_start3A_123 = tpu.memref_slice %arg9[%add3A_74, %dma_start3A_122] : memref<40x64xi32, #tpu.memory_space<vmem>> -> memref<1x64xi32, #tpu.memory_space<vmem>>
          %dma_start3A_124 = tpu.memref_squeeze %dma_start3A_123 : memref<1x64xi32, #tpu.memory_space<vmem>> -> memref<64xi32, #tpu.memory_space<vmem>>
          %dma_start3A_125 = arith.constant 0 : i32
          %dma_start3A_126 = arith.constant 0 : i32
          %dma_start3A_127 = tpu.memref_slice %arg7[%dma_start3A_125, %dma_start3A_126] : memref<10112x128xf32, #tpu.memory_space<vmem_shared>> -> memref<10112x128xf32, #tpu.memory_space<vmem_shared>>
          tpu.enqueue_indirect_dma source(%arg11 : memref<64x128xf32, #tpu.memory_space<vmem>>) target(%dma_start3A_127 : memref<10112x128xf32, #tpu.memory_space<vmem_shared>>) offsets(%dma_start3A_124 : memref<64xi32, #tpu.memory_space<vmem>>) semaphore(%run_scoped3A : memref<!tpu.dma_semaphore, #tpu.memory_space<semaphore_mem>>) {add = true}
          %dma_wait3A_128 = arith.constant 0 : i32
          %dma_wait3A_129 = tpu.memref_slice %arg9[%add3A_74, %dma_wait3A_128] : memref<40x64xi32, #tpu.memory_space<vmem>> -> memref<1x64xi32, #tpu.memory_space<vmem>>
          %dma_wait3A_130 = tpu.memref_squeeze %dma_wait3A_129 : memref<1x64xi32, #tpu.memory_space<vmem>> -> memref<64xi32, #tpu.memory_space<vmem>>
          %dma_wait3A_131 = arith.constant 0 : i32
          %dma_wait3A_132 = arith.constant 0 : i32
          %dma_wait3A_133 = tpu.memref_slice %arg7[%dma_wait3A_131, %dma_wait3A_132] : memref<10112x128xf32, #tpu.memory_space<vmem_shared>> -> memref<10112x128xf32, #tpu.memory_space<vmem_shared>>
          tpu.wait_indirect_dma semaphore(%run_scoped3A : memref<!tpu.dma_semaphore, #tpu.memory_space<semaphore_mem>>) src(%arg11 : memref<64x128xf32, #tpu.memory_space<vmem>>) dst(%dma_wait3A_133 : memref<10112x128xf32, #tpu.memory_space<vmem_shared>>)
          tpu.yield
        }) : () -> ()
        %add3A_81 = arith.constant 4 : i32
        %add3A_82 = arith.addi %add3A_74, %add3A_81 : i32
        %lt3A_83 = arith.constant 40 : i32
        %lt3A_84 = arith.cmpi slt, %add3A_82, %lt3A_83 : i32
        %convert_element_type3A_85 = arith.extui %lt3A_84 : i1 to i32
        %cond3A_86 = arith.constant 0 : i32
        %cond3A_87 = arith.cmpi ne, %convert_element_type3A_85, %cond3A_86 : i32
        scf.if %cond3A_87 {
          %add3A_122 = arith.constant 4 : i32
          %add3A_123 = arith.addi %add3A_74, %add3A_122 : i32
          %dma_start3A_124 = arith.constant 0 : i32
          %dma_start3A_125 = tpu.memref_slice %arg8[%add3A_123, %dma_start3A_124] : memref<40x64xi32, #tpu.memory_space<vmem>> -> memref<1x64xi32, #tpu.memory_space<vmem>>
          %dma_start3A_126 = tpu.memref_squeeze %dma_start3A_125 : memref<1x64xi32, #tpu.memory_space<vmem>> -> memref<64xi32, #tpu.memory_space<vmem>>
          %dma_start3A_127 = arith.constant 0 : i32
          %dma_start3A_128 = arith.constant 0 : i32
          %dma_start3A_129 = tpu.memref_slice %arg2[%dma_start3A_127, %dma_start3A_128] : memref<10000x128xf32, #tpu.memory_space<hbm>> -> memref<10000x128xf32, #tpu.memory_space<hbm>>
          tpu.enqueue_indirect_dma source(%dma_start3A_129 : memref<10000x128xf32, #tpu.memory_space<hbm>>) target(%arg11 : memref<64x128xf32, #tpu.memory_space<vmem>>) offsets(%dma_start3A_126 : memref<64xi32, #tpu.memory_space<vmem>>) semaphore(%arg15 : memref<!tpu.dma_semaphore, #tpu.memory_space<semaphore_mem>>)
        } else {
        }
        %mul3A_88 = arith.constant 4 : i32
        %mul3A_89 = arith.muli %scan3A_57, %mul3A_88 : i32
        %add3A_90 = arith.constant 2 : i32
        %add3A_91 = arith.addi %mul3A_89, %add3A_90 : i32
        %dma_wait3A_92 = arith.constant 0 : i32
        %dma_wait3A_93 = tpu.memref_slice %arg8[%add3A_91, %dma_wait3A_92] : memref<40x64xi32, #tpu.memory_space<vmem>> -> memref<1x64xi32, #tpu.memory_space<vmem>>
        %dma_wait3A_94 = tpu.memref_squeeze %dma_wait3A_93 : memref<1x64xi32, #tpu.memory_space<vmem>> -> memref<64xi32, #tpu.memory_space<vmem>>
        %dma_wait3A_95 = arith.constant 0 : i32
        %dma_wait3A_96 = arith.constant 0 : i32
        %dma_wait3A_97 = tpu.memref_slice %arg2[%dma_wait3A_95, %dma_wait3A_96] : memref<10000x128xf32, #tpu.memory_space<hbm>> -> memref<10000x128xf32, #tpu.memory_space<hbm>>
        tpu.wait_indirect_dma semaphore(%arg16 : memref<!tpu.dma_semaphore, #tpu.memory_space<semaphore_mem>>) src(%dma_wait3A_97 : memref<10000x128xf32, #tpu.memory_space<hbm>>) dst(%arg12 : memref<64x128xf32, #tpu.memory_space<vmem>>)
        "tpu.region"() ({
          %run_scoped3A = tpu.sem_alloc : memref<!tpu.dma_semaphore, #tpu.memory_space<semaphore_mem>>
          %dma_start3A_122 = arith.constant 0 : i32
          %dma_start3A_123 = tpu.memref_slice %arg9[%add3A_91, %dma_start3A_122] : memref<40x64xi32, #tpu.memory_space<vmem>> -> memref<1x64xi32, #tpu.memory_space<vmem>>
          %dma_start3A_124 = tpu.memref_squeeze %dma_start3A_123 : memref<1x64xi32, #tpu.memory_space<vmem>> -> memref<64xi32, #tpu.memory_space<vmem>>
          %dma_start3A_125 = arith.constant 0 : i32
          %dma_start3A_126 = arith.constant 0 : i32
          %dma_start3A_127 = tpu.memref_slice %arg7[%dma_start3A_125, %dma_start3A_126] : memref<10112x128xf32, #tpu.memory_space<vmem_shared>> -> memref<10112x128xf32, #tpu.memory_space<vmem_shared>>
          tpu.enqueue_indirect_dma source(%arg12 : memref<64x128xf32, #tpu.memory_space<vmem>>) target(%dma_start3A_127 : memref<10112x128xf32, #tpu.memory_space<vmem_shared>>) offsets(%dma_start3A_124 : memref<64xi32, #tpu.memory_space<vmem>>) semaphore(%run_scoped3A : memref<!tpu.dma_semaphore, #tpu.memory_space<semaphore_mem>>) {add = true}
          %dma_wait3A_128 = arith.constant 0 : i32
          %dma_wait3A_129 = tpu.memref_slice %arg9[%add3A_91, %dma_wait3A_128] : memref<40x64xi32, #tpu.memory_space<vmem>> -> memref<1x64xi32, #tpu.memory_space<vmem>>
          %dma_wait3A_130 = tpu.memref_squeeze %dma_wait3A_129 : memref<1x64xi32, #tpu.memory_space<vmem>> -> memref<64xi32, #tpu.memory_space<vmem>>
          %dma_wait3A_131 = arith.constant 0 : i32
          %dma_wait3A_132 = arith.constant 0 : i32
          %dma_wait3A_133 = tpu.memref_slice %arg7[%dma_wait3A_131, %dma_wait3A_132] : memref<10112x128xf32, #tpu.memory_space<vmem_shared>> -> memref<10112x128xf32, #tpu.memory_space<vmem_shared>>
          tpu.wait_indirect_dma semaphore(%run_scoped3A : memref<!tpu.dma_semaphore, #tpu.memory_space<semaphore_mem>>) src(%arg12 : memref<64x128xf32, #tpu.memory_space<vmem>>) dst(%dma_wait3A_133 : memref<10112x128xf32, #tpu.memory_space<vmem_shared>>)
          tpu.yield
        }) : () -> ()
        %add3A_98 = arith.constant 4 : i32
        %add3A_99 = arith.addi %add3A_91, %add3A_98 : i32
        %lt3A_100 = arith.constant 40 : i32
        %lt3A_101 = arith.cmpi slt, %add3A_99, %lt3A_100 : i32
        %convert_element_type3A_102 = arith.extui %lt3A_101 : i1 to i32
        %cond3A_103 = arith.constant 0 : i32
        %cond3A_104 = arith.cmpi ne, %convert_element_type3A_102, %cond3A_103 : i32
        scf.if %cond3A_104 {
          %add3A_122 = arith.constant 4 : i32
          %add3A_123 = arith.addi %add3A_91, %add3A_122 : i32
          %dma_start3A_124 = arith.constant 0 : i32
          %dma_start3A_125 = tpu.memref_slice %arg8[%add3A_123, %dma_start3A_124] : memref<40x64xi32, #tpu.memory_space<vmem>> -> memref<1x64xi32, #tpu.memory_space<vmem>>
          %dma_start3A_126 = tpu.memref_squeeze %dma_start3A_125 : memref<1x64xi32, #tpu.memory_space<vmem>> -> memref<64xi32, #tpu.memory_space<vmem>>
          %dma_start3A_127 = arith.constant 0 : i32
          %dma_start3A_128 = arith.constant 0 : i32
          %dma_start3A_129 = tpu.memref_slice %arg2[%dma_start3A_127, %dma_start3A_128] : memref<10000x128xf32, #tpu.memory_space<hbm>> -> memref<10000x128xf32, #tpu.memory_space<hbm>>
          tpu.enqueue_indirect_dma source(%dma_start3A_129 : memref<10000x128xf32, #tpu.memory_space<hbm>>) target(%arg12 : memref<64x128xf32, #tpu.memory_space<vmem>>) offsets(%dma_start3A_126 : memref<64xi32, #tpu.memory_space<vmem>>) semaphore(%arg16 : memref<!tpu.dma_semaphore, #tpu.memory_space<semaphore_mem>>)
        } else {
        }
        %mul3A_105 = arith.constant 4 : i32
        %mul3A_106 = arith.muli %scan3A_57, %mul3A_105 : i32
        %add3A_107 = arith.constant 3 : i32
        %add3A_108 = arith.addi %mul3A_106, %add3A_107 : i32
        %dma_wait3A_109 = arith.constant 0 : i32
        %dma_wait3A_110 = tpu.memref_slice %arg8[%add3A_108, %dma_wait3A_109] : memref<40x64xi32, #tpu.memory_space<vmem>> -> memref<1x64xi32, #tpu.memory_space<vmem>>
        %dma_wait3A_111 = tpu.memref_squeeze %dma_wait3A_110 : memref<1x64xi32, #tpu.memory_space<vmem>> -> memref<64xi32, #tpu.memory_space<vmem>>
        %dma_wait3A_112 = arith.constant 0 : i32
        %dma_wait3A_113 = arith.constant 0 : i32
        %dma_wait3A_114 = tpu.memref_slice %arg2[%dma_wait3A_112, %dma_wait3A_113] : memref<10000x128xf32, #tpu.memory_space<hbm>> -> memref<10000x128xf32, #tpu.memory_space<hbm>>
        tpu.wait_indirect_dma semaphore(%arg17 : memref<!tpu.dma_semaphore, #tpu.memory_space<semaphore_mem>>) src(%dma_wait3A_114 : memref<10000x128xf32, #tpu.memory_space<hbm>>) dst(%arg13 : memref<64x128xf32, #tpu.memory_space<vmem>>)
        "tpu.region"() ({
          %run_scoped3A = tpu.sem_alloc : memref<!tpu.dma_semaphore, #tpu.memory_space<semaphore_mem>>
          %dma_start3A_122 = arith.constant 0 : i32
          %dma_start3A_123 = tpu.memref_slice %arg9[%add3A_108, %dma_start3A_122] : memref<40x64xi32, #tpu.memory_space<vmem>> -> memref<1x64xi32, #tpu.memory_space<vmem>>
          %dma_start3A_124 = tpu.memref_squeeze %dma_start3A_123 : memref<1x64xi32, #tpu.memory_space<vmem>> -> memref<64xi32, #tpu.memory_space<vmem>>
          %dma_start3A_125 = arith.constant 0 : i32
          %dma_start3A_126 = arith.constant 0 : i32
          %dma_start3A_127 = tpu.memref_slice %arg7[%dma_start3A_125, %dma_start3A_126] : memref<10112x128xf32, #tpu.memory_space<vmem_shared>> -> memref<10112x128xf32, #tpu.memory_space<vmem_shared>>
          tpu.enqueue_indirect_dma source(%arg13 : memref<64x128xf32, #tpu.memory_space<vmem>>) target(%dma_start3A_127 : memref<10112x128xf32, #tpu.memory_space<vmem_shared>>) offsets(%dma_start3A_124 : memref<64xi32, #tpu.memory_space<vmem>>) semaphore(%run_scoped3A : memref<!tpu.dma_semaphore, #tpu.memory_space<semaphore_mem>>) {add = true}
          %dma_wait3A_128 = arith.constant 0 : i32
          %dma_wait3A_129 = tpu.memref_slice %arg9[%add3A_108, %dma_wait3A_128] : memref<40x64xi32, #tpu.memory_space<vmem>> -> memref<1x64xi32, #tpu.memory_space<vmem>>
          %dma_wait3A_130 = tpu.memref_squeeze %dma_wait3A_129 : memref<1x64xi32, #tpu.memory_space<vmem>> -> memref<64xi32, #tpu.memory_space<vmem>>
          %dma_wait3A_131 = arith.constant 0 : i32
          %dma_wait3A_132 = arith.constant 0 : i32
          %dma_wait3A_133 = tpu.memref_slice %arg7[%dma_wait3A_131, %dma_wait3A_132] : memref<10112x128xf32, #tpu.memory_space<vmem_shared>> -> memref<10112x128xf32, #tpu.memory_space<vmem_shared>>
          tpu.wait_indirect_dma semaphore(%run_scoped3A : memref<!tpu.dma_semaphore, #tpu.memory_space<semaphore_mem>>) src(%arg13 : memref<64x128xf32, #tpu.memory_space<vmem>>) dst(%dma_wait3A_133 : memref<10112x128xf32, #tpu.memory_space<vmem_shared>>)
          tpu.yield
        }) : () -> ()
        %add3A_115 = arith.constant 4 : i32
        %add3A_116 = arith.addi %add3A_108, %add3A_115 : i32
        %lt3A_117 = arith.constant 40 : i32
        %lt3A_118 = arith.cmpi slt, %add3A_116, %lt3A_117 : i32
        %convert_element_type3A_119 = arith.extui %lt3A_118 : i1 to i32
        %cond3A_120 = arith.constant 0 : i32
        %cond3A_121 = arith.cmpi ne, %convert_element_type3A_119, %cond3A_120 : i32
        scf.if %cond3A_121 {
          %add3A_122 = arith.constant 4 : i32
          %add3A_123 = arith.addi %add3A_108, %add3A_122 : i32
          %dma_start3A_124 = arith.constant 0 : i32
          %dma_start3A_125 = tpu.memref_slice %arg8[%add3A_123, %dma_start3A_124] : memref<40x64xi32, #tpu.memory_space<vmem>> -> memref<1x64xi32, #tpu.memory_space<vmem>>
          %dma_start3A_126 = tpu.memref_squeeze %dma_start3A_125 : memref<1x64xi32, #tpu.memory_space<vmem>> -> memref<64xi32, #tpu.memory_space<vmem>>
          %dma_start3A_127 = arith.constant 0 : i32
          %dma_start3A_128 = arith.constant 0 : i32
          %dma_start3A_129 = tpu.memref_slice %arg2[%dma_start3A_127, %dma_start3A_128] : memref<10000x128xf32, #tpu.memory_space<hbm>> -> memref<10000x128xf32, #tpu.memory_space<hbm>>
          tpu.enqueue_indirect_dma source(%dma_start3A_129 : memref<10000x128xf32, #tpu.memory_space<hbm>>) target(%arg13 : memref<64x128xf32, #tpu.memory_space<vmem>>) offsets(%dma_start3A_126 : memref<64xi32, #tpu.memory_space<vmem>>) semaphore(%arg17 : memref<!tpu.dma_semaphore, #tpu.memory_space<semaphore_mem>>)
        } else {
        }
      }
      %scan3A_56 = arith.constant 10 : i32
    }
    %barrier3A_16 = arith.constant 0 : index
    tpu.barrier barrier_id(%barrier3A_16)
    %mul3A_17 = arith.constant 632 : i32
    %mul3A_18 = arith.muli %arg1, %mul3A_17 : i32
    %mul3A_19 = arith.constant 632 : i32
    %mul3A_20 = arith.muli %arg1, %mul3A_19 : i32
    "tpu.region"() ({
      %run_scoped3A = tpu.sem_alloc : memref<!tpu.dma_semaphore, #tpu.memory_space<semaphore_mem>>
      %dma_start3A = arith.constant 0 : i32
      %dma_start3A_21 = tpu.memref_slice %arg6[%arg0, %mul3A_20, %dma_start3A] : memref<2x10112x128xf32, #tpu.memory_space<hbm>> -> memref<1x632x128xf32, #tpu.memory_space<hbm>>
      %dma_start3A_22 = tpu.memref_squeeze %dma_start3A_21 : memref<1x632x128xf32, #tpu.memory_space<hbm>> -> memref<632x128xf32, #tpu.memory_space<hbm>>
      %dma_start3A_23 = arith.constant 0 : i32
      %dma_start3A_24 = tpu.memref_slice %arg7[%mul3A_18, %dma_start3A_23] : memref<10112x128xf32, #tpu.memory_space<vmem_shared>> -> memref<632x128xf32, #tpu.memory_space<vmem_shared>>
      tpu.enqueue_dma source(%dma_start3A_24 : memref<632x128xf32, #tpu.memory_space<vmem_shared>>) target(%dma_start3A_22 : memref<632x128xf32, #tpu.memory_space<hbm>>) target_semaphore(%run_scoped3A : memref<!tpu.dma_semaphore, #tpu.memory_space<semaphore_mem>>)
      %dma_wait3A = arith.constant 0 : i32
      %dma_wait3A_25 = tpu.memref_slice %arg6[%arg0, %mul3A_20, %dma_wait3A] : memref<2x10112x128xf32, #tpu.memory_space<hbm>> -> memref<1x632x128xf32, #tpu.memory_space<hbm>>
      %dma_wait3A_26 = tpu.memref_squeeze %dma_wait3A_25 : memref<1x632x128xf32, #tpu.memory_space<hbm>> -> memref<632x128xf32, #tpu.memory_space<hbm>>
      %dma_wait3A_27 = arith.constant 0 : i32
      %dma_wait3A_28 = tpu.memref_slice %arg7[%mul3A_18, %dma_wait3A_27] : memref<10112x128xf32, #tpu.memory_space<vmem_shared>> -> memref<632x128xf32, #tpu.memory_space<vmem_shared>>
      tpu.wait_dma2 semaphore(%run_scoped3A : memref<!tpu.dma_semaphore, #tpu.memory_space<semaphore_mem>>) src(%dma_wait3A_28 : memref<632x128xf32, #tpu.memory_space<vmem_shared>>) dst(%dma_wait3A_26 : memref<632x128xf32, #tpu.memory_space<hbm>>)
      tpu.yield
    }) : () -> ()
    return
  }
}

module attributes {stable_mosaic.version = 14 : i64} {
  func.func @_bn_body(%arg0: i32, %arg1: memref<1000x128xf32, #tpu.memory_space<vmem>>, %arg2: memref<1x128xf32, #tpu.memory_space<vmem>>, %arg3: memref<1x128xf32, #tpu.memory_space<vmem>>, %arg4: memref<1x128xf32, #tpu.memory_space<vmem>>, %arg5: memref<1x128xf32, #tpu.memory_space<vmem>>, %arg6: memref<1x1x1000xi32, #tpu.memory_space<vmem>>, %arg7: memref<1000x128xf32, #tpu.memory_space<vmem>>, %arg8: memref<256x128xf32, #tpu.memory_space<vmem>>) attributes {dimension_semantics = [#tpu.dimension_semantics<arbitrary>], iteration_bounds = array<i64: 10>, scalar_prefetch = 0 : i64, scratch_operands = 0 : i64, tpu.core_type = #tpu.core_type<tc>, window_params = [{transform_indices = @transform_0, window_bounds = array<i64: 1000, 128>}, {pipeline_mode = #tpu.pipeline_mode<synchronous>, transform_indices = @transform_1, window_bounds = array<i64: 1, 128>}, {pipeline_mode = #tpu.pipeline_mode<synchronous>, transform_indices = @transform_2, window_bounds = array<i64: 1, 128>}, {pipeline_mode = #tpu.pipeline_mode<synchronous>, transform_indices = @transform_3, window_bounds = array<i64: 1, 128>}, {pipeline_mode = #tpu.pipeline_mode<synchronous>, transform_indices = @transform_4, window_bounds = array<i64: 1, 128>}, {transform_indices = @transform_5, window_bounds = array<i64: 1, 1, 1000>}, {transform_indices = @transform_6, window_bounds = array<i64: 1000, 128>}, {pipeline_mode = #tpu.pipeline_mode<synchronous>, transform_indices = @transform_7, window_bounds = array<i64: 256, 128>}]} {
    %get3A = arith.constant 0 : index
    %get3A_0 = arith.constant 0 : index
    %get3A_1 = vector.load %arg2[%get3A, %get3A_0] : memref<1x128xf32, #tpu.memory_space<vmem>>, vector<1x128xf32>
    %div3A = arith.constant 1.000000e+04 : f32
    %div3A_2 = vector.broadcast %div3A : f32 to vector<1x128xf32>
    %div3A_3 = arith.divf %get3A_1, %div3A_2 : vector<1x128xf32>
    %get3A_4 = arith.constant 0 : index
    %get3A_5 = arith.constant 0 : index
    %get3A_6 = vector.load %arg3[%get3A_4, %get3A_5] : memref<1x128xf32, #tpu.memory_space<vmem>>, vector<1x128xf32>
    %div3A_7 = arith.constant 1.000000e+04 : f32
    %div3A_8 = vector.broadcast %div3A_7 : f32 to vector<1x128xf32>
    %div3A_9 = arith.divf %get3A_6, %div3A_8 : vector<1x128xf32>
    %mul3A = arith.mulf %div3A_3, %div3A_3 : vector<1x128xf32>
    %sub3A = arith.subf %div3A_9, %mul3A : vector<1x128xf32>
    %get3A_10 = arith.constant 0 : index
    %get3A_11 = arith.constant 0 : index
    %get3A_12 = vector.load %arg4[%get3A_10, %get3A_11] : memref<1x128xf32, #tpu.memory_space<vmem>>, vector<1x128xf32>
    %add3A = arith.constant 9.99999974E-6 : f32
    %add3A_13 = vector.broadcast %add3A : f32 to vector<1x128xf32>
    %add3A_14 = arith.addf %sub3A, %add3A_13 : vector<1x128xf32>
    %rsqrt3A = math.rsqrt %add3A_14 : vector<1x128xf32>
    %mul3A_15 = arith.mulf %get3A_12, %rsqrt3A : vector<1x128xf32>
    %get3A_16 = arith.constant 0 : index
    %get3A_17 = arith.constant 0 : index
    %get3A_18 = vector.load %arg5[%get3A_16, %get3A_17] : memref<1x128xf32, #tpu.memory_space<vmem>>, vector<1x128xf32>
    %mul3A_19 = arith.mulf %div3A_3, %mul3A_15 : vector<1x128xf32>
    %sub3A_20 = arith.subf %get3A_18, %mul3A_19 : vector<1x128xf32>
    %get3A_21 = arith.constant 0 : index
    %get3A_22 = arith.constant 0 : index
    %get3A_23 = vector.load %arg1[%get3A_21, %get3A_22] : memref<1000x128xf32, #tpu.memory_space<vmem>>, vector<1000x128xf32>
    %mul3A_24 = vector.broadcast %mul3A_15 : vector<1x128xf32> to vector<1000x128xf32>
    %mul3A_25 = arith.mulf %get3A_23, %mul3A_24 : vector<1000x128xf32>
    %add3A_26 = vector.broadcast %sub3A_20 : vector<1x128xf32> to vector<1000x128xf32>
    %add3A_27 = arith.addf %mul3A_25, %add3A_26 : vector<1000x128xf32>
    %max3A = arith.constant 0.000000e+00 : f32
    %max3A_28 = vector.broadcast %max3A : f32 to vector<1000x128xf32>
    %max3A_29 = arith.maximumf %add3A_27, %max3A_28 : vector<1000x128xf32>
    %swap3A = arith.constant 0 : index
    %swap3A_30 = arith.constant 0 : index
    %swap3A_31 = vector.load %arg7[%swap3A, %swap3A_30] : memref<1000x128xf32, #tpu.memory_space<vmem>>, vector<1000x128xf32>
    tpu.vector_store %arg7[%swap3A, %swap3A_30], %max3A_29 {strides = array<i32>} : memref<1000x128xf32, #tpu.memory_space<vmem>>, vector<1000x128xf32>,
    %get3A_32 = arith.constant 0 : index
    %get3A_33 = arith.constant 0 : index
    %get3A_34 = arith.constant 0 : index
    %get3A_35 = vector.load %arg6[%get3A_32, %get3A_33, %get3A_34] : memref<1x1x1000xi32, #tpu.memory_space<vmem>>, vector<1x1x1000xi32>
    %reshape3A = vector.shape_cast %get3A_35 : vector<1x1x1000xi32> to vector<1x1000xi32>
    %iota3A = tpu.iota {dimensions = array<i32: 0>} : vector<256x1000xi32>
    %eq3A = vector.broadcast %reshape3A : vector<1x1000xi32> to vector<256x1000xi32>
    %eq3A_36 = arith.cmpi eq, %iota3A, %eq3A : vector<256x1000xi32>
    %convert_element_type3A = arith.extui %eq3A_36 : vector<256x1000xi1> to vector<256x1000xi32>
    %convert_element_type3A_37 = arith.sitofp %convert_element_type3A : vector<256x1000xi32> to vector<256x1000xf32>
    %dot_general3A = arith.constant dense<0.000000e+00> : vector<256x128xf32>
    %dot_general3A_38 = tpu.matmul %convert_element_type3A_37, %max3A_29, %dot_general3A {dimension_numbers = #tpu.dot_dimension_numbers<[1], [0], [0], [1], [0, 0, 1, 1], [], []>, precision = #tpu.contract_precision<fp32>, transpose_lhs_hint = false} : vector<256x1000xf32>, vector<1000x128xf32>, vector<256x128xf32> -> vector<256x128xf32>
    %eq3A_39 = arith.constant 0 : i32
    %eq3A_40 = arith.cmpi eq, %arg0, %eq3A_39 : i32
    %convert_element_type3A_41 = arith.extui %eq3A_40 : i1 to i32
    %cond3A = arith.constant 0 : i32
    %cond3A_42 = arith.cmpi ne, %convert_element_type3A_41, %cond3A : i32
    scf.if %cond3A_42 {
      %swap3A_47 = arith.constant 0 : index
      %swap3A_48 = arith.constant 0 : index
      %swap3A_49 = vector.load %arg8[%swap3A_47, %swap3A_48] : memref<256x128xf32, #tpu.memory_space<vmem>>, vector<256x128xf32>
      tpu.vector_store %arg8[%swap3A_47, %swap3A_48], %dot_general3A_38 {strides = array<i32>} : memref<256x128xf32, #tpu.memory_space<vmem>>, vector<256x128xf32>,
    } else {
    }
    %gt3A = arith.constant 0 : i32
    %gt3A_43 = arith.cmpi sgt, %arg0, %gt3A : i32
    %convert_element_type3A_44 = arith.extui %gt3A_43 : i1 to i32
    %cond3A_45 = arith.constant 0 : i32
    %cond3A_46 = arith.cmpi ne, %convert_element_type3A_44, %cond3A_45 : i32
    scf.if %cond3A_46 {
      %get3A_47 = arith.constant 0 : index
      %get3A_48 = arith.constant 0 : index
      %get3A_49 = vector.load %arg8[%get3A_47, %get3A_48] : memref<256x128xf32, #tpu.memory_space<vmem>>, vector<256x128xf32>
      %add3A_50 = arith.addf %get3A_49, %dot_general3A_38 : vector<256x128xf32>
      %swap3A_51 = arith.constant 0 : index
      %swap3A_52 = arith.constant 0 : index
      %swap3A_53 = vector.load %arg8[%swap3A_51, %swap3A_52] : memref<256x128xf32, #tpu.memory_space<vmem>>, vector<256x128xf32>
      tpu.vector_store %arg8[%swap3A_51, %swap3A_52], %add3A_50 {strides = array<i32>} : memref<256x128xf32, #tpu.memory_space<vmem>>, vector<256x128xf32>,
    } else {
    }
    return
  }
  func.func @transform_0(%arg0: i32) -> (i32, i32) {
    %c0_i32 = arith.constant 0 : i32
    %c0_i32_0 = arith.constant 0 : i32
    return %arg0, %c0_i32 : i32, i32
  }
  func.func @transform_1(%arg0: i32) -> (i32, i32) {
    %c0_i32 = arith.constant 0 : i32
    %c0_i32_0 = arith.constant 0 : i32
    %c0_i32_1 = arith.constant 0 : i32
    return %c0_i32, %c0_i32_0 : i32, i32
  }
  func.func @transform_2(%arg0: i32) -> (i32, i32) {
    %c0_i32 = arith.constant 0 : i32
    %c0_i32_0 = arith.constant 0 : i32
    %c0_i32_1 = arith.constant 0 : i32
    return %c0_i32, %c0_i32_0 : i32, i32
  }
  func.func @transform_3(%arg0: i32) -> (i32, i32) {
    %c0_i32 = arith.constant 0 : i32
    %c0_i32_0 = arith.constant 0 : i32
    %c0_i32_1 = arith.constant 0 : i32
    return %c0_i32, %c0_i32_0 : i32, i32
  }
  func.func @transform_4(%arg0: i32) -> (i32, i32) {
    %c0_i32 = arith.constant 0 : i32
    %c0_i32_0 = arith.constant 0 : i32
    %c0_i32_1 = arith.constant 0 : i32
    return %c0_i32, %c0_i32_0 : i32, i32
  }
  func.func @transform_5(%arg0: i32) -> (i32, i32, i32) {
    %c0_i32 = arith.constant 0 : i32
    %c0_i32_0 = arith.constant 0 : i32
    %c0_i32_1 = arith.constant 0 : i32
    return %arg0, %c0_i32, %c0_i32_0 : i32, i32, i32
  }
  func.func @transform_6(%arg0: i32) -> (i32, i32) {
    %c0_i32 = arith.constant 0 : i32
    %c0_i32_0 = arith.constant 0 : i32
    return %arg0, %c0_i32 : i32, i32
  }
  func.func @transform_7(%arg0: i32) -> (i32, i32) {
    %c0_i32 = arith.constant 0 : i32
    %c0_i32_0 = arith.constant 0 : i32
    %c0_i32_1 = arith.constant 0 : i32
    return %c0_i32, %c0_i32_0 : i32, i32
  }
}

module attributes {stable_mosaic.version = 14 : i64} {
  func.func @_mlp_body(%arg0: i32, %arg1: memref<1000x128xf32, #tpu.memory_space<vmem>>, %arg2: memref<2x1000x128xf32, #tpu.memory_space<vmem>>, %arg3: memref<128x128xf32, #tpu.memory_space<vmem>>, %arg4: memref<1x128xf32, #tpu.memory_space<vmem>>, %arg5: memref<128x128xf32, #tpu.memory_space<vmem>>, %arg6: memref<1x128xf32, #tpu.memory_space<vmem>>, %arg7: memref<1000x128xf32, #tpu.memory_space<vmem>>, %arg8: memref<1x128xf32, #tpu.memory_space<vmem>>, %arg9: memref<1x128xf32, #tpu.memory_space<vmem>>) attributes {dimension_semantics = [#tpu.dimension_semantics<arbitrary>], iteration_bounds = array<i64: 10>, scalar_prefetch = 0 : i64, scratch_operands = 0 : i64, tpu.core_type = #tpu.core_type<tc>, window_params = [{transform_indices = @transform_0, window_bounds = array<i64: 1000, 128>}, {transform_indices = @transform_1, window_bounds = array<i64: 2, 1000, 128>}, {pipeline_mode = #tpu.pipeline_mode<synchronous>, transform_indices = @transform_2, window_bounds = array<i64: 128, 128>}, {pipeline_mode = #tpu.pipeline_mode<synchronous>, transform_indices = @transform_3, window_bounds = array<i64: 1, 128>}, {pipeline_mode = #tpu.pipeline_mode<synchronous>, transform_indices = @transform_4, window_bounds = array<i64: 128, 128>}, {pipeline_mode = #tpu.pipeline_mode<synchronous>, transform_indices = @transform_5, window_bounds = array<i64: 1, 128>}, {transform_indices = @transform_6, window_bounds = array<i64: 1000, 128>}, {pipeline_mode = #tpu.pipeline_mode<synchronous>, transform_indices = @transform_7, window_bounds = array<i64: 1, 128>}, {pipeline_mode = #tpu.pipeline_mode<synchronous>, transform_indices = @transform_8, window_bounds = array<i64: 1, 128>}]} {
    %get3A = arith.constant 0 : index
    %get3A_0 = arith.constant 0 : index
    %get3A_1 = vector.load %arg1[%get3A, %get3A_0] : memref<1000x128xf32, #tpu.memory_space<vmem>>, vector<1000x128xf32>
    %get3A_2 = arith.constant 0 : index
    %get3A_3 = arith.constant 0 : index
    %get3A_4 = arith.constant 0 : index
    %get3A_5 = vector.load %arg2[%get3A_2, %get3A_3, %get3A_4] : memref<2x1000x128xf32, #tpu.memory_space<vmem>>, vector<1x1000x128xf32>
    %get3A_6 = vector.shape_cast %get3A_5 : vector<1x1000x128xf32> to vector<1000x128xf32>
    %add3A = arith.addf %get3A_1, %get3A_6 : vector<1000x128xf32>
    %get3A_7 = arith.constant 1 : index
    %get3A_8 = arith.constant 0 : index
    %get3A_9 = arith.constant 0 : index
    %get3A_10 = vector.load %arg2[%get3A_7, %get3A_8, %get3A_9] : memref<2x1000x128xf32, #tpu.memory_space<vmem>>, vector<1x1000x128xf32>
    %get3A_11 = vector.shape_cast %get3A_10 : vector<1x1000x128xf32> to vector<1000x128xf32>
    %add3A_12 = arith.addf %add3A, %get3A_11 : vector<1000x128xf32>
    %get3A_13 = arith.constant 0 : index
    %get3A_14 = arith.constant 0 : index
    %get3A_15 = vector.load %arg3[%get3A_13, %get3A_14] : memref<128x128xf32, #tpu.memory_space<vmem>>, vector<128x128xf32>
    %dot_general3A = arith.constant dense<0.000000e+00> : vector<1000x128xf32>
    %dot_general3A_16 = tpu.matmul %add3A_12, %get3A_15, %dot_general3A {dimension_numbers = #tpu.dot_dimension_numbers<[1], [0], [0], [1], [0, 0, 1, 1], [], []>, precision = #tpu.contract_precision<fp32>, transpose_lhs_hint = false} : vector<1000x128xf32>, vector<128x128xf32>, vector<1000x128xf32> -> vector<1000x128xf32>
    %get3A_17 = arith.constant 0 : index
    %get3A_18 = arith.constant 0 : index
    %get3A_19 = vector.load %arg4[%get3A_17, %get3A_18] : memref<1x128xf32, #tpu.memory_space<vmem>>, vector<1x128xf32>
    %add3A_20 = vector.broadcast %get3A_19 : vector<1x128xf32> to vector<1000x128xf32>
    %add3A_21 = arith.addf %dot_general3A_16, %add3A_20 : vector<1000x128xf32>
    %max3A = arith.constant 0.000000e+00 : f32
    %max3A_22 = vector.broadcast %max3A : f32 to vector<1000x128xf32>
    %max3A_23 = arith.maximumf %add3A_21, %max3A_22 : vector<1000x128xf32>
    %get3A_24 = arith.constant 0 : index
    %get3A_25 = arith.constant 0 : index
    %get3A_26 = vector.load %arg5[%get3A_24, %get3A_25] : memref<128x128xf32, #tpu.memory_space<vmem>>, vector<128x128xf32>
    %dot_general3A_27 = arith.constant dense<0.000000e+00> : vector<1000x128xf32>
    %dot_general3A_28 = tpu.matmul %max3A_23, %get3A_26, %dot_general3A_27 {dimension_numbers = #tpu.dot_dimension_numbers<[1], [0], [0], [1], [0, 0, 1, 1], [], []>, precision = #tpu.contract_precision<fp32>, transpose_lhs_hint = false} : vector<1000x128xf32>, vector<128x128xf32>, vector<1000x128xf32> -> vector<1000x128xf32>
    %get3A_29 = arith.constant 0 : index
    %get3A_30 = arith.constant 0 : index
    %get3A_31 = vector.load %arg6[%get3A_29, %get3A_30] : memref<1x128xf32, #tpu.memory_space<vmem>>, vector<1x128xf32>
    %add3A_32 = vector.broadcast %get3A_31 : vector<1x128xf32> to vector<1000x128xf32>
    %add3A_33 = arith.addf %dot_general3A_28, %add3A_32 : vector<1000x128xf32>
    %swap3A = arith.constant 0 : index
    %swap3A_34 = arith.constant 0 : index
    %swap3A_35 = vector.load %arg7[%swap3A, %swap3A_34] : memref<1000x128xf32, #tpu.memory_space<vmem>>, vector<1000x128xf32>
    tpu.vector_store %arg7[%swap3A, %swap3A_34], %add3A_33 {strides = array<i32>} : memref<1000x128xf32, #tpu.memory_space<vmem>>, vector<1000x128xf32>,
    %reduce_sum3A = arith.constant dense<0.000000e+00> : vector<128xf32>
    %reduce_sum3A_36 = vector.multi_reduction <add>, %add3A_33, %reduce_sum3A [0] : vector<1000x128xf32> to vector<128xf32>
    %broadcast_in_dim3A = vector.shape_cast %reduce_sum3A_36 : vector<128xf32> to vector<1x128xf32>
    %mul3A = arith.mulf %add3A_33, %add3A_33 : vector<1000x128xf32>
    %reduce_sum3A_37 = arith.constant dense<0.000000e+00> : vector<128xf32>
    %reduce_sum3A_38 = vector.multi_reduction <add>, %mul3A, %reduce_sum3A_37 [0] : vector<1000x128xf32> to vector<128xf32>
    %broadcast_in_dim3A_39 = vector.shape_cast %reduce_sum3A_38 : vector<128xf32> to vector<1x128xf32>
    %eq3A = arith.constant 0 : i32
    %eq3A_40 = arith.cmpi eq, %arg0, %eq3A : i32
    %convert_element_type3A = arith.extui %eq3A_40 : i1 to i32
    %cond3A = arith.constant 0 : i32
    %cond3A_41 = arith.cmpi ne, %convert_element_type3A, %cond3A : i32
    scf.if %cond3A_41 {
      %swap3A_46 = arith.constant 0 : index
      %swap3A_47 = arith.constant 0 : index
      %swap3A_48 = vector.load %arg8[%swap3A_46, %swap3A_47] : memref<1x128xf32, #tpu.memory_space<vmem>>, vector<1x128xf32>
      tpu.vector_store %arg8[%swap3A_46, %swap3A_47], %broadcast_in_dim3A {strides = array<i32>} : memref<1x128xf32, #tpu.memory_space<vmem>>, vector<1x128xf32>,
      %swap3A_49 = arith.constant 0 : index
      %swap3A_50 = arith.constant 0 : index
      %swap3A_51 = vector.load %arg9[%swap3A_49, %swap3A_50] : memref<1x128xf32, #tpu.memory_space<vmem>>, vector<1x128xf32>
      tpu.vector_store %arg9[%swap3A_49, %swap3A_50], %broadcast_in_dim3A_39 {strides = array<i32>} : memref<1x128xf32, #tpu.memory_space<vmem>>, vector<1x128xf32>,
    } else {
    }
    %gt3A = arith.constant 0 : i32
    %gt3A_42 = arith.cmpi sgt, %arg0, %gt3A : i32
    %convert_element_type3A_43 = arith.extui %gt3A_42 : i1 to i32
    %cond3A_44 = arith.constant 0 : i32
    %cond3A_45 = arith.cmpi ne, %convert_element_type3A_43, %cond3A_44 : i32
    scf.if %cond3A_45 {
      %get3A_46 = arith.constant 0 : index
      %get3A_47 = arith.constant 0 : index
      %get3A_48 = vector.load %arg8[%get3A_46, %get3A_47] : memref<1x128xf32, #tpu.memory_space<vmem>>, vector<1x128xf32>
      %add3A_49 = arith.addf %get3A_48, %broadcast_in_dim3A : vector<1x128xf32>
      %swap3A_50 = arith.constant 0 : index
      %swap3A_51 = arith.constant 0 : index
      %swap3A_52 = vector.load %arg8[%swap3A_50, %swap3A_51] : memref<1x128xf32, #tpu.memory_space<vmem>>, vector<1x128xf32>
      tpu.vector_store %arg8[%swap3A_50, %swap3A_51], %add3A_49 {strides = array<i32>} : memref<1x128xf32, #tpu.memory_space<vmem>>, vector<1x128xf32>,
      %get3A_53 = arith.constant 0 : index
      %get3A_54 = arith.constant 0 : index
      %get3A_55 = vector.load %arg9[%get3A_53, %get3A_54] : memref<1x128xf32, #tpu.memory_space<vmem>>, vector<1x128xf32>
      %add3A_56 = arith.addf %get3A_55, %broadcast_in_dim3A_39 : vector<1x128xf32>
      %swap3A_57 = arith.constant 0 : index
      %swap3A_58 = arith.constant 0 : index
      %swap3A_59 = vector.load %arg9[%swap3A_57, %swap3A_58] : memref<1x128xf32, #tpu.memory_space<vmem>>, vector<1x128xf32>
      tpu.vector_store %arg9[%swap3A_57, %swap3A_58], %add3A_56 {strides = array<i32>} : memref<1x128xf32, #tpu.memory_space<vmem>>, vector<1x128xf32>,
    } else {
    }
    return
  }
  func.func @transform_0(%arg0: i32) -> (i32, i32) {
    %c0_i32 = arith.constant 0 : i32
    %c0_i32_0 = arith.constant 0 : i32
    return %arg0, %c0_i32 : i32, i32
  }
  func.func @transform_1(%arg0: i32) -> (i32, i32, i32) {
    %c0_i32 = arith.constant 0 : i32
    %c0_i32_0 = arith.constant 0 : i32
    %c0_i32_1 = arith.constant 0 : i32
    return %c0_i32, %arg0, %c0_i32_0 : i32, i32, i32
  }
  func.func @transform_2(%arg0: i32) -> (i32, i32) {
    %c0_i32 = arith.constant 0 : i32
    %c0_i32_0 = arith.constant 0 : i32
    %c0_i32_1 = arith.constant 0 : i32
    return %c0_i32, %c0_i32_0 : i32, i32
  }
  func.func @transform_3(%arg0: i32) -> (i32, i32) {
    %c0_i32 = arith.constant 0 : i32
    %c0_i32_0 = arith.constant 0 : i32
    %c0_i32_1 = arith.constant 0 : i32
    return %c0_i32, %c0_i32_0 : i32, i32
  }
  func.func @transform_4(%arg0: i32) -> (i32, i32) {
    %c0_i32 = arith.constant 0 : i32
    %c0_i32_0 = arith.constant 0 : i32
    %c0_i32_1 = arith.constant 0 : i32
    return %c0_i32, %c0_i32_0 : i32, i32
  }
  func.func @transform_5(%arg0: i32) -> (i32, i32) {
    %c0_i32 = arith.constant 0 : i32
    %c0_i32_0 = arith.constant 0 : i32
    %c0_i32_1 = arith.constant 0 : i32
    return %c0_i32, %c0_i32_0 : i32, i32
  }
  func.func @transform_6(%arg0: i32) -> (i32, i32) {
    %c0_i32 = arith.constant 0 : i32
    %c0_i32_0 = arith.constant 0 : i32
    return %arg0, %c0_i32 : i32, i32
  }
  func.func @transform_7(%arg0: i32) -> (i32, i32) {
    %c0_i32 = arith.constant 0 : i32
    %c0_i32_0 = arith.constant 0 : i32
    %c0_i32_1 = arith.constant 0 : i32
    return %c0_i32, %c0_i32_0 : i32, i32
  }
  func.func @transform_8(%arg0: i32) -> (i32, i32) {
    %c0_i32 = arith.constant 0 : i32
    %c0_i32_0 = arith.constant 0 : i32
    %c0_i32_1 = arith.constant 0 : i32
    return %c0_i32, %c0_i32_0 : i32, i32
  }
}

module attributes {stable_mosaic.version = 14 : i64} {
  func.func @_bn_body(%arg0: i32, %arg1: memref<1000x128xf32, #tpu.memory_space<vmem>>, %arg2: memref<1x128xf32, #tpu.memory_space<vmem>>, %arg3: memref<1x128xf32, #tpu.memory_space<vmem>>, %arg4: memref<1x128xf32, #tpu.memory_space<vmem>>, %arg5: memref<1x128xf32, #tpu.memory_space<vmem>>, %arg6: memref<1x1x1000xi32, #tpu.memory_space<vmem>>, %arg7: memref<1000x128xf32, #tpu.memory_space<vmem>>, %arg8: memref<256x128xf32, #tpu.memory_space<vmem>>) attributes {dimension_semantics = [#tpu.dimension_semantics<arbitrary>], iteration_bounds = array<i64: 10>, scalar_prefetch = 0 : i64, scratch_operands = 0 : i64, tpu.core_type = #tpu.core_type<tc>, window_params = [{transform_indices = @transform_0, window_bounds = array<i64: 1000, 128>}, {pipeline_mode = #tpu.pipeline_mode<synchronous>, transform_indices = @transform_1, window_bounds = array<i64: 1, 128>}, {pipeline_mode = #tpu.pipeline_mode<synchronous>, transform_indices = @transform_2, window_bounds = array<i64: 1, 128>}, {pipeline_mode = #tpu.pipeline_mode<synchronous>, transform_indices = @transform_3, window_bounds = array<i64: 1, 128>}, {pipeline_mode = #tpu.pipeline_mode<synchronous>, transform_indices = @transform_4, window_bounds = array<i64: 1, 128>}, {transform_indices = @transform_5, window_bounds = array<i64: 1, 1, 1000>}, {transform_indices = @transform_6, window_bounds = array<i64: 1000, 128>}, {pipeline_mode = #tpu.pipeline_mode<synchronous>, transform_indices = @transform_7, window_bounds = array<i64: 256, 128>}]} {
    %get3A = arith.constant 0 : index
    %get3A_0 = arith.constant 0 : index
    %get3A_1 = vector.load %arg2[%get3A, %get3A_0] : memref<1x128xf32, #tpu.memory_space<vmem>>, vector<1x128xf32>
    %div3A = arith.constant 1.000000e+04 : f32
    %div3A_2 = vector.broadcast %div3A : f32 to vector<1x128xf32>
    %div3A_3 = arith.divf %get3A_1, %div3A_2 : vector<1x128xf32>
    %get3A_4 = arith.constant 0 : index
    %get3A_5 = arith.constant 0 : index
    %get3A_6 = vector.load %arg3[%get3A_4, %get3A_5] : memref<1x128xf32, #tpu.memory_space<vmem>>, vector<1x128xf32>
    %div3A_7 = arith.constant 1.000000e+04 : f32
    %div3A_8 = vector.broadcast %div3A_7 : f32 to vector<1x128xf32>
    %div3A_9 = arith.divf %get3A_6, %div3A_8 : vector<1x128xf32>
    %mul3A = arith.mulf %div3A_3, %div3A_3 : vector<1x128xf32>
    %sub3A = arith.subf %div3A_9, %mul3A : vector<1x128xf32>
    %get3A_10 = arith.constant 0 : index
    %get3A_11 = arith.constant 0 : index
    %get3A_12 = vector.load %arg4[%get3A_10, %get3A_11] : memref<1x128xf32, #tpu.memory_space<vmem>>, vector<1x128xf32>
    %add3A = arith.constant 9.99999974E-6 : f32
    %add3A_13 = vector.broadcast %add3A : f32 to vector<1x128xf32>
    %add3A_14 = arith.addf %sub3A, %add3A_13 : vector<1x128xf32>
    %rsqrt3A = math.rsqrt %add3A_14 : vector<1x128xf32>
    %mul3A_15 = arith.mulf %get3A_12, %rsqrt3A : vector<1x128xf32>
    %get3A_16 = arith.constant 0 : index
    %get3A_17 = arith.constant 0 : index
    %get3A_18 = vector.load %arg5[%get3A_16, %get3A_17] : memref<1x128xf32, #tpu.memory_space<vmem>>, vector<1x128xf32>
    %mul3A_19 = arith.mulf %div3A_3, %mul3A_15 : vector<1x128xf32>
    %sub3A_20 = arith.subf %get3A_18, %mul3A_19 : vector<1x128xf32>
    %get3A_21 = arith.constant 0 : index
    %get3A_22 = arith.constant 0 : index
    %get3A_23 = vector.load %arg1[%get3A_21, %get3A_22] : memref<1000x128xf32, #tpu.memory_space<vmem>>, vector<1000x128xf32>
    %mul3A_24 = vector.broadcast %mul3A_15 : vector<1x128xf32> to vector<1000x128xf32>
    %mul3A_25 = arith.mulf %get3A_23, %mul3A_24 : vector<1000x128xf32>
    %add3A_26 = vector.broadcast %sub3A_20 : vector<1x128xf32> to vector<1000x128xf32>
    %add3A_27 = arith.addf %mul3A_25, %add3A_26 : vector<1000x128xf32>
    %max3A = arith.constant 0.000000e+00 : f32
    %max3A_28 = vector.broadcast %max3A : f32 to vector<1000x128xf32>
    %max3A_29 = arith.maximumf %add3A_27, %max3A_28 : vector<1000x128xf32>
    %swap3A = arith.constant 0 : index
    %swap3A_30 = arith.constant 0 : index
    %swap3A_31 = vector.load %arg7[%swap3A, %swap3A_30] : memref<1000x128xf32, #tpu.memory_space<vmem>>, vector<1000x128xf32>
    tpu.vector_store %arg7[%swap3A, %swap3A_30], %max3A_29 {strides = array<i32>} : memref<1000x128xf32, #tpu.memory_space<vmem>>, vector<1000x128xf32>,
    %get3A_32 = arith.constant 0 : index
    %get3A_33 = arith.constant 0 : index
    %get3A_34 = arith.constant 0 : index
    %get3A_35 = vector.load %arg6[%get3A_32, %get3A_33, %get3A_34] : memref<1x1x1000xi32, #tpu.memory_space<vmem>>, vector<1x1x1000xi32>
    %reshape3A = vector.shape_cast %get3A_35 : vector<1x1x1000xi32> to vector<1x1000xi32>
    %iota3A = tpu.iota {dimensions = array<i32: 0>} : vector<256x1000xi32>
    %eq3A = vector.broadcast %reshape3A : vector<1x1000xi32> to vector<256x1000xi32>
    %eq3A_36 = arith.cmpi eq, %iota3A, %eq3A : vector<256x1000xi32>
    %convert_element_type3A = arith.extui %eq3A_36 : vector<256x1000xi1> to vector<256x1000xi32>
    %convert_element_type3A_37 = arith.sitofp %convert_element_type3A : vector<256x1000xi32> to vector<256x1000xf32>
    %dot_general3A = arith.constant dense<0.000000e+00> : vector<256x128xf32>
    %dot_general3A_38 = tpu.matmul %convert_element_type3A_37, %max3A_29, %dot_general3A {dimension_numbers = #tpu.dot_dimension_numbers<[1], [0], [0], [1], [0, 0, 1, 1], [], []>, precision = #tpu.contract_precision<fp32>, transpose_lhs_hint = false} : vector<256x1000xf32>, vector<1000x128xf32>, vector<256x128xf32> -> vector<256x128xf32>
    %eq3A_39 = arith.constant 0 : i32
    %eq3A_40 = arith.cmpi eq, %arg0, %eq3A_39 : i32
    %convert_element_type3A_41 = arith.extui %eq3A_40 : i1 to i32
    %cond3A = arith.constant 0 : i32
    %cond3A_42 = arith.cmpi ne, %convert_element_type3A_41, %cond3A : i32
    scf.if %cond3A_42 {
      %swap3A_47 = arith.constant 0 : index
      %swap3A_48 = arith.constant 0 : index
      %swap3A_49 = vector.load %arg8[%swap3A_47, %swap3A_48] : memref<256x128xf32, #tpu.memory_space<vmem>>, vector<256x128xf32>
      tpu.vector_store %arg8[%swap3A_47, %swap3A_48], %dot_general3A_38 {strides = array<i32>} : memref<256x128xf32, #tpu.memory_space<vmem>>, vector<256x128xf32>,
    } else {
    }
    %gt3A = arith.constant 0 : i32
    %gt3A_43 = arith.cmpi sgt, %arg0, %gt3A : i32
    %convert_element_type3A_44 = arith.extui %gt3A_43 : i1 to i32
    %cond3A_45 = arith.constant 0 : i32
    %cond3A_46 = arith.cmpi ne, %convert_element_type3A_44, %cond3A_45 : i32
    scf.if %cond3A_46 {
      %get3A_47 = arith.constant 0 : index
      %get3A_48 = arith.constant 0 : index
      %get3A_49 = vector.load %arg8[%get3A_47, %get3A_48] : memref<256x128xf32, #tpu.memory_space<vmem>>, vector<256x128xf32>
      %add3A_50 = arith.addf %get3A_49, %dot_general3A_38 : vector<256x128xf32>
      %swap3A_51 = arith.constant 0 : index
      %swap3A_52 = arith.constant 0 : index
      %swap3A_53 = vector.load %arg8[%swap3A_51, %swap3A_52] : memref<256x128xf32, #tpu.memory_space<vmem>>, vector<256x128xf32>
      tpu.vector_store %arg8[%swap3A_51, %swap3A_52], %add3A_50 {strides = array<i32>} : memref<256x128xf32, #tpu.memory_space<vmem>>, vector<256x128xf32>,
    } else {
    }
    return
  }
  func.func @transform_0(%arg0: i32) -> (i32, i32) {
    %c0_i32 = arith.constant 0 : i32
    %c0_i32_0 = arith.constant 0 : i32
    return %arg0, %c0_i32 : i32, i32
  }
  func.func @transform_1(%arg0: i32) -> (i32, i32) {
    %c0_i32 = arith.constant 0 : i32
    %c0_i32_0 = arith.constant 0 : i32
    %c0_i32_1 = arith.constant 0 : i32
    return %c0_i32, %c0_i32_0 : i32, i32
  }
  func.func @transform_2(%arg0: i32) -> (i32, i32) {
    %c0_i32 = arith.constant 0 : i32
    %c0_i32_0 = arith.constant 0 : i32
    %c0_i32_1 = arith.constant 0 : i32
    return %c0_i32, %c0_i32_0 : i32, i32
  }
  func.func @transform_3(%arg0: i32) -> (i32, i32) {
    %c0_i32 = arith.constant 0 : i32
    %c0_i32_0 = arith.constant 0 : i32
    %c0_i32_1 = arith.constant 0 : i32
    return %c0_i32, %c0_i32_0 : i32, i32
  }
  func.func @transform_4(%arg0: i32) -> (i32, i32) {
    %c0_i32 = arith.constant 0 : i32
    %c0_i32_0 = arith.constant 0 : i32
    %c0_i32_1 = arith.constant 0 : i32
    return %c0_i32, %c0_i32_0 : i32, i32
  }
  func.func @transform_5(%arg0: i32) -> (i32, i32, i32) {
    %c0_i32 = arith.constant 0 : i32
    %c0_i32_0 = arith.constant 0 : i32
    %c0_i32_1 = arith.constant 0 : i32
    return %arg0, %c0_i32, %c0_i32_0 : i32, i32, i32
  }
  func.func @transform_6(%arg0: i32) -> (i32, i32) {
    %c0_i32 = arith.constant 0 : i32
    %c0_i32_0 = arith.constant 0 : i32
    return %arg0, %c0_i32 : i32, i32
  }
  func.func @transform_7(%arg0: i32) -> (i32, i32) {
    %c0_i32 = arith.constant 0 : i32
    %c0_i32_0 = arith.constant 0 : i32
    %c0_i32_1 = arith.constant 0 : i32
    return %c0_i32, %c0_i32_0 : i32, i32
  }
}

module attributes {stable_mosaic.version = 14 : i64} {
  func.func @_head_body(%arg0: i32, %arg1: memref<1000x128xf32, #tpu.memory_space<vmem>>, %arg2: memref<1x1x1000xi32, #tpu.memory_space<vmem>>, %arg3: memref<5x256x128xf32, #tpu.memory_space<vmem>>, %arg4: memref<6x128x128xf32, #tpu.memory_space<vmem>>, %arg5: memref<6x1x128xf32, #tpu.memory_space<vmem>>, %arg6: memref<128x128xf32, #tpu.memory_space<vmem>>, %arg7: memref<1x128xf32, #tpu.memory_space<vmem>>, %arg8: memref<128x128xf32, #tpu.memory_space<vmem>>, %arg9: memref<1x128xf32, #tpu.memory_space<vmem>>, %arg10: memref<256x128xf32, #tpu.memory_space<vmem>>, %arg11: memref<256x128xf32, #tpu.memory_space<vmem>>, %arg12: memref<256x128xf32, #tpu.memory_space<vmem>>) attributes {dimension_semantics = [#tpu.dimension_semantics<arbitrary>], iteration_bounds = array<i64: 10>, scalar_prefetch = 0 : i64, scratch_operands = 2 : i64, tpu.core_type = #tpu.core_type<tc>, window_params = [{transform_indices = @transform_0, window_bounds = array<i64: 1000, 128>}, {transform_indices = @transform_1, window_bounds = array<i64: 1, 1, 1000>}, {pipeline_mode = #tpu.pipeline_mode<synchronous>, transform_indices = @transform_2, window_bounds = array<i64: 5, 256, 128>}, {pipeline_mode = #tpu.pipeline_mode<synchronous>, transform_indices = @transform_3, window_bounds = array<i64: 6, 128, 128>}, {pipeline_mode = #tpu.pipeline_mode<synchronous>, transform_indices = @transform_4, window_bounds = array<i64: 6, 1, 128>}, {pipeline_mode = #tpu.pipeline_mode<synchronous>, transform_indices = @transform_5, window_bounds = array<i64: 128, 128>}, {pipeline_mode = #tpu.pipeline_mode<synchronous>, transform_indices = @transform_6, window_bounds = array<i64: 1, 128>}, {pipeline_mode = #tpu.pipeline_mode<synchronous>, transform_indices = @transform_7, window_bounds = array<i64: 128, 128>}, {pipeline_mode = #tpu.pipeline_mode<synchronous>, transform_indices = @transform_8, window_bounds = array<i64: 1, 128>}, {pipeline_mode = #tpu.pipeline_mode<synchronous>, transform_indices = @transform_9, window_bounds = array<i64: 256, 128>}]} {
    %get3A = arith.constant 0 : index
    %get3A_0 = arith.constant 0 : index
    %get3A_1 = arith.constant 0 : index
    %get3A_2 = vector.load %arg2[%get3A, %get3A_0, %get3A_1] : memref<1x1x1000xi32, #tpu.memory_space<vmem>>, vector<1x1x1000xi32>
    %reshape3A = vector.shape_cast %get3A_2 : vector<1x1x1000xi32> to vector<1x1000xi32>
    %iota3A = tpu.iota {dimensions = array<i32: 0>} : vector<256x1000xi32>
    %eq3A = vector.broadcast %reshape3A : vector<1x1000xi32> to vector<256x1000xi32>
    %eq3A_3 = arith.cmpi eq, %iota3A, %eq3A : vector<256x1000xi32>
    %convert_element_type3A = arith.extui %eq3A_3 : vector<256x1000xi1> to vector<256x1000xi32>
    %convert_element_type3A_4 = arith.sitofp %convert_element_type3A : vector<256x1000xi32> to vector<256x1000xf32>
    %get3A_5 = arith.constant 0 : index
    %get3A_6 = arith.constant 0 : index
    %get3A_7 = vector.load %arg1[%get3A_5, %get3A_6] : memref<1000x128xf32, #tpu.memory_space<vmem>>, vector<1000x128xf32>
    %dot_general3A = arith.constant dense<0.000000e+00> : vector<256x128xf32>
    %dot_general3A_8 = tpu.matmul %convert_element_type3A_4, %get3A_7, %dot_general3A {dimension_numbers = #tpu.dot_dimension_numbers<[1], [0], [0], [1], [0, 0, 1, 1], [], []>, precision = #tpu.contract_precision<fp32>, transpose_lhs_hint = false} : vector<256x1000xf32>, vector<1000x128xf32>, vector<256x128xf32> -> vector<256x128xf32>
    %reduce_sum3A = arith.constant dense<0.000000e+00> : vector<256xf32>
    %reduce_sum3A_9 = vector.multi_reduction <add>, %convert_element_type3A_4, %reduce_sum3A [1] : vector<256x1000xf32> to vector<256xf32>
    %broadcast_in_dim3A = vector.shape_cast %reduce_sum3A_9 : vector<256xf32> to vector<256x1xf32>
    %broadcast_in_dim3A_10 = vector.shape_cast %broadcast_in_dim3A : vector<256x1xf32> to vector<256x1xf32>
    %broadcast_in_dim3A_11 = vector.broadcast %broadcast_in_dim3A_10 : vector<256x1xf32> to vector<256x128xf32>
    %eq3A_12 = arith.constant 0 : i32
    %eq3A_13 = arith.cmpi eq, %arg0, %eq3A_12 : i32
    %convert_element_type3A_14 = arith.extui %eq3A_13 : i1 to i32
    %cond3A = arith.constant 0 : i32
    %cond3A_15 = arith.cmpi ne, %convert_element_type3A_14, %cond3A : i32
    scf.if %cond3A_15 {
      %swap3A = arith.constant 0 : index
      %swap3A_25 = arith.constant 0 : index
      %swap3A_26 = vector.load %arg11[%swap3A, %swap3A_25] : memref<256x128xf32, #tpu.memory_space<vmem>>, vector<256x128xf32>
      tpu.vector_store %arg11[%swap3A, %swap3A_25], %dot_general3A_8 {strides = array<i32>} : memref<256x128xf32, #tpu.memory_space<vmem>>, vector<256x128xf32>,
      %swap3A_27 = arith.constant 0 : index
      %swap3A_28 = arith.constant 0 : index
      %swap3A_29 = vector.load %arg12[%swap3A_27, %swap3A_28] : memref<256x128xf32, #tpu.memory_space<vmem>>, vector<256x128xf32>
      tpu.vector_store %arg12[%swap3A_27, %swap3A_28], %broadcast_in_dim3A_11 {strides = array<i32>} : memref<256x128xf32, #tpu.memory_space<vmem>>, vector<256x128xf32>,
    } else {
    }
    %gt3A = arith.constant 0 : i32
    %gt3A_16 = arith.cmpi sgt, %arg0, %gt3A : i32
    %convert_element_type3A_17 = arith.extui %gt3A_16 : i1 to i32
    %cond3A_18 = arith.constant 0 : i32
    %cond3A_19 = arith.cmpi ne, %convert_element_type3A_17, %cond3A_18 : i32
    scf.if %cond3A_19 {
      %get3A_25 = arith.constant 0 : index
      %get3A_26 = arith.constant 0 : index
      %get3A_27 = vector.load %arg11[%get3A_25, %get3A_26] : memref<256x128xf32, #tpu.memory_space<vmem>>, vector<256x128xf32>
      %add3A = arith.addf %get3A_27, %dot_general3A_8 : vector<256x128xf32>
      %swap3A = arith.constant 0 : index
      %swap3A_28 = arith.constant 0 : index
      %swap3A_29 = vector.load %arg11[%swap3A, %swap3A_28] : memref<256x128xf32, #tpu.memory_space<vmem>>, vector<256x128xf32>
      tpu.vector_store %arg11[%swap3A, %swap3A_28], %add3A {strides = array<i32>} : memref<256x128xf32, #tpu.memory_space<vmem>>, vector<256x128xf32>,
      %get3A_30 = arith.constant 0 : index
      %get3A_31 = arith.constant 0 : index
      %get3A_32 = vector.load %arg12[%get3A_30, %get3A_31] : memref<256x128xf32, #tpu.memory_space<vmem>>, vector<256x128xf32>
      %add3A_33 = arith.addf %get3A_32, %broadcast_in_dim3A_11 : vector<256x128xf32>
      %swap3A_34 = arith.constant 0 : index
      %swap3A_35 = arith.constant 0 : index
      %swap3A_36 = vector.load %arg12[%swap3A_34, %swap3A_35] : memref<256x128xf32, #tpu.memory_space<vmem>>, vector<256x128xf32>
      tpu.vector_store %arg12[%swap3A_34, %swap3A_35], %add3A_33 {strides = array<i32>} : memref<256x128xf32, #tpu.memory_space<vmem>>, vector<256x128xf32>,
    } else {
    }
    %eq3A_20 = arith.constant 9 : i32
    %eq3A_21 = arith.cmpi eq, %arg0, %eq3A_20 : i32
    %convert_element_type3A_22 = arith.extui %eq3A_21 : i1 to i32
    %cond3A_23 = arith.constant 0 : i32
    %cond3A_24 = arith.cmpi ne, %convert_element_type3A_22, %cond3A_23 : i32
    scf.if %cond3A_24 {
      %get3A_25 = arith.constant 0 : index
      %get3A_26 = arith.constant 0 : index
      %get3A_27 = vector.load %arg12[%get3A_25, %get3A_26] : memref<256x128xf32, #tpu.memory_space<vmem>>, vector<256x128xf32>
      %max3A = arith.constant 1.000000e+00 : f32
      %max3A_28 = vector.broadcast %max3A : f32 to vector<256x128xf32>
      %max3A_29 = arith.maximumf %get3A_27, %max3A_28 : vector<256x128xf32>
      %get3A_30 = arith.constant 0 : index
      %get3A_31 = arith.constant 0 : index
      %get3A_32 = vector.load %arg11[%get3A_30, %get3A_31] : memref<256x128xf32, #tpu.memory_space<vmem>>, vector<256x128xf32>
      %div3A = arith.divf %get3A_32, %max3A_29 : vector<256x128xf32>
      %get3A_33 = arith.constant 0 : index
      %get3A_34 = arith.constant 0 : index
      %get3A_35 = arith.constant 0 : index
      %get3A_36 = vector.load %arg4[%get3A_33, %get3A_34, %get3A_35] : memref<6x128x128xf32, #tpu.memory_space<vmem>>, vector<1x128x128xf32>
      %get3A_37 = vector.shape_cast %get3A_36 : vector<1x128x128xf32> to vector<128x128xf32>
      %dot_general3A_38 = arith.constant dense<0.000000e+00> : vector<256x128xf32>
      %dot_general3A_39 = tpu.matmul %div3A, %get3A_37, %dot_general3A_38 {dimension_numbers = #tpu.dot_dimension_numbers<[1], [0], [0], [1], [0, 0, 1, 1], [], []>, precision = #tpu.contract_precision<fp32>, transpose_lhs_hint = false} : vector<256x128xf32>, vector<128x128xf32>, vector<256x128xf32> -> vector<256x128xf32>
      %get3A_40 = arith.constant 0 : index
      %get3A_41 = arith.constant 0 : index
      %get3A_42 = arith.constant 0 : index
      %get3A_43 = vector.load %arg5[%get3A_40, %get3A_41, %get3A_42] : memref<6x1x128xf32, #tpu.memory_space<vmem>>, vector<1x1x128xf32>
      %get3A_44 = vector.shape_cast %get3A_43 : vector<1x1x128xf32> to vector<1x128xf32>
      %add3A = vector.broadcast %get3A_44 : vector<1x128xf32> to vector<256x128xf32>
      %add3A_45 = arith.addf %dot_general3A_39, %add3A : vector<256x128xf32>
      %get3A_46 = arith.constant 0 : index
      %get3A_47 = arith.constant 0 : index
      %get3A_48 = arith.constant 0 : index
      %get3A_49 = vector.load %arg3[%get3A_46, %get3A_47, %get3A_48] : memref<5x256x128xf32, #tpu.memory_space<vmem>>, vector<1x256x128xf32>
      %get3A_50 = vector.shape_cast %get3A_49 : vector<1x256x128xf32> to vector<256x128xf32>
      %div3A_51 = arith.divf %get3A_50, %max3A_29 : vector<256x128xf32>
      %get3A_52 = arith.constant 1 : index
      %get3A_53 = arith.constant 0 : index
      %get3A_54 = arith.constant 0 : index
      %get3A_55 = vector.load %arg4[%get3A_52, %get3A_53, %get3A_54] : memref<6x128x128xf32, #tpu.memory_space<vmem>>, vector<1x128x128xf32>
      %get3A_56 = vector.shape_cast %get3A_55 : vector<1x128x128xf32> to vector<128x128xf32>
      %dot_general3A_57 = arith.constant dense<0.000000e+00> : vector<256x128xf32>
      %dot_general3A_58 = tpu.matmul %div3A_51, %get3A_56, %dot_general3A_57 {dimension_numbers = #tpu.dot_dimension_numbers<[1], [0], [0], [1], [0, 0, 1, 1], [], []>, precision = #tpu.contract_precision<fp32>, transpose_lhs_hint = false} : vector<256x128xf32>, vector<128x128xf32>, vector<256x128xf32> -> vector<256x128xf32>
      %get3A_59 = arith.constant 1 : index
      %get3A_60 = arith.constant 0 : index
      %get3A_61 = arith.constant 0 : index
      %get3A_62 = vector.load %arg5[%get3A_59, %get3A_60, %get3A_61] : memref<6x1x128xf32, #tpu.memory_space<vmem>>, vector<1x1x128xf32>
      %get3A_63 = vector.shape_cast %get3A_62 : vector<1x1x128xf32> to vector<1x128xf32>
      %add3A_64 = vector.broadcast %get3A_63 : vector<1x128xf32> to vector<256x128xf32>
      %add3A_65 = arith.addf %dot_general3A_58, %add3A_64 : vector<256x128xf32>
      %add3A_66 = arith.addf %add3A_45, %add3A_65 : vector<256x128xf32>
      %get3A_67 = arith.constant 1 : index
      %get3A_68 = arith.constant 0 : index
      %get3A_69 = arith.constant 0 : index
      %get3A_70 = vector.load %arg3[%get3A_67, %get3A_68, %get3A_69] : memref<5x256x128xf32, #tpu.memory_space<vmem>>, vector<1x256x128xf32>
      %get3A_71 = vector.shape_cast %get3A_70 : vector<1x256x128xf32> to vector<256x128xf32>
      %div3A_72 = arith.divf %get3A_71, %max3A_29 : vector<256x128xf32>
      %get3A_73 = arith.constant 2 : index
      %get3A_74 = arith.constant 0 : index
      %get3A_75 = arith.constant 0 : index
      %get3A_76 = vector.load %arg4[%get3A_73, %get3A_74, %get3A_75] : memref<6x128x128xf32, #tpu.memory_space<vmem>>, vector<1x128x128xf32>
      %get3A_77 = vector.shape_cast %get3A_76 : vector<1x128x128xf32> to vector<128x128xf32>
      %dot_general3A_78 = arith.constant dense<0.000000e+00> : vector<256x128xf32>
      %dot_general3A_79 = tpu.matmul %div3A_72, %get3A_77, %dot_general3A_78 {dimension_numbers = #tpu.dot_dimension_numbers<[1], [0], [0], [1], [0, 0, 1, 1], [], []>, precision = #tpu.contract_precision<fp32>, transpose_lhs_hint = false} : vector<256x128xf32>, vector<128x128xf32>, vector<256x128xf32> -> vector<256x128xf32>
      %get3A_80 = arith.constant 2 : index
      %get3A_81 = arith.constant 0 : index
      %get3A_82 = arith.constant 0 : index
      %get3A_83 = vector.load %arg5[%get3A_80, %get3A_81, %get3A_82] : memref<6x1x128xf32, #tpu.memory_space<vmem>>, vector<1x1x128xf32>
      %get3A_84 = vector.shape_cast %get3A_83 : vector<1x1x128xf32> to vector<1x128xf32>
      %add3A_85 = vector.broadcast %get3A_84 : vector<1x128xf32> to vector<256x128xf32>
      %add3A_86 = arith.addf %dot_general3A_79, %add3A_85 : vector<256x128xf32>
      %add3A_87 = arith.addf %add3A_66, %add3A_86 : vector<256x128xf32>
      %get3A_88 = arith.constant 2 : index
      %get3A_89 = arith.constant 0 : index
      %get3A_90 = arith.constant 0 : index
      %get3A_91 = vector.load %arg3[%get3A_88, %get3A_89, %get3A_90] : memref<5x256x128xf32, #tpu.memory_space<vmem>>, vector<1x256x128xf32>
      %get3A_92 = vector.shape_cast %get3A_91 : vector<1x256x128xf32> to vector<256x128xf32>
      %div3A_93 = arith.divf %get3A_92, %max3A_29 : vector<256x128xf32>
      %get3A_94 = arith.constant 3 : index
      %get3A_95 = arith.constant 0 : index
      %get3A_96 = arith.constant 0 : index
      %get3A_97 = vector.load %arg4[%get3A_94, %get3A_95, %get3A_96] : memref<6x128x128xf32, #tpu.memory_space<vmem>>, vector<1x128x128xf32>
      %get3A_98 = vector.shape_cast %get3A_97 : vector<1x128x128xf32> to vector<128x128xf32>
      %dot_general3A_99 = arith.constant dense<0.000000e+00> : vector<256x128xf32>
      %dot_general3A_100 = tpu.matmul %div3A_93, %get3A_98, %dot_general3A_99 {dimension_numbers = #tpu.dot_dimension_numbers<[1], [0], [0], [1], [0, 0, 1, 1], [], []>, precision = #tpu.contract_precision<fp32>, transpose_lhs_hint = false} : vector<256x128xf32>, vector<128x128xf32>, vector<256x128xf32> -> vector<256x128xf32>
      %get3A_101 = arith.constant 3 : index
      %get3A_102 = arith.constant 0 : index
      %get3A_103 = arith.constant 0 : index
      %get3A_104 = vector.load %arg5[%get3A_101, %get3A_102, %get3A_103] : memref<6x1x128xf32, #tpu.memory_space<vmem>>, vector<1x1x128xf32>
      %get3A_105 = vector.shape_cast %get3A_104 : vector<1x1x128xf32> to vector<1x128xf32>
      %add3A_106 = vector.broadcast %get3A_105 : vector<1x128xf32> to vector<256x128xf32>
      %add3A_107 = arith.addf %dot_general3A_100, %add3A_106 : vector<256x128xf32>
      %add3A_108 = arith.addf %add3A_87, %add3A_107 : vector<256x128xf32>
      %get3A_109 = arith.constant 3 : index
      %get3A_110 = arith.constant 0 : index
      %get3A_111 = arith.constant 0 : index
      %get3A_112 = vector.load %arg3[%get3A_109, %get3A_110, %get3A_111] : memref<5x256x128xf32, #tpu.memory_space<vmem>>, vector<1x256x128xf32>
      %get3A_113 = vector.shape_cast %get3A_112 : vector<1x256x128xf32> to vector<256x128xf32>
      %div3A_114 = arith.divf %get3A_113, %max3A_29 : vector<256x128xf32>
      %get3A_115 = arith.constant 4 : index
      %get3A_116 = arith.constant 0 : index
      %get3A_117 = arith.constant 0 : index
      %get3A_118 = vector.load %arg4[%get3A_115, %get3A_116, %get3A_117] : memref<6x128x128xf32, #tpu.memory_space<vmem>>, vector<1x128x128xf32>
      %get3A_119 = vector.shape_cast %get3A_118 : vector<1x128x128xf32> to vector<128x128xf32>
      %dot_general3A_120 = arith.constant dense<0.000000e+00> : vector<256x128xf32>
      %dot_general3A_121 = tpu.matmul %div3A_114, %get3A_119, %dot_general3A_120 {dimension_numbers = #tpu.dot_dimension_numbers<[1], [0], [0], [1], [0, 0, 1, 1], [], []>, precision = #tpu.contract_precision<fp32>, transpose_lhs_hint = false} : vector<256x128xf32>, vector<128x128xf32>, vector<256x128xf32> -> vector<256x128xf32>
      %get3A_122 = arith.constant 4 : index
      %get3A_123 = arith.constant 0 : index
      %get3A_124 = arith.constant 0 : index
      %get3A_125 = vector.load %arg5[%get3A_122, %get3A_123, %get3A_124] : memref<6x1x128xf32, #tpu.memory_space<vmem>>, vector<1x1x128xf32>
      %get3A_126 = vector.shape_cast %get3A_125 : vector<1x1x128xf32> to vector<1x128xf32>
      %add3A_127 = vector.broadcast %get3A_126 : vector<1x128xf32> to vector<256x128xf32>
      %add3A_128 = arith.addf %dot_general3A_121, %add3A_127 : vector<256x128xf32>
      %add3A_129 = arith.addf %add3A_108, %add3A_128 : vector<256x128xf32>
      %get3A_130 = arith.constant 4 : index
      %get3A_131 = arith.constant 0 : index
      %get3A_132 = arith.constant 0 : index
      %get3A_133 = vector.load %arg3[%get3A_130, %get3A_131, %get3A_132] : memref<5x256x128xf32, #tpu.memory_space<vmem>>, vector<1x256x128xf32>
      %get3A_134 = vector.shape_cast %get3A_133 : vector<1x256x128xf32> to vector<256x128xf32>
      %div3A_135 = arith.divf %get3A_134, %max3A_29 : vector<256x128xf32>
      %get3A_136 = arith.constant 5 : index
      %get3A_137 = arith.constant 0 : index
      %get3A_138 = arith.constant 0 : index
      %get3A_139 = vector.load %arg4[%get3A_136, %get3A_137, %get3A_138] : memref<6x128x128xf32, #tpu.memory_space<vmem>>, vector<1x128x128xf32>
      %get3A_140 = vector.shape_cast %get3A_139 : vector<1x128x128xf32> to vector<128x128xf32>
      %dot_general3A_141 = arith.constant dense<0.000000e+00> : vector<256x128xf32>
      %dot_general3A_142 = tpu.matmul %div3A_135, %get3A_140, %dot_general3A_141 {dimension_numbers = #tpu.dot_dimension_numbers<[1], [0], [0], [1], [0, 0, 1, 1], [], []>, precision = #tpu.contract_precision<fp32>, transpose_lhs_hint = false} : vector<256x128xf32>, vector<128x128xf32>, vector<256x128xf32> -> vector<256x128xf32>
      %get3A_143 = arith.constant 5 : index
      %get3A_144 = arith.constant 0 : index
      %get3A_145 = arith.constant 0 : index
      %get3A_146 = vector.load %arg5[%get3A_143, %get3A_144, %get3A_145] : memref<6x1x128xf32, #tpu.memory_space<vmem>>, vector<1x1x128xf32>
      %get3A_147 = vector.shape_cast %get3A_146 : vector<1x1x128xf32> to vector<1x128xf32>
      %add3A_148 = vector.broadcast %get3A_147 : vector<1x128xf32> to vector<256x128xf32>
      %add3A_149 = arith.addf %dot_general3A_142, %add3A_148 : vector<256x128xf32>
      %add3A_150 = arith.addf %add3A_129, %add3A_149 : vector<256x128xf32>
      %get3A_151 = arith.constant 0 : index
      %get3A_152 = arith.constant 0 : index
      %get3A_153 = vector.load %arg6[%get3A_151, %get3A_152] : memref<128x128xf32, #tpu.memory_space<vmem>>, vector<128x128xf32>
      %dot_general3A_154 = arith.constant dense<0.000000e+00> : vector<256x128xf32>
      %dot_general3A_155 = tpu.matmul %add3A_150, %get3A_153, %dot_general3A_154 {dimension_numbers = #tpu.dot_dimension_numbers<[1], [0], [0], [1], [0, 0, 1, 1], [], []>, precision = #tpu.contract_precision<fp32>, transpose_lhs_hint = false} : vector<256x128xf32>, vector<128x128xf32>, vector<256x128xf32> -> vector<256x128xf32>
      %get3A_156 = arith.constant 0 : index
      %get3A_157 = arith.constant 0 : index
      %get3A_158 = vector.load %arg7[%get3A_156, %get3A_157] : memref<1x128xf32, #tpu.memory_space<vmem>>, vector<1x128xf32>
      %add3A_159 = vector.broadcast %get3A_158 : vector<1x128xf32> to vector<256x128xf32>
      %add3A_160 = arith.addf %dot_general3A_155, %add3A_159 : vector<256x128xf32>
      %max3A_161 = arith.constant 0.000000e+00 : f32
      %max3A_162 = vector.broadcast %max3A_161 : f32 to vector<256x128xf32>
      %max3A_163 = arith.maximumf %add3A_160, %max3A_162 : vector<256x128xf32>
      %get3A_164 = arith.constant 0 : index
      %get3A_165 = arith.constant 0 : index
      %get3A_166 = vector.load %arg8[%get3A_164, %get3A_165] : memref<128x128xf32, #tpu.memory_space<vmem>>, vector<128x128xf32>
      %dot_general3A_167 = arith.constant dense<0.000000e+00> : vector<256x128xf32>
      %dot_general3A_168 = tpu.matmul %max3A_163, %get3A_166, %dot_general3A_167 {dimension_numbers = #tpu.dot_dimension_numbers<[1], [0], [0], [1], [0, 0, 1, 1], [], []>, precision = #tpu.contract_precision<fp32>, transpose_lhs_hint = false} : vector<256x128xf32>, vector<128x128xf32>, vector<256x128xf32> -> vector<256x128xf32>
      %get3A_169 = arith.constant 0 : index
      %get3A_170 = arith.constant 0 : index
      %get3A_171 = vector.load %arg9[%get3A_169, %get3A_170] : memref<1x128xf32, #tpu.memory_space<vmem>>, vector<1x128xf32>
      %add3A_172 = vector.broadcast %get3A_171 : vector<1x128xf32> to vector<256x128xf32>
      %add3A_173 = arith.addf %dot_general3A_168, %add3A_172 : vector<256x128xf32>
      %swap3A = arith.constant 0 : index
      %swap3A_174 = arith.constant 0 : index
      %swap3A_175 = vector.load %arg10[%swap3A, %swap3A_174] : memref<256x128xf32, #tpu.memory_space<vmem>>, vector<256x128xf32>
      tpu.vector_store %arg10[%swap3A, %swap3A_174], %add3A_173 {strides = array<i32>} : memref<256x128xf32, #tpu.memory_space<vmem>>, vector<256x128xf32>,
    } else {
    }
    return
  }
  func.func @transform_0(%arg0: i32) -> (i32, i32) {
    %c0_i32 = arith.constant 0 : i32
    %c0_i32_0 = arith.constant 0 : i32
    return %arg0, %c0_i32 : i32, i32
  }
  func.func @transform_1(%arg0: i32) -> (i32, i32, i32) {
    %c0_i32 = arith.constant 0 : i32
    %c0_i32_0 = arith.constant 0 : i32
    %c0_i32_1 = arith.constant 0 : i32
    return %arg0, %c0_i32, %c0_i32_0 : i32, i32, i32
  }
  func.func @transform_2(%arg0: i32) -> (i32, i32, i32) {
    %c0_i32 = arith.constant 0 : i32
    %c0_i32_0 = arith.constant 0 : i32
    %c0_i32_1 = arith.constant 0 : i32
    %c0_i32_2 = arith.constant 0 : i32
    return %c0_i32, %c0_i32_0, %c0_i32_1 : i32, i32, i32
  }
  func.func @transform_3(%arg0: i32) -> (i32, i32, i32) {
    %c0_i32 = arith.constant 0 : i32
    %c0_i32_0 = arith.constant 0 : i32
    %c0_i32_1 = arith.constant 0 : i32
    %c0_i32_2 = arith.constant 0 : i32
    return %c0_i32, %c0_i32_0, %c0_i32_1 : i32, i32, i32
  }
  func.func @transform_4(%arg0: i32) -> (i32, i32, i32) {
    %c0_i32 = arith.constant 0 : i32
    %c0_i32_0 = arith.constant 0 : i32
    %c0_i32_1 = arith.constant 0 : i32
    %c0_i32_2 = arith.constant 0 : i32
    return %c0_i32, %c0_i32_0, %c0_i32_1 : i32, i32, i32
  }
  func.func @transform_5(%arg0: i32) -> (i32, i32) {
    %c0_i32 = arith.constant 0 : i32
    %c0_i32_0 = arith.constant 0 : i32
    %c0_i32_1 = arith.constant 0 : i32
    return %c0_i32, %c0_i32_0 : i32, i32
  }
  func.func @transform_6(%arg0: i32) -> (i32, i32) {
    %c0_i32 = arith.constant 0 : i32
    %c0_i32_0 = arith.constant 0 : i32
    %c0_i32_1 = arith.constant 0 : i32
    return %c0_i32, %c0_i32_0 : i32, i32
  }
  func.func @transform_7(%arg0: i32) -> (i32, i32) {
    %c0_i32 = arith.constant 0 : i32
    %c0_i32_0 = arith.constant 0 : i32
    %c0_i32_1 = arith.constant 0 : i32
    return %c0_i32, %c0_i32_0 : i32, i32
  }
  func.func @transform_8(%arg0: i32) -> (i32, i32) {
    %c0_i32 = arith.constant 0 : i32
    %c0_i32_0 = arith.constant 0 : i32
    %c0_i32_1 = arith.constant 0 : i32
    return %c0_i32, %c0_i32_0 : i32, i32
  }
  func.func @transform_9(%arg0: i32) -> (i32, i32) {
    %c0_i32 = arith.constant 0 : i32
    %c0_i32_0 = arith.constant 0 : i32
    %c0_i32_1 = arith.constant 0 : i32
    return %c0_i32, %c0_i32_0 : i32, i32
  }
}

</mosaic_0001>

<sc_bundles>
// kernel: kernel.19.cloned.1.call-start
scs
__scs_entry_jumppad:
0x0: {  	(pc) =	sbr.rel $0x88, $3  }
0x1: {  	(tag) =	ssettag $0x0;
	lr =	simm.s32 $0x1  }
0x2: {  	[smem:$0x3F70] =	sst lr;
	_ =	strace $0xD0000000  }
0x3: {  	_ = 	snop  }
0x4: {  	_ = 	snop  }
0x5: {  	_ = 	snop  }
0x6: {  	_ = 	snop  }
0x7: {  	_ = 	snop  }
__scs_overlays_trampoline_lowered:
0x8: {  	[smem:$0x3F7F] =	sst s0  }
0x9: {  	[smem:$0x3F80] =	sst s1  }
0xa: {  	[smem:$0x3F81] =	sst s2  }
0xb: {  	[smem:$0x3F82] =	sst s3  }
0xc: {  	[smem:$0x3F83] =	sst s4  }
0xd: {  	[smem:$0x3F84] =	sst s5  }
0xe: {  	[smem:$0x3F85] =	sst s6  }
0xf: {  	[smem:$0x3F86] =	sst s7  }
0x10: {  	[smem:$0x3F87] =	sst s8  }
0x11: {  	[smem:$0x3F88] =	sst s9;
	s0 =	simm.s32 @!p0 $0x0  }
0x12: {  	s1 =	sld [smem:$0x3F6E];
	s0 =	simm.s32 @p0 $0x1  }
0x13: {  	[smem:$0x3F89] =	sst s0;
	s0 =	simm.s32 @!p1 $0x0  }
0x14: {  	s2 =	sld [smem:$0x3F6D];
	s0 =	simm.s32 @p1 $0x1  }
0x15: {  	[smem:$0x3F8A] =	sst s0;
	s0 =	simm.s32 @!p2 $0x0  }
0x16: {  	s3 =	sld [smem:$0x3FDB];
	s0 =	simm.s32 @p2 $0x1  }
0x17: {  	s4 =	simm.s32 $0x1BF5;
	[smem:$0x3F8C] =	sst s0  }
0x18: {  	s0 =	sld [smem:$0x3F6F];
	_ =	swait.ge [sflag:s4], $0x0  }
0x19: {  	s7 =	sld [smem:$0x3F70]  }
0x1a: {  	s8 =	sadd.s32 $0xFFFFE003, lr  }
0x1b: {  	s9 =	sadd.s32 $0xFFFFFEF7, lr;
	s5 =	simm.s32 $0xFFFFFFFF;
	p2 =	slt.u32 s8, $0xFFFFF086  }
0x1c: {  	p1 =	slt.u32 s9, $0xF7A;
	s5 =	simm.s32 @!p2 $0x0  }
0x1d: {  	s5 =	simm.s32 @p1 $0x1;
	p0 =	seq.s32 s7, s2  }
0x1e: {  	s7 =	smul.u32 @!p0 $0xF7A, s2;
	p2 =	seq.s32 @!p0 s5, $0x0  }
0x1f: {  	s9 =	smul.u32 $0xF7A, s1;
	s8 =	simm.s32 @!p0 $0x1BF5;
	p2 =	por !p2, p0  }
0x20: {  	[sflag:s8] =	ssyncset.s32 @!p0 $0xFFFFF086;
	s6 =	sadd.s32 @!p0 s3, s7;
	s7 =	simm.s32 @!p0 $0x108  }
0x21: {  	s3 =	sadd.s32 s3, s9;
	s6 =	sadd.s32 @!p0 $0x88, s6;
	s7 =	simm.s32 @p2 $0x1082  }
0x22: {  	[simem:s7], [sflag:s8] =	dma.local @!p0 [hbm:s6], $0xF7A  }
0x23: {  	s9 =	sor.u32 $0xD0000000, s2;
	s6 =	simm.s32 $0x108;
	_ =	swait.ge @!p0 [sflag:s8], $0x0  }
0x24: {  	s3 =	sadd.s32 $0x88, s3;
	s6 =	simm.s32 @!p1 $0x1082;
	[sflag:s4] =	ssyncset.s32 $0xFFFFF086  }
0x25: {  	[simem:s6], [sflag:s4] =	dma.local [hbm:s3], $0xF7A  }
0x26: {  	[smem:$0x3F70] =	sst s1;
	(tag) =	ssettag s2;
	_ =	strace s9  }
0x27: {  	s1 =	sld [smem:$0x3F80]  }
0x28: {  	s2 =	sld [smem:$0x3F81]  }
0x29: {  	s4 =	sld [smem:$0x3F83]  }
0x2a: {  	p0 =	seq.s32 s5, $0x0;
	s5 =	sld [smem:$0x3F84]  }
0x2b: {  	s6 =	sld [smem:$0x3F85]  }
0x2c: {  	s7 =	sld [smem:$0x3F86]  }
0x2d: {  	s3 =	simm.s32 $0x108;
	s8 =	sld [smem:$0x3F87]  }
0x2e: {  	s3 =	simm.s32 @!p0 $0x1082;
	s9 =	sld [smem:$0x3F88]  }
0x2f: {  	lr =	sadd.s32 s0, s3;
	s0 =	sld [smem:$0x3F7F]  }
0x30: {  	s3 =	sld [smem:$0x3F82]  }
0x31: {  	[smem:$0x3F8B] =	sst s10  }
0x32: {  	s10 =	sld [smem:$0x3F89];
	_ =	sdelay $0x3  }
0x33: {  	p0 =	seq.s32 s10, $0x1;
	s10 =	sld [smem:$0x3F8B];
	_ =	sdelay $0x3  }
0x34: {  	[smem:$0x3F8B] =	sst s10  }
0x35: {  	s10 =	sld [smem:$0x3F8A];
	_ =	sdelay $0x3  }
0x36: {  	p1 =	seq.s32 s10, $0x1;
	s10 =	sld [smem:$0x3F8B];
	_ =	sdelay $0x3  }
0x37: {  	[smem:$0x3F8B] =	sst s10  }
0x38: {  	s10 =	sld [smem:$0x3F8C]  }
0x39: {  	_ = 	snop;
	(pc) =	sbr.ind lr, $3  }
0x3a: {  	_ = 	snop  }
0x3b: {  	_ = 	snop  }
0x3c: {  	p2 =	seq.s32 s10, $0x1;
	s10 =	sld [smem:$0x3F8B]  }
0x3d: {  	_ =	shalt  }
0x3e: {  	_ =	shalt  }
0x3f: {  	_ =	shalt  }
0x40: {  	_ =	shalt  }
0x41: {  	_ =	shalt  }
0x42: {  	_ =	shalt  }
0x43: {  	_ =	shalt  }
0x44: {  	_ =	shalt  }
0x45: {  	_ =	shalt  }
0x46: {  	_ =	shalt  }
0x47: {  	_ =	shalt  }
0x48: {  	_ =	shalt  }
0x49: {  	_ =	shalt  }
0x4a: {  	_ =	shalt  }
0x4b: {  	_ =	shalt  }
0x4c: {  	_ =	shalt  }
0x4d: {  	_ =	shalt  }
0x4e: {  	_ =	shalt  }
0x4f: {  	_ =	shalt  }
0x50: {  	_ =	shalt  }
0x51: {  	_ =	shalt  }
0x52: {  	_ =	shalt  }
0x53: {  	_ =	shalt  }
0x54: {  	_ =	shalt  }
0x55: {  	_ =	shalt  }
0x56: {  	_ =	shalt  }
0x57: {  	_ =	shalt  }
0x58: {  	_ =	shalt  }
0x59: {  	_ =	shalt  }
0x5a: {  	_ =	shalt  }
0x5b: {  	_ =	shalt  }
0x5c: {  	_ =	shalt  }
0x5d: {  	_ =	shalt  }
0x5e: {  	_ =	shalt  }
0x5f: {  	_ =	shalt  }
0x60: {  	_ =	shalt  }
0x61: {  	_ =	shalt  }
0x62: {  	_ =	shalt  }
0x63: {  	_ =	shalt  }
0x64: {  	_ =	shalt  }
0x65: {  	_ =	shalt  }
0x66: {  	_ =	shalt  }
0x67: {  	_ =	shalt  }
0x68: {  	_ =	shalt  }
0x69: {  	_ =	shalt  }
0x6a: {  	_ =	shalt  }
0x6b: {  	_ =	shalt  }
0x6c: {  	_ =	shalt  }
0x6d: {  	_ =	shalt  }
0x6e: {  	_ =	shalt  }
0x6f: {  	_ =	shalt  }
0x70: {  	_ =	shalt  }
0x71: {  	_ =	shalt  }
0x72: {  	_ =	shalt  }
0x73: {  	_ =	shalt  }
0x74: {  	_ =	shalt  }
0x75: {  	_ =	shalt  }
0x76: {  	_ =	shalt  }
0x77: {  	_ =	shalt  }
0x78: {  	_ =	shalt  }
0x79: {  	_ =	shalt  }
0x7a: {  	_ =	shalt  }
0x7b: {  	_ =	shalt  }
0x7c: {  	_ =	shalt  }
0x7d: {  	_ =	shalt  }
0x7e: {  	_ =	shalt  }
0x7f: {  	_ =	shalt  }
0x80: {  	_ =	shalt  }
0x81: {  	_ =	shalt  }
0x82: {  	_ =	shalt  }
0x83: {  	_ =	shalt  }
0x84: {  	_ =	shalt  }
0x85: {  	_ =	shalt  }
0x86: {  	_ =	shalt  }
0x87: {  	_ =	shalt  }
.Lfunc_end0:
.L_simem_size_0:
called_computation_lowered:
.L_overlay_start_0:
0x88: {  	s2 =	sld [smem:$0x3FD9]  }
0x89: {  	s3 =	sld [smem:$0x3FFE];
	_ =	sdelay $0x1  }
0x8a: {  	s1 =	srdreg.scid  }
0x8b: {  	s0 =	sand.u32 $0x1, s1  }
0x8c: {  	s17 =	sshll.u32 s0, $0xA;
	s2 =	sadd.s32 s3, s2  }
0x8d: {  	s2 =	sadd.s32 s2, s17  }
0x8e: {  	[smem:$0x3F97] =	sst s2  }
0x8f: {  	_ = 	snop  }
0x90: {  	s2 =	sld [smem:$0x3FC9];
	(tm) =	ssettm $0x1  }
0x91: {  	s18 =	sld [smem:$0x3FFB];
	_ =	sdelay $0x3  }
0x92: {  	_ =	strace s18  }
0x93: {  	s3 =	sld [smem:$0x3FFC];
	_ =	sdelay $0x3  }
0x94: {  	_ =	strace s3  }
0x95: {  	s3 =	sld [smem:$0x3FFD];
	_ =	sdelay $0x3  }
0x96: {  	_ =	strace s3  }
0x97: {  	_ =	strace $0x8FFFFFFF  }
0x98: {  	s19 =	sld [smem:$0x3FDB];
	_ =	sdelay $0x1  }
0x99: {  	s4 =	simm.s32 $_scs_section_size  }
0x9a: {  	s5 =	simm.s32 $_size__tile_overlayer_lowered;
	s6 =	simm.s32 $_tile_overlayer_lowered  }
0x9b: {  	s22 =	simm.s32 $0x1BFF;
	s21 =	sshll.u32 s6, $0x1;
	s3 =	sadd.s32 s4, s19  }
0x9c: {  	s7 =	simm.s32 $0x0;
	s20 =	sshll.u32 s5, $0x1;
	s5 =	sadd.s32 s21, s3  }
0x9d: {  	[timem:s7], [sflag:s22] =	dma.local [hbm:s5], s20  }
0x9e: {  	_ =	swait.ge [sflag:s22], s20  }
0x9f: {  	s4 =	ssub.s32 $0x0, s20;
	[sflag:s22] =	ssyncset.done $0x0  }
0xa0: {  	[sflag:s22] =	ssyncadd.s32 s4;
	_ =	sdelay $0x1  }
0xa1: {  	s23 =	simm.s32 $0x1B8B  }
0xa2: {  	_ =	swait.ge [sflag:s23], $0x1  }
0xa3: {  	[sflag:s23] =	ssyncset.done $0x0  }
0xa4: {  	s25 =	simm.s32 $0x1B8E;
	s24 =	sld [smem:$0x3FFE];
	[sflag:s23] =	ssyncadd.s32 $0xFFFFFFFF  }
0xa5: {  	s26 =	simm.s32 $execute0_lowered;
	[smem:$0x3FD2] =	sst s25  }
0xa6: {  	s5 =	sshll.u32 s26, $0x1;
	_ =	strace $0x80000046;
	[dreg:$0x1] =	wrdreg $0xFFFFFFFF  }
0xa7: {  	s28 =	simm.s32 $_size_execute0_lowered;
	s3 =	sadd.s32 s3, s5;
	[dreg:$0x0] =	wrdreg $0x0  }
0xa8: {  	s5 =	sshll.u32 s28, $0x1;
	[dreg:$0x2] =	wrdreg s3  }
0xa9: {  	[dreg:$0x3] =	wrdreg s5  }
0xaa: {  	[dreg:$0x4] =	wrdreg $0xC0  }
0xab: {  	_ =	task [dreg:s7], $0x5FFFF  }
0xac: {  	[dreg:$0x1] =	wrdreg $0xFFFFFFFF  }
0xad: {  	[dreg:$0x0] =	wrdreg $0x60  }
0xae: {  	[dreg:$0x2] =	wrdreg s2  }
0xaf: {  	[dreg:$0x3] =	wrdreg s24  }
0xb0: {  	[dreg:$0x4] =	wrdreg $0x0  }
0xb1: {  	[dreg:$0x5] =	wrdreg $0x9  }
0xb2: {  	_ =	task.clear_ibuf [dreg:s7], $0x6FFFF;
	_ =	strace $0x90000046  }
0xb3: {  	s29 =	simm.s32 $0x9;
	_ =	strace $0x80000048  }
0xb4: {  	_ =	swait.ge [sflag:s29], $0x1  }
0xb5: {  	[sflag:s29] =	ssyncadd.s32 $0xFFFFFFFF  }
0xb6: {  	_ =	strace $0x90000048  }
0xb7: {  	_ =	sfence  }
0xb8: {  	s30 =	sld [smem:$0x0];
	_ =	sdelay $0x2  }
0xb9: {  	s31 =	sshll.u32 s1, $0xD;
	s1 =	sshrl.u32 s1, $0x2  }
0xba: {  	s3 =	sand.u32 $0x4000, s31;
	s1 =	sadd.s32 s1, s30  }
0xbb: {  	s0 =	sor.u32 s3, s0;
	s1 =	sshll.u32 s1, $0x11  }
0xbc: {  	s0 =	sor.u32 s1, s0  }
0xbd: {  	s0 =	sadd.s32 $0x8F2B, s0  }
0xbe: {  	[sflag:s0] =	ssyncadd.remote.s32 $0x1  }
0xbf: {  	_ =	sfence.sel $0xFFFF  }
0xc0: {  	[dreg:$0x0] =	wrdreg $0xFFFFFFFF;
	(pc) =	sbr.abs _section_cstart, $3  }
0xc1: {  	[dreg:$0x1] =	wrdreg $0xFFFFFFFF  }
0xc2: {  	_ =	task.clear_ibuf [dreg:s7], $0x2FFFF;
	_ =	strace $0x9FFFFFFF  }
0xc3: {  	(tm) =	ssettm $0x7FFFFFFF  }
tec
execute0_lowered:
.L_overlay_start_1:
0x0: {  	(tag) =	ssettag $0x1  }
0x1: {  	s2 =	rddreg [dreg:$0x0]  }
0x2: {  	s0 =	rddreg [dreg:$0x1]  }
0x3: {  	s3 =	rddreg [dreg:$0x2];
	s11 =	stileid.u32  }
0x4: {  	s1 =	srdreg.scid;
	s4 =	simm.s32 $0x0;
	s13 =	simm.s32 $0x5  }
0x5: {  	s14 =	simm.s32 $0x13C00;
	s15 =	simm.s32 $0x15000;
	s16 =	simm.s32 $0x40  }
0x6: {  	s17 =	simm.s32 $0x16400;
	s18 =	simm.s32 $0x13C80;
	s19 =	simm.s32 $0x18400  }
0x7: {  	s20 =	simm.s32 $0x13D00;
	s28 =	simm.s32 $0x4;
	s29 =	simm.s32 $0x16200  }
0x8: {  	s30 =	simm.s32 $0x16280;
	s31 =	simm.s32 $0x16300;
	s7 =	smul.u32 $0x13C00, s11  }
0x9: {  	s1 =	sand.u32 $0x1, s1;
	[smem:$0x7FF] =	sst s4;
	s5 =	sadd.s32 $0x1F400, s0  }
0xa: {  	s6 =	sadd.s32 $0xB400, s0;
	s10 =	smul.u32 $0x4F000, s11;
	s25 =	sshll.u32 s11, $0x6  }
0xb: {  	s8 =	smul.u32 $0x13C000, s1;
	_ =	strace $0x80000047;
	s21 =	ssub.s32 $0x2, s1  }
0xc: {  	s1 =	sshll.u32 s1, $0x4;
	s9 =	sshrl.u32 s7, $0x3;
	s22 =	sshrl.u32 s21, $0x1  }
0xd: {  	s1 =	sor.u32 s11, s1;
	s23 =	sshrl.u32 s10, $0x2;
	s9 =	sadd.s32 s9, s0  }
0xe: {  	s7 =	sadd.s32 s7, s8;
	s10 =	sadd.s32 s23, s3;
	s8 =	sor.u32 $0x1C05, s25  }
0xf: {  	s23 =	simm.s32 $0x1C400;
	s25 =	simm.s32 $0x2;
	s7 =	sshrl.u32 s7, $0x3  }
0x10: {  	s24 =	sadd.s32 $0x33400, s9;
	s9 =	smul.u32 $0x5000, s1;
	s12 =	sshrl.u32 s10, $0x3  }
0x11: {  	s0 =	sadd.s32 s7, s0;
	s7 =	ssub.s32 s21, s22;
	[dreg:$0x4] =	wrdreg s24  }
0x12: {  	s21 =	simm.s32 $0x1A400;
	s22 =	simm.s32 $0x13D80;
	s0 =	sadd.s32 $0x5AC00, s0  }
0x13: {  	s24 =	simm.s32 $0x1;
	s26 =	smax.u32 s7, $0x1;
	[dreg:$0x5] =	wrdreg s0  }
0x14: {  	[dreg:$0x6] =	wrdreg s26;
	s26 =	simm.s32 $0x3;
	s0 =	simm.s32 $0x16380  }
.LBB2_1:
0x15: {  	s1 =	rddreg [dreg:$0x4]  }
0x16: {  	[spmem:s12], [sflag:s8] =	dma.local [hbm:s1], $0x2780  }
0x17: {  	_ =	swait.ge [sflag:s13], $0x2780  }
0x18: {  	[sflag:s13] =	ssyncset.done $0x0  }
0x19: {  	[sflag:s13] =	ssyncadd.s32 $0xFFFFD880  }
0x1a: {  	s1 =	simm.s32 $0x0;
	[bflag:$0x0] =	sbarrier.arrive $0xFFFF  }
.LBB2_2:
0x1b: {  	s7 =	smul.u32 $0x1400, s1;
	_ =	sdelay $0x1  }
0x1c: {  	s7 =	sadd.s32 s9, s7  }
0x1d: {  	s7 =	sshrl.u32 s7, $0x3  }
0x1e: {  	s11 =	simm.s32 $0x0;
	s10 =	sadd.s32 s5, s7  }
0x1f: {  	[tilespmem:s14], [sflag:$0x5] =	stream.linear.gather [hbm4b:s10+s11], $0x1400, $0x38;
	[tilespmem:$0x1E400] =	vst v63  }
0x20: {  	_ =	swait.ge [sflag:s13], $0x1400  }
0x21: {  	[sflag:s13] =	ssyncset.done $0x0  }
0x22: {  	s7 =	sadd.s32 s6, s7;
	[sflag:s13] =	ssyncadd.s32 $0xFFFFEC00  }
0x23: {  	[tilespmem:s15], [sflag:$0x5] =	stream.linear.gather [hbm4b:s7+s11], $0x1400, $0x38;
	[tilespmem:$0x1E400] =	vst v63  }
0x24: {  	_ =	swait.ge [sflag:s13], $0x1400  }
0x25: {  	[sflag:s13] =	ssyncset.done $0x0  }
0x26: {  	[sflag:s13] =	ssyncadd.s32 $0xFFFFEC00  }
0x27: {  	[tilespmem:s17], [sflag:$0x1] =	stream.indirect.gather [hbm4b:s2+s16], $0x80, s14, s16, $0xb8;
	[tilespmem:$0x1E400] =	vst v63  }
0x28: {  	_ = 	snop  }
0x29: {  	[tilespmem:s19], [sflag:$0x2] =	stream.indirect.gather [hbm4b:s2+s16], $0x80, s18, s16, $0xb8;
	[tilespmem:$0x1E400] =	vst v63  }
0x2a: {  	_ = 	snop  }
0x2b: {  	[tilespmem:s21], [sflag:$0x3] =	stream.indirect.gather [hbm4b:s2+s16], $0x80, s20, s16, $0xb8;
	[tilespmem:$0x1E400] =	vst v63  }
0x2c: {  	_ = 	snop  }
0x2d: {  	[tilespmem:s23], [sflag:$0x4] =	stream.indirect.gather [hbm4b:s2+s16], $0x80, s22, s16, $0xb8;
	[tilespmem:$0x1E400] =	vst v63  }
0x2e: {  	_ =	swait.ge [sflag:s24], $0x2000  }
0x2f: {  	[sflag:s24] =	ssyncset.done $0x0  }
0x30: {  	s11 =	simm.s32 $0x15000;
	[sflag:s24] =	ssyncadd.s32 $0xFFFFE000  }
0x31: {  	[spmem:s3] =	stream.indirect.scatter.add.f32 [tilespmem:s17], [sflag:$0x5], $0x80, s11, s16, $0xb8;
	[tilespmem:$0x1E400] =	vst v63  }
0x32: {  	_ =	swait.ge [sflag:s13], $0x2000  }
0x33: {  	[sflag:s13] =	ssyncset.done $0x0  }
0x34: {  	s10 =	simm.s32 $0x13E00;
	[sflag:s13] =	ssyncadd.s32 $0xFFFFE000  }
0x35: {  	[tilespmem:s17], [sflag:$0x1] =	stream.indirect.gather [hbm4b:s2+s16], $0x80, s10, s16, $0xb8;
	[tilespmem:$0x1E400] =	vst v63  }
0x36: {  	_ =	swait.ge [sflag:s25], $0x2000  }
0x37: {  	[sflag:s25] =	ssyncset.done $0x0  }
0x38: {  	s11 =	simm.s32 $0x15080;
	[sflag:s25] =	ssyncadd.s32 $0xFFFFE000  }
0x39: {  	[spmem:s3] =	stream.indirect.scatter.add.f32 [tilespmem:s19], [sflag:$0x5], $0x80, s11, s16, $0xb8;
	[tilespmem:$0x1E400] =	vst v63  }
0x3a: {  	_ =	swait.ge [sflag:s13], $0x2000  }
0x3b: {  	[sflag:s13] =	ssyncset.done $0x0  }
0x3c: {  	s10 =	simm.s32 $0x13E80;
	[sflag:s13] =	ssyncadd.s32 $0xFFFFE000  }
0x3d: {  	[tilespmem:s19], [sflag:$0x2] =	stream.indirect.gather [hbm4b:s2+s16], $0x80, s10, s16, $0xb8;
	[tilespmem:$0x1E400] =	vst v63  }
0x3e: {  	_ =	swait.ge [sflag:s26], $0x2000  }
0x3f: {  	[sflag:s26] =	ssyncset.done $0x0  }
0x40: {  	s11 =	simm.s32 $0x15100;
	[sflag:s26] =	ssyncadd.s32 $0xFFFFE000  }
0x41: {  	[spmem:s3] =	stream.indirect.scatter.add.f32 [tilespmem:s21], [sflag:$0x5], $0x80, s11, s16, $0xb8;
	[tilespmem:$0x1E400] =	vst v63  }
0x42: {  	_ =	swait.ge [sflag:s13], $0x2000  }
0x43: {  	[sflag:s13] =	ssyncset.done $0x0  }
0x44: {  	s10 =	simm.s32 $0x13F00;
	[sflag:s13] =	ssyncadd.s32 $0xFFFFE000  }
0x45: {  	[tilespmem:s21], [sflag:$0x3] =	stream.indirect.gather [hbm4b:s2+s16], $0x80, s10, s16, $0xb8;
	[tilespmem:$0x1E400] =	vst v63  }
0x46: {  	_ =	swait.ge [sflag:s28], $0x2000  }
0x47: {  	[sflag:s28] =	ssyncset.done $0x0  }
0x48: {  	s11 =	simm.s32 $0x15180;
	[sflag:s28] =	ssyncadd.s32 $0xFFFFE000  }
0x49: {  	[spmem:s3] =	stream.indirect.scatter.add.f32 [tilespmem:s23], [sflag:$0x5], $0x80, s11, s16, $0xb8;
	[tilespmem:$0x1E400] =	vst v63  }
0x4a: {  	_ =	swait.ge [sflag:s13], $0x2000  }
0x4b: {  	[sflag:s13] =	ssyncset.done $0x0  }
0x4c: {  	s7 =	simm.s32 $0x800;
	s10 =	simm.s32 $0x13F80;
	[sflag:s13] =	ssyncadd.s32 $0xFFFFE000  }
.LBB2_3:
0x4d: {  	[tilespmem:s23], [sflag:$0x4] =	stream.indirect.gather [hbm4b:s2+s16], $0x80, s10, s16, $0xb8;
	[tilespmem:$0x1E400] =	vst v63  }
0x4e: {  	s10 =	smov.u32 s7  }
0x4f: {  	p0 =	sne.s32 s7, $0x4000;
	s7 =	sadd.s32 $0x800, s7;
	_ =	swait.ge [sflag:s24], $0x2000  }
0x50: {  	s10 =	sshra.s32 s10, $0x2;
	[sflag:s24] =	ssyncset.done $0x0  }
0x51: {  	s11 =	sadd.s32 $0x15000, s10;
	[sflag:s24] =	ssyncadd.s32 $0xFFFFE000  }
0x52: {  	[spmem:s3] =	stream.indirect.scatter.add.f32 [tilespmem:s17], [sflag:$0x5], $0x80, s11, s16, $0xb8;
	[tilespmem:$0x1E400] =	vst v63  }
0x53: {  	_ =	swait.ge [sflag:s13], $0x2000  }
0x54: {  	[sflag:s13] =	ssyncset.done $0x0  }
0x55: {  	s11 =	sadd.s32 $0x13E00, s10;
	[sflag:s13] =	ssyncadd.s32 $0xFFFFE000  }
0x56: {  	[tilespmem:s17], [sflag:$0x1] =	stream.indirect.gather [hbm4b:s2+s16], $0x80, s11, s16, $0xb8;
	[tilespmem:$0x1E400] =	vst v63  }
0x57: {  	_ =	swait.ge [sflag:s25], $0x2000  }
0x58: {  	[sflag:s25] =	ssyncset.done $0x0  }
0x59: {  	s11 =	sadd.s32 $0x15080, s10;
	[sflag:s25] =	ssyncadd.s32 $0xFFFFE000  }
0x5a: {  	[spmem:s3] =	stream.indirect.scatter.add.f32 [tilespmem:s19], [sflag:$0x5], $0x80, s11, s16, $0xb8;
	[tilespmem:$0x1E400] =	vst v63  }
0x5b: {  	_ =	swait.ge [sflag:s13], $0x2000  }
0x5c: {  	[sflag:s13] =	ssyncset.done $0x0  }
0x5d: {  	s11 =	sadd.s32 $0x13E80, s10;
	[sflag:s13] =	ssyncadd.s32 $0xFFFFE000  }
0x5e: {  	[tilespmem:s19], [sflag:$0x2] =	stream.indirect.gather [hbm4b:s2+s16], $0x80, s11, s16, $0xb8;
	[tilespmem:$0x1E400] =	vst v63  }
0x5f: {  	_ =	swait.ge [sflag:s26], $0x2000  }
0x60: {  	[sflag:s26] =	ssyncset.done $0x0  }
0x61: {  	s11 =	sadd.s32 $0x15100, s10;
	[sflag:s26] =	ssyncadd.s32 $0xFFFFE000  }
0x62: {  	[spmem:s3] =	stream.indirect.scatter.add.f32 [tilespmem:s21], [sflag:$0x5], $0x80, s11, s16, $0xb8;
	[tilespmem:$0x1E400] =	vst v63  }
0x63: {  	_ =	swait.ge [sflag:s13], $0x2000  }
0x64: {  	[sflag:s13] =	ssyncset.done $0x0  }
0x65: {  	s11 =	sadd.s32 $0x13F00, s10;
	[sflag:s13] =	ssyncadd.s32 $0xFFFFE000  }
0x66: {  	[tilespmem:s21], [sflag:$0x3] =	stream.indirect.gather [hbm4b:s2+s16], $0x80, s11, s16, $0xb8;
	[tilespmem:$0x1E400] =	vst v63  }
0x67: {  	_ =	swait.ge [sflag:s28], $0x2000  }
0x68: {  	[sflag:s28] =	ssyncset.done $0x0  }
.Ltmp0:
0x69: {  	s11 =	sadd.s32 $0x15180, s10;
	[sflag:s28] =	ssyncadd.s32 $0xFFFFE000;
	(pc) =	sbr.rel @p0 .LBB2_3-.Ltmp0, $4  }
0x6a: {  	[spmem:s3] =	stream.indirect.scatter.add.f32 [tilespmem:s23], [sflag:$0x5], $0x80, s11, s16, $0xb8;
	[tilespmem:$0x1E400] =	vst v63  }
0x6b: {  	_ =	swait.ge [sflag:s13], $0x2000  }
0x6c: {  	[sflag:s13] =	ssyncset.done $0x0  }
0x6d: {  	s10 =	sadd.s32 $0x13F80, s10;
	[sflag:s13] =	ssyncadd.s32 $0xFFFFE000  }
0x6e: {  	[tilespmem:s23], [sflag:$0x4] =	stream.indirect.gather [hbm4b:s2+s16], $0x80, s10, s16, $0xb8;
	[tilespmem:$0x1E400] =	vst v63  }
0x6f: {  	_ =	swait.ge [sflag:s24], $0x2000  }
0x70: {  	[sflag:s24] =	ssyncset.done $0x0  }
0x71: {  	[sflag:s24] =	ssyncadd.s32 $0xFFFFE000  }
0x72: {  	[spmem:s3] =	stream.indirect.scatter.add.f32 [tilespmem:s17], [sflag:$0x5], $0x80, s29, s16, $0xb8;
	[tilespmem:$0x1E400] =	vst v63  }
0x73: {  	_ =	swait.ge [sflag:s13], $0x2000  }
0x74: {  	[sflag:s13] =	ssyncset.done $0x0  }
0x75: {  	[sflag:s13] =	ssyncadd.s32 $0xFFFFE000  }
0x76: {  	_ =	swait.ge [sflag:s25], $0x2000  }
0x77: {  	[sflag:s25] =	ssyncset.done $0x0  }
0x78: {  	[sflag:s25] =	ssyncadd.s32 $0xFFFFE000  }
0x79: {  	[spmem:s3] =	stream.indirect.scatter.add.f32 [tilespmem:s19], [sflag:$0x5], $0x80, s30, s16, $0xb8;
	[tilespmem:$0x1E400] =	vst v63  }
0x7a: {  	_ =	swait.ge [sflag:s13], $0x2000  }
0x7b: {  	[sflag:s13] =	ssyncset.done $0x0  }
0x7c: {  	[sflag:s13] =	ssyncadd.s32 $0xFFFFE000  }
0x7d: {  	_ =	swait.ge [sflag:s26], $0x2000  }
0x7e: {  	[sflag:s26] =	ssyncset.done $0x0  }
0x7f: {  	[sflag:s26] =	ssyncadd.s32 $0xFFFFE000  }
0x80: {  	[spmem:s3] =	stream.indirect.scatter.add.f32 [tilespmem:s21], [sflag:$0x5], $0x80, s31, s16, $0xb8;
	[tilespmem:$0x1E400] =	vst v63  }
0x81: {  	_ =	swait.ge [sflag:s13], $0x2000  }
0x82: {  	[sflag:s13] =	ssyncset.done $0x0  }
0x83: {  	[sflag:s13] =	ssyncadd.s32 $0xFFFFE000  }
0x84: {  	s1 =	sadd.s32 $0x1, s1;
	_ =	swait.ge [sflag:s28], $0x2000  }
0x85: {  	p0 =	sne.s32 s1, $0x4;
	[sflag:s28] =	ssyncset.done $0x0  }
.Ltmp1:
0x86: {  	[sflag:s28] =	ssyncadd.s32 $0xFFFFE000;
	(pc) =	sbr.rel @p0 .LBB2_2-.Ltmp1, $4  }
0x87: {  	[spmem:s3] =	stream.indirect.scatter.add.f32 [tilespmem:s23], [sflag:$0x5], $0x80, s0, s16, $0xb8;
	[tilespmem:$0x1E400] =	vst v63  }
0x88: {  	_ =	swait.ge [sflag:s13], $0x2000  }
0x89: {  	[sflag:s13] =	ssyncset.done $0x0  }
0x8a: {  	[sflag:s13] =	ssyncadd.s32 $0xFFFFE000  }
0x8b: {  	[bflag:$0x0] =	sbarrier.arrive $0xFFFF  }
0x8c: {  	s1 =	rddreg [dreg:$0x5]  }
0x8d: {  	[hbm:s1], [sflag:s8] =	dma.local [spmem:s12], $0x2780  }
0x8e: {  	_ =	swait.ge [sflag:s13], $0x2780  }
0x8f: {  	s4 =	sadd.s32 $0x1, s4;
	s11 =	rddreg [dreg:$0x6]  }
0x90: {  	p0 =	sne.s32 s4, s11  }
.Ltmp2:
0x91: {  	_ = 	snop;
	(pc) =	sbr.rel @p0 .LBB2_1-.Ltmp2, $3  }
0x92: {  	_ =	sdelay $0x1  }
0x93: {  	[sflag:s13] =	ssyncset.done $0x0  }
0x94: {  	[sflag:s13] =	ssyncadd.s32 $0xFFFFD880  }
0x95: {  	_ =	sfence.sel $0x180000  }
0x96: {  	[bflag:$0x0] =	sbarrier.arrive $0xFFFF  }
0x97: {  	_ =	strace $0x90000047  }
0x98: {  	s0 =	stileid.u32;
	[bflag:$0x2] =	sbarrier.arrive $0xFFFF  }
0x99: {  	p0 =	sne.s32 s0, $0x0;
	s0 =	rddreg [dreg:$0x3]  }
0x9a: {  	s0 =	sadd.s32 @!p0 $0x100000, s0  }
0x9b: {  	[sflag:s0] =	ssyncadd.tile.s32 @!p0 $0x1;
	_ =	shalt  }
.Lfunc_end2:
_tile_overlayer_lowered:
.L_overlay_start_2:
0x9c: {  	(tag) =	ssettag $0x2  }
0x9d: {  	s0 =	rddreg [dreg:$0x0];
	s2 =	stileid.u32  }
0x9e: {  	s1 =	rddreg [dreg:$0x1];
	p0 =	sne.s32 s2, $0x0  }
0x9f: {  	s3 =	rddreg [dreg:$0x2];
	[bflag:$0x3] =	sbarrier.arrive $0xFFFF;
	s2 =	simm.s32 @!p0 $0x1C05  }
0xa0: {  	[timem:s3], [sflag:s2] =	dma.local @!p0 [hbm:s0], s1  }
0xa1: {  	s0 =	simm.s32 @!p0 $0x5  }
0xa2: {  	_ =	swait.ge @!p0 [sflag:s0], s1  }
0xa3: {  	s1 =	ssub.s32 @!p0 $0x0, s1;
	[sflag:s0] =	ssyncset.done @!p0 $0x0  }
0xa4: {  	[sflag:s0] =	ssyncadd.s32 @!p0 s1  }
0xa5: {  	[bflag:$0x3] =	sbarrier.arrive $0xFFFF  }
0xa6: {  	_ =	shalt  }

// kernel: kernel.22.cloned.1.call-start
scs
__scs_entry_jumppad:
0x0: {  	(pc) =	sbr.rel $0x88, $3  }
0x1: {  	(tag) =	ssettag $0x0;
	lr =	simm.s32 $0x1  }
0x2: {  	[smem:$0x3F70] =	sst lr;
	_ =	strace $0xD0000000  }
0x3: {  	_ = 	snop  }
0x4: {  	_ = 	snop  }
0x5: {  	_ = 	snop  }
0x6: {  	_ = 	snop  }
0x7: {  	_ = 	snop  }
__scs_overlays_trampoline_lowered:
0x8: {  	[smem:$0x3F7F] =	sst s0  }
0x9: {  	[smem:$0x3F80] =	sst s1  }
0xa: {  	[smem:$0x3F81] =	sst s2  }
0xb: {  	[smem:$0x3F82] =	sst s3  }
0xc: {  	[smem:$0x3F83] =	sst s4  }
0xd: {  	[smem:$0x3F84] =	sst s5  }
0xe: {  	[smem:$0x3F85] =	sst s6  }
0xf: {  	[smem:$0x3F86] =	sst s7  }
0x10: {  	[smem:$0x3F87] =	sst s8  }
0x11: {  	[smem:$0x3F88] =	sst s9;
	s0 =	simm.s32 @!p0 $0x0  }
0x12: {  	s1 =	sld [smem:$0x3F6E];
	s0 =	simm.s32 @p0 $0x1  }
0x13: {  	[smem:$0x3F89] =	sst s0;
	s0 =	simm.s32 @!p1 $0x0  }
0x14: {  	s2 =	sld [smem:$0x3F6D];
	s0 =	simm.s32 @p1 $0x1  }
0x15: {  	[smem:$0x3F8A] =	sst s0;
	s0 =	simm.s32 @!p2 $0x0  }
0x16: {  	s3 =	sld [smem:$0x3FDB];
	s0 =	simm.s32 @p2 $0x1  }
0x17: {  	s4 =	simm.s32 $0x1BF5;
	[smem:$0x3F8C] =	sst s0  }
0x18: {  	s0 =	sld [smem:$0x3F6F];
	_ =	swait.ge [sflag:s4], $0x0  }
0x19: {  	s7 =	sld [smem:$0x3F70]  }
0x1a: {  	s8 =	sadd.s32 $0xFFFFE003, lr  }
0x1b: {  	s9 =	sadd.s32 $0xFFFFFEF7, lr;
	s5 =	simm.s32 $0xFFFFFFFF;
	p2 =	slt.u32 s8, $0xFFFFF086  }
0x1c: {  	p1 =	slt.u32 s9, $0xF7A;
	s5 =	simm.s32 @!p2 $0x0  }
0x1d: {  	s5 =	simm.s32 @p1 $0x1;
	p0 =	seq.s32 s7, s2  }
0x1e: {  	s7 =	smul.u32 @!p0 $0xF7A, s2;
	p2 =	seq.s32 @!p0 s5, $0x0  }
0x1f: {  	s9 =	smul.u32 $0xF7A, s1;
	s8 =	simm.s32 @!p0 $0x1BF5;
	p2 =	por !p2, p0  }
0x20: {  	[sflag:s8] =	ssyncset.s32 @!p0 $0xFFFFF086;
	s6 =	sadd.s32 @!p0 s3, s7;
	s7 =	simm.s32 @!p0 $0x108  }
0x21: {  	s3 =	sadd.s32 s3, s9;
	s6 =	sadd.s32 @!p0 $0x88, s6;
	s7 =	simm.s32 @p2 $0x1082  }
0x22: {  	[simem:s7], [sflag:s8] =	dma.local @!p0 [hbm:s6], $0xF7A  }
0x23: {  	s9 =	sor.u32 $0xD0000000, s2;
	s6 =	simm.s32 $0x108;
	_ =	swait.ge @!p0 [sflag:s8], $0x0  }
0x24: {  	s3 =	sadd.s32 $0x88, s3;
	s6 =	simm.s32 @!p1 $0x1082;
	[sflag:s4] =	ssyncset.s32 $0xFFFFF086  }
0x25: {  	[simem:s6], [sflag:s4] =	dma.local [hbm:s3], $0xF7A  }
0x26: {  	[smem:$0x3F70] =	sst s1;
	(tag) =	ssettag s2;
	_ =	strace s9  }
0x27: {  	s1 =	sld [smem:$0x3F80]  }
0x28: {  	s2 =	sld [smem:$0x3F81]  }
0x29: {  	s4 =	sld [smem:$0x3F83]  }
0x2a: {  	p0 =	seq.s32 s5, $0x0;
	s5 =	sld [smem:$0x3F84]  }
0x2b: {  	s6 =	sld [smem:$0x3F85]  }
0x2c: {  	s7 =	sld [smem:$0x3F86]  }
0x2d: {  	s3 =	simm.s32 $0x108;
	s8 =	sld [smem:$0x3F87]  }
0x2e: {  	s3 =	simm.s32 @!p0 $0x1082;
	s9 =	sld [smem:$0x3F88]  }
0x2f: {  	lr =	sadd.s32 s0, s3;
	s0 =	sld [smem:$0x3F7F]  }
0x30: {  	s3 =	sld [smem:$0x3F82]  }
0x31: {  	[smem:$0x3F8B] =	sst s10  }
0x32: {  	s10 =	sld [smem:$0x3F89];
	_ =	sdelay $0x3  }
0x33: {  	p0 =	seq.s32 s10, $0x1;
	s10 =	sld [smem:$0x3F8B];
	_ =	sdelay $0x3  }
0x34: {  	[smem:$0x3F8B] =	sst s10  }
0x35: {  	s10 =	sld [smem:$0x3F8A];
	_ =	sdelay $0x3  }
0x36: {  	p1 =	seq.s32 s10, $0x1;
	s10 =	sld [smem:$0x3F8B];
	_ =	sdelay $0x3  }
0x37: {  	[smem:$0x3F8B] =	sst s10  }
0x38: {  	s10 =	sld [smem:$0x3F8C]  }
0x39: {  	_ = 	snop;
	(pc) =	sbr.ind lr, $3  }
0x3a: {  	_ = 	snop  }
0x3b: {  	_ = 	snop  }
0x3c: {  	p2 =	seq.s32 s10, $0x1;
	s10 =	sld [smem:$0x3F8B]  }
0x3d: {  	_ =	shalt  }
0x3e: {  	_ =	shalt  }
0x3f: {  	_ =	shalt  }
0x40: {  	_ =	shalt  }
0x41: {  	_ =	shalt  }
0x42: {  	_ =	shalt  }
0x43: {  	_ =	shalt  }
0x44: {  	_ =	shalt  }
0x45: {  	_ =	shalt  }
0x46: {  	_ =	shalt  }
0x47: {  	_ =	shalt  }
0x48: {  	_ =	shalt  }
0x49: {  	_ =	shalt  }
0x4a: {  	_ =	shalt  }
0x4b: {  	_ =	shalt  }
0x4c: {  	_ =	shalt  }
0x4d: {  	_ =	shalt  }
0x4e: {  	_ =	shalt  }
0x4f: {  	_ =	shalt  }
0x50: {  	_ =	shalt  }
0x51: {  	_ =	shalt  }
0x52: {  	_ =	shalt  }
0x53: {  	_ =	shalt  }
0x54: {  	_ =	shalt  }
0x55: {  	_ =	shalt  }
0x56: {  	_ =	shalt  }
0x57: {  	_ =	shalt  }
0x58: {  	_ =	shalt  }
0x59: {  	_ =	shalt  }
0x5a: {  	_ =	shalt  }
0x5b: {  	_ =	shalt  }
0x5c: {  	_ =	shalt  }
0x5d: {  	_ =	shalt  }
0x5e: {  	_ =	shalt  }
0x5f: {  	_ =	shalt  }
0x60: {  	_ =	shalt  }
0x61: {  	_ =	shalt  }
0x62: {  	_ =	shalt  }
0x63: {  	_ =	shalt  }
0x64: {  	_ =	shalt  }
0x65: {  	_ =	shalt  }
0x66: {  	_ =	shalt  }
0x67: {  	_ =	shalt  }
0x68: {  	_ =	shalt  }
0x69: {  	_ =	shalt  }
0x6a: {  	_ =	shalt  }
0x6b: {  	_ =	shalt  }
0x6c: {  	_ =	shalt  }
0x6d: {  	_ =	shalt  }
0x6e: {  	_ =	shalt  }
0x6f: {  	_ =	shalt  }
0x70: {  	_ =	shalt  }
0x71: {  	_ =	shalt  }
0x72: {  	_ =	shalt  }
0x73: {  	_ =	shalt  }
0x74: {  	_ =	shalt  }
0x75: {  	_ =	shalt  }
0x76: {  	_ =	shalt  }
0x77: {  	_ =	shalt  }
0x78: {  	_ =	shalt  }
0x79: {  	_ =	shalt  }
0x7a: {  	_ =	shalt  }
0x7b: {  	_ =	shalt  }
0x7c: {  	_ =	shalt  }
0x7d: {  	_ =	shalt  }
0x7e: {  	_ =	shalt  }
0x7f: {  	_ =	shalt  }
0x80: {  	_ =	shalt  }
0x81: {  	_ =	shalt  }
0x82: {  	_ =	shalt  }
0x83: {  	_ =	shalt  }
0x84: {  	_ =	shalt  }
0x85: {  	_ =	shalt  }
0x86: {  	_ =	shalt  }
0x87: {  	_ =	shalt  }
.Lfunc_end0:
.L_simem_size_0:
called_computation.1_lowered:
.L_overlay_start_0:
0x88: {  	s2 =	sld [smem:$0x3FD9]  }
0x89: {  	s3 =	sld [smem:$0x3FFE];
	_ =	sdelay $0x1  }
0x8a: {  	s1 =	srdreg.scid  }
0x8b: {  	s0 =	sand.u32 $0x1, s1  }
0x8c: {  	s16 =	sshll.u32 s0, $0xA;
	s2 =	sadd.s32 s3, s2  }
0x8d: {  	s2 =	sadd.s32 s2, s16  }
0x8e: {  	[smem:$0x3F97] =	sst s2  }
0x8f: {  	_ = 	snop  }
0x90: {  	(tm) =	ssettm $0x1  }
0x91: {  	s17 =	sld [smem:$0x3FFB];
	_ =	sdelay $0x3  }
0x92: {  	_ =	strace s17  }
0x93: {  	s2 =	sld [smem:$0x3FFC];
	_ =	sdelay $0x3  }
0x94: {  	_ =	strace s2  }
0x95: {  	s2 =	sld [smem:$0x3FFD];
	_ =	sdelay $0x3  }
0x96: {  	_ =	strace s2  }
0x97: {  	_ =	strace $0x8FFFFFFF  }
0x98: {  	s18 =	sld [smem:$0x3FDB];
	_ =	sdelay $0x1  }
0x99: {  	s19 =	simm.s32 $_scs_section_size  }
0x9a: {  	s4 =	simm.s32 $_size__tile_overlayer_lowered;
	s5 =	simm.s32 $_tile_overlayer_lowered  }
0x9b: {  	s22 =	simm.s32 $0x1BFF;
	s21 =	sshll.u32 s5, $0x1;
	s2 =	sadd.s32 s19, s18  }
0x9c: {  	s6 =	simm.s32 $0x0;
	s20 =	sshll.u32 s4, $0x1;
	s4 =	sadd.s32 s21, s2  }
0x9d: {  	[timem:s6], [sflag:s22] =	dma.local [hbm:s4], s20  }
0x9e: {  	_ =	swait.ge [sflag:s22], s20  }
0x9f: {  	s3 =	ssub.s32 $0x0, s20;
	[sflag:s22] =	ssyncset.done $0x0  }
0xa0: {  	[sflag:s22] =	ssyncadd.s32 s3;
	_ =	sdelay $0x1  }
0xa1: {  	s23 =	simm.s32 $0x1B8B  }
0xa2: {  	_ =	swait.ge [sflag:s23], $0x1  }
0xa3: {  	[sflag:s23] =	ssyncset.done $0x0  }
0xa4: {  	s25 =	simm.s32 $0x1B8E;
	s24 =	sld [smem:$0x3FFE];
	[sflag:s23] =	ssyncadd.s32 $0xFFFFFFFF  }
0xa5: {  	s26 =	simm.s32 $execute0_lowered;
	[smem:$0x3FD2] =	sst s25  }
0xa6: {  	s4 =	sshll.u32 s26, $0x1;
	_ =	strace $0x80000049;
	[dreg:$0x1] =	wrdreg $0xFFFFFFFF  }
0xa7: {  	s28 =	simm.s32 $_size_execute0_lowered;
	s2 =	sadd.s32 s2, s4;
	[dreg:$0x0] =	wrdreg $0x0  }
0xa8: {  	s4 =	sshll.u32 s28, $0x1;
	[dreg:$0x2] =	wrdreg s2  }
0xa9: {  	[dreg:$0x3] =	wrdreg s4  }
0xaa: {  	[dreg:$0x4] =	wrdreg $0xC0  }
0xab: {  	_ =	task [dreg:s6], $0x5FFFF  }
0xac: {  	[dreg:$0x1] =	wrdreg $0xFFFFFFFF  }
0xad: {  	[dreg:$0x0] =	wrdreg $0x60  }
0xae: {  	[dreg:$0x2] =	wrdreg s24  }
0xaf: {  	[dreg:$0x3] =	wrdreg $0x0  }
0xb0: {  	[dreg:$0x4] =	wrdreg $0x9  }
0xb1: {  	_ =	task.clear_ibuf [dreg:s6], $0x5FFFF;
	_ =	strace $0x90000049  }
0xb2: {  	s29 =	simm.s32 $0x9;
	_ =	strace $0x8000004B  }
0xb3: {  	_ =	swait.ge [sflag:s29], $0x1  }
0xb4: {  	[sflag:s29] =	ssyncadd.s32 $0xFFFFFFFF  }
0xb5: {  	_ =	strace $0x9000004B  }
0xb6: {  	_ =	sfence  }
0xb7: {  	s30 =	sld [smem:$0x0];
	_ =	sdelay $0x2  }
0xb8: {  	s31 =	sshll.u32 s1, $0xD;
	s1 =	sshrl.u32 s1, $0x2  }
0xb9: {  	s3 =	sand.u32 $0x4000, s31;
	s1 =	sadd.s32 s1, s30  }
0xba: {  	s0 =	sor.u32 s3, s0;
	s1 =	sshll.u32 s1, $0x11  }
0xbb: {  	s0 =	sor.u32 s1, s0  }
0xbc: {  	s0 =	sadd.s32 $0x8F2B, s0  }
0xbd: {  	[sflag:s0] =	ssyncadd.remote.s32 $0x1  }
0xbe: {  	_ =	sfence.sel $0xFFFF  }
0xbf: {  	[dreg:$0x0] =	wrdreg $0xFFFFFFFF;
	(pc) =	sbr.abs _section_cstart, $3  }
0xc0: {  	[dreg:$0x1] =	wrdreg $0xFFFFFFFF  }
0xc1: {  	_ =	task.clear_ibuf [dreg:s6], $0x2FFFF;
	_ =	strace $0x9FFFFFFF  }
0xc2: {  	(tm) =	ssettm $0x7FFFFFFF  }
0xc3: {  	_ =	shalt  }
tec
execute0_lowered:
.L_overlay_start_1:
0x0: {  	(tag) =	ssettag $0x1  }
0x1: {  	s0 =	rddreg [dreg:$0x0]  }
0x2: {  	s2 =	rddreg [dreg:$0x1];
	s3 =	simm.s32 $0x0;
	s11 =	stileid.u32  }
0x3: {  	s1 =	srdreg.scid;
	s13 =	simm.s32 $0x5;
	s14 =	simm.s32 $0x13C00  }
0x4: {  	s15 =	simm.s32 $0x15000;
	s16 =	simm.s32 $0x40;
	s17 =	simm.s32 $0x16400  }
0x5: {  	s18 =	simm.s32 $0x13C80;
	s19 =	simm.s32 $0x18400;
	s20 =	simm.s32 $0x13D00  }
0x6: {  	s28 =	simm.s32 $0x4;
	s29 =	simm.s32 $0x16200;
	s30 =	simm.s32 $0x16280  }
0x7: {  	s31 =	simm.s32 $0x16300;
	[smem:$0x7FF] =	sst s3;
	s7 =	smul.u32 $0x13C00, s11  }
0x8: {  	s1 =	sand.u32 $0x1, s1;
	s4 =	sadd.s32 $0x5AC00, s0;
	s5 =	sadd.s32 $0x1F400, s0  }
0x9: {  	s6 =	sadd.s32 $0xB400, s0;
	s10 =	smul.u32 $0x4F000, s11;
	s25 =	sshll.u32 s11, $0x6  }
0xa: {  	_ =	strace $0x8000004A;
	s8 =	smul.u32 $0x13C000, s1;
	s21 =	ssub.s32 $0x2, s1  }
0xb: {  	s1 =	sshll.u32 s1, $0x4;
	s9 =	sshrl.u32 s7, $0x3;
	s22 =	sshrl.u32 s21, $0x1  }
0xc: {  	s1 =	sor.u32 s11, s1;
	s23 =	sshrl.u32 s10, $0x2;
	s9 =	sadd.s32 s9, s0  }
0xd: {  	s7 =	sadd.s32 s7, s8;
	s10 =	sadd.s32 s23, s2;
	s8 =	sor.u32 $0x1C05, s25  }
0xe: {  	s23 =	simm.s32 $0x1C400;
	s25 =	simm.s32 $0x2;
	s7 =	sshrl.u32 s7, $0x3  }
0xf: {  	s24 =	sadd.s32 $0x33400, s9;
	s9 =	smul.u32 $0x5000, s1;
	s12 =	sshrl.u32 s10, $0x3  }
0x10: {  	s0 =	sadd.s32 s7, s0;
	s7 =	ssub.s32 s21, s22;
	[dreg:$0x3] =	wrdreg s24  }
0x11: {  	s21 =	simm.s32 $0x1A400;
	s22 =	simm.s32 $0x13D80;
	s0 =	sadd.s32 $0x81E00, s0  }
0x12: {  	s24 =	simm.s32 $0x1;
	s26 =	smax.u32 s7, $0x1;
	[dreg:$0x4] =	wrdreg s0  }
0x13: {  	[dreg:$0x5] =	wrdreg s26;
	s26 =	simm.s32 $0x3;
	s0 =	simm.s32 $0x16380  }
.LBB2_1:
0x14: {  	s1 =	rddreg [dreg:$0x3]  }
0x15: {  	[spmem:s12], [sflag:s8] =	dma.local [hbm:s1], $0x2780  }
0x16: {  	_ =	swait.ge [sflag:s13], $0x2780  }
0x17: {  	[sflag:s13] =	ssyncset.done $0x0  }
0x18: {  	[sflag:s13] =	ssyncadd.s32 $0xFFFFD880  }
0x19: {  	s1 =	simm.s32 $0x0;
	[bflag:$0x0] =	sbarrier.arrive $0xFFFF  }
.LBB2_2:
0x1a: {  	s7 =	smul.u32 $0x1400, s1;
	_ =	sdelay $0x1  }
0x1b: {  	s7 =	sadd.s32 s9, s7  }
0x1c: {  	s7 =	sshrl.u32 s7, $0x3  }
0x1d: {  	s11 =	simm.s32 $0x0;
	s10 =	sadd.s32 s5, s7  }
0x1e: {  	[tilespmem:s14], [sflag:$0x5] =	stream.linear.gather [hbm4b:s10+s11], $0x1400, $0x38;
	[tilespmem:$0x1E400] =	vst v63  }
0x1f: {  	_ =	swait.ge [sflag:s13], $0x1400  }
0x20: {  	[sflag:s13] =	ssyncset.done $0x0  }
0x21: {  	s7 =	sadd.s32 s6, s7;
	[sflag:s13] =	ssyncadd.s32 $0xFFFFEC00  }
0x22: {  	[tilespmem:s15], [sflag:$0x5] =	stream.linear.gather [hbm4b:s7+s11], $0x1400, $0x38;
	[tilespmem:$0x1E400] =	vst v63  }
0x23: {  	_ =	swait.ge [sflag:s13], $0x1400  }
0x24: {  	[sflag:s13] =	ssyncset.done $0x0  }
0x25: {  	[sflag:s13] =	ssyncadd.s32 $0xFFFFEC00  }
0x26: {  	[tilespmem:s17], [sflag:$0x1] =	stream.indirect.gather [hbm4b:s4+s16], $0x80, s14, s16, $0xb8;
	[tilespmem:$0x1E400] =	vst v63  }
0x27: {  	_ = 	snop  }
0x28: {  	[tilespmem:s19], [sflag:$0x2] =	stream.indirect.gather [hbm4b:s4+s16], $0x80, s18, s16, $0xb8;
	[tilespmem:$0x1E400] =	vst v63  }
0x29: {  	_ = 	snop  }
0x2a: {  	[tilespmem:s21], [sflag:$0x3] =	stream.indirect.gather [hbm4b:s4+s16], $0x80, s20, s16, $0xb8;
	[tilespmem:$0x1E400] =	vst v63  }
0x2b: {  	_ = 	snop  }
0x2c: {  	[tilespmem:s23], [sflag:$0x4] =	stream.indirect.gather [hbm4b:s4+s16], $0x80, s22, s16, $0xb8;
	[tilespmem:$0x1E400] =	vst v63  }
0x2d: {  	_ =	swait.ge [sflag:s24], $0x2000  }
0x2e: {  	[sflag:s24] =	ssyncset.done $0x0  }
0x2f: {  	s11 =	simm.s32 $0x15000;
	[sflag:s24] =	ssyncadd.s32 $0xFFFFE000  }
0x30: {  	[spmem:s2] =	stream.indirect.scatter.add.f32 [tilespmem:s17], [sflag:$0x5], $0x80, s11, s16, $0xb8;
	[tilespmem:$0x1E400] =	vst v63  }
0x31: {  	_ =	swait.ge [sflag:s13], $0x2000  }
0x32: {  	[sflag:s13] =	ssyncset.done $0x0  }
0x33: {  	s10 =	simm.s32 $0x13E00;
	[sflag:s13] =	ssyncadd.s32 $0xFFFFE000  }
0x34: {  	[tilespmem:s17], [sflag:$0x1] =	stream.indirect.gather [hbm4b:s4+s16], $0x80, s10, s16, $0xb8;
	[tilespmem:$0x1E400] =	vst v63  }
0x35: {  	_ =	swait.ge [sflag:s25], $0x2000  }
0x36: {  	[sflag:s25] =	ssyncset.done $0x0  }
0x37: {  	s11 =	simm.s32 $0x15080;
	[sflag:s25] =	ssyncadd.s32 $0xFFFFE000  }
0x38: {  	[spmem:s2] =	stream.indirect.scatter.add.f32 [tilespmem:s19], [sflag:$0x5], $0x80, s11, s16, $0xb8;
	[tilespmem:$0x1E400] =	vst v63  }
0x39: {  	_ =	swait.ge [sflag:s13], $0x2000  }
0x3a: {  	[sflag:s13] =	ssyncset.done $0x0  }
0x3b: {  	s10 =	simm.s32 $0x13E80;
	[sflag:s13] =	ssyncadd.s32 $0xFFFFE000  }
0x3c: {  	[tilespmem:s19], [sflag:$0x2] =	stream.indirect.gather [hbm4b:s4+s16], $0x80, s10, s16, $0xb8;
	[tilespmem:$0x1E400] =	vst v63  }
0x3d: {  	_ =	swait.ge [sflag:s26], $0x2000  }
0x3e: {  	[sflag:s26] =	ssyncset.done $0x0  }
0x3f: {  	s11 =	simm.s32 $0x15100;
	[sflag:s26] =	ssyncadd.s32 $0xFFFFE000  }
0x40: {  	[spmem:s2] =	stream.indirect.scatter.add.f32 [tilespmem:s21], [sflag:$0x5], $0x80, s11, s16, $0xb8;
	[tilespmem:$0x1E400] =	vst v63  }
0x41: {  	_ =	swait.ge [sflag:s13], $0x2000  }
0x42: {  	[sflag:s13] =	ssyncset.done $0x0  }
0x43: {  	s10 =	simm.s32 $0x13F00;
	[sflag:s13] =	ssyncadd.s32 $0xFFFFE000  }
0x44: {  	[tilespmem:s21], [sflag:$0x3] =	stream.indirect.gather [hbm4b:s4+s16], $0x80, s10, s16, $0xb8;
	[tilespmem:$0x1E400] =	vst v63  }
0x45: {  	_ =	swait.ge [sflag:s28], $0x2000  }
0x46: {  	[sflag:s28] =	ssyncset.done $0x0  }
0x47: {  	s11 =	simm.s32 $0x15180;
	[sflag:s28] =	ssyncadd.s32 $0xFFFFE000  }
0x48: {  	[spmem:s2] =	stream.indirect.scatter.add.f32 [tilespmem:s23], [sflag:$0x5], $0x80, s11, s16, $0xb8;
	[tilespmem:$0x1E400] =	vst v63  }
0x49: {  	_ =	swait.ge [sflag:s13], $0x2000  }
0x4a: {  	[sflag:s13] =	ssyncset.done $0x0  }
0x4b: {  	s7 =	simm.s32 $0x800;
	s10 =	simm.s32 $0x13F80;
	[sflag:s13] =	ssyncadd.s32 $0xFFFFE000  }
.LBB2_3:
0x4c: {  	[tilespmem:s23], [sflag:$0x4] =	stream.indirect.gather [hbm4b:s4+s16], $0x80, s10, s16, $0xb8;
	[tilespmem:$0x1E400] =	vst v63  }
0x4d: {  	s10 =	smov.u32 s7  }
0x4e: {  	p0 =	sne.s32 s7, $0x4000;
	s7 =	sadd.s32 $0x800, s7;
	_ =	swait.ge [sflag:s24], $0x2000  }
0x4f: {  	s10 =	sshra.s32 s10, $0x2;
	[sflag:s24] =	ssyncset.done $0x0  }
0x50: {  	s11 =	sadd.s32 $0x15000, s10;
	[sflag:s24] =	ssyncadd.s32 $0xFFFFE000  }
0x51: {  	[spmem:s2] =	stream.indirect.scatter.add.f32 [tilespmem:s17], [sflag:$0x5], $0x80, s11, s16, $0xb8;
	[tilespmem:$0x1E400] =	vst v63  }
0x52: {  	_ =	swait.ge [sflag:s13], $0x2000  }
0x53: {  	[sflag:s13] =	ssyncset.done $0x0  }
0x54: {  	s11 =	sadd.s32 $0x13E00, s10;
	[sflag:s13] =	ssyncadd.s32 $0xFFFFE000  }
0x55: {  	[tilespmem:s17], [sflag:$0x1] =	stream.indirect.gather [hbm4b:s4+s16], $0x80, s11, s16, $0xb8;
	[tilespmem:$0x1E400] =	vst v63  }
0x56: {  	_ =	swait.ge [sflag:s25], $0x2000  }
0x57: {  	[sflag:s25] =	ssyncset.done $0x0  }
0x58: {  	s11 =	sadd.s32 $0x15080, s10;
	[sflag:s25] =	ssyncadd.s32 $0xFFFFE000  }
0x59: {  	[spmem:s2] =	stream.indirect.scatter.add.f32 [tilespmem:s19], [sflag:$0x5], $0x80, s11, s16, $0xb8;
	[tilespmem:$0x1E400] =	vst v63  }
0x5a: {  	_ =	swait.ge [sflag:s13], $0x2000  }
0x5b: {  	[sflag:s13] =	ssyncset.done $0x0  }
0x5c: {  	s11 =	sadd.s32 $0x13E80, s10;
	[sflag:s13] =	ssyncadd.s32 $0xFFFFE000  }
0x5d: {  	[tilespmem:s19], [sflag:$0x2] =	stream.indirect.gather [hbm4b:s4+s16], $0x80, s11, s16, $0xb8;
	[tilespmem:$0x1E400] =	vst v63  }
0x5e: {  	_ =	swait.ge [sflag:s26], $0x2000  }
0x5f: {  	[sflag:s26] =	ssyncset.done $0x0  }
0x60: {  	s11 =	sadd.s32 $0x15100, s10;
	[sflag:s26] =	ssyncadd.s32 $0xFFFFE000  }
0x61: {  	[spmem:s2] =	stream.indirect.scatter.add.f32 [tilespmem:s21], [sflag:$0x5], $0x80, s11, s16, $0xb8;
	[tilespmem:$0x1E400] =	vst v63  }
0x62: {  	_ =	swait.ge [sflag:s13], $0x2000  }
0x63: {  	[sflag:s13] =	ssyncset.done $0x0  }
0x64: {  	s11 =	sadd.s32 $0x13F00, s10;
	[sflag:s13] =	ssyncadd.s32 $0xFFFFE000  }
0x65: {  	[tilespmem:s21], [sflag:$0x3] =	stream.indirect.gather [hbm4b:s4+s16], $0x80, s11, s16, $0xb8;
	[tilespmem:$0x1E400] =	vst v63  }
0x66: {  	_ =	swait.ge [sflag:s28], $0x2000  }
0x67: {  	[sflag:s28] =	ssyncset.done $0x0  }
.Ltmp0:
0x68: {  	s11 =	sadd.s32 $0x15180, s10;
	[sflag:s28] =	ssyncadd.s32 $0xFFFFE000;
	(pc) =	sbr.rel @p0 .LBB2_3-.Ltmp0, $4  }
0x69: {  	[spmem:s2] =	stream.indirect.scatter.add.f32 [tilespmem:s23], [sflag:$0x5], $0x80, s11, s16, $0xb8;
	[tilespmem:$0x1E400] =	vst v63  }
0x6a: {  	_ =	swait.ge [sflag:s13], $0x2000  }
0x6b: {  	[sflag:s13] =	ssyncset.done $0x0  }
0x6c: {  	s10 =	sadd.s32 $0x13F80, s10;
	[sflag:s13] =	ssyncadd.s32 $0xFFFFE000  }
0x6d: {  	[tilespmem:s23], [sflag:$0x4] =	stream.indirect.gather [hbm4b:s4+s16], $0x80, s10, s16, $0xb8;
	[tilespmem:$0x1E400] =	vst v63  }
0x6e: {  	_ =	swait.ge [sflag:s24], $0x2000  }
0x6f: {  	[sflag:s24] =	ssyncset.done $0x0  }
0x70: {  	[sflag:s24] =	ssyncadd.s32 $0xFFFFE000  }
0x71: {  	[spmem:s2] =	stream.indirect.scatter.add.f32 [tilespmem:s17], [sflag:$0x5], $0x80, s29, s16, $0xb8;
	[tilespmem:$0x1E400] =	vst v63  }
0x72: {  	_ =	swait.ge [sflag:s13], $0x2000  }
0x73: {  	[sflag:s13] =	ssyncset.done $0x0  }
0x74: {  	[sflag:s13] =	ssyncadd.s32 $0xFFFFE000  }
0x75: {  	_ =	swait.ge [sflag:s25], $0x2000  }
0x76: {  	[sflag:s25] =	ssyncset.done $0x0  }
0x77: {  	[sflag:s25] =	ssyncadd.s32 $0xFFFFE000  }
0x78: {  	[spmem:s2] =	stream.indirect.scatter.add.f32 [tilespmem:s19], [sflag:$0x5], $0x80, s30, s16, $0xb8;
	[tilespmem:$0x1E400] =	vst v63  }
0x79: {  	_ =	swait.ge [sflag:s13], $0x2000  }
0x7a: {  	[sflag:s13] =	ssyncset.done $0x0  }
0x7b: {  	[sflag:s13] =	ssyncadd.s32 $0xFFFFE000  }
0x7c: {  	_ =	swait.ge [sflag:s26], $0x2000  }
0x7d: {  	[sflag:s26] =	ssyncset.done $0x0  }
0x7e: {  	[sflag:s26] =	ssyncadd.s32 $0xFFFFE000  }
0x7f: {  	[spmem:s2] =	stream.indirect.scatter.add.f32 [tilespmem:s21], [sflag:$0x5], $0x80, s31, s16, $0xb8;
	[tilespmem:$0x1E400] =	vst v63  }
0x80: {  	_ =	swait.ge [sflag:s13], $0x2000  }
0x81: {  	[sflag:s13] =	ssyncset.done $0x0  }
0x82: {  	[sflag:s13] =	ssyncadd.s32 $0xFFFFE000  }
0x83: {  	s1 =	sadd.s32 $0x1, s1;
	_ =	swait.ge [sflag:s28], $0x2000  }
0x84: {  	p0 =	sne.s32 s1, $0x4;
	[sflag:s28] =	ssyncset.done $0x0  }
.Ltmp1:
0x85: {  	[sflag:s28] =	ssyncadd.s32 $0xFFFFE000;
	(pc) =	sbr.rel @p0 .LBB2_2-.Ltmp1, $4  }
0x86: {  	[spmem:s2] =	stream.indirect.scatter.add.f32 [tilespmem:s23], [sflag:$0x5], $0x80, s0, s16, $0xb8;
	[tilespmem:$0x1E400] =	vst v63  }
0x87: {  	_ =	swait.ge [sflag:s13], $0x2000  }
0x88: {  	[sflag:s13] =	ssyncset.done $0x0  }
0x89: {  	[sflag:s13] =	ssyncadd.s32 $0xFFFFE000  }
0x8a: {  	[bflag:$0x0] =	sbarrier.arrive $0xFFFF  }
0x8b: {  	s1 =	rddreg [dreg:$0x4]  }
0x8c: {  	[hbm:s1], [sflag:s8] =	dma.local [spmem:s12], $0x2780  }
0x8d: {  	_ =	swait.ge [sflag:s13], $0x2780  }
0x8e: {  	s3 =	sadd.s32 $0x1, s3;
	s11 =	rddreg [dreg:$0x5]  }
0x8f: {  	p0 =	sne.s32 s3, s11  }
.Ltmp2:
0x90: {  	_ = 	snop;
	(pc) =	sbr.rel @p0 .LBB2_1-.Ltmp2, $3  }
0x91: {  	_ =	sdelay $0x1  }
0x92: {  	[sflag:s13] =	ssyncset.done $0x0  }
0x93: {  	[sflag:s13] =	ssyncadd.s32 $0xFFFFD880  }
0x94: {  	_ =	sfence.sel $0x180000  }
0x95: {  	[bflag:$0x0] =	sbarrier.arrive $0xFFFF  }
0x96: {  	_ =	strace $0x9000004A  }
0x97: {  	s0 =	stileid.u32;
	[bflag:$0x2] =	sbarrier.arrive $0xFFFF  }
0x98: {  	p0 =	sne.s32 s0, $0x0;
	s0 =	rddreg [dreg:$0x2]  }
0x99: {  	s0 =	sadd.s32 @!p0 $0x100000, s0  }
0x9a: {  	[sflag:s0] =	ssyncadd.tile.s32 @!p0 $0x1;
	_ =	shalt  }
.Lfunc_end2:
_tile_overlayer_lowered:
.L_overlay_start_2:
0x9b: {  	(tag) =	ssettag $0x2  }
0x9c: {  	s0 =	rddreg [dreg:$0x0];
	s2 =	stileid.u32  }
0x9d: {  	s1 =	rddreg [dreg:$0x1];
	p0 =	sne.s32 s2, $0x0  }
0x9e: {  	s3 =	rddreg [dreg:$0x2];
	[bflag:$0x3] =	sbarrier.arrive $0xFFFF;
	s2 =	simm.s32 @!p0 $0x1C05  }
0x9f: {  	[timem:s3], [sflag:s2] =	dma.local @!p0 [hbm:s0], s1  }
0xa0: {  	s0 =	simm.s32 @!p0 $0x5  }
0xa1: {  	_ =	swait.ge @!p0 [sflag:s0], s1  }
0xa2: {  	s1 =	ssub.s32 @!p0 $0x0, s1;
	[sflag:s0] =	ssyncset.done @!p0 $0x0  }
0xa3: {  	[sflag:s0] =	ssyncadd.s32 @!p0 s1  }
0xa4: {  	[bflag:$0x3] =	sbarrier.arrive $0xFFFF  }
0xa5: {  	_ =	shalt  }

// kernel: kernel.25.cloned.1.call-start
scs
__scs_entry_jumppad:
0x0: {  	(pc) =	sbr.rel $0x88, $3  }
0x1: {  	(tag) =	ssettag $0x0;
	lr =	simm.s32 $0x1  }
0x2: {  	[smem:$0x3F70] =	sst lr;
	_ =	strace $0xD0000000  }
0x3: {  	_ = 	snop  }
0x4: {  	_ = 	snop  }
0x5: {  	_ = 	snop  }
0x6: {  	_ = 	snop  }
0x7: {  	_ = 	snop  }
__scs_overlays_trampoline_lowered:
0x8: {  	[smem:$0x3F7F] =	sst s0  }
0x9: {  	[smem:$0x3F80] =	sst s1  }
0xa: {  	[smem:$0x3F81] =	sst s2  }
0xb: {  	[smem:$0x3F82] =	sst s3  }
0xc: {  	[smem:$0x3F83] =	sst s4  }
0xd: {  	[smem:$0x3F84] =	sst s5  }
0xe: {  	[smem:$0x3F85] =	sst s6  }
0xf: {  	[smem:$0x3F86] =	sst s7  }
0x10: {  	[smem:$0x3F87] =	sst s8  }
0x11: {  	[smem:$0x3F88] =	sst s9;
	s0 =	simm.s32 @!p0 $0x0  }
0x12: {  	s1 =	sld [smem:$0x3F6E];
	s0 =	simm.s32 @p0 $0x1  }
0x13: {  	[smem:$0x3F89] =	sst s0;
	s0 =	simm.s32 @!p1 $0x0  }
0x14: {  	s2 =	sld [smem:$0x3F6D];
	s0 =	simm.s32 @p1 $0x1  }
0x15: {  	[smem:$0x3F8A] =	sst s0;
	s0 =	simm.s32 @!p2 $0x0  }
0x16: {  	s3 =	sld [smem:$0x3FDB];
	s0 =	simm.s32 @p2 $0x1  }
0x17: {  	s4 =	simm.s32 $0x1BF5;
	[smem:$0x3F8C] =	sst s0  }
0x18: {  	s0 =	sld [smem:$0x3F6F];
	_ =	swait.ge [sflag:s4], $0x0  }
0x19: {  	s7 =	sld [smem:$0x3F70]  }
0x1a: {  	s8 =	sadd.s32 $0xFFFFE003, lr  }
0x1b: {  	s9 =	sadd.s32 $0xFFFFFEF7, lr;
	s5 =	simm.s32 $0xFFFFFFFF;
	p2 =	slt.u32 s8, $0xFFFFF086  }
0x1c: {  	p1 =	slt.u32 s9, $0xF7A;
	s5 =	simm.s32 @!p2 $0x0  }
0x1d: {  	s5 =	simm.s32 @p1 $0x1;
	p0 =	seq.s32 s7, s2  }
0x1e: {  	s7 =	smul.u32 @!p0 $0xF7A, s2;
	p2 =	seq.s32 @!p0 s5, $0x0  }
0x1f: {  	s9 =	smul.u32 $0xF7A, s1;
	s8 =	simm.s32 @!p0 $0x1BF5;
	p2 =	por !p2, p0  }
0x20: {  	[sflag:s8] =	ssyncset.s32 @!p0 $0xFFFFF086;
	s6 =	sadd.s32 @!p0 s3, s7;
	s7 =	simm.s32 @!p0 $0x108  }
0x21: {  	s3 =	sadd.s32 s3, s9;
	s6 =	sadd.s32 @!p0 $0x88, s6;
	s7 =	simm.s32 @p2 $0x1082  }
0x22: {  	[simem:s7], [sflag:s8] =	dma.local @!p0 [hbm:s6], $0xF7A  }
0x23: {  	s9 =	sor.u32 $0xD0000000, s2;
	s6 =	simm.s32 $0x108;
	_ =	swait.ge @!p0 [sflag:s8], $0x0  }
0x24: {  	s3 =	sadd.s32 $0x88, s3;
	s6 =	simm.s32 @!p1 $0x1082;
	[sflag:s4] =	ssyncset.s32 $0xFFFFF086  }
0x25: {  	[simem:s6], [sflag:s4] =	dma.local [hbm:s3], $0xF7A  }
0x26: {  	[smem:$0x3F70] =	sst s1;
	(tag) =	ssettag s2;
	_ =	strace s9  }
0x27: {  	s1 =	sld [smem:$0x3F80]  }
0x28: {  	s2 =	sld [smem:$0x3F81]  }
0x29: {  	s4 =	sld [smem:$0x3F83]  }
0x2a: {  	p0 =	seq.s32 s5, $0x0;
	s5 =	sld [smem:$0x3F84]  }
0x2b: {  	s6 =	sld [smem:$0x3F85]  }
0x2c: {  	s7 =	sld [smem:$0x3F86]  }
0x2d: {  	s3 =	simm.s32 $0x108;
	s8 =	sld [smem:$0x3F87]  }
0x2e: {  	s3 =	simm.s32 @!p0 $0x1082;
	s9 =	sld [smem:$0x3F88]  }
0x2f: {  	lr =	sadd.s32 s0, s3;
	s0 =	sld [smem:$0x3F7F]  }
0x30: {  	s3 =	sld [smem:$0x3F82]  }
0x31: {  	[smem:$0x3F8B] =	sst s10  }
0x32: {  	s10 =	sld [smem:$0x3F89];
	_ =	sdelay $0x3  }
0x33: {  	p0 =	seq.s32 s10, $0x1;
	s10 =	sld [smem:$0x3F8B];
	_ =	sdelay $0x3  }
0x34: {  	[smem:$0x3F8B] =	sst s10  }
0x35: {  	s10 =	sld [smem:$0x3F8A];
	_ =	sdelay $0x3  }
0x36: {  	p1 =	seq.s32 s10, $0x1;
	s10 =	sld [smem:$0x3F8B];
	_ =	sdelay $0x3  }
0x37: {  	[smem:$0x3F8B] =	sst s10  }
0x38: {  	s10 =	sld [smem:$0x3F8C]  }
0x39: {  	_ = 	snop;
	(pc) =	sbr.ind lr, $3  }
0x3a: {  	_ = 	snop  }
0x3b: {  	_ = 	snop  }
0x3c: {  	p2 =	seq.s32 s10, $0x1;
	s10 =	sld [smem:$0x3F8B]  }
0x3d: {  	_ =	shalt  }
0x3e: {  	_ =	shalt  }
0x3f: {  	_ =	shalt  }
0x40: {  	_ =	shalt  }
0x41: {  	_ =	shalt  }
0x42: {  	_ =	shalt  }
0x43: {  	_ =	shalt  }
0x44: {  	_ =	shalt  }
0x45: {  	_ =	shalt  }
0x46: {  	_ =	shalt  }
0x47: {  	_ =	shalt  }
0x48: {  	_ =	shalt  }
0x49: {  	_ =	shalt  }
0x4a: {  	_ =	shalt  }
0x4b: {  	_ =	shalt  }
0x4c: {  	_ =	shalt  }
0x4d: {  	_ =	shalt  }
0x4e: {  	_ =	shalt  }
0x4f: {  	_ =	shalt  }
0x50: {  	_ =	shalt  }
0x51: {  	_ =	shalt  }
0x52: {  	_ =	shalt  }
0x53: {  	_ =	shalt  }
0x54: {  	_ =	shalt  }
0x55: {  	_ =	shalt  }
0x56: {  	_ =	shalt  }
0x57: {  	_ =	shalt  }
0x58: {  	_ =	shalt  }
0x59: {  	_ =	shalt  }
0x5a: {  	_ =	shalt  }
0x5b: {  	_ =	shalt  }
0x5c: {  	_ =	shalt  }
0x5d: {  	_ =	shalt  }
0x5e: {  	_ =	shalt  }
0x5f: {  	_ =	shalt  }
0x60: {  	_ =	shalt  }
0x61: {  	_ =	shalt  }
0x62: {  	_ =	shalt  }
0x63: {  	_ =	shalt  }
0x64: {  	_ =	shalt  }
0x65: {  	_ =	shalt  }
0x66: {  	_ =	shalt  }
0x67: {  	_ =	shalt  }
0x68: {  	_ =	shalt  }
0x69: {  	_ =	shalt  }
0x6a: {  	_ =	shalt  }
0x6b: {  	_ =	shalt  }
0x6c: {  	_ =	shalt  }
0x6d: {  	_ =	shalt  }
0x6e: {  	_ =	shalt  }
0x6f: {  	_ =	shalt  }
0x70: {  	_ =	shalt  }
0x71: {  	_ =	shalt  }
0x72: {  	_ =	shalt  }
0x73: {  	_ =	shalt  }
0x74: {  	_ =	shalt  }
0x75: {  	_ =	shalt  }
0x76: {  	_ =	shalt  }
0x77: {  	_ =	shalt  }
0x78: {  	_ =	shalt  }
0x79: {  	_ =	shalt  }
0x7a: {  	_ =	shalt  }
0x7b: {  	_ =	shalt  }
0x7c: {  	_ =	shalt  }
0x7d: {  	_ =	shalt  }
0x7e: {  	_ =	shalt  }
0x7f: {  	_ =	shalt  }
0x80: {  	_ =	shalt  }
0x81: {  	_ =	shalt  }
0x82: {  	_ =	shalt  }
0x83: {  	_ =	shalt  }
0x84: {  	_ =	shalt  }
0x85: {  	_ =	shalt  }
0x86: {  	_ =	shalt  }
0x87: {  	_ =	shalt  }
.Lfunc_end0:
.L_simem_size_0:
called_computation.2_lowered:
.L_overlay_start_0:
0x88: {  	s2 =	sld [smem:$0x3FD9]  }
0x89: {  	s3 =	sld [smem:$0x3FFE];
	_ =	sdelay $0x1  }
0x8a: {  	s1 =	srdreg.scid  }
0x8b: {  	s0 =	sand.u32 $0x1, s1  }
0x8c: {  	s16 =	sshll.u32 s0, $0xA;
	s2 =	sadd.s32 s3, s2  }
0x8d: {  	s2 =	sadd.s32 s2, s16  }
0x8e: {  	[smem:$0x3F97] =	sst s2  }
0x8f: {  	_ = 	snop  }
0x90: {  	(tm) =	ssettm $0x1  }
0x91: {  	s17 =	sld [smem:$0x3FFB];
	_ =	sdelay $0x3  }
0x92: {  	_ =	strace s17  }
0x93: {  	s2 =	sld [smem:$0x3FFC];
	_ =	sdelay $0x3  }
0x94: {  	_ =	strace s2  }
0x95: {  	s2 =	sld [smem:$0x3FFD];
	_ =	sdelay $0x3  }
0x96: {  	_ =	strace s2  }
0x97: {  	_ =	strace $0x8FFFFFFF  }
0x98: {  	s18 =	sld [smem:$0x3FDB];
	_ =	sdelay $0x1  }
0x99: {  	s19 =	simm.s32 $_scs_section_size  }
0x9a: {  	s4 =	simm.s32 $_size__tile_overlayer_lowered;
	s5 =	simm.s32 $_tile_overlayer_lowered  }
0x9b: {  	s22 =	simm.s32 $0x1BFF;
	s21 =	sshll.u32 s5, $0x1;
	s2 =	sadd.s32 s19, s18  }
0x9c: {  	s6 =	simm.s32 $0x0;
	s20 =	sshll.u32 s4, $0x1;
	s4 =	sadd.s32 s21, s2  }
0x9d: {  	[timem:s6], [sflag:s22] =	dma.local [hbm:s4], s20  }
0x9e: {  	_ =	swait.ge [sflag:s22], s20  }
0x9f: {  	s3 =	ssub.s32 $0x0, s20;
	[sflag:s22] =	ssyncset.done $0x0  }
0xa0: {  	[sflag:s22] =	ssyncadd.s32 s3;
	_ =	sdelay $0x1  }
0xa1: {  	s23 =	simm.s32 $0x1B8B  }
0xa2: {  	_ =	swait.ge [sflag:s23], $0x1  }
0xa3: {  	[sflag:s23] =	ssyncset.done $0x0  }
0xa4: {  	s25 =	simm.s32 $0x1B8E;
	s24 =	sld [smem:$0x3FFE];
	[sflag:s23] =	ssyncadd.s32 $0xFFFFFFFF  }
0xa5: {  	s26 =	simm.s32 $execute0_lowered;
	[smem:$0x3FD2] =	sst s25  }
0xa6: {  	s4 =	sshll.u32 s26, $0x1;
	_ =	strace $0x8000004C;
	[dreg:$0x1] =	wrdreg $0xFFFFFFFF  }
0xa7: {  	s28 =	simm.s32 $_size_execute0_lowered;
	s2 =	sadd.s32 s2, s4;
	[dreg:$0x0] =	wrdreg $0x0  }
0xa8: {  	s4 =	sshll.u32 s28, $0x1;
	[dreg:$0x2] =	wrdreg s2  }
0xa9: {  	[dreg:$0x3] =	wrdreg s4  }
0xaa: {  	[dreg:$0x4] =	wrdreg $0xC0  }
0xab: {  	_ =	task [dreg:s6], $0x5FFFF  }
0xac: {  	[dreg:$0x1] =	wrdreg $0xFFFFFFFF  }
0xad: {  	[dreg:$0x0] =	wrdreg $0x60  }
0xae: {  	[dreg:$0x2] =	wrdreg s24  }
0xaf: {  	[dreg:$0x3] =	wrdreg $0x0  }
0xb0: {  	[dreg:$0x4] =	wrdreg $0x9  }
0xb1: {  	_ =	task.clear_ibuf [dreg:s6], $0x5FFFF;
	_ =	strace $0x9000004C  }
0xb2: {  	s29 =	simm.s32 $0x9;
	_ =	strace $0x8000004E  }
0xb3: {  	_ =	swait.ge [sflag:s29], $0x1  }
0xb4: {  	[sflag:s29] =	ssyncadd.s32 $0xFFFFFFFF  }
0xb5: {  	_ =	strace $0x9000004E  }
0xb6: {  	_ =	sfence  }
0xb7: {  	s30 =	sld [smem:$0x0];
	_ =	sdelay $0x2  }
0xb8: {  	s31 =	sshll.u32 s1, $0xD;
	s1 =	sshrl.u32 s1, $0x2  }
0xb9: {  	s3 =	sand.u32 $0x4000, s31;
	s1 =	sadd.s32 s1, s30  }
0xba: {  	s0 =	sor.u32 s3, s0;
	s1 =	sshll.u32 s1, $0x11  }
0xbb: {  	s0 =	sor.u32 s1, s0  }
0xbc: {  	s0 =	sadd.s32 $0x8F2B, s0  }
0xbd: {  	[sflag:s0] =	ssyncadd.remote.s32 $0x1  }
0xbe: {  	_ =	sfence.sel $0xFFFF  }
0xbf: {  	[dreg:$0x0] =	wrdreg $0xFFFFFFFF;
	(pc) =	sbr.abs _section_cstart, $3  }
0xc0: {  	[dreg:$0x1] =	wrdreg $0xFFFFFFFF  }
0xc1: {  	_ =	task.clear_ibuf [dreg:s6], $0x2FFFF;
	_ =	strace $0x9FFFFFFF  }
0xc2: {  	(tm) =	ssettm $0x7FFFFFFF  }
0xc3: {  	_ =	shalt  }
tec
execute0_lowered:
.L_overlay_start_1:
0x0: {  	(tag) =	ssettag $0x1  }
0x1: {  	s0 =	rddreg [dreg:$0x0]  }
0x2: {  	s2 =	rddreg [dreg:$0x1];
	s3 =	simm.s32 $0x0;
	s11 =	stileid.u32  }
0x3: {  	s1 =	srdreg.scid;
	s13 =	simm.s32 $0x5;
	s14 =	simm.s32 $0x13C00  }
0x4: {  	s15 =	simm.s32 $0x15000;
	s16 =	simm.s32 $0x40;
	s17 =	simm.s32 $0x16400  }
0x5: {  	s18 =	simm.s32 $0x13C80;
	s19 =	simm.s32 $0x18400;
	s20 =	simm.s32 $0x13D00  }
0x6: {  	s28 =	simm.s32 $0x4;
	s29 =	simm.s32 $0x16200;
	s30 =	simm.s32 $0x16280  }
0x7: {  	s31 =	simm.s32 $0x16300;
	[smem:$0x7FF] =	sst s3;
	s7 =	smul.u32 $0x13C00, s11  }
0x8: {  	s1 =	sand.u32 $0x1, s1;
	s4 =	sadd.s32 $0x5AC00, s0;
	s5 =	sadd.s32 $0x1F400, s0  }
0x9: {  	s6 =	sadd.s32 $0xB400, s0;
	s10 =	smul.u32 $0x4F000, s11;
	s25 =	sshll.u32 s11, $0x6  }
0xa: {  	_ =	strace $0x8000004D;
	s8 =	smul.u32 $0x13C000, s1;
	s21 =	ssub.s32 $0x2, s1  }
0xb: {  	s1 =	sshll.u32 s1, $0x4;
	s9 =	sshrl.u32 s7, $0x3;
	s22 =	sshrl.u32 s21, $0x1  }
0xc: {  	s1 =	sor.u32 s11, s1;
	s23 =	sshrl.u32 s10, $0x2;
	s9 =	sadd.s32 s9, s0  }
0xd: {  	s7 =	sadd.s32 s7, s8;
	s10 =	sadd.s32 s23, s2;
	s8 =	sor.u32 $0x1C05, s25  }
0xe: {  	s23 =	simm.s32 $0x1C400;
	s25 =	simm.s32 $0x2;
	s7 =	sshrl.u32 s7, $0x3  }
0xf: {  	s24 =	sadd.s32 $0x33400, s9;
	s9 =	smul.u32 $0x5000, s1;
	s12 =	sshrl.u32 s10, $0x3  }
0x10: {  	s0 =	sadd.s32 s7, s0;
	s7 =	ssub.s32 s21, s22;
	[dreg:$0x3] =	wrdreg s24  }
0x11: {  	s21 =	simm.s32 $0x1A400;
	s22 =	simm.s32 $0x13D80;
	s0 =	sadd.s32 $0x81E00, s0  }
0x12: {  	s24 =	simm.s32 $0x1;
	s26 =	smax.u32 s7, $0x1;
	[dreg:$0x4] =	wrdreg s0  }
0x13: {  	[dreg:$0x5] =	wrdreg s26;
	s26 =	simm.s32 $0x3;
	s0 =	simm.s32 $0x16380  }
.LBB2_1:
0x14: {  	s1 =	rddreg [dreg:$0x3]  }
0x15: {  	[spmem:s12], [sflag:s8] =	dma.local [hbm:s1], $0x2780  }
0x16: {  	_ =	swait.ge [sflag:s13], $0x2780  }
0x17: {  	[sflag:s13] =	ssyncset.done $0x0  }
0x18: {  	[sflag:s13] =	ssyncadd.s32 $0xFFFFD880  }
0x19: {  	s1 =	simm.s32 $0x0;
	[bflag:$0x0] =	sbarrier.arrive $0xFFFF  }
.LBB2_2:
0x1a: {  	s7 =	smul.u32 $0x1400, s1;
	_ =	sdelay $0x1  }
0x1b: {  	s7 =	sadd.s32 s9, s7  }
0x1c: {  	s7 =	sshrl.u32 s7, $0x3  }
0x1d: {  	s11 =	simm.s32 $0x0;
	s10 =	sadd.s32 s5, s7  }
0x1e: {  	[tilespmem:s14], [sflag:$0x5] =	stream.linear.gather [hbm4b:s10+s11], $0x1400, $0x38;
	[tilespmem:$0x1E400] =	vst v63  }
0x1f: {  	_ =	swait.ge [sflag:s13], $0x1400  }
0x20: {  	[sflag:s13] =	ssyncset.done $0x0  }
0x21: {  	s7 =	sadd.s32 s6, s7;
	[sflag:s13] =	ssyncadd.s32 $0xFFFFEC00  }
0x22: {  	[tilespmem:s15], [sflag:$0x5] =	stream.linear.gather [hbm4b:s7+s11], $0x1400, $0x38;
	[tilespmem:$0x1E400] =	vst v63  }
0x23: {  	_ =	swait.ge [sflag:s13], $0x1400  }
0x24: {  	[sflag:s13] =	ssyncset.done $0x0  }
0x25: {  	[sflag:s13] =	ssyncadd.s32 $0xFFFFEC00  }
0x26: {  	[tilespmem:s17], [sflag:$0x1] =	stream.indirect.gather [hbm4b:s4+s16], $0x80, s14, s16, $0xb8;
	[tilespmem:$0x1E400] =	vst v63  }
0x27: {  	_ = 	snop  }
0x28: {  	[tilespmem:s19], [sflag:$0x2] =	stream.indirect.gather [hbm4b:s4+s16], $0x80, s18, s16, $0xb8;
	[tilespmem:$0x1E400] =	vst v63  }
0x29: {  	_ = 	snop  }
0x2a: {  	[tilespmem:s21], [sflag:$0x3] =	stream.indirect.gather [hbm4b:s4+s16], $0x80, s20, s16, $0xb8;
	[tilespmem:$0x1E400] =	vst v63  }
0x2b: {  	_ = 	snop  }
0x2c: {  	[tilespmem:s23], [sflag:$0x4] =	stream.indirect.gather [hbm4b:s4+s16], $0x80, s22, s16, $0xb8;
	[tilespmem:$0x1E400] =	vst v63  }
0x2d: {  	_ =	swait.ge [sflag:s24], $0x2000  }
0x2e: {  	[sflag:s24] =	ssyncset.done $0x0  }
0x2f: {  	s11 =	simm.s32 $0x15000;
	[sflag:s24] =	ssyncadd.s32 $0xFFFFE000  }
0x30: {  	[spmem:s2] =	stream.indirect.scatter.add.f32 [tilespmem:s17], [sflag:$0x5], $0x80, s11, s16, $0xb8;
	[tilespmem:$0x1E400] =	vst v63  }
0x31: {  	_ =	swait.ge [sflag:s13], $0x2000  }
0x32: {  	[sflag:s13] =	ssyncset.done $0x0  }
0x33: {  	s10 =	simm.s32 $0x13E00;
	[sflag:s13] =	ssyncadd.s32 $0xFFFFE000  }
0x34: {  	[tilespmem:s17], [sflag:$0x1] =	stream.indirect.gather [hbm4b:s4+s16], $0x80, s10, s16, $0xb8;
	[tilespmem:$0x1E400] =	vst v63  }
0x35: {  	_ =	swait.ge [sflag:s25], $0x2000  }
0x36: {  	[sflag:s25] =	ssyncset.done $0x0  }
0x37: {  	s11 =	simm.s32 $0x15080;
	[sflag:s25] =	ssyncadd.s32 $0xFFFFE000  }
0x38: {  	[spmem:s2] =	stream.indirect.scatter.add.f32 [tilespmem:s19], [sflag:$0x5], $0x80, s11, s16, $0xb8;
	[tilespmem:$0x1E400] =	vst v63  }
0x39: {  	_ =	swait.ge [sflag:s13], $0x2000  }
0x3a: {  	[sflag:s13] =	ssyncset.done $0x0  }
0x3b: {  	s10 =	simm.s32 $0x13E80;
	[sflag:s13] =	ssyncadd.s32 $0xFFFFE000  }
0x3c: {  	[tilespmem:s19], [sflag:$0x2] =	stream.indirect.gather [hbm4b:s4+s16], $0x80, s10, s16, $0xb8;
	[tilespmem:$0x1E400] =	vst v63  }
0x3d: {  	_ =	swait.ge [sflag:s26], $0x2000  }
0x3e: {  	[sflag:s26] =	ssyncset.done $0x0  }
0x3f: {  	s11 =	simm.s32 $0x15100;
	[sflag:s26] =	ssyncadd.s32 $0xFFFFE000  }
0x40: {  	[spmem:s2] =	stream.indirect.scatter.add.f32 [tilespmem:s21], [sflag:$0x5], $0x80, s11, s16, $0xb8;
	[tilespmem:$0x1E400] =	vst v63  }
0x41: {  	_ =	swait.ge [sflag:s13], $0x2000  }
0x42: {  	[sflag:s13] =	ssyncset.done $0x0  }
0x43: {  	s10 =	simm.s32 $0x13F00;
	[sflag:s13] =	ssyncadd.s32 $0xFFFFE000  }
0x44: {  	[tilespmem:s21], [sflag:$0x3] =	stream.indirect.gather [hbm4b:s4+s16], $0x80, s10, s16, $0xb8;
	[tilespmem:$0x1E400] =	vst v63  }
0x45: {  	_ =	swait.ge [sflag:s28], $0x2000  }
0x46: {  	[sflag:s28] =	ssyncset.done $0x0  }
0x47: {  	s11 =	simm.s32 $0x15180;
	[sflag:s28] =	ssyncadd.s32 $0xFFFFE000  }
0x48: {  	[spmem:s2] =	stream.indirect.scatter.add.f32 [tilespmem:s23], [sflag:$0x5], $0x80, s11, s16, $0xb8;
	[tilespmem:$0x1E400] =	vst v63  }
0x49: {  	_ =	swait.ge [sflag:s13], $0x2000  }
0x4a: {  	[sflag:s13] =	ssyncset.done $0x0  }
0x4b: {  	s7 =	simm.s32 $0x800;
	s10 =	simm.s32 $0x13F80;
	[sflag:s13] =	ssyncadd.s32 $0xFFFFE000  }
.LBB2_3:
0x4c: {  	[tilespmem:s23], [sflag:$0x4] =	stream.indirect.gather [hbm4b:s4+s16], $0x80, s10, s16, $0xb8;
	[tilespmem:$0x1E400] =	vst v63  }
0x4d: {  	s10 =	smov.u32 s7  }
0x4e: {  	p0 =	sne.s32 s7, $0x4000;
	s7 =	sadd.s32 $0x800, s7;
	_ =	swait.ge [sflag:s24], $0x2000  }
0x4f: {  	s10 =	sshra.s32 s10, $0x2;
	[sflag:s24] =	ssyncset.done $0x0  }
0x50: {  	s11 =	sadd.s32 $0x15000, s10;
	[sflag:s24] =	ssyncadd.s32 $0xFFFFE000  }
0x51: {  	[spmem:s2] =	stream.indirect.scatter.add.f32 [tilespmem:s17], [sflag:$0x5], $0x80, s11, s16, $0xb8;
	[tilespmem:$0x1E400] =	vst v63  }
0x52: {  	_ =	swait.ge [sflag:s13], $0x2000  }
0x53: {  	[sflag:s13] =	ssyncset.done $0x0  }
0x54: {  	s11 =	sadd.s32 $0x13E00, s10;
	[sflag:s13] =	ssyncadd.s32 $0xFFFFE000  }
0x55: {  	[tilespmem:s17], [sflag:$0x1] =	stream.indirect.gather [hbm4b:s4+s16], $0x80, s11, s16, $0xb8;
	[tilespmem:$0x1E400] =	vst v63  }
0x56: {  	_ =	swait.ge [sflag:s25], $0x2000  }
0x57: {  	[sflag:s25] =	ssyncset.done $0x0  }
0x58: {  	s11 =	sadd.s32 $0x15080, s10;
	[sflag:s25] =	ssyncadd.s32 $0xFFFFE000  }
0x59: {  	[spmem:s2] =	stream.indirect.scatter.add.f32 [tilespmem:s19], [sflag:$0x5], $0x80, s11, s16, $0xb8;
	[tilespmem:$0x1E400] =	vst v63  }
0x5a: {  	_ =	swait.ge [sflag:s13], $0x2000  }
0x5b: {  	[sflag:s13] =	ssyncset.done $0x0  }
0x5c: {  	s11 =	sadd.s32 $0x13E80, s10;
	[sflag:s13] =	ssyncadd.s32 $0xFFFFE000  }
0x5d: {  	[tilespmem:s19], [sflag:$0x2] =	stream.indirect.gather [hbm4b:s4+s16], $0x80, s11, s16, $0xb8;
	[tilespmem:$0x1E400] =	vst v63  }
0x5e: {  	_ =	swait.ge [sflag:s26], $0x2000  }
0x5f: {  	[sflag:s26] =	ssyncset.done $0x0  }
0x60: {  	s11 =	sadd.s32 $0x15100, s10;
	[sflag:s26] =	ssyncadd.s32 $0xFFFFE000  }
0x61: {  	[spmem:s2] =	stream.indirect.scatter.add.f32 [tilespmem:s21], [sflag:$0x5], $0x80, s11, s16, $0xb8;
	[tilespmem:$0x1E400] =	vst v63  }
0x62: {  	_ =	swait.ge [sflag:s13], $0x2000  }
0x63: {  	[sflag:s13] =	ssyncset.done $0x0  }
0x64: {  	s11 =	sadd.s32 $0x13F00, s10;
	[sflag:s13] =	ssyncadd.s32 $0xFFFFE000  }
0x65: {  	[tilespmem:s21], [sflag:$0x3] =	stream.indirect.gather [hbm4b:s4+s16], $0x80, s11, s16, $0xb8;
	[tilespmem:$0x1E400] =	vst v63  }
0x66: {  	_ =	swait.ge [sflag:s28], $0x2000  }
0x67: {  	[sflag:s28] =	ssyncset.done $0x0  }
.Ltmp0:
0x68: {  	s11 =	sadd.s32 $0x15180, s10;
	[sflag:s28] =	ssyncadd.s32 $0xFFFFE000;
	(pc) =	sbr.rel @p0 .LBB2_3-.Ltmp0, $4  }
0x69: {  	[spmem:s2] =	stream.indirect.scatter.add.f32 [tilespmem:s23], [sflag:$0x5], $0x80, s11, s16, $0xb8;
	[tilespmem:$0x1E400] =	vst v63  }
0x6a: {  	_ =	swait.ge [sflag:s13], $0x2000  }
0x6b: {  	[sflag:s13] =	ssyncset.done $0x0  }
0x6c: {  	s10 =	sadd.s32 $0x13F80, s10;
	[sflag:s13] =	ssyncadd.s32 $0xFFFFE000  }
0x6d: {  	[tilespmem:s23], [sflag:$0x4] =	stream.indirect.gather [hbm4b:s4+s16], $0x80, s10, s16, $0xb8;
	[tilespmem:$0x1E400] =	vst v63  }
0x6e: {  	_ =	swait.ge [sflag:s24], $0x2000  }
0x6f: {  	[sflag:s24] =	ssyncset.done $0x0  }
0x70: {  	[sflag:s24] =	ssyncadd.s32 $0xFFFFE000  }
0x71: {  	[spmem:s2] =	stream.indirect.scatter.add.f32 [tilespmem:s17], [sflag:$0x5], $0x80, s29, s16, $0xb8;
	[tilespmem:$0x1E400] =	vst v63  }
0x72: {  	_ =	swait.ge [sflag:s13], $0x2000  }
0x73: {  	[sflag:s13] =	ssyncset.done $0x0  }
0x74: {  	[sflag:s13] =	ssyncadd.s32 $0xFFFFE000  }
0x75: {  	_ =	swait.ge [sflag:s25], $0x2000  }
0x76: {  	[sflag:s25] =	ssyncset.done $0x0  }
0x77: {  	[sflag:s25] =	ssyncadd.s32 $0xFFFFE000  }
0x78: {  	[spmem:s2] =	stream.indirect.scatter.add.f32 [tilespmem:s19], [sflag:$0x5], $0x80, s30, s16, $0xb8;
	[tilespmem:$0x1E400] =	vst v63  }
0x79: {  	_ =	swait.ge [sflag:s13], $0x2000  }
0x7a: {  	[sflag:s13] =	ssyncset.done $0x0  }
0x7b: {  	[sflag:s13] =	ssyncadd.s32 $0xFFFFE000  }
0x7c: {  	_ =	swait.ge [sflag:s26], $0x2000  }
0x7d: {  	[sflag:s26] =	ssyncset.done $0x0  }
0x7e: {  	[sflag:s26] =	ssyncadd.s32 $0xFFFFE000  }
0x7f: {  	[spmem:s2] =	stream.indirect.scatter.add.f32 [tilespmem:s21], [sflag:$0x5], $0x80, s31, s16, $0xb8;
	[tilespmem:$0x1E400] =	vst v63  }
0x80: {  	_ =	swait.ge [sflag:s13], $0x2000  }
0x81: {  	[sflag:s13] =	ssyncset.done $0x0  }
0x82: {  	[sflag:s13] =	ssyncadd.s32 $0xFFFFE000  }
0x83: {  	s1 =	sadd.s32 $0x1, s1;
	_ =	swait.ge [sflag:s28], $0x2000  }
0x84: {  	p0 =	sne.s32 s1, $0x4;
	[sflag:s28] =	ssyncset.done $0x0  }
.Ltmp1:
0x85: {  	[sflag:s28] =	ssyncadd.s32 $0xFFFFE000;
	(pc) =	sbr.rel @p0 .LBB2_2-.Ltmp1, $4  }
0x86: {  	[spmem:s2] =	stream.indirect.scatter.add.f32 [tilespmem:s23], [sflag:$0x5], $0x80, s0, s16, $0xb8;
	[tilespmem:$0x1E400] =	vst v63  }
0x87: {  	_ =	swait.ge [sflag:s13], $0x2000  }
0x88: {  	[sflag:s13] =	ssyncset.done $0x0  }
0x89: {  	[sflag:s13] =	ssyncadd.s32 $0xFFFFE000  }
0x8a: {  	[bflag:$0x0] =	sbarrier.arrive $0xFFFF  }
0x8b: {  	s1 =	rddreg [dreg:$0x4]  }
0x8c: {  	[hbm:s1], [sflag:s8] =	dma.local [spmem:s12], $0x2780  }
0x8d: {  	_ =	swait.ge [sflag:s13], $0x2780  }
0x8e: {  	s3 =	sadd.s32 $0x1, s3;
	s11 =	rddreg [dreg:$0x5]  }
0x8f: {  	p0 =	sne.s32 s3, s11  }
.Ltmp2:
0x90: {  	_ = 	snop;
	(pc) =	sbr.rel @p0 .LBB2_1-.Ltmp2, $3  }
0x91: {  	_ =	sdelay $0x1  }
0x92: {  	[sflag:s13] =	ssyncset.done $0x0  }
0x93: {  	[sflag:s13] =	ssyncadd.s32 $0xFFFFD880  }
0x94: {  	_ =	sfence.sel $0x180000  }
0x95: {  	[bflag:$0x0] =	sbarrier.arrive $0xFFFF  }
0x96: {  	_ =	strace $0x9000004D  }
0x97: {  	s0 =	stileid.u32;
	[bflag:$0x2] =	sbarrier.arrive $0xFFFF  }
0x98: {  	p0 =	sne.s32 s0, $0x0;
	s0 =	rddreg [dreg:$0x2]  }
0x99: {  	s0 =	sadd.s32 @!p0 $0x100000, s0  }
0x9a: {  	[sflag:s0] =	ssyncadd.tile.s32 @!p0 $0x1;
	_ =	shalt  }
.Lfunc_end2:
_tile_overlayer_lowered:
.L_overlay_start_2:
0x9b: {  	(tag) =	ssettag $0x2  }
0x9c: {  	s0 =	rddreg [dreg:$0x0];
	s2 =	stileid.u32  }
0x9d: {  	s1 =	rddreg [dreg:$0x1];
	p0 =	sne.s32 s2, $0x0  }
0x9e: {  	s3 =	rddreg [dreg:$0x2];
	[bflag:$0x3] =	sbarrier.arrive $0xFFFF;
	s2 =	simm.s32 @!p0 $0x1C05  }
0x9f: {  	[timem:s3], [sflag:s2] =	dma.local @!p0 [hbm:s0], s1  }
0xa0: {  	s0 =	simm.s32 @!p0 $0x5  }
0xa1: {  	_ =	swait.ge @!p0 [sflag:s0], s1  }
0xa2: {  	s1 =	ssub.s32 @!p0 $0x0, s1;
	[sflag:s0] =	ssyncset.done @!p0 $0x0  }
0xa3: {  	[sflag:s0] =	ssyncadd.s32 @!p0 s1  }
0xa4: {  	[bflag:$0x3] =	sbarrier.arrive $0xFFFF  }
0xa5: {  	_ =	shalt  }

// kernel: kernel.28.cloned.1.call-start
scs
__scs_entry_jumppad:
0x0: {  	(pc) =	sbr.rel $0x88, $3  }
0x1: {  	(tag) =	ssettag $0x0;
	lr =	simm.s32 $0x1  }
0x2: {  	[smem:$0x3F70] =	sst lr;
	_ =	strace $0xD0000000  }
0x3: {  	_ = 	snop  }
0x4: {  	_ = 	snop  }
0x5: {  	_ = 	snop  }
0x6: {  	_ = 	snop  }
0x7: {  	_ = 	snop  }
__scs_overlays_trampoline_lowered:
0x8: {  	[smem:$0x3F7F] =	sst s0  }
0x9: {  	[smem:$0x3F80] =	sst s1  }
0xa: {  	[smem:$0x3F81] =	sst s2  }
0xb: {  	[smem:$0x3F82] =	sst s3  }
0xc: {  	[smem:$0x3F83] =	sst s4  }
0xd: {  	[smem:$0x3F84] =	sst s5  }
0xe: {  	[smem:$0x3F85] =	sst s6  }
0xf: {  	[smem:$0x3F86] =	sst s7  }
0x10: {  	[smem:$0x3F87] =	sst s8  }
0x11: {  	[smem:$0x3F88] =	sst s9;
	s0 =	simm.s32 @!p0 $0x0  }
0x12: {  	s1 =	sld [smem:$0x3F6E];
	s0 =	simm.s32 @p0 $0x1  }
0x13: {  	[smem:$0x3F89] =	sst s0;
	s0 =	simm.s32 @!p1 $0x0  }
0x14: {  	s2 =	sld [smem:$0x3F6D];
	s0 =	simm.s32 @p1 $0x1  }
0x15: {  	[smem:$0x3F8A] =	sst s0;
	s0 =	simm.s32 @!p2 $0x0  }
0x16: {  	s3 =	sld [smem:$0x3FDB];
	s0 =	simm.s32 @p2 $0x1  }
0x17: {  	s4 =	simm.s32 $0x1BF5;
	[smem:$0x3F8C] =	sst s0  }
0x18: {  	s0 =	sld [smem:$0x3F6F];
	_ =	swait.ge [sflag:s4], $0x0  }
0x19: {  	s7 =	sld [smem:$0x3F70]  }
0x1a: {  	s8 =	sadd.s32 $0xFFFFE003, lr  }
0x1b: {  	s9 =	sadd.s32 $0xFFFFFEF7, lr;
	s5 =	simm.s32 $0xFFFFFFFF;
	p2 =	slt.u32 s8, $0xFFFFF086  }
0x1c: {  	p1 =	slt.u32 s9, $0xF7A;
	s5 =	simm.s32 @!p2 $0x0  }
0x1d: {  	s5 =	simm.s32 @p1 $0x1;
	p0 =	seq.s32 s7, s2  }
0x1e: {  	s7 =	smul.u32 @!p0 $0xF7A, s2;
	p2 =	seq.s32 @!p0 s5, $0x0  }
0x1f: {  	s9 =	smul.u32 $0xF7A, s1;
	s8 =	simm.s32 @!p0 $0x1BF5;
	p2 =	por !p2, p0  }
0x20: {  	[sflag:s8] =	ssyncset.s32 @!p0 $0xFFFFF086;
	s6 =	sadd.s32 @!p0 s3, s7;
	s7 =	simm.s32 @!p0 $0x108  }
0x21: {  	s3 =	sadd.s32 s3, s9;
	s6 =	sadd.s32 @!p0 $0x88, s6;
	s7 =	simm.s32 @p2 $0x1082  }
0x22: {  	[simem:s7], [sflag:s8] =	dma.local @!p0 [hbm:s6], $0xF7A  }
0x23: {  	s9 =	sor.u32 $0xD0000000, s2;
	s6 =	simm.s32 $0x108;
	_ =	swait.ge @!p0 [sflag:s8], $0x0  }
0x24: {  	s3 =	sadd.s32 $0x88, s3;
	s6 =	simm.s32 @!p1 $0x1082;
	[sflag:s4] =	ssyncset.s32 $0xFFFFF086  }
0x25: {  	[simem:s6], [sflag:s4] =	dma.local [hbm:s3], $0xF7A  }
0x26: {  	[smem:$0x3F70] =	sst s1;
	(tag) =	ssettag s2;
	_ =	strace s9  }
0x27: {  	s1 =	sld [smem:$0x3F80]  }
0x28: {  	s2 =	sld [smem:$0x3F81]  }
0x29: {  	s4 =	sld [smem:$0x3F83]  }
0x2a: {  	p0 =	seq.s32 s5, $0x0;
	s5 =	sld [smem:$0x3F84]  }
0x2b: {  	s6 =	sld [smem:$0x3F85]  }
0x2c: {  	s7 =	sld [smem:$0x3F86]  }
0x2d: {  	s3 =	simm.s32 $0x108;
	s8 =	sld [smem:$0x3F87]  }
0x2e: {  	s3 =	simm.s32 @!p0 $0x1082;
	s9 =	sld [smem:$0x3F88]  }
0x2f: {  	lr =	sadd.s32 s0, s3;
	s0 =	sld [smem:$0x3F7F]  }
0x30: {  	s3 =	sld [smem:$0x3F82]  }
0x31: {  	[smem:$0x3F8B] =	sst s10  }
0x32: {  	s10 =	sld [smem:$0x3F89];
	_ =	sdelay $0x3  }
0x33: {  	p0 =	seq.s32 s10, $0x1;
	s10 =	sld [smem:$0x3F8B];
	_ =	sdelay $0x3  }
0x34: {  	[smem:$0x3F8B] =	sst s10  }
0x35: {  	s10 =	sld [smem:$0x3F8A];
	_ =	sdelay $0x3  }
0x36: {  	p1 =	seq.s32 s10, $0x1;
	s10 =	sld [smem:$0x3F8B];
	_ =	sdelay $0x3  }
0x37: {  	[smem:$0x3F8B] =	sst s10  }
0x38: {  	s10 =	sld [smem:$0x3F8C]  }
0x39: {  	_ = 	snop;
	(pc) =	sbr.ind lr, $3  }
0x3a: {  	_ = 	snop  }
0x3b: {  	_ = 	snop  }
0x3c: {  	p2 =	seq.s32 s10, $0x1;
	s10 =	sld [smem:$0x3F8B]  }
0x3d: {  	_ =	shalt  }
0x3e: {  	_ =	shalt  }
0x3f: {  	_ =	shalt  }
0x40: {  	_ =	shalt  }
0x41: {  	_ =	shalt  }
0x42: {  	_ =	shalt  }
0x43: {  	_ =	shalt  }
0x44: {  	_ =	shalt  }
0x45: {  	_ =	shalt  }
0x46: {  	_ =	shalt  }
0x47: {  	_ =	shalt  }
0x48: {  	_ =	shalt  }
0x49: {  	_ =	shalt  }
0x4a: {  	_ =	shalt  }
0x4b: {  	_ =	shalt  }
0x4c: {  	_ =	shalt  }
0x4d: {  	_ =	shalt  }
0x4e: {  	_ =	shalt  }
0x4f: {  	_ =	shalt  }
0x50: {  	_ =	shalt  }
0x51: {  	_ =	shalt  }
0x52: {  	_ =	shalt  }
0x53: {  	_ =	shalt  }
0x54: {  	_ =	shalt  }
0x55: {  	_ =	shalt  }
0x56: {  	_ =	shalt  }
0x57: {  	_ =	shalt  }
0x58: {  	_ =	shalt  }
0x59: {  	_ =	shalt  }
0x5a: {  	_ =	shalt  }
0x5b: {  	_ =	shalt  }
0x5c: {  	_ =	shalt  }
0x5d: {  	_ =	shalt  }
0x5e: {  	_ =	shalt  }
0x5f: {  	_ =	shalt  }
0x60: {  	_ =	shalt  }
0x61: {  	_ =	shalt  }
0x62: {  	_ =	shalt  }
0x63: {  	_ =	shalt  }
0x64: {  	_ =	shalt  }
0x65: {  	_ =	shalt  }
0x66: {  	_ =	shalt  }
0x67: {  	_ =	shalt  }
0x68: {  	_ =	shalt  }
0x69: {  	_ =	shalt  }
0x6a: {  	_ =	shalt  }
0x6b: {  	_ =	shalt  }
0x6c: {  	_ =	shalt  }
0x6d: {  	_ =	shalt  }
0x6e: {  	_ =	shalt  }
0x6f: {  	_ =	shalt  }
0x70: {  	_ =	shalt  }
0x71: {  	_ =	shalt  }
0x72: {  	_ =	shalt  }
0x73: {  	_ =	shalt  }
0x74: {  	_ =	shalt  }
0x75: {  	_ =	shalt  }
0x76: {  	_ =	shalt  }
0x77: {  	_ =	shalt  }
0x78: {  	_ =	shalt  }
0x79: {  	_ =	shalt  }
0x7a: {  	_ =	shalt  }
0x7b: {  	_ =	shalt  }
0x7c: {  	_ =	shalt  }
0x7d: {  	_ =	shalt  }
0x7e: {  	_ =	shalt  }
0x7f: {  	_ =	shalt  }
0x80: {  	_ =	shalt  }
0x81: {  	_ =	shalt  }
0x82: {  	_ =	shalt  }
0x83: {  	_ =	shalt  }
0x84: {  	_ =	shalt  }
0x85: {  	_ =	shalt  }
0x86: {  	_ =	shalt  }
0x87: {  	_ =	shalt  }
.Lfunc_end0:
.L_simem_size_0:
called_computation.3_lowered:
.L_overlay_start_0:
0x88: {  	s2 =	sld [smem:$0x3FD9]  }
0x89: {  	s3 =	sld [smem:$0x3FFE];
	_ =	sdelay $0x1  }
0x8a: {  	s1 =	srdreg.scid  }
0x8b: {  	s0 =	sand.u32 $0x1, s1  }
0x8c: {  	s16 =	sshll.u32 s0, $0xA;
	s2 =	sadd.s32 s3, s2  }
0x8d: {  	s2 =	sadd.s32 s2, s16  }
0x8e: {  	[smem:$0x3F97] =	sst s2  }
0x8f: {  	_ = 	snop  }
0x90: {  	(tm) =	ssettm $0x1  }
0x91: {  	s17 =	sld [smem:$0x3FFB];
	_ =	sdelay $0x3  }
0x92: {  	_ =	strace s17  }
0x93: {  	s2 =	sld [smem:$0x3FFC];
	_ =	sdelay $0x3  }
0x94: {  	_ =	strace s2  }
0x95: {  	s2 =	sld [smem:$0x3FFD];
	_ =	sdelay $0x3  }
0x96: {  	_ =	strace s2  }
0x97: {  	_ =	strace $0x8FFFFFFF  }
0x98: {  	s18 =	sld [smem:$0x3FDB];
	_ =	sdelay $0x1  }
0x99: {  	s19 =	simm.s32 $_scs_section_size  }
0x9a: {  	s4 =	simm.s32 $_size__tile_overlayer_lowered;
	s5 =	simm.s32 $_tile_overlayer_lowered  }
0x9b: {  	s22 =	simm.s32 $0x1BFF;
	s21 =	sshll.u32 s5, $0x1;
	s2 =	sadd.s32 s19, s18  }
0x9c: {  	s6 =	simm.s32 $0x0;
	s20 =	sshll.u32 s4, $0x1;
	s4 =	sadd.s32 s21, s2  }
0x9d: {  	[timem:s6], [sflag:s22] =	dma.local [hbm:s4], s20  }
0x9e: {  	_ =	swait.ge [sflag:s22], s20  }
0x9f: {  	s3 =	ssub.s32 $0x0, s20;
	[sflag:s22] =	ssyncset.done $0x0  }
0xa0: {  	[sflag:s22] =	ssyncadd.s32 s3;
	_ =	sdelay $0x1  }
0xa1: {  	s23 =	simm.s32 $0x1B8B  }
0xa2: {  	_ =	swait.ge [sflag:s23], $0x1  }
0xa3: {  	[sflag:s23] =	ssyncset.done $0x0  }
0xa4: {  	s25 =	simm.s32 $0x1B8E;
	s24 =	sld [smem:$0x3FFE];
	[sflag:s23] =	ssyncadd.s32 $0xFFFFFFFF  }
0xa5: {  	s26 =	simm.s32 $execute0_lowered;
	[smem:$0x3FD2] =	sst s25  }
0xa6: {  	s4 =	sshll.u32 s26, $0x1;
	_ =	strace $0x8000004F;
	[dreg:$0x1] =	wrdreg $0xFFFFFFFF  }
0xa7: {  	s28 =	simm.s32 $_size_execute0_lowered;
	s2 =	sadd.s32 s2, s4;
	[dreg:$0x0] =	wrdreg $0x0  }
0xa8: {  	s4 =	sshll.u32 s28, $0x1;
	[dreg:$0x2] =	wrdreg s2  }
0xa9: {  	[dreg:$0x3] =	wrdreg s4  }
0xaa: {  	[dreg:$0x4] =	wrdreg $0xC0  }
0xab: {  	_ =	task [dreg:s6], $0x5FFFF  }
0xac: {  	[dreg:$0x1] =	wrdreg $0xFFFFFFFF  }
0xad: {  	[dreg:$0x0] =	wrdreg $0x60  }
0xae: {  	[dreg:$0x2] =	wrdreg s24  }
0xaf: {  	[dreg:$0x3] =	wrdreg $0x0  }
0xb0: {  	[dreg:$0x4] =	wrdreg $0x9  }
0xb1: {  	_ =	task.clear_ibuf [dreg:s6], $0x5FFFF;
	_ =	strace $0x9000004F  }
0xb2: {  	s29 =	simm.s32 $0x9;
	_ =	strace $0x80000051  }
0xb3: {  	_ =	swait.ge [sflag:s29], $0x1  }
0xb4: {  	[sflag:s29] =	ssyncadd.s32 $0xFFFFFFFF  }
0xb5: {  	_ =	strace $0x90000051  }
0xb6: {  	_ =	sfence  }
0xb7: {  	s30 =	sld [smem:$0x0];
	_ =	sdelay $0x2  }
0xb8: {  	s31 =	sshll.u32 s1, $0xD;
	s1 =	sshrl.u32 s1, $0x2  }
0xb9: {  	s3 =	sand.u32 $0x4000, s31;
	s1 =	sadd.s32 s1, s30  }
0xba: {  	s0 =	sor.u32 s3, s0;
	s1 =	sshll.u32 s1, $0x11  }
0xbb: {  	s0 =	sor.u32 s1, s0  }
0xbc: {  	s0 =	sadd.s32 $0x8F2B, s0  }
0xbd: {  	[sflag:s0] =	ssyncadd.remote.s32 $0x1  }
0xbe: {  	_ =	sfence.sel $0xFFFF  }
0xbf: {  	[dreg:$0x0] =	wrdreg $0xFFFFFFFF;
	(pc) =	sbr.abs _section_cstart, $3  }
0xc0: {  	[dreg:$0x1] =	wrdreg $0xFFFFFFFF  }
0xc1: {  	_ =	task.clear_ibuf [dreg:s6], $0x2FFFF;
	_ =	strace $0x9FFFFFFF  }
0xc2: {  	(tm) =	ssettm $0x7FFFFFFF  }
0xc3: {  	_ =	shalt  }
tec
execute0_lowered:
.L_overlay_start_1:
0x0: {  	(tag) =	ssettag $0x1  }
0x1: {  	s0 =	rddreg [dreg:$0x0]  }
0x2: {  	s2 =	rddreg [dreg:$0x1];
	s3 =	simm.s32 $0x0;
	s11 =	stileid.u32  }
0x3: {  	s1 =	srdreg.scid;
	s13 =	simm.s32 $0x5;
	s14 =	simm.s32 $0x13C00  }
0x4: {  	s15 =	simm.s32 $0x15000;
	s16 =	simm.s32 $0x40;
	s17 =	simm.s32 $0x16400  }
0x5: {  	s18 =	simm.s32 $0x13C80;
	s19 =	simm.s32 $0x18400;
	s20 =	simm.s32 $0x13D00  }
0x6: {  	s28 =	simm.s32 $0x4;
	s29 =	simm.s32 $0x16200;
	s30 =	simm.s32 $0x16280  }
0x7: {  	s31 =	simm.s32 $0x16300;
	[smem:$0x7FF] =	sst s3;
	s7 =	smul.u32 $0x13C00, s11  }
0x8: {  	s1 =	sand.u32 $0x1, s1;
	s4 =	sadd.s32 $0x5AC00, s0;
	s5 =	sadd.s32 $0x1F400, s0  }
0x9: {  	s6 =	sadd.s32 $0xB400, s0;
	s10 =	smul.u32 $0x4F000, s11;
	s25 =	sshll.u32 s11, $0x6  }
0xa: {  	_ =	strace $0x80000050;
	s8 =	smul.u32 $0x13C000, s1;
	s21 =	ssub.s32 $0x2, s1  }
0xb: {  	s1 =	sshll.u32 s1, $0x4;
	s9 =	sshrl.u32 s7, $0x3;
	s22 =	sshrl.u32 s21, $0x1  }
0xc: {  	s1 =	sor.u32 s11, s1;
	s23 =	sshrl.u32 s10, $0x2;
	s9 =	sadd.s32 s9, s0  }
0xd: {  	s7 =	sadd.s32 s7, s8;
	s10 =	sadd.s32 s23, s2;
	s8 =	sor.u32 $0x1C05, s25  }
0xe: {  	s23 =	simm.s32 $0x1C400;
	s25 =	simm.s32 $0x2;
	s7 =	sshrl.u32 s7, $0x3  }
0xf: {  	s24 =	sadd.s32 $0x33400, s9;
	s9 =	smul.u32 $0x5000, s1;
	s12 =	sshrl.u32 s10, $0x3  }
0x10: {  	s0 =	sadd.s32 s7, s0;
	s7 =	ssub.s32 s21, s22;
	[dreg:$0x3] =	wrdreg s24  }
0x11: {  	s21 =	simm.s32 $0x1A400;
	s22 =	simm.s32 $0x13D80;
	s0 =	sadd.s32 $0x81E00, s0  }
0x12: {  	s24 =	simm.s32 $0x1;
	s26 =	smax.u32 s7, $0x1;
	[dreg:$0x4] =	wrdreg s0  }
0x13: {  	[dreg:$0x5] =	wrdreg s26;
	s26 =	simm.s32 $0x3;
	s0 =	simm.s32 $0x16380  }
.LBB2_1:
0x14: {  	s1 =	rddreg [dreg:$0x3]  }
0x15: {  	[spmem:s12], [sflag:s8] =	dma.local [hbm:s1], $0x2780  }
0x16: {  	_ =	swait.ge [sflag:s13], $0x2780  }
0x17: {  	[sflag:s13] =	ssyncset.done $0x0  }
0x18: {  	[sflag:s13] =	ssyncadd.s32 $0xFFFFD880  }
0x19: {  	s1 =	simm.s32 $0x0;
	[bflag:$0x0] =	sbarrier.arrive $0xFFFF  }
.LBB2_2:
0x1a: {  	s7 =	smul.u32 $0x1400, s1;
	_ =	sdelay $0x1  }
0x1b: {  	s7 =	sadd.s32 s9, s7  }
0x1c: {  	s7 =	sshrl.u32 s7, $0x3  }
0x1d: {  	s11 =	simm.s32 $0x0;
	s10 =	sadd.s32 s5, s7  }
0x1e: {  	[tilespmem:s14], [sflag:$0x5] =	stream.linear.gather [hbm4b:s10+s11], $0x1400, $0x38;
	[tilespmem:$0x1E400] =	vst v63  }
0x1f: {  	_ =	swait.ge [sflag:s13], $0x1400  }
0x20: {  	[sflag:s13] =	ssyncset.done $0x0  }
0x21: {  	s7 =	sadd.s32 s6, s7;
	[sflag:s13] =	ssyncadd.s32 $0xFFFFEC00  }
0x22: {  	[tilespmem:s15], [sflag:$0x5] =	stream.linear.gather [hbm4b:s7+s11], $0x1400, $0x38;
	[tilespmem:$0x1E400] =	vst v63  }
0x23: {  	_ =	swait.ge [sflag:s13], $0x1400  }
0x24: {  	[sflag:s13] =	ssyncset.done $0x0  }
0x25: {  	[sflag:s13] =	ssyncadd.s32 $0xFFFFEC00  }
0x26: {  	[tilespmem:s17], [sflag:$0x1] =	stream.indirect.gather [hbm4b:s4+s16], $0x80, s14, s16, $0xb8;
	[tilespmem:$0x1E400] =	vst v63  }
0x27: {  	_ = 	snop  }
0x28: {  	[tilespmem:s19], [sflag:$0x2] =	stream.indirect.gather [hbm4b:s4+s16], $0x80, s18, s16, $0xb8;
	[tilespmem:$0x1E400] =	vst v63  }
0x29: {  	_ = 	snop  }
0x2a: {  	[tilespmem:s21], [sflag:$0x3] =	stream.indirect.gather [hbm4b:s4+s16], $0x80, s20, s16, $0xb8;
	[tilespmem:$0x1E400] =	vst v63  }
0x2b: {  	_ = 	snop  }
0x2c: {  	[tilespmem:s23], [sflag:$0x4] =	stream.indirect.gather [hbm4b:s4+s16], $0x80, s22, s16, $0xb8;
	[tilespmem:$0x1E400] =	vst v63  }
0x2d: {  	_ =	swait.ge [sflag:s24], $0x2000  }
0x2e: {  	[sflag:s24] =	ssyncset.done $0x0  }
0x2f: {  	s11 =	simm.s32 $0x15000;
	[sflag:s24] =	ssyncadd.s32 $0xFFFFE000  }
0x30: {  	[spmem:s2] =	stream.indirect.scatter.add.f32 [tilespmem:s17], [sflag:$0x5], $0x80, s11, s16, $0xb8;
	[tilespmem:$0x1E400] =	vst v63  }
0x31: {  	_ =	swait.ge [sflag:s13], $0x2000  }
0x32: {  	[sflag:s13] =	ssyncset.done $0x0  }
0x33: {  	s10 =	simm.s32 $0x13E00;
	[sflag:s13] =	ssyncadd.s32 $0xFFFFE000  }
0x34: {  	[tilespmem:s17], [sflag:$0x1] =	stream.indirect.gather [hbm4b:s4+s16], $0x80, s10, s16, $0xb8;
	[tilespmem:$0x1E400] =	vst v63  }
0x35: {  	_ =	swait.ge [sflag:s25], $0x2000  }
0x36: {  	[sflag:s25] =	ssyncset.done $0x0  }
0x37: {  	s11 =	simm.s32 $0x15080;
	[sflag:s25] =	ssyncadd.s32 $0xFFFFE000  }
0x38: {  	[spmem:s2] =	stream.indirect.scatter.add.f32 [tilespmem:s19], [sflag:$0x5], $0x80, s11, s16, $0xb8;
	[tilespmem:$0x1E400] =	vst v63  }
0x39: {  	_ =	swait.ge [sflag:s13], $0x2000  }
0x3a: {  	[sflag:s13] =	ssyncset.done $0x0  }
0x3b: {  	s10 =	simm.s32 $0x13E80;
	[sflag:s13] =	ssyncadd.s32 $0xFFFFE000  }
0x3c: {  	[tilespmem:s19], [sflag:$0x2] =	stream.indirect.gather [hbm4b:s4+s16], $0x80, s10, s16, $0xb8;
	[tilespmem:$0x1E400] =	vst v63  }
0x3d: {  	_ =	swait.ge [sflag:s26], $0x2000  }
0x3e: {  	[sflag:s26] =	ssyncset.done $0x0  }
0x3f: {  	s11 =	simm.s32 $0x15100;
	[sflag:s26] =	ssyncadd.s32 $0xFFFFE000  }
0x40: {  	[spmem:s2] =	stream.indirect.scatter.add.f32 [tilespmem:s21], [sflag:$0x5], $0x80, s11, s16, $0xb8;
	[tilespmem:$0x1E400] =	vst v63  }
0x41: {  	_ =	swait.ge [sflag:s13], $0x2000  }
0x42: {  	[sflag:s13] =	ssyncset.done $0x0  }
0x43: {  	s10 =	simm.s32 $0x13F00;
	[sflag:s13] =	ssyncadd.s32 $0xFFFFE000  }
0x44: {  	[tilespmem:s21], [sflag:$0x3] =	stream.indirect.gather [hbm4b:s4+s16], $0x80, s10, s16, $0xb8;
	[tilespmem:$0x1E400] =	vst v63  }
0x45: {  	_ =	swait.ge [sflag:s28], $0x2000  }
0x46: {  	[sflag:s28] =	ssyncset.done $0x0  }
0x47: {  	s11 =	simm.s32 $0x15180;
	[sflag:s28] =	ssyncadd.s32 $0xFFFFE000  }
0x48: {  	[spmem:s2] =	stream.indirect.scatter.add.f32 [tilespmem:s23], [sflag:$0x5], $0x80, s11, s16, $0xb8;
	[tilespmem:$0x1E400] =	vst v63  }
0x49: {  	_ =	swait.ge [sflag:s13], $0x2000  }
0x4a: {  	[sflag:s13] =	ssyncset.done $0x0  }
0x4b: {  	s7 =	simm.s32 $0x800;
	s10 =	simm.s32 $0x13F80;
	[sflag:s13] =	ssyncadd.s32 $0xFFFFE000  }
.LBB2_3:
0x4c: {  	[tilespmem:s23], [sflag:$0x4] =	stream.indirect.gather [hbm4b:s4+s16], $0x80, s10, s16, $0xb8;
	[tilespmem:$0x1E400] =	vst v63  }
0x4d: {  	s10 =	smov.u32 s7  }
0x4e: {  	p0 =	sne.s32 s7, $0x4000;
	s7 =	sadd.s32 $0x800, s7;
	_ =	swait.ge [sflag:s24], $0x2000  }
0x4f: {  	s10 =	sshra.s32 s10, $0x2;
	[sflag:s24] =	ssyncset.done $0x0  }
0x50: {  	s11 =	sadd.s32 $0x15000, s10;
	[sflag:s24] =	ssyncadd.s32 $0xFFFFE000  }
0x51: {  	[spmem:s2] =	stream.indirect.scatter.add.f32 [tilespmem:s17], [sflag:$0x5], $0x80, s11, s16, $0xb8;
	[tilespmem:$0x1E400] =	vst v63  }
0x52: {  	_ =	swait.ge [sflag:s13], $0x2000  }
0x53: {  	[sflag:s13] =	ssyncset.done $0x0  }
0x54: {  	s11 =	sadd.s32 $0x13E00, s10;
	[sflag:s13] =	ssyncadd.s32 $0xFFFFE000  }
0x55: {  	[tilespmem:s17], [sflag:$0x1] =	stream.indirect.gather [hbm4b:s4+s16], $0x80, s11, s16, $0xb8;
	[tilespmem:$0x1E400] =	vst v63  }
0x56: {  	_ =	swait.ge [sflag:s25], $0x2000  }
0x57: {  	[sflag:s25] =	ssyncset.done $0x0  }
0x58: {  	s11 =	sadd.s32 $0x15080, s10;
	[sflag:s25] =	ssyncadd.s32 $0xFFFFE000  }
0x59: {  	[spmem:s2] =	stream.indirect.scatter.add.f32 [tilespmem:s19], [sflag:$0x5], $0x80, s11, s16, $0xb8;
	[tilespmem:$0x1E400] =	vst v63  }
0x5a: {  	_ =	swait.ge [sflag:s13], $0x2000  }
0x5b: {  	[sflag:s13] =	ssyncset.done $0x0  }
0x5c: {  	s11 =	sadd.s32 $0x13E80, s10;
	[sflag:s13] =	ssyncadd.s32 $0xFFFFE000  }
0x5d: {  	[tilespmem:s19], [sflag:$0x2] =	stream.indirect.gather [hbm4b:s4+s16], $0x80, s11, s16, $0xb8;
	[tilespmem:$0x1E400] =	vst v63  }
0x5e: {  	_ =	swait.ge [sflag:s26], $0x2000  }
0x5f: {  	[sflag:s26] =	ssyncset.done $0x0  }
0x60: {  	s11 =	sadd.s32 $0x15100, s10;
	[sflag:s26] =	ssyncadd.s32 $0xFFFFE000  }
0x61: {  	[spmem:s2] =	stream.indirect.scatter.add.f32 [tilespmem:s21], [sflag:$0x5], $0x80, s11, s16, $0xb8;
	[tilespmem:$0x1E400] =	vst v63  }
0x62: {  	_ =	swait.ge [sflag:s13], $0x2000  }
0x63: {  	[sflag:s13] =	ssyncset.done $0x0  }
0x64: {  	s11 =	sadd.s32 $0x13F00, s10;
	[sflag:s13] =	ssyncadd.s32 $0xFFFFE000  }
0x65: {  	[tilespmem:s21], [sflag:$0x3] =	stream.indirect.gather [hbm4b:s4+s16], $0x80, s11, s16, $0xb8;
	[tilespmem:$0x1E400] =	vst v63  }
0x66: {  	_ =	swait.ge [sflag:s28], $0x2000  }
0x67: {  	[sflag:s28] =	ssyncset.done $0x0  }
.Ltmp0:
0x68: {  	s11 =	sadd.s32 $0x15180, s10;
	[sflag:s28] =	ssyncadd.s32 $0xFFFFE000;
	(pc) =	sbr.rel @p0 .LBB2_3-.Ltmp0, $4  }
0x69: {  	[spmem:s2] =	stream.indirect.scatter.add.f32 [tilespmem:s23], [sflag:$0x5], $0x80, s11, s16, $0xb8;
	[tilespmem:$0x1E400] =	vst v63  }
0x6a: {  	_ =	swait.ge [sflag:s13], $0x2000  }
0x6b: {  	[sflag:s13] =	ssyncset.done $0x0  }
0x6c: {  	s10 =	sadd.s32 $0x13F80, s10;
	[sflag:s13] =	ssyncadd.s32 $0xFFFFE000  }
0x6d: {  	[tilespmem:s23], [sflag:$0x4] =	stream.indirect.gather [hbm4b:s4+s16], $0x80, s10, s16, $0xb8;
	[tilespmem:$0x1E400] =	vst v63  }
0x6e: {  	_ =	swait.ge [sflag:s24], $0x2000  }
0x6f: {  	[sflag:s24] =	ssyncset.done $0x0  }
0x70: {  	[sflag:s24] =	ssyncadd.s32 $0xFFFFE000  }
0x71: {  	[spmem:s2] =	stream.indirect.scatter.add.f32 [tilespmem:s17], [sflag:$0x5], $0x80, s29, s16, $0xb8;
	[tilespmem:$0x1E400] =	vst v63  }
0x72: {  	_ =	swait.ge [sflag:s13], $0x2000  }
0x73: {  	[sflag:s13] =	ssyncset.done $0x0  }
0x74: {  	[sflag:s13] =	ssyncadd.s32 $0xFFFFE000  }
0x75: {  	_ =	swait.ge [sflag:s25], $0x2000  }
0x76: {  	[sflag:s25] =	ssyncset.done $0x0  }
0x77: {  	[sflag:s25] =	ssyncadd.s32 $0xFFFFE000  }
0x78: {  	[spmem:s2] =	stream.indirect.scatter.add.f32 [tilespmem:s19], [sflag:$0x5], $0x80, s30, s16, $0xb8;
	[tilespmem:$0x1E400] =	vst v63  }
0x79: {  	_ =	swait.ge [sflag:s13], $0x2000  }
0x7a: {  	[sflag:s13] =	ssyncset.done $0x0  }
0x7b: {  	[sflag:s13] =	ssyncadd.s32 $0xFFFFE000  }
0x7c: {  	_ =	swait.ge [sflag:s26], $0x2000  }
0x7d: {  	[sflag:s26] =	ssyncset.done $0x0  }
0x7e: {  	[sflag:s26] =	ssyncadd.s32 $0xFFFFE000  }
0x7f: {  	[spmem:s2] =	stream.indirect.scatter.add.f32 [tilespmem:s21], [sflag:$0x5], $0x80, s31, s16, $0xb8;
	[tilespmem:$0x1E400] =	vst v63  }
0x80: {  	_ =	swait.ge [sflag:s13], $0x2000  }
0x81: {  	[sflag:s13] =	ssyncset.done $0x0  }
0x82: {  	[sflag:s13] =	ssyncadd.s32 $0xFFFFE000  }
0x83: {  	s1 =	sadd.s32 $0x1, s1;
	_ =	swait.ge [sflag:s28], $0x2000  }
0x84: {  	p0 =	sne.s32 s1, $0x4;
	[sflag:s28] =	ssyncset.done $0x0  }
.Ltmp1:
0x85: {  	[sflag:s28] =	ssyncadd.s32 $0xFFFFE000;
	(pc) =	sbr.rel @p0 .LBB2_2-.Ltmp1, $4  }
0x86: {  	[spmem:s2] =	stream.indirect.scatter.add.f32 [tilespmem:s23], [sflag:$0x5], $0x80, s0, s16, $0xb8;
	[tilespmem:$0x1E400] =	vst v63  }
0x87: {  	_ =	swait.ge [sflag:s13], $0x2000  }
0x88: {  	[sflag:s13] =	ssyncset.done $0x0  }
0x89: {  	[sflag:s13] =	ssyncadd.s32 $0xFFFFE000  }
0x8a: {  	[bflag:$0x0] =	sbarrier.arrive $0xFFFF  }
0x8b: {  	s1 =	rddreg [dreg:$0x4]  }
0x8c: {  	[hbm:s1], [sflag:s8] =	dma.local [spmem:s12], $0x2780  }
0x8d: {  	_ =	swait.ge [sflag:s13], $0x2780  }
0x8e: {  	s3 =	sadd.s32 $0x1, s3;
	s11 =	rddreg [dreg:$0x5]  }
0x8f: {  	p0 =	sne.s32 s3, s11  }
.Ltmp2:
0x90: {  	_ = 	snop;
	(pc) =	sbr.rel @p0 .LBB2_1-.Ltmp2, $3  }
0x91: {  	_ =	sdelay $0x1  }
0x92: {  	[sflag:s13] =	ssyncset.done $0x0  }
0x93: {  	[sflag:s13] =	ssyncadd.s32 $0xFFFFD880  }
0x94: {  	_ =	sfence.sel $0x180000  }
0x95: {  	[bflag:$0x0] =	sbarrier.arrive $0xFFFF  }
0x96: {  	_ =	strace $0x90000050  }
0x97: {  	s0 =	stileid.u32;
	[bflag:$0x2] =	sbarrier.arrive $0xFFFF  }
0x98: {  	p0 =	sne.s32 s0, $0x0;
	s0 =	rddreg [dreg:$0x2]  }
0x99: {  	s0 =	sadd.s32 @!p0 $0x100000, s0  }
0x9a: {  	[sflag:s0] =	ssyncadd.tile.s32 @!p0 $0x1;
	_ =	shalt  }
.Lfunc_end2:
_tile_overlayer_lowered:
.L_overlay_start_2:
0x9b: {  	(tag) =	ssettag $0x2  }
0x9c: {  	s0 =	rddreg [dreg:$0x0];
	s2 =	stileid.u32  }
0x9d: {  	s1 =	rddreg [dreg:$0x1];
	p0 =	sne.s32 s2, $0x0  }
0x9e: {  	s3 =	rddreg [dreg:$0x2];
	[bflag:$0x3] =	sbarrier.arrive $0xFFFF;
	s2 =	simm.s32 @!p0 $0x1C05  }
0x9f: {  	[timem:s3], [sflag:s2] =	dma.local @!p0 [hbm:s0], s1  }
0xa0: {  	s0 =	simm.s32 @!p0 $0x5  }
0xa1: {  	_ =	swait.ge @!p0 [sflag:s0], s1  }
0xa2: {  	s1 =	ssub.s32 @!p0 $0x0, s1;
	[sflag:s0] =	ssyncset.done @!p0 $0x0  }
0xa3: {  	[sflag:s0] =	ssyncadd.s32 @!p0 s1  }
0xa4: {  	[bflag:$0x3] =	sbarrier.arrive $0xFFFF  }
0xa5: {  	_ =	shalt  }

// kernel: kernel.31.cloned.1.call-start
scs
__scs_entry_jumppad:
0x0: {  	(pc) =	sbr.rel $0x88, $3  }
0x1: {  	(tag) =	ssettag $0x0;
	lr =	simm.s32 $0x1  }
0x2: {  	[smem:$0x3F70] =	sst lr;
	_ =	strace $0xD0000000  }
0x3: {  	_ = 	snop  }
0x4: {  	_ = 	snop  }
0x5: {  	_ = 	snop  }
0x6: {  	_ = 	snop  }
0x7: {  	_ = 	snop  }
__scs_overlays_trampoline_lowered:
0x8: {  	[smem:$0x3F7F] =	sst s0  }
0x9: {  	[smem:$0x3F80] =	sst s1  }
0xa: {  	[smem:$0x3F81] =	sst s2  }
0xb: {  	[smem:$0x3F82] =	sst s3  }
0xc: {  	[smem:$0x3F83] =	sst s4  }
0xd: {  	[smem:$0x3F84] =	sst s5  }
0xe: {  	[smem:$0x3F85] =	sst s6  }
0xf: {  	[smem:$0x3F86] =	sst s7  }
0x10: {  	[smem:$0x3F87] =	sst s8  }
0x11: {  	[smem:$0x3F88] =	sst s9;
	s0 =	simm.s32 @!p0 $0x0  }
0x12: {  	s1 =	sld [smem:$0x3F6E];
	s0 =	simm.s32 @p0 $0x1  }
0x13: {  	[smem:$0x3F89] =	sst s0;
	s0 =	simm.s32 @!p1 $0x0  }
0x14: {  	s2 =	sld [smem:$0x3F6D];
	s0 =	simm.s32 @p1 $0x1  }
0x15: {  	[smem:$0x3F8A] =	sst s0;
	s0 =	simm.s32 @!p2 $0x0  }
0x16: {  	s3 =	sld [smem:$0x3FDB];
	s0 =	simm.s32 @p2 $0x1  }
0x17: {  	s4 =	simm.s32 $0x1BF5;
	[smem:$0x3F8C] =	sst s0  }
0x18: {  	s0 =	sld [smem:$0x3F6F];
	_ =	swait.ge [sflag:s4], $0x0  }
0x19: {  	s7 =	sld [smem:$0x3F70]  }
0x1a: {  	s8 =	sadd.s32 $0xFFFFE003, lr  }
0x1b: {  	s9 =	sadd.s32 $0xFFFFFEF7, lr;
	s5 =	simm.s32 $0xFFFFFFFF;
	p2 =	slt.u32 s8, $0xFFFFF086  }
0x1c: {  	p1 =	slt.u32 s9, $0xF7A;
	s5 =	simm.s32 @!p2 $0x0  }
0x1d: {  	s5 =	simm.s32 @p1 $0x1;
	p0 =	seq.s32 s7, s2  }
0x1e: {  	s7 =	smul.u32 @!p0 $0xF7A, s2;
	p2 =	seq.s32 @!p0 s5, $0x0  }
0x1f: {  	s9 =	smul.u32 $0xF7A, s1;
	s8 =	simm.s32 @!p0 $0x1BF5;
	p2 =	por !p2, p0  }
0x20: {  	[sflag:s8] =	ssyncset.s32 @!p0 $0xFFFFF086;
	s6 =	sadd.s32 @!p0 s3, s7;
	s7 =	simm.s32 @!p0 $0x108  }
0x21: {  	s3 =	sadd.s32 s3, s9;
	s6 =	sadd.s32 @!p0 $0x88, s6;
	s7 =	simm.s32 @p2 $0x1082  }
0x22: {  	[simem:s7], [sflag:s8] =	dma.local @!p0 [hbm:s6], $0xF7A  }
0x23: {  	s9 =	sor.u32 $0xD0000000, s2;
	s6 =	simm.s32 $0x108;
	_ =	swait.ge @!p0 [sflag:s8], $0x0  }
0x24: {  	s3 =	sadd.s32 $0x88, s3;
	s6 =	simm.s32 @!p1 $0x1082;
	[sflag:s4] =	ssyncset.s32 $0xFFFFF086  }
0x25: {  	[simem:s6], [sflag:s4] =	dma.local [hbm:s3], $0xF7A  }
0x26: {  	[smem:$0x3F70] =	sst s1;
	(tag) =	ssettag s2;
	_ =	strace s9  }
0x27: {  	s1 =	sld [smem:$0x3F80]  }
0x28: {  	s2 =	sld [smem:$0x3F81]  }
0x29: {  	s4 =	sld [smem:$0x3F83]  }
0x2a: {  	p0 =	seq.s32 s5, $0x0;
	s5 =	sld [smem:$0x3F84]  }
0x2b: {  	s6 =	sld [smem:$0x3F85]  }
0x2c: {  	s7 =	sld [smem:$0x3F86]  }
0x2d: {  	s3 =	simm.s32 $0x108;
	s8 =	sld [smem:$0x3F87]  }
0x2e: {  	s3 =	simm.s32 @!p0 $0x1082;
	s9 =	sld [smem:$0x3F88]  }
0x2f: {  	lr =	sadd.s32 s0, s3;
	s0 =	sld [smem:$0x3F7F]  }
0x30: {  	s3 =	sld [smem:$0x3F82]  }
0x31: {  	[smem:$0x3F8B] =	sst s10  }
0x32: {  	s10 =	sld [smem:$0x3F89];
	_ =	sdelay $0x3  }
0x33: {  	p0 =	seq.s32 s10, $0x1;
	s10 =	sld [smem:$0x3F8B];
	_ =	sdelay $0x3  }
0x34: {  	[smem:$0x3F8B] =	sst s10  }
0x35: {  	s10 =	sld [smem:$0x3F8A];
	_ =	sdelay $0x3  }
0x36: {  	p1 =	seq.s32 s10, $0x1;
	s10 =	sld [smem:$0x3F8B];
	_ =	sdelay $0x3  }
0x37: {  	[smem:$0x3F8B] =	sst s10  }
0x38: {  	s10 =	sld [smem:$0x3F8C]  }
0x39: {  	_ = 	snop;
	(pc) =	sbr.ind lr, $3  }
0x3a: {  	_ = 	snop  }
0x3b: {  	_ = 	snop  }
0x3c: {  	p2 =	seq.s32 s10, $0x1;
	s10 =	sld [smem:$0x3F8B]  }
0x3d: {  	_ =	shalt  }
0x3e: {  	_ =	shalt  }
0x3f: {  	_ =	shalt  }
0x40: {  	_ =	shalt  }
0x41: {  	_ =	shalt  }
0x42: {  	_ =	shalt  }
0x43: {  	_ =	shalt  }
0x44: {  	_ =	shalt  }
0x45: {  	_ =	shalt  }
0x46: {  	_ =	shalt  }
0x47: {  	_ =	shalt  }
0x48: {  	_ =	shalt  }
0x49: {  	_ =	shalt  }
0x4a: {  	_ =	shalt  }
0x4b: {  	_ =	shalt  }
0x4c: {  	_ =	shalt  }
0x4d: {  	_ =	shalt  }
0x4e: {  	_ =	shalt  }
0x4f: {  	_ =	shalt  }
0x50: {  	_ =	shalt  }
0x51: {  	_ =	shalt  }
0x52: {  	_ =	shalt  }
0x53: {  	_ =	shalt  }
0x54: {  	_ =	shalt  }
0x55: {  	_ =	shalt  }
0x56: {  	_ =	shalt  }
0x57: {  	_ =	shalt  }
0x58: {  	_ =	shalt  }
0x59: {  	_ =	shalt  }
0x5a: {  	_ =	shalt  }
0x5b: {  	_ =	shalt  }
0x5c: {  	_ =	shalt  }
0x5d: {  	_ =	shalt  }
0x5e: {  	_ =	shalt  }
0x5f: {  	_ =	shalt  }
0x60: {  	_ =	shalt  }
0x61: {  	_ =	shalt  }
0x62: {  	_ =	shalt  }
0x63: {  	_ =	shalt  }
0x64: {  	_ =	shalt  }
0x65: {  	_ =	shalt  }
0x66: {  	_ =	shalt  }
0x67: {  	_ =	shalt  }
0x68: {  	_ =	shalt  }
0x69: {  	_ =	shalt  }
0x6a: {  	_ =	shalt  }
0x6b: {  	_ =	shalt  }
0x6c: {  	_ =	shalt  }
0x6d: {  	_ =	shalt  }
0x6e: {  	_ =	shalt  }
0x6f: {  	_ =	shalt  }
0x70: {  	_ =	shalt  }
0x71: {  	_ =	shalt  }
0x72: {  	_ =	shalt  }
0x73: {  	_ =	shalt  }
0x74: {  	_ =	shalt  }
0x75: {  	_ =	shalt  }
0x76: {  	_ =	shalt  }
0x77: {  	_ =	shalt  }
0x78: {  	_ =	shalt  }
0x79: {  	_ =	shalt  }
0x7a: {  	_ =	shalt  }
0x7b: {  	_ =	shalt  }
0x7c: {  	_ =	shalt  }
0x7d: {  	_ =	shalt  }
0x7e: {  	_ =	shalt  }
0x7f: {  	_ =	shalt  }
0x80: {  	_ =	shalt  }
0x81: {  	_ =	shalt  }
0x82: {  	_ =	shalt  }
0x83: {  	_ =	shalt  }
0x84: {  	_ =	shalt  }
0x85: {  	_ =	shalt  }
0x86: {  	_ =	shalt  }
0x87: {  	_ =	shalt  }
.Lfunc_end0:
.L_simem_size_0:
called_computation.4_lowered:
.L_overlay_start_0:
0x88: {  	s2 =	sld [smem:$0x3FD9]  }
0x89: {  	s3 =	sld [smem:$0x3FFE];
	_ =	sdelay $0x1  }
0x8a: {  	s1 =	srdreg.scid  }
0x8b: {  	s0 =	sand.u32 $0x1, s1  }
0x8c: {  	s16 =	sshll.u32 s0, $0xA;
	s2 =	sadd.s32 s3, s2  }
0x8d: {  	s2 =	sadd.s32 s2, s16  }
0x8e: {  	[smem:$0x3F97] =	sst s2  }
0x8f: {  	_ = 	snop  }
0x90: {  	(tm) =	ssettm $0x1  }
0x91: {  	s17 =	sld [smem:$0x3FFB];
	_ =	sdelay $0x3  }
0x92: {  	_ =	strace s17  }
0x93: {  	s2 =	sld [smem:$0x3FFC];
	_ =	sdelay $0x3  }
0x94: {  	_ =	strace s2  }
0x95: {  	s2 =	sld [smem:$0x3FFD];
	_ =	sdelay $0x3  }
0x96: {  	_ =	strace s2  }
0x97: {  	_ =	strace $0x8FFFFFFF  }
0x98: {  	s18 =	sld [smem:$0x3FDB];
	_ =	sdelay $0x1  }
0x99: {  	s19 =	simm.s32 $_scs_section_size  }
0x9a: {  	s4 =	simm.s32 $_size__tile_overlayer_lowered;
	s5 =	simm.s32 $_tile_overlayer_lowered  }
0x9b: {  	s22 =	simm.s32 $0x1BFF;
	s21 =	sshll.u32 s5, $0x1;
	s2 =	sadd.s32 s19, s18  }
0x9c: {  	s6 =	simm.s32 $0x0;
	s20 =	sshll.u32 s4, $0x1;
	s4 =	sadd.s32 s21, s2  }
0x9d: {  	[timem:s6], [sflag:s22] =	dma.local [hbm:s4], s20  }
0x9e: {  	_ =	swait.ge [sflag:s22], s20  }
0x9f: {  	s3 =	ssub.s32 $0x0, s20;
	[sflag:s22] =	ssyncset.done $0x0  }
0xa0: {  	[sflag:s22] =	ssyncadd.s32 s3;
	_ =	sdelay $0x1  }
0xa1: {  	s23 =	simm.s32 $0x1B8B  }
0xa2: {  	_ =	swait.ge [sflag:s23], $0x1  }
0xa3: {  	[sflag:s23] =	ssyncset.done $0x0  }
0xa4: {  	s25 =	simm.s32 $0x1B8E;
	s24 =	sld [smem:$0x3FFE];
	[sflag:s23] =	ssyncadd.s32 $0xFFFFFFFF  }
0xa5: {  	s26 =	simm.s32 $execute0_lowered;
	[smem:$0x3FD2] =	sst s25  }
0xa6: {  	s4 =	sshll.u32 s26, $0x1;
	_ =	strace $0x80000052;
	[dreg:$0x1] =	wrdreg $0xFFFFFFFF  }
0xa7: {  	s28 =	simm.s32 $_size_execute0_lowered;
	s2 =	sadd.s32 s2, s4;
	[dreg:$0x0] =	wrdreg $0x0  }
0xa8: {  	s4 =	sshll.u32 s28, $0x1;
	[dreg:$0x2] =	wrdreg s2  }
0xa9: {  	[dreg:$0x3] =	wrdreg s4  }
0xaa: {  	[dreg:$0x4] =	wrdreg $0xC0  }
0xab: {  	_ =	task [dreg:s6], $0x5FFFF  }
0xac: {  	[dreg:$0x1] =	wrdreg $0xFFFFFFFF  }
0xad: {  	[dreg:$0x0] =	wrdreg $0x60  }
0xae: {  	[dreg:$0x2] =	wrdreg s24  }
0xaf: {  	[dreg:$0x3] =	wrdreg $0x0  }
0xb0: {  	[dreg:$0x4] =	wrdreg $0x9  }
0xb1: {  	_ =	task.clear_ibuf [dreg:s6], $0x5FFFF;
	_ =	strace $0x90000052  }
0xb2: {  	s29 =	simm.s32 $0x9;
	_ =	strace $0x80000054  }
0xb3: {  	_ =	swait.ge [sflag:s29], $0x1  }
0xb4: {  	[sflag:s29] =	ssyncadd.s32 $0xFFFFFFFF  }
0xb5: {  	_ =	strace $0x90000054  }
0xb6: {  	_ =	sfence  }
0xb7: {  	s30 =	sld [smem:$0x0];
	_ =	sdelay $0x2  }
0xb8: {  	s31 =	sshll.u32 s1, $0xD;
	s1 =	sshrl.u32 s1, $0x2  }
0xb9: {  	s3 =	sand.u32 $0x4000, s31;
	s1 =	sadd.s32 s1, s30  }
0xba: {  	s0 =	sor.u32 s3, s0;
	s1 =	sshll.u32 s1, $0x11  }
0xbb: {  	s0 =	sor.u32 s1, s0  }
0xbc: {  	s0 =	sadd.s32 $0x8F2B, s0  }
0xbd: {  	[sflag:s0] =	ssyncadd.remote.s32 $0x1  }
0xbe: {  	_ =	sfence.sel $0xFFFF  }
0xbf: {  	[dreg:$0x0] =	wrdreg $0xFFFFFFFF;
	(pc) =	sbr.abs _section_cstart, $3  }
0xc0: {  	[dreg:$0x1] =	wrdreg $0xFFFFFFFF  }
0xc1: {  	_ =	task.clear_ibuf [dreg:s6], $0x2FFFF;
	_ =	strace $0x9FFFFFFF  }
0xc2: {  	(tm) =	ssettm $0x7FFFFFFF  }
0xc3: {  	_ =	shalt  }
tec
execute0_lowered:
.L_overlay_start_1:
0x0: {  	(tag) =	ssettag $0x1  }
0x1: {  	s0 =	rddreg [dreg:$0x0]  }
0x2: {  	s2 =	rddreg [dreg:$0x1];
	s3 =	simm.s32 $0x0;
	s11 =	stileid.u32  }
0x3: {  	s1 =	srdreg.scid;
	s13 =	simm.s32 $0x5;
	s14 =	simm.s32 $0x13C00  }
0x4: {  	s15 =	simm.s32 $0x15000;
	s16 =	simm.s32 $0x40;
	s17 =	simm.s32 $0x16400  }
0x5: {  	s18 =	simm.s32 $0x13C80;
	s19 =	simm.s32 $0x18400;
	s20 =	simm.s32 $0x13D00  }
0x6: {  	s28 =	simm.s32 $0x4;
	s29 =	simm.s32 $0x16200;
	s30 =	simm.s32 $0x16280  }
0x7: {  	s31 =	simm.s32 $0x16300;
	[smem:$0x7FF] =	sst s3;
	s7 =	smul.u32 $0x13C00, s11  }
0x8: {  	s1 =	sand.u32 $0x1, s1;
	s4 =	sadd.s32 $0x5AC00, s0;
	s5 =	sadd.s32 $0x1F400, s0  }
0x9: {  	s6 =	sadd.s32 $0xB400, s0;
	s10 =	smul.u32 $0x4F000, s11;
	s25 =	sshll.u32 s11, $0x6  }
0xa: {  	_ =	strace $0x80000053;
	s8 =	smul.u32 $0x13C000, s1;
	s21 =	ssub.s32 $0x2, s1  }
0xb: {  	s1 =	sshll.u32 s1, $0x4;
	s9 =	sshrl.u32 s7, $0x3;
	s22 =	sshrl.u32 s21, $0x1  }
0xc: {  	s1 =	sor.u32 s11, s1;
	s23 =	sshrl.u32 s10, $0x2;
	s9 =	sadd.s32 s9, s0  }
0xd: {  	s7 =	sadd.s32 s7, s8;
	s10 =	sadd.s32 s23, s2;
	s8 =	sor.u32 $0x1C05, s25  }
0xe: {  	s23 =	simm.s32 $0x1C400;
	s25 =	simm.s32 $0x2;
	s7 =	sshrl.u32 s7, $0x3  }
0xf: {  	s24 =	sadd.s32 $0x33400, s9;
	s9 =	smul.u32 $0x5000, s1;
	s12 =	sshrl.u32 s10, $0x3  }
0x10: {  	s0 =	sadd.s32 s7, s0;
	s7 =	ssub.s32 s21, s22;
	[dreg:$0x3] =	wrdreg s24  }
0x11: {  	s21 =	simm.s32 $0x1A400;
	s22 =	simm.s32 $0x13D80;
	s0 =	sadd.s32 $0x81E00, s0  }
0x12: {  	s24 =	simm.s32 $0x1;
	s26 =	smax.u32 s7, $0x1;
	[dreg:$0x4] =	wrdreg s0  }
0x13: {  	[dreg:$0x5] =	wrdreg s26;
	s26 =	simm.s32 $0x3;
	s0 =	simm.s32 $0x16380  }
.LBB2_1:
0x14: {  	s1 =	rddreg [dreg:$0x3]  }
0x15: {  	[spmem:s12], [sflag:s8] =	dma.local [hbm:s1], $0x2780  }
0x16: {  	_ =	swait.ge [sflag:s13], $0x2780  }
0x17: {  	[sflag:s13] =	ssyncset.done $0x0  }
0x18: {  	[sflag:s13] =	ssyncadd.s32 $0xFFFFD880  }
0x19: {  	s1 =	simm.s32 $0x0;
	[bflag:$0x0] =	sbarrier.arrive $0xFFFF  }
.LBB2_2:
0x1a: {  	s7 =	smul.u32 $0x1400, s1;
	_ =	sdelay $0x1  }
0x1b: {  	s7 =	sadd.s32 s9, s7  }
0x1c: {  	s7 =	sshrl.u32 s7, $0x3  }
0x1d: {  	s11 =	simm.s32 $0x0;
	s10 =	sadd.s32 s5, s7  }
0x1e: {  	[tilespmem:s14], [sflag:$0x5] =	stream.linear.gather [hbm4b:s10+s11], $0x1400, $0x38;
	[tilespmem:$0x1E400] =	vst v63  }
0x1f: {  	_ =	swait.ge [sflag:s13], $0x1400  }
0x20: {  	[sflag:s13] =	ssyncset.done $0x0  }
0x21: {  	s7 =	sadd.s32 s6, s7;
	[sflag:s13] =	ssyncadd.s32 $0xFFFFEC00  }
0x22: {  	[tilespmem:s15], [sflag:$0x5] =	stream.linear.gather [hbm4b:s7+s11], $0x1400, $0x38;
	[tilespmem:$0x1E400] =	vst v63  }
0x23: {  	_ =	swait.ge [sflag:s13], $0x1400  }
0x24: {  	[sflag:s13] =	ssyncset.done $0x0  }
0x25: {  	[sflag:s13] =	ssyncadd.s32 $0xFFFFEC00  }
0x26: {  	[tilespmem:s17], [sflag:$0x1] =	stream.indirect.gather [hbm4b:s4+s16], $0x80, s14, s16, $0xb8;
	[tilespmem:$0x1E400] =	vst v63  }
0x27: {  	_ = 	snop  }
0x28: {  	[tilespmem:s19], [sflag:$0x2] =	stream.indirect.gather [hbm4b:s4+s16], $0x80, s18, s16, $0xb8;
	[tilespmem:$0x1E400] =	vst v63  }
0x29: {  	_ = 	snop  }
0x2a: {  	[tilespmem:s21], [sflag:$0x3] =	stream.indirect.gather [hbm4b:s4+s16], $0x80, s20, s16, $0xb8;
	[tilespmem:$0x1E400] =	vst v63  }
0x2b: {  	_ = 	snop  }
0x2c: {  	[tilespmem:s23], [sflag:$0x4] =	stream.indirect.gather [hbm4b:s4+s16], $0x80, s22, s16, $0xb8;
	[tilespmem:$0x1E400] =	vst v63  }
0x2d: {  	_ =	swait.ge [sflag:s24], $0x2000  }
0x2e: {  	[sflag:s24] =	ssyncset.done $0x0  }
0x2f: {  	s11 =	simm.s32 $0x15000;
	[sflag:s24] =	ssyncadd.s32 $0xFFFFE000  }
0x30: {  	[spmem:s2] =	stream.indirect.scatter.add.f32 [tilespmem:s17], [sflag:$0x5], $0x80, s11, s16, $0xb8;
	[tilespmem:$0x1E400] =	vst v63  }
0x31: {  	_ =	swait.ge [sflag:s13], $0x2000  }
0x32: {  	[sflag:s13] =	ssyncset.done $0x0  }
0x33: {  	s10 =	simm.s32 $0x13E00;
	[sflag:s13] =	ssyncadd.s32 $0xFFFFE000  }
0x34: {  	[tilespmem:s17], [sflag:$0x1] =	stream.indirect.gather [hbm4b:s4+s16], $0x80, s10, s16, $0xb8;
	[tilespmem:$0x1E400] =	vst v63  }
0x35: {  	_ =	swait.ge [sflag:s25], $0x2000  }
0x36: {  	[sflag:s25] =	ssyncset.done $0x0  }
0x37: {  	s11 =	simm.s32 $0x15080;
	[sflag:s25] =	ssyncadd.s32 $0xFFFFE000  }
0x38: {  	[spmem:s2] =	stream.indirect.scatter.add.f32 [tilespmem:s19], [sflag:$0x5], $0x80, s11, s16, $0xb8;
	[tilespmem:$0x1E400] =	vst v63  }
0x39: {  	_ =	swait.ge [sflag:s13], $0x2000  }
0x3a: {  	[sflag:s13] =	ssyncset.done $0x0  }
0x3b: {  	s10 =	simm.s32 $0x13E80;
	[sflag:s13] =	ssyncadd.s32 $0xFFFFE000  }
0x3c: {  	[tilespmem:s19], [sflag:$0x2] =	stream.indirect.gather [hbm4b:s4+s16], $0x80, s10, s16, $0xb8;
	[tilespmem:$0x1E400] =	vst v63  }
0x3d: {  	_ =	swait.ge [sflag:s26], $0x2000  }
0x3e: {  	[sflag:s26] =	ssyncset.done $0x0  }
0x3f: {  	s11 =	simm.s32 $0x15100;
	[sflag:s26] =	ssyncadd.s32 $0xFFFFE000  }
0x40: {  	[spmem:s2] =	stream.indirect.scatter.add.f32 [tilespmem:s21], [sflag:$0x5], $0x80, s11, s16, $0xb8;
	[tilespmem:$0x1E400] =	vst v63  }
0x41: {  	_ =	swait.ge [sflag:s13], $0x2000  }
0x42: {  	[sflag:s13] =	ssyncset.done $0x0  }
0x43: {  	s10 =	simm.s32 $0x13F00;
	[sflag:s13] =	ssyncadd.s32 $0xFFFFE000  }
0x44: {  	[tilespmem:s21], [sflag:$0x3] =	stream.indirect.gather [hbm4b:s4+s16], $0x80, s10, s16, $0xb8;
	[tilespmem:$0x1E400] =	vst v63  }
0x45: {  	_ =	swait.ge [sflag:s28], $0x2000  }
0x46: {  	[sflag:s28] =	ssyncset.done $0x0  }
0x47: {  	s11 =	simm.s32 $0x15180;
	[sflag:s28] =	ssyncadd.s32 $0xFFFFE000  }
0x48: {  	[spmem:s2] =	stream.indirect.scatter.add.f32 [tilespmem:s23], [sflag:$0x5], $0x80, s11, s16, $0xb8;
	[tilespmem:$0x1E400] =	vst v63  }
0x49: {  	_ =	swait.ge [sflag:s13], $0x2000  }
0x4a: {  	[sflag:s13] =	ssyncset.done $0x0  }
0x4b: {  	s7 =	simm.s32 $0x800;
	s10 =	simm.s32 $0x13F80;
	[sflag:s13] =	ssyncadd.s32 $0xFFFFE000  }
.LBB2_3:
0x4c: {  	[tilespmem:s23], [sflag:$0x4] =	stream.indirect.gather [hbm4b:s4+s16], $0x80, s10, s16, $0xb8;
	[tilespmem:$0x1E400] =	vst v63  }
0x4d: {  	s10 =	smov.u32 s7  }
0x4e: {  	p0 =	sne.s32 s7, $0x4000;
	s7 =	sadd.s32 $0x800, s7;
	_ =	swait.ge [sflag:s24], $0x2000  }
0x4f: {  	s10 =	sshra.s32 s10, $0x2;
	[sflag:s24] =	ssyncset.done $0x0  }
0x50: {  	s11 =	sadd.s32 $0x15000, s10;
	[sflag:s24] =	ssyncadd.s32 $0xFFFFE000  }
0x51: {  	[spmem:s2] =	stream.indirect.scatter.add.f32 [tilespmem:s17], [sflag:$0x5], $0x80, s11, s16, $0xb8;
	[tilespmem:$0x1E400] =	vst v63  }
0x52: {  	_ =	swait.ge [sflag:s13], $0x2000  }
0x53: {  	[sflag:s13] =	ssyncset.done $0x0  }
0x54: {  	s11 =	sadd.s32 $0x13E00, s10;
	[sflag:s13] =	ssyncadd.s32 $0xFFFFE000  }
0x55: {  	[tilespmem:s17], [sflag:$0x1] =	stream.indirect.gather [hbm4b:s4+s16], $0x80, s11, s16, $0xb8;
	[tilespmem:$0x1E400] =	vst v63  }
0x56: {  	_ =	swait.ge [sflag:s25], $0x2000  }
0x57: {  	[sflag:s25] =	ssyncset.done $0x0  }
0x58: {  	s11 =	sadd.s32 $0x15080, s10;
	[sflag:s25] =	ssyncadd.s32 $0xFFFFE000  }
0x59: {  	[spmem:s2] =	stream.indirect.scatter.add.f32 [tilespmem:s19], [sflag:$0x5], $0x80, s11, s16, $0xb8;
	[tilespmem:$0x1E400] =	vst v63  }
0x5a: {  	_ =	swait.ge [sflag:s13], $0x2000  }
0x5b: {  	[sflag:s13] =	ssyncset.done $0x0  }
0x5c: {  	s11 =	sadd.s32 $0x13E80, s10;
	[sflag:s13] =	ssyncadd.s32 $0xFFFFE000  }
0x5d: {  	[tilespmem:s19], [sflag:$0x2] =	stream.indirect.gather [hbm4b:s4+s16], $0x80, s11, s16, $0xb8;
	[tilespmem:$0x1E400] =	vst v63  }
0x5e: {  	_ =	swait.ge [sflag:s26], $0x2000  }
0x5f: {  	[sflag:s26] =	ssyncset.done $0x0  }
0x60: {  	s11 =	sadd.s32 $0x15100, s10;
	[sflag:s26] =	ssyncadd.s32 $0xFFFFE000  }
0x61: {  	[spmem:s2] =	stream.indirect.scatter.add.f32 [tilespmem:s21], [sflag:$0x5], $0x80, s11, s16, $0xb8;
	[tilespmem:$0x1E400] =	vst v63  }
0x62: {  	_ =	swait.ge [sflag:s13], $0x2000  }
0x63: {  	[sflag:s13] =	ssyncset.done $0x0  }
0x64: {  	s11 =	sadd.s32 $0x13F00, s10;
	[sflag:s13] =	ssyncadd.s32 $0xFFFFE000  }
0x65: {  	[tilespmem:s21], [sflag:$0x3] =	stream.indirect.gather [hbm4b:s4+s16], $0x80, s11, s16, $0xb8;
	[tilespmem:$0x1E400] =	vst v63  }
0x66: {  	_ =	swait.ge [sflag:s28], $0x2000  }
0x67: {  	[sflag:s28] =	ssyncset.done $0x0  }
.Ltmp0:
0x68: {  	s11 =	sadd.s32 $0x15180, s10;
	[sflag:s28] =	ssyncadd.s32 $0xFFFFE000;
	(pc) =	sbr.rel @p0 .LBB2_3-.Ltmp0, $4  }
0x69: {  	[spmem:s2] =	stream.indirect.scatter.add.f32 [tilespmem:s23], [sflag:$0x5], $0x80, s11, s16, $0xb8;
	[tilespmem:$0x1E400] =	vst v63  }
0x6a: {  	_ =	swait.ge [sflag:s13], $0x2000  }
0x6b: {  	[sflag:s13] =	ssyncset.done $0x0  }
0x6c: {  	s10 =	sadd.s32 $0x13F80, s10;
	[sflag:s13] =	ssyncadd.s32 $0xFFFFE000  }
0x6d: {  	[tilespmem:s23], [sflag:$0x4] =	stream.indirect.gather [hbm4b:s4+s16], $0x80, s10, s16, $0xb8;
	[tilespmem:$0x1E400] =	vst v63  }
0x6e: {  	_ =	swait.ge [sflag:s24], $0x2000  }
0x6f: {  	[sflag:s24] =	ssyncset.done $0x0  }
0x70: {  	[sflag:s24] =	ssyncadd.s32 $0xFFFFE000  }
0x71: {  	[spmem:s2] =	stream.indirect.scatter.add.f32 [tilespmem:s17], [sflag:$0x5], $0x80, s29, s16, $0xb8;
	[tilespmem:$0x1E400] =	vst v63  }
0x72: {  	_ =	swait.ge [sflag:s13], $0x2000  }
0x73: {  	[sflag:s13] =	ssyncset.done $0x0  }
0x74: {  	[sflag:s13] =	ssyncadd.s32 $0xFFFFE000  }
0x75: {  	_ =	swait.ge [sflag:s25], $0x2000  }
0x76: {  	[sflag:s25] =	ssyncset.done $0x0  }
0x77: {  	[sflag:s25] =	ssyncadd.s32 $0xFFFFE000  }
0x78: {  	[spmem:s2] =	stream.indirect.scatter.add.f32 [tilespmem:s19], [sflag:$0x5], $0x80, s30, s16, $0xb8;
	[tilespmem:$0x1E400] =	vst v63  }
0x79: {  	_ =	swait.ge [sflag:s13], $0x2000  }
0x7a: {  	[sflag:s13] =	ssyncset.done $0x0  }
0x7b: {  	[sflag:s13] =	ssyncadd.s32 $0xFFFFE000  }
0x7c: {  	_ =	swait.ge [sflag:s26], $0x2000  }
0x7d: {  	[sflag:s26] =	ssyncset.done $0x0  }
0x7e: {  	[sflag:s26] =	ssyncadd.s32 $0xFFFFE000  }
0x7f: {  	[spmem:s2] =	stream.indirect.scatter.add.f32 [tilespmem:s21], [sflag:$0x5], $0x80, s31, s16, $0xb8;
	[tilespmem:$0x1E400] =	vst v63  }
0x80: {  	_ =	swait.ge [sflag:s13], $0x2000  }
0x81: {  	[sflag:s13] =	ssyncset.done $0x0  }
0x82: {  	[sflag:s13] =	ssyncadd.s32 $0xFFFFE000  }
0x83: {  	s1 =	sadd.s32 $0x1, s1;
	_ =	swait.ge [sflag:s28], $0x2000  }
0x84: {  	p0 =	sne.s32 s1, $0x4;
	[sflag:s28] =	ssyncset.done $0x0  }
.Ltmp1:
0x85: {  	[sflag:s28] =	ssyncadd.s32 $0xFFFFE000;
	(pc) =	sbr.rel @p0 .LBB2_2-.Ltmp1, $4  }
0x86: {  	[spmem:s2] =	stream.indirect.scatter.add.f32 [tilespmem:s23], [sflag:$0x5], $0x80, s0, s16, $0xb8;
	[tilespmem:$0x1E400] =	vst v63  }
0x87: {  	_ =	swait.ge [sflag:s13], $0x2000  }
0x88: {  	[sflag:s13] =	ssyncset.done $0x0  }
0x89: {  	[sflag:s13] =	ssyncadd.s32 $0xFFFFE000  }
0x8a: {  	[bflag:$0x0] =	sbarrier.arrive $0xFFFF  }
0x8b: {  	s1 =	rddreg [dreg:$0x4]  }
0x8c: {  	[hbm:s1], [sflag:s8] =	dma.local [spmem:s12], $0x2780  }
0x8d: {  	_ =	swait.ge [sflag:s13], $0x2780  }
0x8e: {  	s3 =	sadd.s32 $0x1, s3;
	s11 =	rddreg [dreg:$0x5]  }
0x8f: {  	p0 =	sne.s32 s3, s11  }
.Ltmp2:
0x90: {  	_ = 	snop;
	(pc) =	sbr.rel @p0 .LBB2_1-.Ltmp2, $3  }
0x91: {  	_ =	sdelay $0x1  }
0x92: {  	[sflag:s13] =	ssyncset.done $0x0  }
0x93: {  	[sflag:s13] =	ssyncadd.s32 $0xFFFFD880  }
0x94: {  	_ =	sfence.sel $0x180000  }
0x95: {  	[bflag:$0x0] =	sbarrier.arrive $0xFFFF  }
0x96: {  	_ =	strace $0x90000053  }
0x97: {  	s0 =	stileid.u32;
	[bflag:$0x2] =	sbarrier.arrive $0xFFFF  }
0x98: {  	p0 =	sne.s32 s0, $0x0;
	s0 =	rddreg [dreg:$0x2]  }
0x99: {  	s0 =	sadd.s32 @!p0 $0x100000, s0  }
0x9a: {  	[sflag:s0] =	ssyncadd.tile.s32 @!p0 $0x1;
	_ =	shalt  }
.Lfunc_end2:
_tile_overlayer_lowered:
.L_overlay_start_2:
0x9b: {  	(tag) =	ssettag $0x2  }
0x9c: {  	s0 =	rddreg [dreg:$0x0];
	s2 =	stileid.u32  }
0x9d: {  	s1 =	rddreg [dreg:$0x1];
	p0 =	sne.s32 s2, $0x0  }
0x9e: {  	s3 =	rddreg [dreg:$0x2];
	[bflag:$0x3] =	sbarrier.arrive $0xFFFF;
	s2 =	simm.s32 @!p0 $0x1C05  }
0x9f: {  	[timem:s3], [sflag:s2] =	dma.local @!p0 [hbm:s0], s1  }
0xa0: {  	s0 =	simm.s32 @!p0 $0x5  }
0xa1: {  	_ =	swait.ge @!p0 [sflag:s0], s1  }
0xa2: {  	s1 =	ssub.s32 @!p0 $0x0, s1;
	[sflag:s0] =	ssyncset.done @!p0 $0x0  }
0xa3: {  	[sflag:s0] =	ssyncadd.s32 @!p0 s1  }
0xa4: {  	[bflag:$0x3] =	sbarrier.arrive $0xFFFF  }
0xa5: {  	_ =	shalt  }

</sc_bundles>
